<compile_context>
chip_gen: v7x
topology: tpu7x:2x2x1
jax: 0.10.2.dev20260603
libtpu: 0.0.44.dev20260713+nightly
codegen_flags: <defaults>
</compile_context>

<pallas_src>
import functools

import jax
import jax.numpy as jnp
from jax import lax
from jax.experimental import pallas as pl
from jax.experimental.pallas import tpu as pltpu
from jax.experimental.pallas import tpu_sc as plsc

N = 10000
E = 320000
D_IN = 128
D_HID = 256
D_OUT = 128

NC = 2
NS = 16
K = 128

EPW = E // (NC * NS)
CHE = EPW // K
TAIL = EPW - CHE * K
CHD = -(-EPW // K)
DPT = CHD * K
DPAD = NC * NS * DPT - E
NACC = 10112
RPT = NACC // NS
DEGW = 16

_mesh = plsc.VectorSubcoreMesh(core_axis_name="c", subcore_axis_name="s")



@functools.partial(
    pl.kernel,
    out_type=jax.ShapeDtypeStruct((NC, NACC, DEGW), jnp.float32),
    mesh=_mesh,
    scratch_types=[
        pltpu.VMEM((CHD, K), jnp.int32),
        pltpu.VMEM((K, DEGW), jnp.float32),
        pltpu.VMEM((K, DEGW), jnp.float32),
        pltpu.VMEM_SHARED((NACC, DEGW), jnp.float32),
        pltpu.SemaphoreType.DMA,
        pltpu.SemaphoreType.DMA,
        pltpu.SemaphoreType.DMA,
    ],
)
def _sc_deg(cols_hbm, out_hbm, cidx, ones_v, zbuf, acc, d0, d1, d2):
    c = lax.axis_index("c")
    s = lax.axis_index("s")
    dsem = (d0, d1, d2)
    pltpu.sync_copy(cols_hbm.at[c, s], cidx)

    def fill(r, carry):
        ones_v[r, :] = jnp.ones((DEGW,), jnp.float32)
        zbuf[r, :] = jnp.zeros((DEGW,), jnp.float32)
        return carry

    lax.fori_loop(0, K, fill, 0)

    @pl.when(c == 0)
    def _():
        for m in range(RPT // K):
            pltpu.sync_copy(ones_v, acc.at[pl.ds(s * RPT + m * K, K)])
        pltpu.sync_copy(ones_v.at[pl.ds(0, RPT % K)],
                        acc.at[pl.ds(s * RPT + (RPT // K) * K, RPT % K)])

    @pl.when(c == 1)
    def _():
        for m in range(RPT // K):
            pltpu.sync_copy(zbuf, acc.at[pl.ds(s * RPT + m * K, K)])
        pltpu.sync_copy(zbuf.at[pl.ds(0, RPT % K)],
                        acc.at[pl.ds(s * RPT + (RPT // K) * K, RPT % K)])

    plsc.subcore_barrier()

    def dstart(b, j):
        pltpu.async_copy(ones_v, acc.at[cidx.at[j]], dsem[b], add=True)

    def dwait(b, j):
        pltpu.make_async_copy(ones_v, acc.at[cidx.at[j]], dsem[b]).wait()

    for b in range(3):
        dstart(b, b)

    def group(g, carry):
        j0 = 3 * g + 3
        for b in range(3):
            dwait(b, j0 + b - 3)
            dstart(b, j0 + b)
        return carry

    ngrp = (CHD - 3) // 3
    lax.fori_loop(0, ngrp, group, 0)
    for j in range(3 * ngrp + 3, CHD):
        dwait(j % 3, j - 3)
        dstart(j % 3, j)
    for j in range(CHD - 3, CHD):
        dwait(j % 3, j)
    plsc.subcore_barrier()
    pltpu.sync_copy(acc.at[pl.ds(s * RPT, RPT)], out_hbm.at[c, pl.ds(s * RPT, RPT)])


@functools.partial(
    pl.kernel,
    out_type=jax.ShapeDtypeStruct((NC, NACC, D_IN), jnp.float32),
    mesh=_mesh,
    scratch_types=[
        pltpu.VMEM((3, 2, K), jnp.int32),
        pltpu.VMEM((2, TAIL), jnp.int32),
        pltpu.VMEM((3, K, D_IN), jnp.float32),
        pltpu.VMEM_SHARED((NACC, D_IN), jnp.float32),
        pltpu.SemaphoreType.DMA,
        pltpu.SemaphoreType.DMA,
        pltpu.SemaphoreType.DMA,
        pltpu.SemaphoreType.DMA,
        pltpu.SemaphoreType.DMA,
        pltpu.SemaphoreType.DMA,
    ],
)
def _sc_msg(xs_hbm, rows_hbm, cols_hbm, out_hbm,
            idx, tidx, msg, acc, g0, g1, g2, s0, s1, s2):
    c = lax.axis_index("c")
    s = lax.axis_index("s")
    gsem = (g0, g1, g2)
    ssem = (s0, s1, s2)
    base = pl.multiple_of((c * NS + s) * EPW, 8)

    def zrow(r, carry):
        for k in range(D_IN // 16):
            msg[0, r, pl.ds(16 * k, 16)] = jnp.zeros((16,), jnp.float32)
        return carry

    lax.fori_loop(0, K, zrow, 0)

    @pl.when(jnp.logical_and(c == 0, s < NS - 1))
    def _():
        pltpu.sync_copy(xs_hbm.at[pl.ds(s * RPT, RPT)], acc.at[pl.ds(s * RPT, RPT)])

    @pl.when(jnp.logical_and(c == 0, s == NS - 1))
    def _():
        last = N - (NS - 1) * RPT
        pltpu.sync_copy(xs_hbm.at[pl.ds((NS - 1) * RPT, last)],
                        acc.at[pl.ds((NS - 1) * RPT, last)])
        pltpu.sync_copy(msg.at[0, pl.ds(0, NACC - N)], acc.at[pl.ds(N, NACC - N)])

    @pl.when(c == 1)
    def _():
        for m in range(RPT // K):
            pltpu.sync_copy(msg.at[0], acc.at[pl.ds(s * RPT + m * K, K)])
        pltpu.sync_copy(msg.at[0, pl.ds(0, RPT % K)],
                        acc.at[pl.ds(s * RPT + (RPT // K) * K, RPT % K)])

    plsc.subcore_barrier()

    def iload(b, j):
        pltpu.sync_copy(rows_hbm.at[pl.ds(base + j * K, K)], idx.at[b, 0])
        pltpu.sync_copy(cols_hbm.at[pl.ds(base + j * K, K)], idx.at[b, 1])

    def gstart(b):
        pltpu.async_copy(xs_hbm.at[idx.at[b, 0]], msg.at[b], gsem[b])

    def gwait(b):
        pltpu.make_async_copy(xs_hbm.at[idx.at[b, 0]], msg.at[b], gsem[b]).wait()

    def sstart(b):
        pltpu.async_copy(msg.at[b], acc.at[idx.at[b, 1]], ssem[b], add=True)

    def swait(b):
        pltpu.make_async_copy(msg.at[b], acc.at[idx.at[b, 1]], ssem[b]).wait()

    iload(0, 0)
    iload(1, 1)
    iload(2, 2)

    gstart(0)
    gstart(1)
    gwait(0)
    sstart(0)
    gstart(2)

    def group(g, carry):
        j0 = 3 * g + 1
        for bb in range(3):
            j = j0 + bb
            b = (1 + bb) % 3
            pb = bb
            gwait(b)
            sstart(b)
            swait(pb)
            iload(pb, j + 2)
            gstart(pb)
        return carry

    lax.fori_loop(0, (CHE - 3) // 3, group, 0)
    gwait(1)
    sstart(1)
    gwait(2)
    sstart(2)
    swait(0)
    swait(1)
    swait(2)

    pltpu.sync_copy(rows_hbm.at[pl.ds(base + CHE * K, TAIL)], tidx.at[0])
    pltpu.sync_copy(cols_hbm.at[pl.ds(base + CHE * K, TAIL)], tidx.at[1])
    pltpu.async_copy(xs_hbm.at[tidx.at[0]], msg.at[0, pl.ds(0, TAIL)], g0).wait()
    pltpu.sync_copy(msg.at[0, pl.ds(0, TAIL)], acc.at[tidx.at[1]], add=True)

    plsc.subcore_barrier()
    pltpu.sync_copy(acc.at[pl.ds(s * RPT, RPT)], out_hbm.at[c, pl.ds(s * RPT, RPT)])



BLK = 1000
GRID = N // BLK


def _tc_scale_in(deg_ref, x_ref, xs_ref, dinv_ref):
    d = deg_ref[0, :, 0:1] + deg_ref[1, :, 0:1]
    dinv = lax.rsqrt(d)
    dinv_ref[...] = jnp.broadcast_to(dinv, (BLK, 16))
    xs_ref[...] = x_ref[...] * jnp.broadcast_to(dinv, (BLK, D_IN))


def _tc_mid(t1_ref, dinv_ref, w1_ref, b1_ref, w2_ref, xs2_ref):
    dinvb = jnp.broadcast_to(dinv_ref[:, 0:1], (BLK, D_IN))
    t1 = (t1_ref[0] + t1_ref[1]) * dinvb
    h1 = lax.dot_general(t1, w1_ref[...], (((1,), (1,)), ((), ())),
                         preferred_element_type=jnp.float32) + b1_ref[...]
    y = jnp.maximum(h1, 0.0)
    h2 = lax.dot_general(y, w2_ref[...], (((1,), (1,)), ((), ())),
                         preferred_element_type=jnp.float32)
    xs2_ref[...] = h2 * dinvb


def _tc_out(t2_ref, dinv_ref, b2_ref, out_ref):
    dinvb = jnp.broadcast_to(dinv_ref[:, 0:1], (BLK, D_OUT))
    out_ref[...] = (t2_ref[0] + t2_ref[1]) * dinvb + b2_ref[...]


def _acc_spec(width):
    return pl.BlockSpec((NC, BLK, width), lambda i: (0, i, 0))


def _row_spec(width):
    return pl.BlockSpec((BLK, width), lambda i: (i, 0))


def _full_spec(shape):
    return pl.BlockSpec(shape, lambda i: tuple(0 for _ in shape))



def kernel(x, edge_index, W1, b1, W2, b2):
    f32 = jnp.float32
    rows = edge_index[0]
    cols = edge_index[1]
    pad_cols = N + jnp.arange(DPAD, dtype=jnp.int32) % (NACC - N)
    cols_pad = jnp.concatenate([cols, pad_cols]).reshape(NC, NS, CHD, K)

    degp = _sc_deg(cols_pad)

    xs1, dinv = pl.pallas_call(
        _tc_scale_in,
        grid=(GRID,),
        in_specs=[_acc_spec(DEGW), _row_spec(D_IN)],
        out_specs=[_row_spec(D_IN), _row_spec(16)],
        out_shape=[jax.ShapeDtypeStruct((N, D_IN), f32),
                   jax.ShapeDtypeStruct((N, 16), f32)],
    )(degp, x)

    t1p = _sc_msg(xs1, rows, cols)

    xs2 = pl.pallas_call(
        _tc_mid,
        grid=(GRID,),
        in_specs=[_acc_spec(D_IN), _row_spec(16),
                  _full_spec((D_HID, D_IN)), _full_spec((1, D_HID)),
                  _full_spec((D_OUT, D_HID))],
        out_specs=_row_spec(D_IN),
        out_shape=jax.ShapeDtypeStruct((N, D_IN), f32),
    )(t1p, dinv, W1, b1.reshape(1, D_HID), W2)

    t2p = _sc_msg(xs2, rows, cols)

    out = pl.pallas_call(
        _tc_out,
        grid=(GRID,),
        in_specs=[_acc_spec(D_IN), _row_spec(16), _full_spec((1, D_OUT))],
        out_specs=_row_spec(D_OUT),
        out_shape=jax.ShapeDtypeStruct((N, D_OUT), f32),
    )(t2p, dinv, b2.reshape(1, D_OUT))

    return out

# --- scband reference (transcript-rebuilt; emitter-appended) ---
"""Pipeline reference for scband-gcncluster-42322607734794 (READ-ONLY COPY).

The authoritative reference and input builder live on the scoring server;
editing this copy changes nothing except your own understanding.
"""

import jax, jax.numpy as jnp
import numpy as np

N = 10000
E = 320000
D_IN = 128
D_HID = 256
D_OUT = 128


def _glorot(key, shape):
    fan_out, fan_in = shape
    std = float(np.sqrt(2.0 / (fan_in + fan_out)))
    return jax.random.normal(key, shape, dtype=jnp.float32) * std


def setup_inputs(seed: int = 0) -> dict:
    key = jax.random.key(seed)
    k1, k2, k3, k4 = jax.random.split(key, 4)
    x = jax.random.normal(k1, (N, D_IN), dtype=jnp.float32)
    edge_index = jax.random.randint(k2, (2, E), 0, N, dtype=jnp.int32)
    W1 = _glorot(k3, (D_HID, D_IN))
    b1 = jnp.zeros((D_HID,), dtype=jnp.float32)
    W2 = _glorot(k4, (D_OUT, D_HID))
    b2 = jnp.zeros((D_OUT,), dtype=jnp.float32)
    return {"x": x, "edge_index": edge_index, "W1": W1, "b1": b1, "W2": W2, "b2": b2}


def _gcn_conv(x, edge_index, W, b):
    # x' = W x  (PyG GCNConv lin, no bias)
    h = x @ W.T
    # add self-loops
    loop = jnp.arange(N, dtype=edge_index.dtype)
    row = jnp.concatenate([edge_index[0], loop])
    col = jnp.concatenate([edge_index[1], loop])
    # symmetric normalization: deg over target nodes
    ones = jnp.ones(row.shape[0], dtype=h.dtype)
    deg = jax.ops.segment_sum(ones, col, num_segments=N)
    dinv = jnp.where(deg > 0, 1.0 / jnp.sqrt(deg), 0.0)
    norm = dinv[row] * dinv[col]
    # gather -> scale -> scatter-add
    msg = h[row] * norm[:, None]
    out = jax.ops.segment_sum(msg, col, num_segments=N)
    return out + b


def reference(x, edge_index, W1, b1, W2, b2):
    y = _gcn_conv(x, edge_index, W1, b1)
    y = jax.nn.relu(y)
    y = _gcn_conv(y, edge_index, W2, b2)
    return y

if __name__ == "__main__":
    import jax
    _d = setup_inputs()
    print(jax.jit(kernel)(*tuple(_d.values())))

</pallas_src>

<mosaic_0001>
#map = affine_map<(d0, d1) -> (0, 0, 0, 0)>
#map1 = affine_map<(d0, d1) -> (0, 0, 0)>
module attributes {stable_mosaic.version = 14 : i64} {
  func.func @_sc_deg(%arg0: i32, %arg1: i32, %arg2: memref<2x16x79x128xi32, #tpu.memory_space<hbm>>, %arg3: memref<2x10112x16xf32, #tpu.memory_space<hbm>>, %arg4: memref<79x128xi32, #tpu.memory_space<vmem>>, %arg5: memref<128x16xf32, #tpu.memory_space<vmem>>, %arg6: memref<128x16xf32, #tpu.memory_space<vmem>>, %arg7: memref<10112x16xf32, #tpu.memory_space<vmem_shared>>, %arg8: memref<!tpu.dma_semaphore, #tpu.memory_space<semaphore_mem>>, %arg9: memref<!tpu.dma_semaphore, #tpu.memory_space<semaphore_mem>>, %arg10: memref<!tpu.dma_semaphore, #tpu.memory_space<semaphore_mem>>) attributes {dimension_semantics = [#tpu.dimension_semantics<core_parallel>, #tpu.dimension_semantics<subcore_parallel>], iteration_bounds = array<i64: 2, 16>, scalar_prefetch = 0 : i64, scratch_operands = 7 : i64, tpu.core_type = #tpu.core_type<sc_vector_subcore>, window_params = [{transform_indices = #map}, {transform_indices = #map1}]} {
    "tpu.region"() ({
      %run_scoped3A = tpu.sem_alloc : memref<!tpu.dma_semaphore, #tpu.memory_space<semaphore_mem>>
      %dma_start3A_76 = arith.constant 0 : i32
      %dma_start3A_77 = arith.constant 0 : i32
      %dma_start3A_78 = tpu.memref_slice %arg2[%arg0, %arg1, %dma_start3A_76, %dma_start3A_77] : memref<2x16x79x128xi32, #tpu.memory_space<hbm>> -> memref<1x1x79x128xi32, #tpu.memory_space<hbm>>
      %dma_start3A_79 = tpu.memref_squeeze %dma_start3A_78 : memref<1x1x79x128xi32, #tpu.memory_space<hbm>> -> memref<79x128xi32, #tpu.memory_space<hbm>>
      %dma_start3A_80 = arith.constant 0 : i32
      %dma_start3A_81 = arith.constant 0 : i32
      %dma_start3A_82 = tpu.memref_slice %arg2[%arg0, %arg1, %dma_start3A_80, %dma_start3A_81] : memref<2x16x79x128xi32, #tpu.memory_space<hbm>> -> memref<1x1x79x128xi32, #tpu.memory_space<hbm>>
      %dma_start3A_83 = tpu.memref_squeeze %dma_start3A_82 : memref<1x1x79x128xi32, #tpu.memory_space<hbm>> -> memref<79x128xi32, #tpu.memory_space<hbm>>
      tpu.enqueue_dma source(%dma_start3A_83 : memref<79x128xi32, #tpu.memory_space<hbm>>) target(%arg4 : memref<79x128xi32, #tpu.memory_space<vmem>>) target_semaphore(%run_scoped3A : memref<!tpu.dma_semaphore, #tpu.memory_space<semaphore_mem>>)
      %dma_wait3A_84 = arith.constant 0 : i32
      %dma_wait3A_85 = arith.constant 0 : i32
      %dma_wait3A_86 = tpu.memref_slice %arg2[%arg0, %arg1, %dma_wait3A_84, %dma_wait3A_85] : memref<2x16x79x128xi32, #tpu.memory_space<hbm>> -> memref<1x1x79x128xi32, #tpu.memory_space<hbm>>
      %dma_wait3A_87 = tpu.memref_squeeze %dma_wait3A_86 : memref<1x1x79x128xi32, #tpu.memory_space<hbm>> -> memref<79x128xi32, #tpu.memory_space<hbm>>
      %dma_wait3A_88 = arith.constant 0 : i32
      %dma_wait3A_89 = arith.constant 0 : i32
      %dma_wait3A_90 = tpu.memref_slice %arg2[%arg0, %arg1, %dma_wait3A_88, %dma_wait3A_89] : memref<2x16x79x128xi32, #tpu.memory_space<hbm>> -> memref<1x1x79x128xi32, #tpu.memory_space<hbm>>
      %dma_wait3A_91 = tpu.memref_squeeze %dma_wait3A_90 : memref<1x1x79x128xi32, #tpu.memory_space<hbm>> -> memref<79x128xi32, #tpu.memory_space<hbm>>
      tpu.wait_dma2 semaphore(%run_scoped3A : memref<!tpu.dma_semaphore, #tpu.memory_space<semaphore_mem>>) src(%dma_wait3A_91 : memref<79x128xi32, #tpu.memory_space<hbm>>) dst(%arg4 : memref<79x128xi32, #tpu.memory_space<vmem>>)
      tpu.yield
    }) : () -> ()
    %scan3A = arith.constant 0 : i32
    %scan3A_0 = arith.constant 0 : i32
    %scan3A_1 = arith.constant 128 : i32
    %scan3A_2 = arith.addi %scan3A_0, %scan3A_1 : i32
    %scan3A_3 = arith.constant 1 : i32
    scf.for %scan3A_76 = %scan3A_0 to %scan3A_2 step %scan3A_3  : i32 {
      %broadcast_in_dim3A = arith.constant 1.000000e+00 : f32
      %broadcast_in_dim3A_77 = vector.broadcast %broadcast_in_dim3A : f32 to vector<16xf32>
      %swap3A = arith.index_cast %scan3A_76 : i32 to index
      %swap3A_78 = arith.constant 0 : index
      %swap3A_79 = tpu.vector_load %arg5[%swap3A, %swap3A_78] {strides = array<i32>} : memref<128x16xf32, #tpu.memory_space<vmem>>, vector<1x16xf32>,
      %swap3A_80 = vector.shape_cast %swap3A_79 : vector<1x16xf32> to vector<16xf32>
      %swap3A_81 = vector.shape_cast %broadcast_in_dim3A_77 : vector<16xf32> to vector<1x16xf32>
      tpu.vector_store %arg5[%swap3A, %swap3A_78], %swap3A_81 {strides = array<i32>} : memref<128x16xf32, #tpu.memory_space<vmem>>, vector<1x16xf32>,
      %broadcast_in_dim3A_82 = arith.constant 0.000000e+00 : f32
      %broadcast_in_dim3A_83 = vector.broadcast %broadcast_in_dim3A_82 : f32 to vector<16xf32>
      %swap3A_84 = arith.index_cast %scan3A_76 : i32 to index
      %swap3A_85 = arith.constant 0 : index
      %swap3A_86 = tpu.vector_load %arg6[%swap3A_84, %swap3A_85] {strides = array<i32>} : memref<128x16xf32, #tpu.memory_space<vmem>>, vector<1x16xf32>,
      %swap3A_87 = vector.shape_cast %swap3A_86 : vector<1x16xf32> to vector<16xf32>
      %swap3A_88 = vector.shape_cast %broadcast_in_dim3A_83 : vector<16xf32> to vector<1x16xf32>
      tpu.vector_store %arg6[%swap3A_84, %swap3A_85], %swap3A_88 {strides = array<i32>} : memref<128x16xf32, #tpu.memory_space<vmem>>, vector<1x16xf32>,
    }
    %scan3A_4 = arith.constant 128 : i32
    %eq3A = arith.constant 0 : i32
    %eq3A_5 = arith.cmpi eq, %arg0, %eq3A : i32
    %convert_element_type3A = arith.extui %eq3A_5 : i1 to i32
    %cond3A = arith.constant 0 : i32
    %cond3A_6 = arith.cmpi ne, %convert_element_type3A, %cond3A : i32
    scf.if %cond3A_6 {
      %mul3A_76 = arith.constant 632 : i32
      %mul3A_77 = arith.muli %arg1, %mul3A_76 : i32
      %add3A = arith.constant 0 : i32
      %add3A_78 = arith.addi %mul3A_77, %add3A : i32
      "tpu.region"() ({
        %run_scoped3A = tpu.sem_alloc : memref<!tpu.dma_semaphore, #tpu.memory_space<semaphore_mem>>
        %dma_start3A_95 = arith.constant 0 : i32
        %dma_start3A_96 = tpu.memref_slice %arg7[%add3A_78, %dma_start3A_95] : memref<10112x16xf32, #tpu.memory_space<vmem_shared>> -> memref<128x16xf32, #tpu.memory_space<vmem_shared>>
        %dma_start3A_97 = arith.constant 0 : i32
        %dma_start3A_98 = tpu.memref_slice %arg7[%add3A_78, %dma_start3A_97] : memref<10112x16xf32, #tpu.memory_space<vmem_shared>> -> memref<128x16xf32, #tpu.memory_space<vmem_shared>>
        tpu.enqueue_dma source(%arg5 : memref<128x16xf32, #tpu.memory_space<vmem>>) target(%dma_start3A_98 : memref<128x16xf32, #tpu.memory_space<vmem_shared>>) target_semaphore(%run_scoped3A : memref<!tpu.dma_semaphore, #tpu.memory_space<semaphore_mem>>)
        %dma_wait3A_99 = arith.constant 0 : i32
        %dma_wait3A_100 = tpu.memref_slice %arg7[%add3A_78, %dma_wait3A_99] : memref<10112x16xf32, #tpu.memory_space<vmem_shared>> -> memref<128x16xf32, #tpu.memory_space<vmem_shared>>
        %dma_wait3A_101 = arith.constant 0 : i32
        %dma_wait3A_102 = tpu.memref_slice %arg7[%add3A_78, %dma_wait3A_101] : memref<10112x16xf32, #tpu.memory_space<vmem_shared>> -> memref<128x16xf32, #tpu.memory_space<vmem_shared>>
        tpu.wait_dma2 semaphore(%run_scoped3A : memref<!tpu.dma_semaphore, #tpu.memory_space<semaphore_mem>>) src(%arg5 : memref<128x16xf32, #tpu.memory_space<vmem>>) dst(%dma_wait3A_102 : memref<128x16xf32, #tpu.memory_space<vmem_shared>>)
        tpu.yield
      }) : () -> ()
      %mul3A_79 = arith.constant 632 : i32
      %mul3A_80 = arith.muli %arg1, %mul3A_79 : i32
      %add3A_81 = arith.constant 128 : i32
      %add3A_82 = arith.addi %mul3A_80, %add3A_81 : i32
      "tpu.region"() ({
        %run_scoped3A = tpu.sem_alloc : memref<!tpu.dma_semaphore, #tpu.memory_space<semaphore_mem>>
        %dma_start3A_95 = arith.constant 0 : i32
        %dma_start3A_96 = tpu.memref_slice %arg7[%add3A_82, %dma_start3A_95] : memref<10112x16xf32, #tpu.memory_space<vmem_shared>> -> memref<128x16xf32, #tpu.memory_space<vmem_shared>>
        %dma_start3A_97 = arith.constant 0 : i32
        %dma_start3A_98 = tpu.memref_slice %arg7[%add3A_82, %dma_start3A_97] : memref<10112x16xf32, #tpu.memory_space<vmem_shared>> -> memref<128x16xf32, #tpu.memory_space<vmem_shared>>
        tpu.enqueue_dma source(%arg5 : memref<128x16xf32, #tpu.memory_space<vmem>>) target(%dma_start3A_98 : memref<128x16xf32, #tpu.memory_space<vmem_shared>>) target_semaphore(%run_scoped3A : memref<!tpu.dma_semaphore, #tpu.memory_space<semaphore_mem>>)
        %dma_wait3A_99 = arith.constant 0 : i32
        %dma_wait3A_100 = tpu.memref_slice %arg7[%add3A_82, %dma_wait3A_99] : memref<10112x16xf32, #tpu.memory_space<vmem_shared>> -> memref<128x16xf32, #tpu.memory_space<vmem_shared>>
        %dma_wait3A_101 = arith.constant 0 : i32
        %dma_wait3A_102 = tpu.memref_slice %arg7[%add3A_82, %dma_wait3A_101] : memref<10112x16xf32, #tpu.memory_space<vmem_shared>> -> memref<128x16xf32, #tpu.memory_space<vmem_shared>>
        tpu.wait_dma2 semaphore(%run_scoped3A : memref<!tpu.dma_semaphore, #tpu.memory_space<semaphore_mem>>) src(%arg5 : memref<128x16xf32, #tpu.memory_space<vmem>>) dst(%dma_wait3A_102 : memref<128x16xf32, #tpu.memory_space<vmem_shared>>)
        tpu.yield
      }) : () -> ()
      %mul3A_83 = arith.constant 632 : i32
      %mul3A_84 = arith.muli %arg1, %mul3A_83 : i32
      %add3A_85 = arith.constant 256 : i32
      %add3A_86 = arith.addi %mul3A_84, %add3A_85 : i32
      "tpu.region"() ({
        %run_scoped3A = tpu.sem_alloc : memref<!tpu.dma_semaphore, #tpu.memory_space<semaphore_mem>>
        %dma_start3A_95 = arith.constant 0 : i32
        %dma_start3A_96 = tpu.memref_slice %arg7[%add3A_86, %dma_start3A_95] : memref<10112x16xf32, #tpu.memory_space<vmem_shared>> -> memref<128x16xf32, #tpu.memory_space<vmem_shared>>
        %dma_start3A_97 = arith.constant 0 : i32
        %dma_start3A_98 = tpu.memref_slice %arg7[%add3A_86, %dma_start3A_97] : memref<10112x16xf32, #tpu.memory_space<vmem_shared>> -> memref<128x16xf32, #tpu.memory_space<vmem_shared>>
        tpu.enqueue_dma source(%arg5 : memref<128x16xf32, #tpu.memory_space<vmem>>) target(%dma_start3A_98 : memref<128x16xf32, #tpu.memory_space<vmem_shared>>) target_semaphore(%run_scoped3A : memref<!tpu.dma_semaphore, #tpu.memory_space<semaphore_mem>>)
        %dma_wait3A_99 = arith.constant 0 : i32
        %dma_wait3A_100 = tpu.memref_slice %arg7[%add3A_86, %dma_wait3A_99] : memref<10112x16xf32, #tpu.memory_space<vmem_shared>> -> memref<128x16xf32, #tpu.memory_space<vmem_shared>>
        %dma_wait3A_101 = arith.constant 0 : i32
        %dma_wait3A_102 = tpu.memref_slice %arg7[%add3A_86, %dma_wait3A_101] : memref<10112x16xf32, #tpu.memory_space<vmem_shared>> -> memref<128x16xf32, #tpu.memory_space<vmem_shared>>
        tpu.wait_dma2 semaphore(%run_scoped3A : memref<!tpu.dma_semaphore, #tpu.memory_space<semaphore_mem>>) src(%arg5 : memref<128x16xf32, #tpu.memory_space<vmem>>) dst(%dma_wait3A_102 : memref<128x16xf32, #tpu.memory_space<vmem_shared>>)
        tpu.yield
      }) : () -> ()
      %mul3A_87 = arith.constant 632 : i32
      %mul3A_88 = arith.muli %arg1, %mul3A_87 : i32
      %add3A_89 = arith.constant 384 : i32
      %add3A_90 = arith.addi %mul3A_88, %add3A_89 : i32
      "tpu.region"() ({
        %run_scoped3A = tpu.sem_alloc : memref<!tpu.dma_semaphore, #tpu.memory_space<semaphore_mem>>
        %dma_start3A_95 = arith.constant 0 : i32
        %dma_start3A_96 = tpu.memref_slice %arg7[%add3A_90, %dma_start3A_95] : memref<10112x16xf32, #tpu.memory_space<vmem_shared>> -> memref<128x16xf32, #tpu.memory_space<vmem_shared>>
        %dma_start3A_97 = arith.constant 0 : i32
        %dma_start3A_98 = tpu.memref_slice %arg7[%add3A_90, %dma_start3A_97] : memref<10112x16xf32, #tpu.memory_space<vmem_shared>> -> memref<128x16xf32, #tpu.memory_space<vmem_shared>>
        tpu.enqueue_dma source(%arg5 : memref<128x16xf32, #tpu.memory_space<vmem>>) target(%dma_start3A_98 : memref<128x16xf32, #tpu.memory_space<vmem_shared>>) target_semaphore(%run_scoped3A : memref<!tpu.dma_semaphore, #tpu.memory_space<semaphore_mem>>)
        %dma_wait3A_99 = arith.constant 0 : i32
        %dma_wait3A_100 = tpu.memref_slice %arg7[%add3A_90, %dma_wait3A_99] : memref<10112x16xf32, #tpu.memory_space<vmem_shared>> -> memref<128x16xf32, #tpu.memory_space<vmem_shared>>
        %dma_wait3A_101 = arith.constant 0 : i32
        %dma_wait3A_102 = tpu.memref_slice %arg7[%add3A_90, %dma_wait3A_101] : memref<10112x16xf32, #tpu.memory_space<vmem_shared>> -> memref<128x16xf32, #tpu.memory_space<vmem_shared>>
        tpu.wait_dma2 semaphore(%run_scoped3A : memref<!tpu.dma_semaphore, #tpu.memory_space<semaphore_mem>>) src(%arg5 : memref<128x16xf32, #tpu.memory_space<vmem>>) dst(%dma_wait3A_102 : memref<128x16xf32, #tpu.memory_space<vmem_shared>>)
        tpu.yield
      }) : () -> ()
      %mul3A_91 = arith.constant 632 : i32
      %mul3A_92 = arith.muli %arg1, %mul3A_91 : i32
      %add3A_93 = arith.constant 512 : i32
      %add3A_94 = arith.addi %mul3A_92, %add3A_93 : i32
      "tpu.region"() ({
        %run_scoped3A = tpu.sem_alloc : memref<!tpu.dma_semaphore, #tpu.memory_space<semaphore_mem>>
        %dma_start3A_95 = arith.constant 0 : i32
        %dma_start3A_96 = arith.constant 0 : i32
        %dma_start3A_97 = tpu.memref_slice %arg5[%dma_start3A_95, %dma_start3A_96] : memref<128x16xf32, #tpu.memory_space<vmem>> -> memref<120x16xf32, #tpu.memory_space<vmem>>
        %dma_start3A_98 = arith.constant 0 : i32
        %dma_start3A_99 = tpu.memref_slice %arg7[%add3A_94, %dma_start3A_98] : memref<10112x16xf32, #tpu.memory_space<vmem_shared>> -> memref<120x16xf32, #tpu.memory_space<vmem_shared>>
        %dma_start3A_100 = arith.constant 0 : i32
        %dma_start3A_101 = tpu.memref_slice %arg7[%add3A_94, %dma_start3A_100] : memref<10112x16xf32, #tpu.memory_space<vmem_shared>> -> memref<120x16xf32, #tpu.memory_space<vmem_shared>>
        %dma_start3A_102 = arith.constant 0 : i32
        %dma_start3A_103 = arith.constant 0 : i32
        %dma_start3A_104 = tpu.memref_slice %arg5[%dma_start3A_102, %dma_start3A_103] : memref<128x16xf32, #tpu.memory_space<vmem>> -> memref<120x16xf32, #tpu.memory_space<vmem>>
        tpu.enqueue_dma source(%dma_start3A_104 : memref<120x16xf32, #tpu.memory_space<vmem>>) target(%dma_start3A_101 : memref<120x16xf32, #tpu.memory_space<vmem_shared>>) target_semaphore(%run_scoped3A : memref<!tpu.dma_semaphore, #tpu.memory_space<semaphore_mem>>)
        %dma_wait3A_105 = arith.constant 0 : i32
        %dma_wait3A_106 = arith.constant 0 : i32
        %dma_wait3A_107 = tpu.memref_slice %arg5[%dma_wait3A_105, %dma_wait3A_106] : memref<128x16xf32, #tpu.memory_space<vmem>> -> memref<120x16xf32, #tpu.memory_space<vmem>>
        %dma_wait3A_108 = arith.constant 0 : i32
        %dma_wait3A_109 = tpu.memref_slice %arg7[%add3A_94, %dma_wait3A_108] : memref<10112x16xf32, #tpu.memory_space<vmem_shared>> -> memref<120x16xf32, #tpu.memory_space<vmem_shared>>
        %dma_wait3A_110 = arith.constant 0 : i32
        %dma_wait3A_111 = tpu.memref_slice %arg7[%add3A_94, %dma_wait3A_110] : memref<10112x16xf32, #tpu.memory_space<vmem_shared>> -> memref<120x16xf32, #tpu.memory_space<vmem_shared>>
        %dma_wait3A_112 = arith.constant 0 : i32
        %dma_wait3A_113 = arith.constant 0 : i32
        %dma_wait3A_114 = tpu.memref_slice %arg5[%dma_wait3A_112, %dma_wait3A_113] : memref<128x16xf32, #tpu.memory_space<vmem>> -> memref<120x16xf32, #tpu.memory_space<vmem>>
        tpu.wait_dma2 semaphore(%run_scoped3A : memref<!tpu.dma_semaphore, #tpu.memory_space<semaphore_mem>>) src(%dma_wait3A_114 : memref<120x16xf32, #tpu.memory_space<vmem>>) dst(%dma_wait3A_111 : memref<120x16xf32, #tpu.memory_space<vmem_shared>>)
        tpu.yield
      }) : () -> ()
    } else {
    }
    %eq3A_7 = arith.constant 1 : i32
    %eq3A_8 = arith.cmpi eq, %arg0, %eq3A_7 : i32
    %convert_element_type3A_9 = arith.extui %eq3A_8 : i1 to i32
    %cond3A_10 = arith.constant 0 : i32
    %cond3A_11 = arith.cmpi ne, %convert_element_type3A_9, %cond3A_10 : i32
    scf.if %cond3A_11 {
      %mul3A_76 = arith.constant 632 : i32
      %mul3A_77 = arith.muli %arg1, %mul3A_76 : i32
      %add3A = arith.constant 0 : i32
      %add3A_78 = arith.addi %mul3A_77, %add3A : i32
      "tpu.region"() ({
        %run_scoped3A = tpu.sem_alloc : memref<!tpu.dma_semaphore, #tpu.memory_space<semaphore_mem>>
        %dma_start3A_95 = arith.constant 0 : i32
        %dma_start3A_96 = tpu.memref_slice %arg7[%add3A_78, %dma_start3A_95] : memref<10112x16xf32, #tpu.memory_space<vmem_shared>> -> memref<128x16xf32, #tpu.memory_space<vmem_shared>>
        %dma_start3A_97 = arith.constant 0 : i32
        %dma_start3A_98 = tpu.memref_slice %arg7[%add3A_78, %dma_start3A_97] : memref<10112x16xf32, #tpu.memory_space<vmem_shared>> -> memref<128x16xf32, #tpu.memory_space<vmem_shared>>
        tpu.enqueue_dma source(%arg6 : memref<128x16xf32, #tpu.memory_space<vmem>>) target(%dma_start3A_98 : memref<128x16xf32, #tpu.memory_space<vmem_shared>>) target_semaphore(%run_scoped3A : memref<!tpu.dma_semaphore, #tpu.memory_space<semaphore_mem>>)
        %dma_wait3A_99 = arith.constant 0 : i32
        %dma_wait3A_100 = tpu.memref_slice %arg7[%add3A_78, %dma_wait3A_99] : memref<10112x16xf32, #tpu.memory_space<vmem_shared>> -> memref<128x16xf32, #tpu.memory_space<vmem_shared>>
        %dma_wait3A_101 = arith.constant 0 : i32
        %dma_wait3A_102 = tpu.memref_slice %arg7[%add3A_78, %dma_wait3A_101] : memref<10112x16xf32, #tpu.memory_space<vmem_shared>> -> memref<128x16xf32, #tpu.memory_space<vmem_shared>>
        tpu.wait_dma2 semaphore(%run_scoped3A : memref<!tpu.dma_semaphore, #tpu.memory_space<semaphore_mem>>) src(%arg6 : memref<128x16xf32, #tpu.memory_space<vmem>>) dst(%dma_wait3A_102 : memref<128x16xf32, #tpu.memory_space<vmem_shared>>)
        tpu.yield
      }) : () -> ()
      %mul3A_79 = arith.constant 632 : i32
      %mul3A_80 = arith.muli %arg1, %mul3A_79 : i32
      %add3A_81 = arith.constant 128 : i32
      %add3A_82 = arith.addi %mul3A_80, %add3A_81 : i32
      "tpu.region"() ({
        %run_scoped3A = tpu.sem_alloc : memref<!tpu.dma_semaphore, #tpu.memory_space<semaphore_mem>>
        %dma_start3A_95 = arith.constant 0 : i32
        %dma_start3A_96 = tpu.memref_slice %arg7[%add3A_82, %dma_start3A_95] : memref<10112x16xf32, #tpu.memory_space<vmem_shared>> -> memref<128x16xf32, #tpu.memory_space<vmem_shared>>
        %dma_start3A_97 = arith.constant 0 : i32
        %dma_start3A_98 = tpu.memref_slice %arg7[%add3A_82, %dma_start3A_97] : memref<10112x16xf32, #tpu.memory_space<vmem_shared>> -> memref<128x16xf32, #tpu.memory_space<vmem_shared>>
        tpu.enqueue_dma source(%arg6 : memref<128x16xf32, #tpu.memory_space<vmem>>) target(%dma_start3A_98 : memref<128x16xf32, #tpu.memory_space<vmem_shared>>) target_semaphore(%run_scoped3A : memref<!tpu.dma_semaphore, #tpu.memory_space<semaphore_mem>>)
        %dma_wait3A_99 = arith.constant 0 : i32
        %dma_wait3A_100 = tpu.memref_slice %arg7[%add3A_82, %dma_wait3A_99] : memref<10112x16xf32, #tpu.memory_space<vmem_shared>> -> memref<128x16xf32, #tpu.memory_space<vmem_shared>>
        %dma_wait3A_101 = arith.constant 0 : i32
        %dma_wait3A_102 = tpu.memref_slice %arg7[%add3A_82, %dma_wait3A_101] : memref<10112x16xf32, #tpu.memory_space<vmem_shared>> -> memref<128x16xf32, #tpu.memory_space<vmem_shared>>
        tpu.wait_dma2 semaphore(%run_scoped3A : memref<!tpu.dma_semaphore, #tpu.memory_space<semaphore_mem>>) src(%arg6 : memref<128x16xf32, #tpu.memory_space<vmem>>) dst(%dma_wait3A_102 : memref<128x16xf32, #tpu.memory_space<vmem_shared>>)
        tpu.yield
      }) : () -> ()
      %mul3A_83 = arith.constant 632 : i32
      %mul3A_84 = arith.muli %arg1, %mul3A_83 : i32
      %add3A_85 = arith.constant 256 : i32
      %add3A_86 = arith.addi %mul3A_84, %add3A_85 : i32
      "tpu.region"() ({
        %run_scoped3A = tpu.sem_alloc : memref<!tpu.dma_semaphore, #tpu.memory_space<semaphore_mem>>
        %dma_start3A_95 = arith.constant 0 : i32
        %dma_start3A_96 = tpu.memref_slice %arg7[%add3A_86, %dma_start3A_95] : memref<10112x16xf32, #tpu.memory_space<vmem_shared>> -> memref<128x16xf32, #tpu.memory_space<vmem_shared>>
        %dma_start3A_97 = arith.constant 0 : i32
        %dma_start3A_98 = tpu.memref_slice %arg7[%add3A_86, %dma_start3A_97] : memref<10112x16xf32, #tpu.memory_space<vmem_shared>> -> memref<128x16xf32, #tpu.memory_space<vmem_shared>>
        tpu.enqueue_dma source(%arg6 : memref<128x16xf32, #tpu.memory_space<vmem>>) target(%dma_start3A_98 : memref<128x16xf32, #tpu.memory_space<vmem_shared>>) target_semaphore(%run_scoped3A : memref<!tpu.dma_semaphore, #tpu.memory_space<semaphore_mem>>)
        %dma_wait3A_99 = arith.constant 0 : i32
        %dma_wait3A_100 = tpu.memref_slice %arg7[%add3A_86, %dma_wait3A_99] : memref<10112x16xf32, #tpu.memory_space<vmem_shared>> -> memref<128x16xf32, #tpu.memory_space<vmem_shared>>
        %dma_wait3A_101 = arith.constant 0 : i32
        %dma_wait3A_102 = tpu.memref_slice %arg7[%add3A_86, %dma_wait3A_101] : memref<10112x16xf32, #tpu.memory_space<vmem_shared>> -> memref<128x16xf32, #tpu.memory_space<vmem_shared>>
        tpu.wait_dma2 semaphore(%run_scoped3A : memref<!tpu.dma_semaphore, #tpu.memory_space<semaphore_mem>>) src(%arg6 : memref<128x16xf32, #tpu.memory_space<vmem>>) dst(%dma_wait3A_102 : memref<128x16xf32, #tpu.memory_space<vmem_shared>>)
        tpu.yield
      }) : () -> ()
      %mul3A_87 = arith.constant 632 : i32
      %mul3A_88 = arith.muli %arg1, %mul3A_87 : i32
      %add3A_89 = arith.constant 384 : i32
      %add3A_90 = arith.addi %mul3A_88, %add3A_89 : i32
      "tpu.region"() ({
        %run_scoped3A = tpu.sem_alloc : memref<!tpu.dma_semaphore, #tpu.memory_space<semaphore_mem>>
        %dma_start3A_95 = arith.constant 0 : i32
        %dma_start3A_96 = tpu.memref_slice %arg7[%add3A_90, %dma_start3A_95] : memref<10112x16xf32, #tpu.memory_space<vmem_shared>> -> memref<128x16xf32, #tpu.memory_space<vmem_shared>>
        %dma_start3A_97 = arith.constant 0 : i32
        %dma_start3A_98 = tpu.memref_slice %arg7[%add3A_90, %dma_start3A_97] : memref<10112x16xf32, #tpu.memory_space<vmem_shared>> -> memref<128x16xf32, #tpu.memory_space<vmem_shared>>
        tpu.enqueue_dma source(%arg6 : memref<128x16xf32, #tpu.memory_space<vmem>>) target(%dma_start3A_98 : memref<128x16xf32, #tpu.memory_space<vmem_shared>>) target_semaphore(%run_scoped3A : memref<!tpu.dma_semaphore, #tpu.memory_space<semaphore_mem>>)
        %dma_wait3A_99 = arith.constant 0 : i32
        %dma_wait3A_100 = tpu.memref_slice %arg7[%add3A_90, %dma_wait3A_99] : memref<10112x16xf32, #tpu.memory_space<vmem_shared>> -> memref<128x16xf32, #tpu.memory_space<vmem_shared>>
        %dma_wait3A_101 = arith.constant 0 : i32
        %dma_wait3A_102 = tpu.memref_slice %arg7[%add3A_90, %dma_wait3A_101] : memref<10112x16xf32, #tpu.memory_space<vmem_shared>> -> memref<128x16xf32, #tpu.memory_space<vmem_shared>>
        tpu.wait_dma2 semaphore(%run_scoped3A : memref<!tpu.dma_semaphore, #tpu.memory_space<semaphore_mem>>) src(%arg6 : memref<128x16xf32, #tpu.memory_space<vmem>>) dst(%dma_wait3A_102 : memref<128x16xf32, #tpu.memory_space<vmem_shared>>)
        tpu.yield
      }) : () -> ()
      %mul3A_91 = arith.constant 632 : i32
      %mul3A_92 = arith.muli %arg1, %mul3A_91 : i32
      %add3A_93 = arith.constant 512 : i32
      %add3A_94 = arith.addi %mul3A_92, %add3A_93 : i32
      "tpu.region"() ({
        %run_scoped3A = tpu.sem_alloc : memref<!tpu.dma_semaphore, #tpu.memory_space<semaphore_mem>>
        %dma_start3A_95 = arith.constant 0 : i32
        %dma_start3A_96 = arith.constant 0 : i32
        %dma_start3A_97 = tpu.memref_slice %arg6[%dma_start3A_95, %dma_start3A_96] : memref<128x16xf32, #tpu.memory_space<vmem>> -> memref<120x16xf32, #tpu.memory_space<vmem>>
        %dma_start3A_98 = arith.constant 0 : i32
        %dma_start3A_99 = tpu.memref_slice %arg7[%add3A_94, %dma_start3A_98] : memref<10112x16xf32, #tpu.memory_space<vmem_shared>> -> memref<120x16xf32, #tpu.memory_space<vmem_shared>>
        %dma_start3A_100 = arith.constant 0 : i32
        %dma_start3A_101 = tpu.memref_slice %arg7[%add3A_94, %dma_start3A_100] : memref<10112x16xf32, #tpu.memory_space<vmem_shared>> -> memref<120x16xf32, #tpu.memory_space<vmem_shared>>
        %dma_start3A_102 = arith.constant 0 : i32
        %dma_start3A_103 = arith.constant 0 : i32
        %dma_start3A_104 = tpu.memref_slice %arg6[%dma_start3A_102, %dma_start3A_103] : memref<128x16xf32, #tpu.memory_space<vmem>> -> memref<120x16xf32, #tpu.memory_space<vmem>>
        tpu.enqueue_dma source(%dma_start3A_104 : memref<120x16xf32, #tpu.memory_space<vmem>>) target(%dma_start3A_101 : memref<120x16xf32, #tpu.memory_space<vmem_shared>>) target_semaphore(%run_scoped3A : memref<!tpu.dma_semaphore, #tpu.memory_space<semaphore_mem>>)
        %dma_wait3A_105 = arith.constant 0 : i32
        %dma_wait3A_106 = arith.constant 0 : i32
        %dma_wait3A_107 = tpu.memref_slice %arg6[%dma_wait3A_105, %dma_wait3A_106] : memref<128x16xf32, #tpu.memory_space<vmem>> -> memref<120x16xf32, #tpu.memory_space<vmem>>
        %dma_wait3A_108 = arith.constant 0 : i32
        %dma_wait3A_109 = tpu.memref_slice %arg7[%add3A_94, %dma_wait3A_108] : memref<10112x16xf32, #tpu.memory_space<vmem_shared>> -> memref<120x16xf32, #tpu.memory_space<vmem_shared>>
        %dma_wait3A_110 = arith.constant 0 : i32
        %dma_wait3A_111 = tpu.memref_slice %arg7[%add3A_94, %dma_wait3A_110] : memref<10112x16xf32, #tpu.memory_space<vmem_shared>> -> memref<120x16xf32, #tpu.memory_space<vmem_shared>>
        %dma_wait3A_112 = arith.constant 0 : i32
        %dma_wait3A_113 = arith.constant 0 : i32
        %dma_wait3A_114 = tpu.memref_slice %arg6[%dma_wait3A_112, %dma_wait3A_113] : memref<128x16xf32, #tpu.memory_space<vmem>> -> memref<120x16xf32, #tpu.memory_space<vmem>>
        tpu.wait_dma2 semaphore(%run_scoped3A : memref<!tpu.dma_semaphore, #tpu.memory_space<semaphore_mem>>) src(%dma_wait3A_114 : memref<120x16xf32, #tpu.memory_space<vmem>>) dst(%dma_wait3A_111 : memref<120x16xf32, #tpu.memory_space<vmem_shared>>)
        tpu.yield
      }) : () -> ()
    } else {
    }
    %barrier3A = arith.constant 0 : index
    tpu.barrier barrier_id(%barrier3A)
    %dma_start3A = arith.constant 0 : i32
    %dma_start3A_12 = arith.constant 0 : i32
    %dma_start3A_13 = tpu.memref_slice %arg4[%dma_start3A, %dma_start3A_12] : memref<79x128xi32, #tpu.memory_space<vmem>> -> memref<1x128xi32, #tpu.memory_space<vmem>>
    %dma_start3A_14 = tpu.memref_squeeze %dma_start3A_13 : memref<1x128xi32, #tpu.memory_space<vmem>> -> memref<128xi32, #tpu.memory_space<vmem>>
    %dma_start3A_15 = arith.constant 0 : i32
    %dma_start3A_16 = arith.constant 0 : i32
    %dma_start3A_17 = tpu.memref_slice %arg7[%dma_start3A_15, %dma_start3A_16] : memref<10112x16xf32, #tpu.memory_space<vmem_shared>> -> memref<10112x16xf32, #tpu.memory_space<vmem_shared>>
    tpu.enqueue_indirect_dma source(%arg5 : memref<128x16xf32, #tpu.memory_space<vmem>>) target(%dma_start3A_17 : memref<10112x16xf32, #tpu.memory_space<vmem_shared>>) offsets(%dma_start3A_14 : memref<128xi32, #tpu.memory_space<vmem>>) semaphore(%arg8 : memref<!tpu.dma_semaphore, #tpu.memory_space<semaphore_mem>>) {add = true}
    %dma_start3A_18 = arith.constant 1 : i32
    %dma_start3A_19 = arith.constant 0 : i32
    %dma_start3A_20 = tpu.memref_slice %arg4[%dma_start3A_18, %dma_start3A_19] : memref<79x128xi32, #tpu.memory_space<vmem>> -> memref<1x128xi32, #tpu.memory_space<vmem>>
    %dma_start3A_21 = tpu.memref_squeeze %dma_start3A_20 : memref<1x128xi32, #tpu.memory_space<vmem>> -> memref<128xi32, #tpu.memory_space<vmem>>
    %dma_start3A_22 = arith.constant 0 : i32
    %dma_start3A_23 = arith.constant 0 : i32
    %dma_start3A_24 = tpu.memref_slice %arg7[%dma_start3A_22, %dma_start3A_23] : memref<10112x16xf32, #tpu.memory_space<vmem_shared>> -> memref<10112x16xf32, #tpu.memory_space<vmem_shared>>
    tpu.enqueue_indirect_dma source(%arg5 : memref<128x16xf32, #tpu.memory_space<vmem>>) target(%dma_start3A_24 : memref<10112x16xf32, #tpu.memory_space<vmem_shared>>) offsets(%dma_start3A_21 : memref<128xi32, #tpu.memory_space<vmem>>) semaphore(%arg9 : memref<!tpu.dma_semaphore, #tpu.memory_space<semaphore_mem>>) {add = true}
    %dma_start3A_25 = arith.constant 2 : i32
    %dma_start3A_26 = arith.constant 0 : i32
    %dma_start3A_27 = tpu.memref_slice %arg4[%dma_start3A_25, %dma_start3A_26] : memref<79x128xi32, #tpu.memory_space<vmem>> -> memref<1x128xi32, #tpu.memory_space<vmem>>
    %dma_start3A_28 = tpu.memref_squeeze %dma_start3A_27 : memref<1x128xi32, #tpu.memory_space<vmem>> -> memref<128xi32, #tpu.memory_space<vmem>>
    %dma_start3A_29 = arith.constant 0 : i32
    %dma_start3A_30 = arith.constant 0 : i32
    %dma_start3A_31 = tpu.memref_slice %arg7[%dma_start3A_29, %dma_start3A_30] : memref<10112x16xf32, #tpu.memory_space<vmem_shared>> -> memref<10112x16xf32, #tpu.memory_space<vmem_shared>>
    tpu.enqueue_indirect_dma source(%arg5 : memref<128x16xf32, #tpu.memory_space<vmem>>) target(%dma_start3A_31 : memref<10112x16xf32, #tpu.memory_space<vmem_shared>>) offsets(%dma_start3A_28 : memref<128xi32, #tpu.memory_space<vmem>>) semaphore(%arg10 : memref<!tpu.dma_semaphore, #tpu.memory_space<semaphore_mem>>) {add = true}
    %scan3A_32 = arith.constant 0 : i32
    %scan3A_33 = arith.constant 0 : i32
    %scan3A_34 = arith.constant 25 : i32
    %scan3A_35 = arith.addi %scan3A_33, %scan3A_34 : i32
    %scan3A_36 = arith.constant 1 : i32
    scf.for %scan3A_76 = %scan3A_33 to %scan3A_35 step %scan3A_36  : i32 {
      %mul3A_77 = arith.constant 3 : i32
      %mul3A_78 = arith.muli %mul3A_77, %scan3A_76 : i32
      %add3A = arith.constant 3 : i32
      %add3A_79 = arith.addi %mul3A_78, %add3A : i32
      %add3A_80 = arith.constant 0 : i32
      %add3A_81 = arith.addi %add3A_79, %add3A_80 : i32
      %sub3A = arith.constant 3 : i32
      %sub3A_82 = arith.subi %add3A_81, %sub3A : i32
      %dma_wait3A_83 = arith.constant 0 : i32
      %dma_wait3A_84 = tpu.memref_slice %arg4[%sub3A_82, %dma_wait3A_83] : memref<79x128xi32, #tpu.memory_space<vmem>> -> memref<1x128xi32, #tpu.memory_space<vmem>>
      %dma_wait3A_85 = tpu.memref_squeeze %dma_wait3A_84 : memref<1x128xi32, #tpu.memory_space<vmem>> -> memref<128xi32, #tpu.memory_space<vmem>>
      %dma_wait3A_86 = arith.constant 0 : i32
      %dma_wait3A_87 = arith.constant 0 : i32
      %dma_wait3A_88 = tpu.memref_slice %arg7[%dma_wait3A_86, %dma_wait3A_87] : memref<10112x16xf32, #tpu.memory_space<vmem_shared>> -> memref<10112x16xf32, #tpu.memory_space<vmem_shared>>
      tpu.wait_indirect_dma semaphore(%arg8 : memref<!tpu.dma_semaphore, #tpu.memory_space<semaphore_mem>>) src(%arg5 : memref<128x16xf32, #tpu.memory_space<vmem>>) dst(%dma_wait3A_88 : memref<10112x16xf32, #tpu.memory_space<vmem_shared>>)
      %add3A_89 = arith.constant 0 : i32
      %add3A_90 = arith.addi %add3A_79, %add3A_89 : i32
      %dma_start3A_91 = arith.constant 0 : i32
      %dma_start3A_92 = tpu.memref_slice %arg4[%add3A_90, %dma_start3A_91] : memref<79x128xi32, #tpu.memory_space<vmem>> -> memref<1x128xi32, #tpu.memory_space<vmem>>
      %dma_start3A_93 = tpu.memref_squeeze %dma_start3A_92 : memref<1x128xi32, #tpu.memory_space<vmem>> -> memref<128xi32, #tpu.memory_space<vmem>>
      %dma_start3A_94 = arith.constant 0 : i32
      %dma_start3A_95 = arith.constant 0 : i32
      %dma_start3A_96 = tpu.memref_slice %arg7[%dma_start3A_94, %dma_start3A_95] : memref<10112x16xf32, #tpu.memory_space<vmem_shared>> -> memref<10112x16xf32, #tpu.memory_space<vmem_shared>>
      tpu.enqueue_indirect_dma source(%arg5 : memref<128x16xf32, #tpu.memory_space<vmem>>) target(%dma_start3A_96 : memref<10112x16xf32, #tpu.memory_space<vmem_shared>>) offsets(%dma_start3A_93 : memref<128xi32, #tpu.memory_space<vmem>>) semaphore(%arg8 : memref<!tpu.dma_semaphore, #tpu.memory_space<semaphore_mem>>) {add = true}
      %add3A_97 = arith.constant 1 : i32
      %add3A_98 = arith.addi %add3A_79, %add3A_97 : i32
      %sub3A_99 = arith.constant 3 : i32
      %sub3A_100 = arith.subi %add3A_98, %sub3A_99 : i32
      %dma_wait3A_101 = arith.constant 0 : i32
      %dma_wait3A_102 = tpu.memref_slice %arg4[%sub3A_100, %dma_wait3A_101] : memref<79x128xi32, #tpu.memory_space<vmem>> -> memref<1x128xi32, #tpu.memory_space<vmem>>
      %dma_wait3A_103 = tpu.memref_squeeze %dma_wait3A_102 : memref<1x128xi32, #tpu.memory_space<vmem>> -> memref<128xi32, #tpu.memory_space<vmem>>
      %dma_wait3A_104 = arith.constant 0 : i32
      %dma_wait3A_105 = arith.constant 0 : i32
      %dma_wait3A_106 = tpu.memref_slice %arg7[%dma_wait3A_104, %dma_wait3A_105] : memref<10112x16xf32, #tpu.memory_space<vmem_shared>> -> memref<10112x16xf32, #tpu.memory_space<vmem_shared>>
      tpu.wait_indirect_dma semaphore(%arg9 : memref<!tpu.dma_semaphore, #tpu.memory_space<semaphore_mem>>) src(%arg5 : memref<128x16xf32, #tpu.memory_space<vmem>>) dst(%dma_wait3A_106 : memref<10112x16xf32, #tpu.memory_space<vmem_shared>>)
      %add3A_107 = arith.constant 1 : i32
      %add3A_108 = arith.addi %add3A_79, %add3A_107 : i32
      %dma_start3A_109 = arith.constant 0 : i32
      %dma_start3A_110 = tpu.memref_slice %arg4[%add3A_108, %dma_start3A_109] : memref<79x128xi32, #tpu.memory_space<vmem>> -> memref<1x128xi32, #tpu.memory_space<vmem>>
      %dma_start3A_111 = tpu.memref_squeeze %dma_start3A_110 : memref<1x128xi32, #tpu.memory_space<vmem>> -> memref<128xi32, #tpu.memory_space<vmem>>
      %dma_start3A_112 = arith.constant 0 : i32
      %dma_start3A_113 = arith.constant 0 : i32
      %dma_start3A_114 = tpu.memref_slice %arg7[%dma_start3A_112, %dma_start3A_113] : memref<10112x16xf32, #tpu.memory_space<vmem_shared>> -> memref<10112x16xf32, #tpu.memory_space<vmem_shared>>
      tpu.enqueue_indirect_dma source(%arg5 : memref<128x16xf32, #tpu.memory_space<vmem>>) target(%dma_start3A_114 : memref<10112x16xf32, #tpu.memory_space<vmem_shared>>) offsets(%dma_start3A_111 : memref<128xi32, #tpu.memory_space<vmem>>) semaphore(%arg9 : memref<!tpu.dma_semaphore, #tpu.memory_space<semaphore_mem>>) {add = true}
      %add3A_115 = arith.constant 2 : i32
      %add3A_116 = arith.addi %add3A_79, %add3A_115 : i32
      %sub3A_117 = arith.constant 3 : i32
      %sub3A_118 = arith.subi %add3A_116, %sub3A_117 : i32
      %dma_wait3A_119 = arith.constant 0 : i32
      %dma_wait3A_120 = tpu.memref_slice %arg4[%sub3A_118, %dma_wait3A_119] : memref<79x128xi32, #tpu.memory_space<vmem>> -> memref<1x128xi32, #tpu.memory_space<vmem>>
      %dma_wait3A_121 = tpu.memref_squeeze %dma_wait3A_120 : memref<1x128xi32, #tpu.memory_space<vmem>> -> memref<128xi32, #tpu.memory_space<vmem>>
      %dma_wait3A_122 = arith.constant 0 : i32
      %dma_wait3A_123 = arith.constant 0 : i32
      %dma_wait3A_124 = tpu.memref_slice %arg7[%dma_wait3A_122, %dma_wait3A_123] : memref<10112x16xf32, #tpu.memory_space<vmem_shared>> -> memref<10112x16xf32, #tpu.memory_space<vmem_shared>>
      tpu.wait_indirect_dma semaphore(%arg10 : memref<!tpu.dma_semaphore, #tpu.memory_space<semaphore_mem>>) src(%arg5 : memref<128x16xf32, #tpu.memory_space<vmem>>) dst(%dma_wait3A_124 : memref<10112x16xf32, #tpu.memory_space<vmem_shared>>)
      %add3A_125 = arith.constant 2 : i32
      %add3A_126 = arith.addi %add3A_79, %add3A_125 : i32
      %dma_start3A_127 = arith.constant 0 : i32
      %dma_start3A_128 = tpu.memref_slice %arg4[%add3A_126, %dma_start3A_127] : memref<79x128xi32, #tpu.memory_space<vmem>> -> memref<1x128xi32, #tpu.memory_space<vmem>>
      %dma_start3A_129 = tpu.memref_squeeze %dma_start3A_128 : memref<1x128xi32, #tpu.memory_space<vmem>> -> memref<128xi32, #tpu.memory_space<vmem>>
      %dma_start3A_130 = arith.constant 0 : i32
      %dma_start3A_131 = arith.constant 0 : i32
      %dma_start3A_132 = tpu.memref_slice %arg7[%dma_start3A_130, %dma_start3A_131] : memref<10112x16xf32, #tpu.memory_space<vmem_shared>> -> memref<10112x16xf32, #tpu.memory_space<vmem_shared>>
      tpu.enqueue_indirect_dma source(%arg5 : memref<128x16xf32, #tpu.memory_space<vmem>>) target(%dma_start3A_132 : memref<10112x16xf32, #tpu.memory_space<vmem_shared>>) offsets(%dma_start3A_129 : memref<128xi32, #tpu.memory_space<vmem>>) semaphore(%arg10 : memref<!tpu.dma_semaphore, #tpu.memory_space<semaphore_mem>>) {add = true}
    }
    %scan3A_37 = arith.constant 25 : i32
    %dma_wait3A = arith.constant 75 : i32
    %dma_wait3A_38 = arith.constant 0 : i32
    %dma_wait3A_39 = tpu.memref_slice %arg4[%dma_wait3A, %dma_wait3A_38] : memref<79x128xi32, #tpu.memory_space<vmem>> -> memref<1x128xi32, #tpu.memory_space<vmem>>
    %dma_wait3A_40 = tpu.memref_squeeze %dma_wait3A_39 : memref<1x128xi32, #tpu.memory_space<vmem>> -> memref<128xi32, #tpu.memory_space<vmem>>
    %dma_wait3A_41 = arith.constant 0 : i32
    %dma_wait3A_42 = arith.constant 0 : i32
    %dma_wait3A_43 = tpu.memref_slice %arg7[%dma_wait3A_41, %dma_wait3A_42] : memref<10112x16xf32, #tpu.memory_space<vmem_shared>> -> memref<10112x16xf32, #tpu.memory_space<vmem_shared>>
    tpu.wait_indirect_dma semaphore(%arg8 : memref<!tpu.dma_semaphore, #tpu.memory_space<semaphore_mem>>) src(%arg5 : memref<128x16xf32, #tpu.memory_space<vmem>>) dst(%dma_wait3A_43 : memref<10112x16xf32, #tpu.memory_space<vmem_shared>>)
    %dma_start3A_44 = arith.constant 78 : i32
    %dma_start3A_45 = arith.constant 0 : i32
    %dma_start3A_46 = tpu.memref_slice %arg4[%dma_start3A_44, %dma_start3A_45] : memref<79x128xi32, #tpu.memory_space<vmem>> -> memref<1x128xi32, #tpu.memory_space<vmem>>
    %dma_start3A_47 = tpu.memref_squeeze %dma_start3A_46 : memref<1x128xi32, #tpu.memory_space<vmem>> -> memref<128xi32, #tpu.memory_space<vmem>>
    %dma_start3A_48 = arith.constant 0 : i32
    %dma_start3A_49 = arith.constant 0 : i32
    %dma_start3A_50 = tpu.memref_slice %arg7[%dma_start3A_48, %dma_start3A_49] : memref<10112x16xf32, #tpu.memory_space<vmem_shared>> -> memref<10112x16xf32, #tpu.memory_space<vmem_shared>>
    tpu.enqueue_indirect_dma source(%arg5 : memref<128x16xf32, #tpu.memory_space<vmem>>) target(%dma_start3A_50 : memref<10112x16xf32, #tpu.memory_space<vmem_shared>>) offsets(%dma_start3A_47 : memref<128xi32, #tpu.memory_space<vmem>>) semaphore(%arg8 : memref<!tpu.dma_semaphore, #tpu.memory_space<semaphore_mem>>) {add = true}
    %dma_wait3A_51 = arith.constant 76 : i32
    %dma_wait3A_52 = arith.constant 0 : i32
    %dma_wait3A_53 = tpu.memref_slice %arg4[%dma_wait3A_51, %dma_wait3A_52] : memref<79x128xi32, #tpu.memory_space<vmem>> -> memref<1x128xi32, #tpu.memory_space<vmem>>
    %dma_wait3A_54 = tpu.memref_squeeze %dma_wait3A_53 : memref<1x128xi32, #tpu.memory_space<vmem>> -> memref<128xi32, #tpu.memory_space<vmem>>
    %dma_wait3A_55 = arith.constant 0 : i32
    %dma_wait3A_56 = arith.constant 0 : i32
    %dma_wait3A_57 = tpu.memref_slice %arg7[%dma_wait3A_55, %dma_wait3A_56] : memref<10112x16xf32, #tpu.memory_space<vmem_shared>> -> memref<10112x16xf32, #tpu.memory_space<vmem_shared>>
    tpu.wait_indirect_dma semaphore(%arg9 : memref<!tpu.dma_semaphore, #tpu.memory_space<semaphore_mem>>) src(%arg5 : memref<128x16xf32, #tpu.memory_space<vmem>>) dst(%dma_wait3A_57 : memref<10112x16xf32, #tpu.memory_space<vmem_shared>>)
    %dma_wait3A_58 = arith.constant 77 : i32
    %dma_wait3A_59 = arith.constant 0 : i32
    %dma_wait3A_60 = tpu.memref_slice %arg4[%dma_wait3A_58, %dma_wait3A_59] : memref<79x128xi32, #tpu.memory_space<vmem>> -> memref<1x128xi32, #tpu.memory_space<vmem>>
    %dma_wait3A_61 = tpu.memref_squeeze %dma_wait3A_60 : memref<1x128xi32, #tpu.memory_space<vmem>> -> memref<128xi32, #tpu.memory_space<vmem>>
    %dma_wait3A_62 = arith.constant 0 : i32
    %dma_wait3A_63 = arith.constant 0 : i32
    %dma_wait3A_64 = tpu.memref_slice %arg7[%dma_wait3A_62, %dma_wait3A_63] : memref<10112x16xf32, #tpu.memory_space<vmem_shared>> -> memref<10112x16xf32, #tpu.memory_space<vmem_shared>>
    tpu.wait_indirect_dma semaphore(%arg10 : memref<!tpu.dma_semaphore, #tpu.memory_space<semaphore_mem>>) src(%arg5 : memref<128x16xf32, #tpu.memory_space<vmem>>) dst(%dma_wait3A_64 : memref<10112x16xf32, #tpu.memory_space<vmem_shared>>)
    %dma_wait3A_65 = arith.constant 78 : i32
    %dma_wait3A_66 = arith.constant 0 : i32
    %dma_wait3A_67 = tpu.memref_slice %arg4[%dma_wait3A_65, %dma_wait3A_66] : memref<79x128xi32, #tpu.memory_space<vmem>> -> memref<1x128xi32, #tpu.memory_space<vmem>>
    %dma_wait3A_68 = tpu.memref_squeeze %dma_wait3A_67 : memref<1x128xi32, #tpu.memory_space<vmem>> -> memref<128xi32, #tpu.memory_space<vmem>>
    %dma_wait3A_69 = arith.constant 0 : i32
    %dma_wait3A_70 = arith.constant 0 : i32
    %dma_wait3A_71 = tpu.memref_slice %arg7[%dma_wait3A_69, %dma_wait3A_70] : memref<10112x16xf32, #tpu.memory_space<vmem_shared>> -> memref<10112x16xf32, #tpu.memory_space<vmem_shared>>
    tpu.wait_indirect_dma semaphore(%arg8 : memref<!tpu.dma_semaphore, #tpu.memory_space<semaphore_mem>>) src(%arg5 : memref<128x16xf32, #tpu.memory_space<vmem>>) dst(%dma_wait3A_71 : memref<10112x16xf32, #tpu.memory_space<vmem_shared>>)
    %barrier3A_72 = arith.constant 0 : index
    tpu.barrier barrier_id(%barrier3A_72)
    %mul3A = arith.constant 632 : i32
    %mul3A_73 = arith.muli %arg1, %mul3A : i32
    %mul3A_74 = arith.constant 632 : i32
    %mul3A_75 = arith.muli %arg1, %mul3A_74 : i32
    "tpu.region"() ({
      %run_scoped3A = tpu.sem_alloc : memref<!tpu.dma_semaphore, #tpu.memory_space<semaphore_mem>>
      %dma_start3A_76 = arith.constant 0 : i32
      %dma_start3A_77 = tpu.memref_slice %arg3[%arg0, %mul3A_75, %dma_start3A_76] : memref<2x10112x16xf32, #tpu.memory_space<hbm>> -> memref<1x632x16xf32, #tpu.memory_space<hbm>>
      %dma_start3A_78 = tpu.memref_squeeze %dma_start3A_77 : memref<1x632x16xf32, #tpu.memory_space<hbm>> -> memref<632x16xf32, #tpu.memory_space<hbm>>
      %dma_start3A_79 = arith.constant 0 : i32
      %dma_start3A_80 = tpu.memref_slice %arg7[%mul3A_73, %dma_start3A_79] : memref<10112x16xf32, #tpu.memory_space<vmem_shared>> -> memref<632x16xf32, #tpu.memory_space<vmem_shared>>
      tpu.enqueue_dma source(%dma_start3A_80 : memref<632x16xf32, #tpu.memory_space<vmem_shared>>) target(%dma_start3A_78 : memref<632x16xf32, #tpu.memory_space<hbm>>) target_semaphore(%run_scoped3A : memref<!tpu.dma_semaphore, #tpu.memory_space<semaphore_mem>>)
      %dma_wait3A_81 = arith.constant 0 : i32
      %dma_wait3A_82 = tpu.memref_slice %arg3[%arg0, %mul3A_75, %dma_wait3A_81] : memref<2x10112x16xf32, #tpu.memory_space<hbm>> -> memref<1x632x16xf32, #tpu.memory_space<hbm>>
      %dma_wait3A_83 = tpu.memref_squeeze %dma_wait3A_82 : memref<1x632x16xf32, #tpu.memory_space<hbm>> -> memref<632x16xf32, #tpu.memory_space<hbm>>
      %dma_wait3A_84 = arith.constant 0 : i32
      %dma_wait3A_85 = tpu.memref_slice %arg7[%mul3A_73, %dma_wait3A_84] : memref<10112x16xf32, #tpu.memory_space<vmem_shared>> -> memref<632x16xf32, #tpu.memory_space<vmem_shared>>
      tpu.wait_dma2 semaphore(%run_scoped3A : memref<!tpu.dma_semaphore, #tpu.memory_space<semaphore_mem>>) src(%dma_wait3A_85 : memref<632x16xf32, #tpu.memory_space<vmem_shared>>) dst(%dma_wait3A_83 : memref<632x16xf32, #tpu.memory_space<hbm>>)
      tpu.yield
    }) : () -> ()
    return
  }
}

#map = affine_map<(d0, d1) -> (0, 0)>
#map1 = affine_map<(d0, d1) -> (0)>
#map2 = affine_map<(d0, d1) -> (0, 0, 0)>
module attributes {stable_mosaic.version = 14 : i64} {
  func.func @_sc_msg(%arg0: i32, %arg1: i32, %arg2: memref<10000x128xf32, #tpu.memory_space<hbm>>, %arg3: memref<320000xi32, #tpu.memory_space<hbm>>, %arg4: memref<320000xi32, #tpu.memory_space<hbm>>, %arg5: memref<2x10112x128xf32, #tpu.memory_space<hbm>>, %arg6: memref<3x2x128xi32, #tpu.memory_space<vmem>>, %arg7: memref<2x16xi32, #tpu.memory_space<vmem>>, %arg8: memref<3x128x128xf32, #tpu.memory_space<vmem>>, %arg9: memref<10112x128xf32, #tpu.memory_space<vmem_shared>>, %arg10: memref<!tpu.dma_semaphore, #tpu.memory_space<semaphore_mem>>, %arg11: memref<!tpu.dma_semaphore, #tpu.memory_space<semaphore_mem>>, %arg12: memref<!tpu.dma_semaphore, #tpu.memory_space<semaphore_mem>>, %arg13: memref<!tpu.dma_semaphore, #tpu.memory_space<semaphore_mem>>, %arg14: memref<!tpu.dma_semaphore, #tpu.memory_space<semaphore_mem>>, %arg15: memref<!tpu.dma_semaphore, #tpu.memory_space<semaphore_mem>>) attributes {dimension_semantics = [#tpu.dimension_semantics<core_parallel>, #tpu.dimension_semantics<subcore_parallel>], iteration_bounds = array<i64: 2, 16>, scalar_prefetch = 0 : i64, scratch_operands = 10 : i64, tpu.core_type = #tpu.core_type<sc_vector_subcore>, window_params = [{transform_indices = #map}, {transform_indices = #map1}, {transform_indices = #map1}, {transform_indices = #map2}]} {
    %mul3A = arith.constant 16 : i32
    %mul3A_0 = arith.muli %arg0, %mul3A : i32
    %add3A = arith.addi %mul3A_0, %arg1 : i32
    %mul3A_1 = arith.constant 10000 : i32
    %mul3A_2 = arith.muli %add3A, %mul3A_1 : i32
    %multiple_of3A = tpu.assume_multiple %mul3A_2, 8 : i32
    %scan3A = arith.constant 0 : i32
    %scan3A_3 = arith.constant 0 : i32
    %scan3A_4 = arith.constant 128 : i32
    %scan3A_5 = arith.addi %scan3A_3, %scan3A_4 : i32
    %scan3A_6 = arith.constant 1 : i32
    scf.for %scan3A_244 = %scan3A_3 to %scan3A_5 step %scan3A_6  : i32 {
      %broadcast_in_dim3A = arith.constant 0.000000e+00 : f32
      %broadcast_in_dim3A_245 = vector.broadcast %broadcast_in_dim3A : f32 to vector<16xf32>
      %swap3A = arith.constant 0 : i32
      %swap3A_246 = arith.index_cast %swap3A : i32 to index
      %swap3A_247 = arith.index_cast %scan3A_244 : i32 to index
      %swap3A_248 = arith.constant 0 : index
      %swap3A_249 = tpu.vector_load %arg8[%swap3A_246, %swap3A_247, %swap3A_248] {strides = array<i32>} : memref<3x128x128xf32, #tpu.memory_space<vmem>>, vector<1x1x16xf32>,
      %swap3A_250 = vector.shape_cast %swap3A_249 : vector<1x1x16xf32> to vector<16xf32>
      %swap3A_251 = vector.shape_cast %broadcast_in_dim3A_245 : vector<16xf32> to vector<1x1x16xf32>
      tpu.vector_store %arg8[%swap3A_246, %swap3A_247, %swap3A_248], %swap3A_251 {strides = array<i32>} : memref<3x128x128xf32, #tpu.memory_space<vmem>>, vector<1x1x16xf32>,
      %broadcast_in_dim3A_252 = arith.constant 0.000000e+00 : f32
      %broadcast_in_dim3A_253 = vector.broadcast %broadcast_in_dim3A_252 : f32 to vector<16xf32>
      %swap3A_254 = arith.constant 0 : i32
      %swap3A_255 = arith.index_cast %swap3A_254 : i32 to index
      %swap3A_256 = arith.index_cast %scan3A_244 : i32 to index
      %swap3A_257 = arith.constant 16 : index
      %swap3A_258 = tpu.vector_load %arg8[%swap3A_255, %swap3A_256, %swap3A_257] {strides = array<i32>} : memref<3x128x128xf32, #tpu.memory_space<vmem>>, vector<1x1x16xf32>,
      %swap3A_259 = vector.shape_cast %swap3A_258 : vector<1x1x16xf32> to vector<16xf32>
      %swap3A_260 = vector.shape_cast %broadcast_in_dim3A_253 : vector<16xf32> to vector<1x1x16xf32>
      tpu.vector_store %arg8[%swap3A_255, %swap3A_256, %swap3A_257], %swap3A_260 {strides = array<i32>} : memref<3x128x128xf32, #tpu.memory_space<vmem>>, vector<1x1x16xf32>,
      %broadcast_in_dim3A_261 = arith.constant 0.000000e+00 : f32
      %broadcast_in_dim3A_262 = vector.broadcast %broadcast_in_dim3A_261 : f32 to vector<16xf32>
      %swap3A_263 = arith.constant 0 : i32
      %swap3A_264 = arith.index_cast %swap3A_263 : i32 to index
      %swap3A_265 = arith.index_cast %scan3A_244 : i32 to index
      %swap3A_266 = arith.constant 32 : index
      %swap3A_267 = tpu.vector_load %arg8[%swap3A_264, %swap3A_265, %swap3A_266] {strides = array<i32>} : memref<3x128x128xf32, #tpu.memory_space<vmem>>, vector<1x1x16xf32>,
      %swap3A_268 = vector.shape_cast %swap3A_267 : vector<1x1x16xf32> to vector<16xf32>
      %swap3A_269 = vector.shape_cast %broadcast_in_dim3A_262 : vector<16xf32> to vector<1x1x16xf32>
      tpu.vector_store %arg8[%swap3A_264, %swap3A_265, %swap3A_266], %swap3A_269 {strides = array<i32>} : memref<3x128x128xf32, #tpu.memory_space<vmem>>, vector<1x1x16xf32>,
      %broadcast_in_dim3A_270 = arith.constant 0.000000e+00 : f32
      %broadcast_in_dim3A_271 = vector.broadcast %broadcast_in_dim3A_270 : f32 to vector<16xf32>
      %swap3A_272 = arith.constant 0 : i32
      %swap3A_273 = arith.index_cast %swap3A_272 : i32 to index
      %swap3A_274 = arith.index_cast %scan3A_244 : i32 to index
      %swap3A_275 = arith.constant 48 : index
      %swap3A_276 = tpu.vector_load %arg8[%swap3A_273, %swap3A_274, %swap3A_275] {strides = array<i32>} : memref<3x128x128xf32, #tpu.memory_space<vmem>>, vector<1x1x16xf32>,
      %swap3A_277 = vector.shape_cast %swap3A_276 : vector<1x1x16xf32> to vector<16xf32>
      %swap3A_278 = vector.shape_cast %broadcast_in_dim3A_271 : vector<16xf32> to vector<1x1x16xf32>
      tpu.vector_store %arg8[%swap3A_273, %swap3A_274, %swap3A_275], %swap3A_278 {strides = array<i32>} : memref<3x128x128xf32, #tpu.memory_space<vmem>>, vector<1x1x16xf32>,
      %broadcast_in_dim3A_279 = arith.constant 0.000000e+00 : f32
      %broadcast_in_dim3A_280 = vector.broadcast %broadcast_in_dim3A_279 : f32 to vector<16xf32>
      %swap3A_281 = arith.constant 0 : i32
      %swap3A_282 = arith.index_cast %swap3A_281 : i32 to index
      %swap3A_283 = arith.index_cast %scan3A_244 : i32 to index
      %swap3A_284 = arith.constant 64 : index
      %swap3A_285 = tpu.vector_load %arg8[%swap3A_282, %swap3A_283, %swap3A_284] {strides = array<i32>} : memref<3x128x128xf32, #tpu.memory_space<vmem>>, vector<1x1x16xf32>,
      %swap3A_286 = vector.shape_cast %swap3A_285 : vector<1x1x16xf32> to vector<16xf32>
      %swap3A_287 = vector.shape_cast %broadcast_in_dim3A_280 : vector<16xf32> to vector<1x1x16xf32>
      tpu.vector_store %arg8[%swap3A_282, %swap3A_283, %swap3A_284], %swap3A_287 {strides = array<i32>} : memref<3x128x128xf32, #tpu.memory_space<vmem>>, vector<1x1x16xf32>,
      %broadcast_in_dim3A_288 = arith.constant 0.000000e+00 : f32
      %broadcast_in_dim3A_289 = vector.broadcast %broadcast_in_dim3A_288 : f32 to vector<16xf32>
      %swap3A_290 = arith.constant 0 : i32
      %swap3A_291 = arith.index_cast %swap3A_290 : i32 to index
      %swap3A_292 = arith.index_cast %scan3A_244 : i32 to index
      %swap3A_293 = arith.constant 80 : index
      %swap3A_294 = tpu.vector_load %arg8[%swap3A_291, %swap3A_292, %swap3A_293] {strides = array<i32>} : memref<3x128x128xf32, #tpu.memory_space<vmem>>, vector<1x1x16xf32>,
      %swap3A_295 = vector.shape_cast %swap3A_294 : vector<1x1x16xf32> to vector<16xf32>
      %swap3A_296 = vector.shape_cast %broadcast_in_dim3A_289 : vector<16xf32> to vector<1x1x16xf32>
      tpu.vector_store %arg8[%swap3A_291, %swap3A_292, %swap3A_293], %swap3A_296 {strides = array<i32>} : memref<3x128x128xf32, #tpu.memory_space<vmem>>, vector<1x1x16xf32>,
      %broadcast_in_dim3A_297 = arith.constant 0.000000e+00 : f32
      %broadcast_in_dim3A_298 = vector.broadcast %broadcast_in_dim3A_297 : f32 to vector<16xf32>
      %swap3A_299 = arith.constant 0 : i32
      %swap3A_300 = arith.index_cast %swap3A_299 : i32 to index
      %swap3A_301 = arith.index_cast %scan3A_244 : i32 to index
      %swap3A_302 = arith.constant 96 : index
      %swap3A_303 = tpu.vector_load %arg8[%swap3A_300, %swap3A_301, %swap3A_302] {strides = array<i32>} : memref<3x128x128xf32, #tpu.memory_space<vmem>>, vector<1x1x16xf32>,
      %swap3A_304 = vector.shape_cast %swap3A_303 : vector<1x1x16xf32> to vector<16xf32>
      %swap3A_305 = vector.shape_cast %broadcast_in_dim3A_298 : vector<16xf32> to vector<1x1x16xf32>
      tpu.vector_store %arg8[%swap3A_300, %swap3A_301, %swap3A_302], %swap3A_305 {strides = array<i32>} : memref<3x128x128xf32, #tpu.memory_space<vmem>>, vector<1x1x16xf32>,
      %broadcast_in_dim3A_306 = arith.constant 0.000000e+00 : f32
      %broadcast_in_dim3A_307 = vector.broadcast %broadcast_in_dim3A_306 : f32 to vector<16xf32>
      %swap3A_308 = arith.constant 0 : i32
      %swap3A_309 = arith.index_cast %swap3A_308 : i32 to index
      %swap3A_310 = arith.index_cast %scan3A_244 : i32 to index
      %swap3A_311 = arith.constant 112 : index
      %swap3A_312 = tpu.vector_load %arg8[%swap3A_309, %swap3A_310, %swap3A_311] {strides = array<i32>} : memref<3x128x128xf32, #tpu.memory_space<vmem>>, vector<1x1x16xf32>,
      %swap3A_313 = vector.shape_cast %swap3A_312 : vector<1x1x16xf32> to vector<16xf32>
      %swap3A_314 = vector.shape_cast %broadcast_in_dim3A_307 : vector<16xf32> to vector<1x1x16xf32>
      tpu.vector_store %arg8[%swap3A_309, %swap3A_310, %swap3A_311], %swap3A_314 {strides = array<i32>} : memref<3x128x128xf32, #tpu.memory_space<vmem>>, vector<1x1x16xf32>,
    }
    %scan3A_7 = arith.constant 128 : i32
    %eq3A = arith.constant 0 : i32
    %eq3A_8 = arith.cmpi eq, %arg0, %eq3A : i32
    %lt3A = arith.constant 15 : i32
    %lt3A_9 = arith.cmpi slt, %arg1, %lt3A : i32
    %and3A = arith.andi %eq3A_8, %lt3A_9 : i1
    %convert_element_type3A = arith.extui %and3A : i1 to i32
    %cond3A = arith.constant 0 : i32
    %cond3A_10 = arith.cmpi ne, %convert_element_type3A, %cond3A : i32
    scf.if %cond3A_10 {
      %mul3A_244 = arith.constant 632 : i32
      %mul3A_245 = arith.muli %arg1, %mul3A_244 : i32
      %mul3A_246 = arith.constant 632 : i32
      %mul3A_247 = arith.muli %arg1, %mul3A_246 : i32
      "tpu.region"() ({
        %run_scoped3A_248 = tpu.sem_alloc : memref<!tpu.dma_semaphore, #tpu.memory_space<semaphore_mem>>
        %dma_start3A_249 = arith.constant 0 : i32
        %dma_start3A_250 = tpu.memref_slice %arg9[%mul3A_247, %dma_start3A_249] : memref<10112x128xf32, #tpu.memory_space<vmem_shared>> -> memref<632x128xf32, #tpu.memory_space<vmem_shared>>
        %dma_start3A_251 = arith.constant 0 : i32
        %dma_start3A_252 = tpu.memref_slice %arg2[%mul3A_245, %dma_start3A_251] : memref<10000x128xf32, #tpu.memory_space<hbm>> -> memref<632x128xf32, #tpu.memory_space<hbm>>
        tpu.enqueue_dma source(%dma_start3A_252 : memref<632x128xf32, #tpu.memory_space<hbm>>) target(%dma_start3A_250 : memref<632x128xf32, #tpu.memory_space<vmem_shared>>) target_semaphore(%run_scoped3A_248 : memref<!tpu.dma_semaphore, #tpu.memory_space<semaphore_mem>>)
        %dma_wait3A_253 = arith.constant 0 : i32
        %dma_wait3A_254 = tpu.memref_slice %arg9[%mul3A_247, %dma_wait3A_253] : memref<10112x128xf32, #tpu.memory_space<vmem_shared>> -> memref<632x128xf32, #tpu.memory_space<vmem_shared>>
        %dma_wait3A_255 = arith.constant 0 : i32
        %dma_wait3A_256 = tpu.memref_slice %arg2[%mul3A_245, %dma_wait3A_255] : memref<10000x128xf32, #tpu.memory_space<hbm>> -> memref<632x128xf32, #tpu.memory_space<hbm>>
        tpu.wait_dma2 semaphore(%run_scoped3A_248 : memref<!tpu.dma_semaphore, #tpu.memory_space<semaphore_mem>>) src(%dma_wait3A_256 : memref<632x128xf32, #tpu.memory_space<hbm>>) dst(%dma_wait3A_254 : memref<632x128xf32, #tpu.memory_space<vmem_shared>>)
        tpu.yield
      }) : () -> ()
    } else {
    }
    %eq3A_11 = arith.constant 0 : i32
    %eq3A_12 = arith.cmpi eq, %arg0, %eq3A_11 : i32
    %eq3A_13 = arith.constant 15 : i32
    %eq3A_14 = arith.cmpi eq, %arg1, %eq3A_13 : i32
    %and3A_15 = arith.andi %eq3A_12, %eq3A_14 : i1
    %convert_element_type3A_16 = arith.extui %and3A_15 : i1 to i32
    %cond3A_17 = arith.constant 0 : i32
    %cond3A_18 = arith.cmpi ne, %convert_element_type3A_16, %cond3A_17 : i32
    scf.if %cond3A_18 {
      "tpu.region"() ({
        %run_scoped3A_245 = tpu.sem_alloc : memref<!tpu.dma_semaphore, #tpu.memory_space<semaphore_mem>>
        %dma_start3A_246 = arith.constant 9480 : i32
        %dma_start3A_247 = arith.constant 0 : i32
        %dma_start3A_248 = tpu.memref_slice %arg9[%dma_start3A_246, %dma_start3A_247] : memref<10112x128xf32, #tpu.memory_space<vmem_shared>> -> memref<520x128xf32, #tpu.memory_space<vmem_shared>>
        %dma_start3A_249 = arith.constant 9480 : i32
        %dma_start3A_250 = arith.constant 0 : i32
        %dma_start3A_251 = tpu.memref_slice %arg2[%dma_start3A_249, %dma_start3A_250] : memref<10000x128xf32, #tpu.memory_space<hbm>> -> memref<520x128xf32, #tpu.memory_space<hbm>>
        tpu.enqueue_dma source(%dma_start3A_251 : memref<520x128xf32, #tpu.memory_space<hbm>>) target(%dma_start3A_248 : memref<520x128xf32, #tpu.memory_space<vmem_shared>>) target_semaphore(%run_scoped3A_245 : memref<!tpu.dma_semaphore, #tpu.memory_space<semaphore_mem>>)
        %dma_wait3A_252 = arith.constant 9480 : i32
        %dma_wait3A_253 = arith.constant 0 : i32
        %dma_wait3A_254 = tpu.memref_slice %arg9[%dma_wait3A_252, %dma_wait3A_253] : memref<10112x128xf32, #tpu.memory_space<vmem_shared>> -> memref<520x128xf32, #tpu.memory_space<vmem_shared>>
        %dma_wait3A_255 = arith.constant 9480 : i32
        %dma_wait3A_256 = arith.constant 0 : i32
        %dma_wait3A_257 = tpu.memref_slice %arg2[%dma_wait3A_255, %dma_wait3A_256] : memref<10000x128xf32, #tpu.memory_space<hbm>> -> memref<520x128xf32, #tpu.memory_space<hbm>>
        tpu.wait_dma2 semaphore(%run_scoped3A_245 : memref<!tpu.dma_semaphore, #tpu.memory_space<semaphore_mem>>) src(%dma_wait3A_257 : memref<520x128xf32, #tpu.memory_space<hbm>>) dst(%dma_wait3A_254 : memref<520x128xf32, #tpu.memory_space<vmem_shared>>)
        tpu.yield
      }) : () -> ()
      %run_scoped3A_244 = arith.constant 0 : i32
      "tpu.region"() ({
        %run_scoped3A_245 = tpu.sem_alloc : memref<!tpu.dma_semaphore, #tpu.memory_space<semaphore_mem>>
        %dma_start3A_246 = arith.constant 0 : i32
        %dma_start3A_247 = arith.constant 0 : i32
        %dma_start3A_248 = tpu.memref_slice %arg8[%run_scoped3A_244, %dma_start3A_246, %dma_start3A_247] : memref<3x128x128xf32, #tpu.memory_space<vmem>> -> memref<1x112x128xf32, #tpu.memory_space<vmem>>
        %dma_start3A_249 = tpu.memref_squeeze %dma_start3A_248 : memref<1x112x128xf32, #tpu.memory_space<vmem>> -> memref<112x128xf32, #tpu.memory_space<vmem>>
        %dma_start3A_250 = arith.constant 10000 : i32
        %dma_start3A_251 = arith.constant 0 : i32
        %dma_start3A_252 = tpu.memref_slice %arg9[%dma_start3A_250, %dma_start3A_251] : memref<10112x128xf32, #tpu.memory_space<vmem_shared>> -> memref<112x128xf32, #tpu.memory_space<vmem_shared>>
        %dma_start3A_253 = arith.constant 10000 : i32
        %dma_start3A_254 = arith.constant 0 : i32
        %dma_start3A_255 = tpu.memref_slice %arg9[%dma_start3A_253, %dma_start3A_254] : memref<10112x128xf32, #tpu.memory_space<vmem_shared>> -> memref<112x128xf32, #tpu.memory_space<vmem_shared>>
        %dma_start3A_256 = arith.constant 0 : i32
        %dma_start3A_257 = arith.constant 0 : i32
        %dma_start3A_258 = tpu.memref_slice %arg8[%run_scoped3A_244, %dma_start3A_256, %dma_start3A_257] : memref<3x128x128xf32, #tpu.memory_space<vmem>> -> memref<1x112x128xf32, #tpu.memory_space<vmem>>
        %dma_start3A_259 = tpu.memref_squeeze %dma_start3A_258 : memref<1x112x128xf32, #tpu.memory_space<vmem>> -> memref<112x128xf32, #tpu.memory_space<vmem>>
        tpu.enqueue_dma source(%dma_start3A_259 : memref<112x128xf32, #tpu.memory_space<vmem>>) target(%dma_start3A_255 : memref<112x128xf32, #tpu.memory_space<vmem_shared>>) target_semaphore(%run_scoped3A_245 : memref<!tpu.dma_semaphore, #tpu.memory_space<semaphore_mem>>)
        %dma_wait3A_260 = arith.constant 0 : i32
        %dma_wait3A_261 = arith.constant 0 : i32
        %dma_wait3A_262 = tpu.memref_slice %arg8[%run_scoped3A_244, %dma_wait3A_260, %dma_wait3A_261] : memref<3x128x128xf32, #tpu.memory_space<vmem>> -> memref<1x112x128xf32, #tpu.memory_space<vmem>>
        %dma_wait3A_263 = tpu.memref_squeeze %dma_wait3A_262 : memref<1x112x128xf32, #tpu.memory_space<vmem>> -> memref<112x128xf32, #tpu.memory_space<vmem>>
        %dma_wait3A_264 = arith.constant 10000 : i32
        %dma_wait3A_265 = arith.constant 0 : i32
        %dma_wait3A_266 = tpu.memref_slice %arg9[%dma_wait3A_264, %dma_wait3A_265] : memref<10112x128xf32, #tpu.memory_space<vmem_shared>> -> memref<112x128xf32, #tpu.memory_space<vmem_shared>>
        %dma_wait3A_267 = arith.constant 10000 : i32
        %dma_wait3A_268 = arith.constant 0 : i32
        %dma_wait3A_269 = tpu.memref_slice %arg9[%dma_wait3A_267, %dma_wait3A_268] : memref<10112x128xf32, #tpu.memory_space<vmem_shared>> -> memref<112x128xf32, #tpu.memory_space<vmem_shared>>
        %dma_wait3A_270 = arith.constant 0 : i32
        %dma_wait3A_271 = arith.constant 0 : i32
        %dma_wait3A_272 = tpu.memref_slice %arg8[%run_scoped3A_244, %dma_wait3A_270, %dma_wait3A_271] : memref<3x128x128xf32, #tpu.memory_space<vmem>> -> memref<1x112x128xf32, #tpu.memory_space<vmem>>
        %dma_wait3A_273 = tpu.memref_squeeze %dma_wait3A_272 : memref<1x112x128xf32, #tpu.memory_space<vmem>> -> memref<112x128xf32, #tpu.memory_space<vmem>>
        tpu.wait_dma2 semaphore(%run_scoped3A_245 : memref<!tpu.dma_semaphore, #tpu.memory_space<semaphore_mem>>) src(%dma_wait3A_273 : memref<112x128xf32, #tpu.memory_space<vmem>>) dst(%dma_wait3A_269 : memref<112x128xf32, #tpu.memory_space<vmem_shared>>)
        tpu.yield
      }) : () -> ()
    } else {
    }
    %eq3A_19 = arith.constant 1 : i32
    %eq3A_20 = arith.cmpi eq, %arg0, %eq3A_19 : i32
    %convert_element_type3A_21 = arith.extui %eq3A_20 : i1 to i32
    %cond3A_22 = arith.constant 0 : i32
    %cond3A_23 = arith.cmpi ne, %convert_element_type3A_21, %cond3A_22 : i32
    scf.if %cond3A_23 {
      %mul3A_244 = arith.constant 632 : i32
      %mul3A_245 = arith.muli %arg1, %mul3A_244 : i32
      %add3A_246 = arith.constant 0 : i32
      %add3A_247 = arith.addi %mul3A_245, %add3A_246 : i32
      %run_scoped3A_248 = arith.constant 0 : i32
      "tpu.region"() ({
        %run_scoped3A_269 = tpu.sem_alloc : memref<!tpu.dma_semaphore, #tpu.memory_space<semaphore_mem>>
        %dma_start3A_270 = arith.constant 0 : i32
        %dma_start3A_271 = arith.constant 0 : i32
        %dma_start3A_272 = tpu.memref_slice %arg8[%run_scoped3A_248, %dma_start3A_270, %dma_start3A_271] : memref<3x128x128xf32, #tpu.memory_space<vmem>> -> memref<1x128x128xf32, #tpu.memory_space<vmem>>
        %dma_start3A_273 = tpu.memref_squeeze %dma_start3A_272 : memref<1x128x128xf32, #tpu.memory_space<vmem>> -> memref<128x128xf32, #tpu.memory_space<vmem>>
        %dma_start3A_274 = arith.constant 0 : i32
        %dma_start3A_275 = tpu.memref_slice %arg9[%add3A_247, %dma_start3A_274] : memref<10112x128xf32, #tpu.memory_space<vmem_shared>> -> memref<128x128xf32, #tpu.memory_space<vmem_shared>>
        %dma_start3A_276 = arith.constant 0 : i32
        %dma_start3A_277 = tpu.memref_slice %arg9[%add3A_247, %dma_start3A_276] : memref<10112x128xf32, #tpu.memory_space<vmem_shared>> -> memref<128x128xf32, #tpu.memory_space<vmem_shared>>
        %dma_start3A_278 = arith.constant 0 : i32
        %dma_start3A_279 = arith.constant 0 : i32
        %dma_start3A_280 = tpu.memref_slice %arg8[%run_scoped3A_248, %dma_start3A_278, %dma_start3A_279] : memref<3x128x128xf32, #tpu.memory_space<vmem>> -> memref<1x128x128xf32, #tpu.memory_space<vmem>>
        %dma_start3A_281 = tpu.memref_squeeze %dma_start3A_280 : memref<1x128x128xf32, #tpu.memory_space<vmem>> -> memref<128x128xf32, #tpu.memory_space<vmem>>
        tpu.enqueue_dma source(%dma_start3A_281 : memref<128x128xf32, #tpu.memory_space<vmem>>) target(%dma_start3A_277 : memref<128x128xf32, #tpu.memory_space<vmem_shared>>) target_semaphore(%run_scoped3A_269 : memref<!tpu.dma_semaphore, #tpu.memory_space<semaphore_mem>>)
        %dma_wait3A_282 = arith.constant 0 : i32
        %dma_wait3A_283 = arith.constant 0 : i32
        %dma_wait3A_284 = tpu.memref_slice %arg8[%run_scoped3A_248, %dma_wait3A_282, %dma_wait3A_283] : memref<3x128x128xf32, #tpu.memory_space<vmem>> -> memref<1x128x128xf32, #tpu.memory_space<vmem>>
        %dma_wait3A_285 = tpu.memref_squeeze %dma_wait3A_284 : memref<1x128x128xf32, #tpu.memory_space<vmem>> -> memref<128x128xf32, #tpu.memory_space<vmem>>
        %dma_wait3A_286 = arith.constant 0 : i32
        %dma_wait3A_287 = tpu.memref_slice %arg9[%add3A_247, %dma_wait3A_286] : memref<10112x128xf32, #tpu.memory_space<vmem_shared>> -> memref<128x128xf32, #tpu.memory_space<vmem_shared>>
        %dma_wait3A_288 = arith.constant 0 : i32
        %dma_wait3A_289 = tpu.memref_slice %arg9[%add3A_247, %dma_wait3A_288] : memref<10112x128xf32, #tpu.memory_space<vmem_shared>> -> memref<128x128xf32, #tpu.memory_space<vmem_shared>>
        %dma_wait3A_290 = arith.constant 0 : i32
        %dma_wait3A_291 = arith.constant 0 : i32
        %dma_wait3A_292 = tpu.memref_slice %arg8[%run_scoped3A_248, %dma_wait3A_290, %dma_wait3A_291] : memref<3x128x128xf32, #tpu.memory_space<vmem>> -> memref<1x128x128xf32, #tpu.memory_space<vmem>>
        %dma_wait3A_293 = tpu.memref_squeeze %dma_wait3A_292 : memref<1x128x128xf32, #tpu.memory_space<vmem>> -> memref<128x128xf32, #tpu.memory_space<vmem>>
        tpu.wait_dma2 semaphore(%run_scoped3A_269 : memref<!tpu.dma_semaphore, #tpu.memory_space<semaphore_mem>>) src(%dma_wait3A_293 : memref<128x128xf32, #tpu.memory_space<vmem>>) dst(%dma_wait3A_289 : memref<128x128xf32, #tpu.memory_space<vmem_shared>>)
        tpu.yield
      }) : () -> ()
      %mul3A_249 = arith.constant 632 : i32
      %mul3A_250 = arith.muli %arg1, %mul3A_249 : i32
      %add3A_251 = arith.constant 128 : i32
      %add3A_252 = arith.addi %mul3A_250, %add3A_251 : i32
      %run_scoped3A_253 = arith.constant 0 : i32
      "tpu.region"() ({
        %run_scoped3A_269 = tpu.sem_alloc : memref<!tpu.dma_semaphore, #tpu.memory_space<semaphore_mem>>
        %dma_start3A_270 = arith.constant 0 : i32
        %dma_start3A_271 = arith.constant 0 : i32
        %dma_start3A_272 = tpu.memref_slice %arg8[%run_scoped3A_253, %dma_start3A_270, %dma_start3A_271] : memref<3x128x128xf32, #tpu.memory_space<vmem>> -> memref<1x128x128xf32, #tpu.memory_space<vmem>>
        %dma_start3A_273 = tpu.memref_squeeze %dma_start3A_272 : memref<1x128x128xf32, #tpu.memory_space<vmem>> -> memref<128x128xf32, #tpu.memory_space<vmem>>
        %dma_start3A_274 = arith.constant 0 : i32
        %dma_start3A_275 = tpu.memref_slice %arg9[%add3A_252, %dma_start3A_274] : memref<10112x128xf32, #tpu.memory_space<vmem_shared>> -> memref<128x128xf32, #tpu.memory_space<vmem_shared>>
        %dma_start3A_276 = arith.constant 0 : i32
        %dma_start3A_277 = tpu.memref_slice %arg9[%add3A_252, %dma_start3A_276] : memref<10112x128xf32, #tpu.memory_space<vmem_shared>> -> memref<128x128xf32, #tpu.memory_space<vmem_shared>>
        %dma_start3A_278 = arith.constant 0 : i32
        %dma_start3A_279 = arith.constant 0 : i32
        %dma_start3A_280 = tpu.memref_slice %arg8[%run_scoped3A_253, %dma_start3A_278, %dma_start3A_279] : memref<3x128x128xf32, #tpu.memory_space<vmem>> -> memref<1x128x128xf32, #tpu.memory_space<vmem>>
        %dma_start3A_281 = tpu.memref_squeeze %dma_start3A_280 : memref<1x128x128xf32, #tpu.memory_space<vmem>> -> memref<128x128xf32, #tpu.memory_space<vmem>>
        tpu.enqueue_dma source(%dma_start3A_281 : memref<128x128xf32, #tpu.memory_space<vmem>>) target(%dma_start3A_277 : memref<128x128xf32, #tpu.memory_space<vmem_shared>>) target_semaphore(%run_scoped3A_269 : memref<!tpu.dma_semaphore, #tpu.memory_space<semaphore_mem>>)
        %dma_wait3A_282 = arith.constant 0 : i32
        %dma_wait3A_283 = arith.constant 0 : i32
        %dma_wait3A_284 = tpu.memref_slice %arg8[%run_scoped3A_253, %dma_wait3A_282, %dma_wait3A_283] : memref<3x128x128xf32, #tpu.memory_space<vmem>> -> memref<1x128x128xf32, #tpu.memory_space<vmem>>
        %dma_wait3A_285 = tpu.memref_squeeze %dma_wait3A_284 : memref<1x128x128xf32, #tpu.memory_space<vmem>> -> memref<128x128xf32, #tpu.memory_space<vmem>>
        %dma_wait3A_286 = arith.constant 0 : i32
        %dma_wait3A_287 = tpu.memref_slice %arg9[%add3A_252, %dma_wait3A_286] : memref<10112x128xf32, #tpu.memory_space<vmem_shared>> -> memref<128x128xf32, #tpu.memory_space<vmem_shared>>
        %dma_wait3A_288 = arith.constant 0 : i32
        %dma_wait3A_289 = tpu.memref_slice %arg9[%add3A_252, %dma_wait3A_288] : memref<10112x128xf32, #tpu.memory_space<vmem_shared>> -> memref<128x128xf32, #tpu.memory_space<vmem_shared>>
        %dma_wait3A_290 = arith.constant 0 : i32
        %dma_wait3A_291 = arith.constant 0 : i32
        %dma_wait3A_292 = tpu.memref_slice %arg8[%run_scoped3A_253, %dma_wait3A_290, %dma_wait3A_291] : memref<3x128x128xf32, #tpu.memory_space<vmem>> -> memref<1x128x128xf32, #tpu.memory_space<vmem>>
        %dma_wait3A_293 = tpu.memref_squeeze %dma_wait3A_292 : memref<1x128x128xf32, #tpu.memory_space<vmem>> -> memref<128x128xf32, #tpu.memory_space<vmem>>
        tpu.wait_dma2 semaphore(%run_scoped3A_269 : memref<!tpu.dma_semaphore, #tpu.memory_space<semaphore_mem>>) src(%dma_wait3A_293 : memref<128x128xf32, #tpu.memory_space<vmem>>) dst(%dma_wait3A_289 : memref<128x128xf32, #tpu.memory_space<vmem_shared>>)
        tpu.yield
      }) : () -> ()
      %mul3A_254 = arith.constant 632 : i32
      %mul3A_255 = arith.muli %arg1, %mul3A_254 : i32
      %add3A_256 = arith.constant 256 : i32
      %add3A_257 = arith.addi %mul3A_255, %add3A_256 : i32
      %run_scoped3A_258 = arith.constant 0 : i32
      "tpu.region"() ({
        %run_scoped3A_269 = tpu.sem_alloc : memref<!tpu.dma_semaphore, #tpu.memory_space<semaphore_mem>>
        %dma_start3A_270 = arith.constant 0 : i32
        %dma_start3A_271 = arith.constant 0 : i32
        %dma_start3A_272 = tpu.memref_slice %arg8[%run_scoped3A_258, %dma_start3A_270, %dma_start3A_271] : memref<3x128x128xf32, #tpu.memory_space<vmem>> -> memref<1x128x128xf32, #tpu.memory_space<vmem>>
        %dma_start3A_273 = tpu.memref_squeeze %dma_start3A_272 : memref<1x128x128xf32, #tpu.memory_space<vmem>> -> memref<128x128xf32, #tpu.memory_space<vmem>>
        %dma_start3A_274 = arith.constant 0 : i32
        %dma_start3A_275 = tpu.memref_slice %arg9[%add3A_257, %dma_start3A_274] : memref<10112x128xf32, #tpu.memory_space<vmem_shared>> -> memref<128x128xf32, #tpu.memory_space<vmem_shared>>
        %dma_start3A_276 = arith.constant 0 : i32
        %dma_start3A_277 = tpu.memref_slice %arg9[%add3A_257, %dma_start3A_276] : memref<10112x128xf32, #tpu.memory_space<vmem_shared>> -> memref<128x128xf32, #tpu.memory_space<vmem_shared>>
        %dma_start3A_278 = arith.constant 0 : i32
        %dma_start3A_279 = arith.constant 0 : i32
        %dma_start3A_280 = tpu.memref_slice %arg8[%run_scoped3A_258, %dma_start3A_278, %dma_start3A_279] : memref<3x128x128xf32, #tpu.memory_space<vmem>> -> memref<1x128x128xf32, #tpu.memory_space<vmem>>
        %dma_start3A_281 = tpu.memref_squeeze %dma_start3A_280 : memref<1x128x128xf32, #tpu.memory_space<vmem>> -> memref<128x128xf32, #tpu.memory_space<vmem>>
        tpu.enqueue_dma source(%dma_start3A_281 : memref<128x128xf32, #tpu.memory_space<vmem>>) target(%dma_start3A_277 : memref<128x128xf32, #tpu.memory_space<vmem_shared>>) target_semaphore(%run_scoped3A_269 : memref<!tpu.dma_semaphore, #tpu.memory_space<semaphore_mem>>)
        %dma_wait3A_282 = arith.constant 0 : i32
        %dma_wait3A_283 = arith.constant 0 : i32
        %dma_wait3A_284 = tpu.memref_slice %arg8[%run_scoped3A_258, %dma_wait3A_282, %dma_wait3A_283] : memref<3x128x128xf32, #tpu.memory_space<vmem>> -> memref<1x128x128xf32, #tpu.memory_space<vmem>>
        %dma_wait3A_285 = tpu.memref_squeeze %dma_wait3A_284 : memref<1x128x128xf32, #tpu.memory_space<vmem>> -> memref<128x128xf32, #tpu.memory_space<vmem>>
        %dma_wait3A_286 = arith.constant 0 : i32
        %dma_wait3A_287 = tpu.memref_slice %arg9[%add3A_257, %dma_wait3A_286] : memref<10112x128xf32, #tpu.memory_space<vmem_shared>> -> memref<128x128xf32, #tpu.memory_space<vmem_shared>>
        %dma_wait3A_288 = arith.constant 0 : i32
        %dma_wait3A_289 = tpu.memref_slice %arg9[%add3A_257, %dma_wait3A_288] : memref<10112x128xf32, #tpu.memory_space<vmem_shared>> -> memref<128x128xf32, #tpu.memory_space<vmem_shared>>
        %dma_wait3A_290 = arith.constant 0 : i32
        %dma_wait3A_291 = arith.constant 0 : i32
        %dma_wait3A_292 = tpu.memref_slice %arg8[%run_scoped3A_258, %dma_wait3A_290, %dma_wait3A_291] : memref<3x128x128xf32, #tpu.memory_space<vmem>> -> memref<1x128x128xf32, #tpu.memory_space<vmem>>
        %dma_wait3A_293 = tpu.memref_squeeze %dma_wait3A_292 : memref<1x128x128xf32, #tpu.memory_space<vmem>> -> memref<128x128xf32, #tpu.memory_space<vmem>>
        tpu.wait_dma2 semaphore(%run_scoped3A_269 : memref<!tpu.dma_semaphore, #tpu.memory_space<semaphore_mem>>) src(%dma_wait3A_293 : memref<128x128xf32, #tpu.memory_space<vmem>>) dst(%dma_wait3A_289 : memref<128x128xf32, #tpu.memory_space<vmem_shared>>)
        tpu.yield
      }) : () -> ()
      %mul3A_259 = arith.constant 632 : i32
      %mul3A_260 = arith.muli %arg1, %mul3A_259 : i32
      %add3A_261 = arith.constant 384 : i32
      %add3A_262 = arith.addi %mul3A_260, %add3A_261 : i32
      %run_scoped3A_263 = arith.constant 0 : i32
      "tpu.region"() ({
        %run_scoped3A_269 = tpu.sem_alloc : memref<!tpu.dma_semaphore, #tpu.memory_space<semaphore_mem>>
        %dma_start3A_270 = arith.constant 0 : i32
        %dma_start3A_271 = arith.constant 0 : i32
        %dma_start3A_272 = tpu.memref_slice %arg8[%run_scoped3A_263, %dma_start3A_270, %dma_start3A_271] : memref<3x128x128xf32, #tpu.memory_space<vmem>> -> memref<1x128x128xf32, #tpu.memory_space<vmem>>
        %dma_start3A_273 = tpu.memref_squeeze %dma_start3A_272 : memref<1x128x128xf32, #tpu.memory_space<vmem>> -> memref<128x128xf32, #tpu.memory_space<vmem>>
        %dma_start3A_274 = arith.constant 0 : i32
        %dma_start3A_275 = tpu.memref_slice %arg9[%add3A_262, %dma_start3A_274] : memref<10112x128xf32, #tpu.memory_space<vmem_shared>> -> memref<128x128xf32, #tpu.memory_space<vmem_shared>>
        %dma_start3A_276 = arith.constant 0 : i32
        %dma_start3A_277 = tpu.memref_slice %arg9[%add3A_262, %dma_start3A_276] : memref<10112x128xf32, #tpu.memory_space<vmem_shared>> -> memref<128x128xf32, #tpu.memory_space<vmem_shared>>
        %dma_start3A_278 = arith.constant 0 : i32
        %dma_start3A_279 = arith.constant 0 : i32
        %dma_start3A_280 = tpu.memref_slice %arg8[%run_scoped3A_263, %dma_start3A_278, %dma_start3A_279] : memref<3x128x128xf32, #tpu.memory_space<vmem>> -> memref<1x128x128xf32, #tpu.memory_space<vmem>>
        %dma_start3A_281 = tpu.memref_squeeze %dma_start3A_280 : memref<1x128x128xf32, #tpu.memory_space<vmem>> -> memref<128x128xf32, #tpu.memory_space<vmem>>
        tpu.enqueue_dma source(%dma_start3A_281 : memref<128x128xf32, #tpu.memory_space<vmem>>) target(%dma_start3A_277 : memref<128x128xf32, #tpu.memory_space<vmem_shared>>) target_semaphore(%run_scoped3A_269 : memref<!tpu.dma_semaphore, #tpu.memory_space<semaphore_mem>>)
        %dma_wait3A_282 = arith.constant 0 : i32
        %dma_wait3A_283 = arith.constant 0 : i32
        %dma_wait3A_284 = tpu.memref_slice %arg8[%run_scoped3A_263, %dma_wait3A_282, %dma_wait3A_283] : memref<3x128x128xf32, #tpu.memory_space<vmem>> -> memref<1x128x128xf32, #tpu.memory_space<vmem>>
        %dma_wait3A_285 = tpu.memref_squeeze %dma_wait3A_284 : memref<1x128x128xf32, #tpu.memory_space<vmem>> -> memref<128x128xf32, #tpu.memory_space<vmem>>
        %dma_wait3A_286 = arith.constant 0 : i32
        %dma_wait3A_287 = tpu.memref_slice %arg9[%add3A_262, %dma_wait3A_286] : memref<10112x128xf32, #tpu.memory_space<vmem_shared>> -> memref<128x128xf32, #tpu.memory_space<vmem_shared>>
        %dma_wait3A_288 = arith.constant 0 : i32
        %dma_wait3A_289 = tpu.memref_slice %arg9[%add3A_262, %dma_wait3A_288] : memref<10112x128xf32, #tpu.memory_space<vmem_shared>> -> memref<128x128xf32, #tpu.memory_space<vmem_shared>>
        %dma_wait3A_290 = arith.constant 0 : i32
        %dma_wait3A_291 = arith.constant 0 : i32
        %dma_wait3A_292 = tpu.memref_slice %arg8[%run_scoped3A_263, %dma_wait3A_290, %dma_wait3A_291] : memref<3x128x128xf32, #tpu.memory_space<vmem>> -> memref<1x128x128xf32, #tpu.memory_space<vmem>>
        %dma_wait3A_293 = tpu.memref_squeeze %dma_wait3A_292 : memref<1x128x128xf32, #tpu.memory_space<vmem>> -> memref<128x128xf32, #tpu.memory_space<vmem>>
        tpu.wait_dma2 semaphore(%run_scoped3A_269 : memref<!tpu.dma_semaphore, #tpu.memory_space<semaphore_mem>>) src(%dma_wait3A_293 : memref<128x128xf32, #tpu.memory_space<vmem>>) dst(%dma_wait3A_289 : memref<128x128xf32, #tpu.memory_space<vmem_shared>>)
        tpu.yield
      }) : () -> ()
      %mul3A_264 = arith.constant 632 : i32
      %mul3A_265 = arith.muli %arg1, %mul3A_264 : i32
      %add3A_266 = arith.constant 512 : i32
      %add3A_267 = arith.addi %mul3A_265, %add3A_266 : i32
      %run_scoped3A_268 = arith.constant 0 : i32
      "tpu.region"() ({
        %run_scoped3A_269 = tpu.sem_alloc : memref<!tpu.dma_semaphore, #tpu.memory_space<semaphore_mem>>
        %dma_start3A_270 = arith.constant 0 : i32
        %dma_start3A_271 = arith.constant 0 : i32
        %dma_start3A_272 = tpu.memref_slice %arg8[%run_scoped3A_268, %dma_start3A_270, %dma_start3A_271] : memref<3x128x128xf32, #tpu.memory_space<vmem>> -> memref<1x120x128xf32, #tpu.memory_space<vmem>>
        %dma_start3A_273 = tpu.memref_squeeze %dma_start3A_272 : memref<1x120x128xf32, #tpu.memory_space<vmem>> -> memref<120x128xf32, #tpu.memory_space<vmem>>
        %dma_start3A_274 = arith.constant 0 : i32
        %dma_start3A_275 = tpu.memref_slice %arg9[%add3A_267, %dma_start3A_274] : memref<10112x128xf32, #tpu.memory_space<vmem_shared>> -> memref<120x128xf32, #tpu.memory_space<vmem_shared>>
        %dma_start3A_276 = arith.constant 0 : i32
        %dma_start3A_277 = tpu.memref_slice %arg9[%add3A_267, %dma_start3A_276] : memref<10112x128xf32, #tpu.memory_space<vmem_shared>> -> memref<120x128xf32, #tpu.memory_space<vmem_shared>>
        %dma_start3A_278 = arith.constant 0 : i32
        %dma_start3A_279 = arith.constant 0 : i32
        %dma_start3A_280 = tpu.memref_slice %arg8[%run_scoped3A_268, %dma_start3A_278, %dma_start3A_279] : memref<3x128x128xf32, #tpu.memory_space<vmem>> -> memref<1x120x128xf32, #tpu.memory_space<vmem>>
        %dma_start3A_281 = tpu.memref_squeeze %dma_start3A_280 : memref<1x120x128xf32, #tpu.memory_space<vmem>> -> memref<120x128xf32, #tpu.memory_space<vmem>>
        tpu.enqueue_dma source(%dma_start3A_281 : memref<120x128xf32, #tpu.memory_space<vmem>>) target(%dma_start3A_277 : memref<120x128xf32, #tpu.memory_space<vmem_shared>>) target_semaphore(%run_scoped3A_269 : memref<!tpu.dma_semaphore, #tpu.memory_space<semaphore_mem>>)
        %dma_wait3A_282 = arith.constant 0 : i32
        %dma_wait3A_283 = arith.constant 0 : i32
        %dma_wait3A_284 = tpu.memref_slice %arg8[%run_scoped3A_268, %dma_wait3A_282, %dma_wait3A_283] : memref<3x128x128xf32, #tpu.memory_space<vmem>> -> memref<1x120x128xf32, #tpu.memory_space<vmem>>
        %dma_wait3A_285 = tpu.memref_squeeze %dma_wait3A_284 : memref<1x120x128xf32, #tpu.memory_space<vmem>> -> memref<120x128xf32, #tpu.memory_space<vmem>>
        %dma_wait3A_286 = arith.constant 0 : i32
        %dma_wait3A_287 = tpu.memref_slice %arg9[%add3A_267, %dma_wait3A_286] : memref<10112x128xf32, #tpu.memory_space<vmem_shared>> -> memref<120x128xf32, #tpu.memory_space<vmem_shared>>
        %dma_wait3A_288 = arith.constant 0 : i32
        %dma_wait3A_289 = tpu.memref_slice %arg9[%add3A_267, %dma_wait3A_288] : memref<10112x128xf32, #tpu.memory_space<vmem_shared>> -> memref<120x128xf32, #tpu.memory_space<vmem_shared>>
        %dma_wait3A_290 = arith.constant 0 : i32
        %dma_wait3A_291 = arith.constant 0 : i32
        %dma_wait3A_292 = tpu.memref_slice %arg8[%run_scoped3A_268, %dma_wait3A_290, %dma_wait3A_291] : memref<3x128x128xf32, #tpu.memory_space<vmem>> -> memref<1x120x128xf32, #tpu.memory_space<vmem>>
        %dma_wait3A_293 = tpu.memref_squeeze %dma_wait3A_292 : memref<1x120x128xf32, #tpu.memory_space<vmem>> -> memref<120x128xf32, #tpu.memory_space<vmem>>
        tpu.wait_dma2 semaphore(%run_scoped3A_269 : memref<!tpu.dma_semaphore, #tpu.memory_space<semaphore_mem>>) src(%dma_wait3A_293 : memref<120x128xf32, #tpu.memory_space<vmem>>) dst(%dma_wait3A_289 : memref<120x128xf32, #tpu.memory_space<vmem_shared>>)
        tpu.yield
      }) : () -> ()
    } else {
    }
    %barrier3A = arith.constant 0 : index
    tpu.barrier barrier_id(%barrier3A)
    %add3A_24 = arith.constant 0 : i32
    %add3A_25 = arith.addi %multiple_of3A, %add3A_24 : i32
    %run_scoped3A = arith.constant 0 : i32
    %run_scoped3A_26 = arith.constant 0 : i32
    "tpu.region"() ({
      %run_scoped3A_244 = tpu.sem_alloc : memref<!tpu.dma_semaphore, #tpu.memory_space<semaphore_mem>>
      %dma_start3A_245 = arith.constant 0 : i32
      %dma_start3A_246 = tpu.memref_slice %arg6[%run_scoped3A, %run_scoped3A_26, %dma_start3A_245] : memref<3x2x128xi32, #tpu.memory_space<vmem>> -> memref<1x1x128xi32, #tpu.memory_space<vmem>>
      %dma_start3A_247 = tpu.memref_squeeze %dma_start3A_246 : memref<1x1x128xi32, #tpu.memory_space<vmem>> -> memref<128xi32, #tpu.memory_space<vmem>>
      %dma_start3A_248 = tpu.memref_slice %arg3[%add3A_25] : memref<320000xi32, #tpu.memory_space<hbm>> -> memref<128xi32, #tpu.memory_space<hbm>>
      %dma_start3A_249 = arith.constant 0 : i32
      %dma_start3A_250 = tpu.memref_slice %arg6[%run_scoped3A, %run_scoped3A_26, %dma_start3A_249] : memref<3x2x128xi32, #tpu.memory_space<vmem>> -> memref<1x1x128xi32, #tpu.memory_space<vmem>>
      %dma_start3A_251 = tpu.memref_squeeze %dma_start3A_250 : memref<1x1x128xi32, #tpu.memory_space<vmem>> -> memref<128xi32, #tpu.memory_space<vmem>>
      %dma_start3A_252 = tpu.memref_slice %arg3[%add3A_25] : memref<320000xi32, #tpu.memory_space<hbm>> -> memref<128xi32, #tpu.memory_space<hbm>>
      tpu.enqueue_dma source(%dma_start3A_252 : memref<128xi32, #tpu.memory_space<hbm>>) target(%dma_start3A_251 : memref<128xi32, #tpu.memory_space<vmem>>) target_semaphore(%run_scoped3A_244 : memref<!tpu.dma_semaphore, #tpu.memory_space<semaphore_mem>>)
      %dma_wait3A_253 = arith.constant 0 : i32
      %dma_wait3A_254 = tpu.memref_slice %arg6[%run_scoped3A, %run_scoped3A_26, %dma_wait3A_253] : memref<3x2x128xi32, #tpu.memory_space<vmem>> -> memref<1x1x128xi32, #tpu.memory_space<vmem>>
      %dma_wait3A_255 = tpu.memref_squeeze %dma_wait3A_254 : memref<1x1x128xi32, #tpu.memory_space<vmem>> -> memref<128xi32, #tpu.memory_space<vmem>>
      %dma_wait3A_256 = tpu.memref_slice %arg3[%add3A_25] : memref<320000xi32, #tpu.memory_space<hbm>> -> memref<128xi32, #tpu.memory_space<hbm>>
      %dma_wait3A_257 = arith.constant 0 : i32
      %dma_wait3A_258 = tpu.memref_slice %arg6[%run_scoped3A, %run_scoped3A_26, %dma_wait3A_257] : memref<3x2x128xi32, #tpu.memory_space<vmem>> -> memref<1x1x128xi32, #tpu.memory_space<vmem>>
      %dma_wait3A_259 = tpu.memref_squeeze %dma_wait3A_258 : memref<1x1x128xi32, #tpu.memory_space<vmem>> -> memref<128xi32, #tpu.memory_space<vmem>>
      %dma_wait3A_260 = tpu.memref_slice %arg3[%add3A_25] : memref<320000xi32, #tpu.memory_space<hbm>> -> memref<128xi32, #tpu.memory_space<hbm>>
      tpu.wait_dma2 semaphore(%run_scoped3A_244 : memref<!tpu.dma_semaphore, #tpu.memory_space<semaphore_mem>>) src(%dma_wait3A_260 : memref<128xi32, #tpu.memory_space<hbm>>) dst(%dma_wait3A_259 : memref<128xi32, #tpu.memory_space<vmem>>)
      tpu.yield
    }) : () -> ()
    %add3A_27 = arith.constant 0 : i32
    %add3A_28 = arith.addi %multiple_of3A, %add3A_27 : i32
    %run_scoped3A_29 = arith.constant 0 : i32
    %run_scoped3A_30 = arith.constant 1 : i32
    "tpu.region"() ({
      %run_scoped3A_244 = tpu.sem_alloc : memref<!tpu.dma_semaphore, #tpu.memory_space<semaphore_mem>>
      %dma_start3A_245 = arith.constant 0 : i32
      %dma_start3A_246 = tpu.memref_slice %arg6[%run_scoped3A_29, %run_scoped3A_30, %dma_start3A_245] : memref<3x2x128xi32, #tpu.memory_space<vmem>> -> memref<1x1x128xi32, #tpu.memory_space<vmem>>
      %dma_start3A_247 = tpu.memref_squeeze %dma_start3A_246 : memref<1x1x128xi32, #tpu.memory_space<vmem>> -> memref<128xi32, #tpu.memory_space<vmem>>
      %dma_start3A_248 = tpu.memref_slice %arg4[%add3A_28] : memref<320000xi32, #tpu.memory_space<hbm>> -> memref<128xi32, #tpu.memory_space<hbm>>
      %dma_start3A_249 = arith.constant 0 : i32
      %dma_start3A_250 = tpu.memref_slice %arg6[%run_scoped3A_29, %run_scoped3A_30, %dma_start3A_249] : memref<3x2x128xi32, #tpu.memory_space<vmem>> -> memref<1x1x128xi32, #tpu.memory_space<vmem>>
      %dma_start3A_251 = tpu.memref_squeeze %dma_start3A_250 : memref<1x1x128xi32, #tpu.memory_space<vmem>> -> memref<128xi32, #tpu.memory_space<vmem>>
      %dma_start3A_252 = tpu.memref_slice %arg4[%add3A_28] : memref<320000xi32, #tpu.memory_space<hbm>> -> memref<128xi32, #tpu.memory_space<hbm>>
      tpu.enqueue_dma source(%dma_start3A_252 : memref<128xi32, #tpu.memory_space<hbm>>) target(%dma_start3A_251 : memref<128xi32, #tpu.memory_space<vmem>>) target_semaphore(%run_scoped3A_244 : memref<!tpu.dma_semaphore, #tpu.memory_space<semaphore_mem>>)
      %dma_wait3A_253 = arith.constant 0 : i32
      %dma_wait3A_254 = tpu.memref_slice %arg6[%run_scoped3A_29, %run_scoped3A_30, %dma_wait3A_253] : memref<3x2x128xi32, #tpu.memory_space<vmem>> -> memref<1x1x128xi32, #tpu.memory_space<vmem>>
      %dma_wait3A_255 = tpu.memref_squeeze %dma_wait3A_254 : memref<1x1x128xi32, #tpu.memory_space<vmem>> -> memref<128xi32, #tpu.memory_space<vmem>>
      %dma_wait3A_256 = tpu.memref_slice %arg4[%add3A_28] : memref<320000xi32, #tpu.memory_space<hbm>> -> memref<128xi32, #tpu.memory_space<hbm>>
      %dma_wait3A_257 = arith.constant 0 : i32
      %dma_wait3A_258 = tpu.memref_slice %arg6[%run_scoped3A_29, %run_scoped3A_30, %dma_wait3A_257] : memref<3x2x128xi32, #tpu.memory_space<vmem>> -> memref<1x1x128xi32, #tpu.memory_space<vmem>>
      %dma_wait3A_259 = tpu.memref_squeeze %dma_wait3A_258 : memref<1x1x128xi32, #tpu.memory_space<vmem>> -> memref<128xi32, #tpu.memory_space<vmem>>
      %dma_wait3A_260 = tpu.memref_slice %arg4[%add3A_28] : memref<320000xi32, #tpu.memory_space<hbm>> -> memref<128xi32, #tpu.memory_space<hbm>>
      tpu.wait_dma2 semaphore(%run_scoped3A_244 : memref<!tpu.dma_semaphore, #tpu.memory_space<semaphore_mem>>) src(%dma_wait3A_260 : memref<128xi32, #tpu.memory_space<hbm>>) dst(%dma_wait3A_259 : memref<128xi32, #tpu.memory_space<vmem>>)
      tpu.yield
    }) : () -> ()
    %add3A_31 = arith.constant 128 : i32
    %add3A_32 = arith.addi %multiple_of3A, %add3A_31 : i32
    %run_scoped3A_33 = arith.constant 1 : i32
    %run_scoped3A_34 = arith.constant 0 : i32
    "tpu.region"() ({
      %run_scoped3A_244 = tpu.sem_alloc : memref<!tpu.dma_semaphore, #tpu.memory_space<semaphore_mem>>
      %dma_start3A_245 = arith.constant 0 : i32
      %dma_start3A_246 = tpu.memref_slice %arg6[%run_scoped3A_33, %run_scoped3A_34, %dma_start3A_245] : memref<3x2x128xi32, #tpu.memory_space<vmem>> -> memref<1x1x128xi32, #tpu.memory_space<vmem>>
      %dma_start3A_247 = tpu.memref_squeeze %dma_start3A_246 : memref<1x1x128xi32, #tpu.memory_space<vmem>> -> memref<128xi32, #tpu.memory_space<vmem>>
      %dma_start3A_248 = tpu.memref_slice %arg3[%add3A_32] : memref<320000xi32, #tpu.memory_space<hbm>> -> memref<128xi32, #tpu.memory_space<hbm>>
      %dma_start3A_249 = arith.constant 0 : i32
      %dma_start3A_250 = tpu.memref_slice %arg6[%run_scoped3A_33, %run_scoped3A_34, %dma_start3A_249] : memref<3x2x128xi32, #tpu.memory_space<vmem>> -> memref<1x1x128xi32, #tpu.memory_space<vmem>>
      %dma_start3A_251 = tpu.memref_squeeze %dma_start3A_250 : memref<1x1x128xi32, #tpu.memory_space<vmem>> -> memref<128xi32, #tpu.memory_space<vmem>>
      %dma_start3A_252 = tpu.memref_slice %arg3[%add3A_32] : memref<320000xi32, #tpu.memory_space<hbm>> -> memref<128xi32, #tpu.memory_space<hbm>>
      tpu.enqueue_dma source(%dma_start3A_252 : memref<128xi32, #tpu.memory_space<hbm>>) target(%dma_start3A_251 : memref<128xi32, #tpu.memory_space<vmem>>) target_semaphore(%run_scoped3A_244 : memref<!tpu.dma_semaphore, #tpu.memory_space<semaphore_mem>>)
      %dma_wait3A_253 = arith.constant 0 : i32
      %dma_wait3A_254 = tpu.memref_slice %arg6[%run_scoped3A_33, %run_scoped3A_34, %dma_wait3A_253] : memref<3x2x128xi32, #tpu.memory_space<vmem>> -> memref<1x1x128xi32, #tpu.memory_space<vmem>>
      %dma_wait3A_255 = tpu.memref_squeeze %dma_wait3A_254 : memref<1x1x128xi32, #tpu.memory_space<vmem>> -> memref<128xi32, #tpu.memory_space<vmem>>
      %dma_wait3A_256 = tpu.memref_slice %arg3[%add3A_32] : memref<320000xi32, #tpu.memory_space<hbm>> -> memref<128xi32, #tpu.memory_space<hbm>>
      %dma_wait3A_257 = arith.constant 0 : i32
      %dma_wait3A_258 = tpu.memref_slice %arg6[%run_scoped3A_33, %run_scoped3A_34, %dma_wait3A_257] : memref<3x2x128xi32, #tpu.memory_space<vmem>> -> memref<1x1x128xi32, #tpu.memory_space<vmem>>
      %dma_wait3A_259 = tpu.memref_squeeze %dma_wait3A_258 : memref<1x1x128xi32, #tpu.memory_space<vmem>> -> memref<128xi32, #tpu.memory_space<vmem>>
      %dma_wait3A_260 = tpu.memref_slice %arg3[%add3A_32] : memref<320000xi32, #tpu.memory_space<hbm>> -> memref<128xi32, #tpu.memory_space<hbm>>
      tpu.wait_dma2 semaphore(%run_scoped3A_244 : memref<!tpu.dma_semaphore, #tpu.memory_space<semaphore_mem>>) src(%dma_wait3A_260 : memref<128xi32, #tpu.memory_space<hbm>>) dst(%dma_wait3A_259 : memref<128xi32, #tpu.memory_space<vmem>>)
      tpu.yield
    }) : () -> ()
    %add3A_35 = arith.constant 128 : i32
    %add3A_36 = arith.addi %multiple_of3A, %add3A_35 : i32
    %run_scoped3A_37 = arith.constant 1 : i32
    %run_scoped3A_38 = arith.constant 1 : i32
    "tpu.region"() ({
      %run_scoped3A_244 = tpu.sem_alloc : memref<!tpu.dma_semaphore, #tpu.memory_space<semaphore_mem>>
      %dma_start3A_245 = arith.constant 0 : i32
      %dma_start3A_246 = tpu.memref_slice %arg6[%run_scoped3A_37, %run_scoped3A_38, %dma_start3A_245] : memref<3x2x128xi32, #tpu.memory_space<vmem>> -> memref<1x1x128xi32, #tpu.memory_space<vmem>>
      %dma_start3A_247 = tpu.memref_squeeze %dma_start3A_246 : memref<1x1x128xi32, #tpu.memory_space<vmem>> -> memref<128xi32, #tpu.memory_space<vmem>>
      %dma_start3A_248 = tpu.memref_slice %arg4[%add3A_36] : memref<320000xi32, #tpu.memory_space<hbm>> -> memref<128xi32, #tpu.memory_space<hbm>>
      %dma_start3A_249 = arith.constant 0 : i32
      %dma_start3A_250 = tpu.memref_slice %arg6[%run_scoped3A_37, %run_scoped3A_38, %dma_start3A_249] : memref<3x2x128xi32, #tpu.memory_space<vmem>> -> memref<1x1x128xi32, #tpu.memory_space<vmem>>
      %dma_start3A_251 = tpu.memref_squeeze %dma_start3A_250 : memref<1x1x128xi32, #tpu.memory_space<vmem>> -> memref<128xi32, #tpu.memory_space<vmem>>
      %dma_start3A_252 = tpu.memref_slice %arg4[%add3A_36] : memref<320000xi32, #tpu.memory_space<hbm>> -> memref<128xi32, #tpu.memory_space<hbm>>
      tpu.enqueue_dma source(%dma_start3A_252 : memref<128xi32, #tpu.memory_space<hbm>>) target(%dma_start3A_251 : memref<128xi32, #tpu.memory_space<vmem>>) target_semaphore(%run_scoped3A_244 : memref<!tpu.dma_semaphore, #tpu.memory_space<semaphore_mem>>)
      %dma_wait3A_253 = arith.constant 0 : i32
      %dma_wait3A_254 = tpu.memref_slice %arg6[%run_scoped3A_37, %run_scoped3A_38, %dma_wait3A_253] : memref<3x2x128xi32, #tpu.memory_space<vmem>> -> memref<1x1x128xi32, #tpu.memory_space<vmem>>
      %dma_wait3A_255 = tpu.memref_squeeze %dma_wait3A_254 : memref<1x1x128xi32, #tpu.memory_space<vmem>> -> memref<128xi32, #tpu.memory_space<vmem>>
      %dma_wait3A_256 = tpu.memref_slice %arg4[%add3A_36] : memref<320000xi32, #tpu.memory_space<hbm>> -> memref<128xi32, #tpu.memory_space<hbm>>
      %dma_wait3A_257 = arith.constant 0 : i32
      %dma_wait3A_258 = tpu.memref_slice %arg6[%run_scoped3A_37, %run_scoped3A_38, %dma_wait3A_257] : memref<3x2x128xi32, #tpu.memory_space<vmem>> -> memref<1x1x128xi32, #tpu.memory_space<vmem>>
      %dma_wait3A_259 = tpu.memref_squeeze %dma_wait3A_258 : memref<1x1x128xi32, #tpu.memory_space<vmem>> -> memref<128xi32, #tpu.memory_space<vmem>>
      %dma_wait3A_260 = tpu.memref_slice %arg4[%add3A_36] : memref<320000xi32, #tpu.memory_space<hbm>> -> memref<128xi32, #tpu.memory_space<hbm>>
      tpu.wait_dma2 semaphore(%run_scoped3A_244 : memref<!tpu.dma_semaphore, #tpu.memory_space<semaphore_mem>>) src(%dma_wait3A_260 : memref<128xi32, #tpu.memory_space<hbm>>) dst(%dma_wait3A_259 : memref<128xi32, #tpu.memory_space<vmem>>)
      tpu.yield
    }) : () -> ()
    %add3A_39 = arith.constant 256 : i32
    %add3A_40 = arith.addi %multiple_of3A, %add3A_39 : i32
    %run_scoped3A_41 = arith.constant 2 : i32
    %run_scoped3A_42 = arith.constant 0 : i32
    "tpu.region"() ({
      %run_scoped3A_244 = tpu.sem_alloc : memref<!tpu.dma_semaphore, #tpu.memory_space<semaphore_mem>>
      %dma_start3A_245 = arith.constant 0 : i32
      %dma_start3A_246 = tpu.memref_slice %arg6[%run_scoped3A_41, %run_scoped3A_42, %dma_start3A_245] : memref<3x2x128xi32, #tpu.memory_space<vmem>> -> memref<1x1x128xi32, #tpu.memory_space<vmem>>
      %dma_start3A_247 = tpu.memref_squeeze %dma_start3A_246 : memref<1x1x128xi32, #tpu.memory_space<vmem>> -> memref<128xi32, #tpu.memory_space<vmem>>
      %dma_start3A_248 = tpu.memref_slice %arg3[%add3A_40] : memref<320000xi32, #tpu.memory_space<hbm>> -> memref<128xi32, #tpu.memory_space<hbm>>
      %dma_start3A_249 = arith.constant 0 : i32
      %dma_start3A_250 = tpu.memref_slice %arg6[%run_scoped3A_41, %run_scoped3A_42, %dma_start3A_249] : memref<3x2x128xi32, #tpu.memory_space<vmem>> -> memref<1x1x128xi32, #tpu.memory_space<vmem>>
      %dma_start3A_251 = tpu.memref_squeeze %dma_start3A_250 : memref<1x1x128xi32, #tpu.memory_space<vmem>> -> memref<128xi32, #tpu.memory_space<vmem>>
      %dma_start3A_252 = tpu.memref_slice %arg3[%add3A_40] : memref<320000xi32, #tpu.memory_space<hbm>> -> memref<128xi32, #tpu.memory_space<hbm>>
      tpu.enqueue_dma source(%dma_start3A_252 : memref<128xi32, #tpu.memory_space<hbm>>) target(%dma_start3A_251 : memref<128xi32, #tpu.memory_space<vmem>>) target_semaphore(%run_scoped3A_244 : memref<!tpu.dma_semaphore, #tpu.memory_space<semaphore_mem>>)
      %dma_wait3A_253 = arith.constant 0 : i32
      %dma_wait3A_254 = tpu.memref_slice %arg6[%run_scoped3A_41, %run_scoped3A_42, %dma_wait3A_253] : memref<3x2x128xi32, #tpu.memory_space<vmem>> -> memref<1x1x128xi32, #tpu.memory_space<vmem>>
      %dma_wait3A_255 = tpu.memref_squeeze %dma_wait3A_254 : memref<1x1x128xi32, #tpu.memory_space<vmem>> -> memref<128xi32, #tpu.memory_space<vmem>>
      %dma_wait3A_256 = tpu.memref_slice %arg3[%add3A_40] : memref<320000xi32, #tpu.memory_space<hbm>> -> memref<128xi32, #tpu.memory_space<hbm>>
      %dma_wait3A_257 = arith.constant 0 : i32
      %dma_wait3A_258 = tpu.memref_slice %arg6[%run_scoped3A_41, %run_scoped3A_42, %dma_wait3A_257] : memref<3x2x128xi32, #tpu.memory_space<vmem>> -> memref<1x1x128xi32, #tpu.memory_space<vmem>>
      %dma_wait3A_259 = tpu.memref_squeeze %dma_wait3A_258 : memref<1x1x128xi32, #tpu.memory_space<vmem>> -> memref<128xi32, #tpu.memory_space<vmem>>
      %dma_wait3A_260 = tpu.memref_slice %arg3[%add3A_40] : memref<320000xi32, #tpu.memory_space<hbm>> -> memref<128xi32, #tpu.memory_space<hbm>>
      tpu.wait_dma2 semaphore(%run_scoped3A_244 : memref<!tpu.dma_semaphore, #tpu.memory_space<semaphore_mem>>) src(%dma_wait3A_260 : memref<128xi32, #tpu.memory_space<hbm>>) dst(%dma_wait3A_259 : memref<128xi32, #tpu.memory_space<vmem>>)
      tpu.yield
    }) : () -> ()
    %add3A_43 = arith.constant 256 : i32
    %add3A_44 = arith.addi %multiple_of3A, %add3A_43 : i32
    %run_scoped3A_45 = arith.constant 2 : i32
    %run_scoped3A_46 = arith.constant 1 : i32
    "tpu.region"() ({
      %run_scoped3A_244 = tpu.sem_alloc : memref<!tpu.dma_semaphore, #tpu.memory_space<semaphore_mem>>
      %dma_start3A_245 = arith.constant 0 : i32
      %dma_start3A_246 = tpu.memref_slice %arg6[%run_scoped3A_45, %run_scoped3A_46, %dma_start3A_245] : memref<3x2x128xi32, #tpu.memory_space<vmem>> -> memref<1x1x128xi32, #tpu.memory_space<vmem>>
      %dma_start3A_247 = tpu.memref_squeeze %dma_start3A_246 : memref<1x1x128xi32, #tpu.memory_space<vmem>> -> memref<128xi32, #tpu.memory_space<vmem>>
      %dma_start3A_248 = tpu.memref_slice %arg4[%add3A_44] : memref<320000xi32, #tpu.memory_space<hbm>> -> memref<128xi32, #tpu.memory_space<hbm>>
      %dma_start3A_249 = arith.constant 0 : i32
      %dma_start3A_250 = tpu.memref_slice %arg6[%run_scoped3A_45, %run_scoped3A_46, %dma_start3A_249] : memref<3x2x128xi32, #tpu.memory_space<vmem>> -> memref<1x1x128xi32, #tpu.memory_space<vmem>>
      %dma_start3A_251 = tpu.memref_squeeze %dma_start3A_250 : memref<1x1x128xi32, #tpu.memory_space<vmem>> -> memref<128xi32, #tpu.memory_space<vmem>>
      %dma_start3A_252 = tpu.memref_slice %arg4[%add3A_44] : memref<320000xi32, #tpu.memory_space<hbm>> -> memref<128xi32, #tpu.memory_space<hbm>>
      tpu.enqueue_dma source(%dma_start3A_252 : memref<128xi32, #tpu.memory_space<hbm>>) target(%dma_start3A_251 : memref<128xi32, #tpu.memory_space<vmem>>) target_semaphore(%run_scoped3A_244 : memref<!tpu.dma_semaphore, #tpu.memory_space<semaphore_mem>>)
      %dma_wait3A_253 = arith.constant 0 : i32
      %dma_wait3A_254 = tpu.memref_slice %arg6[%run_scoped3A_45, %run_scoped3A_46, %dma_wait3A_253] : memref<3x2x128xi32, #tpu.memory_space<vmem>> -> memref<1x1x128xi32, #tpu.memory_space<vmem>>
      %dma_wait3A_255 = tpu.memref_squeeze %dma_wait3A_254 : memref<1x1x128xi32, #tpu.memory_space<vmem>> -> memref<128xi32, #tpu.memory_space<vmem>>
      %dma_wait3A_256 = tpu.memref_slice %arg4[%add3A_44] : memref<320000xi32, #tpu.memory_space<hbm>> -> memref<128xi32, #tpu.memory_space<hbm>>
      %dma_wait3A_257 = arith.constant 0 : i32
      %dma_wait3A_258 = tpu.memref_slice %arg6[%run_scoped3A_45, %run_scoped3A_46, %dma_wait3A_257] : memref<3x2x128xi32, #tpu.memory_space<vmem>> -> memref<1x1x128xi32, #tpu.memory_space<vmem>>
      %dma_wait3A_259 = tpu.memref_squeeze %dma_wait3A_258 : memref<1x1x128xi32, #tpu.memory_space<vmem>> -> memref<128xi32, #tpu.memory_space<vmem>>
      %dma_wait3A_260 = tpu.memref_slice %arg4[%add3A_44] : memref<320000xi32, #tpu.memory_space<hbm>> -> memref<128xi32, #tpu.memory_space<hbm>>
      tpu.wait_dma2 semaphore(%run_scoped3A_244 : memref<!tpu.dma_semaphore, #tpu.memory_space<semaphore_mem>>) src(%dma_wait3A_260 : memref<128xi32, #tpu.memory_space<hbm>>) dst(%dma_wait3A_259 : memref<128xi32, #tpu.memory_space<vmem>>)
      tpu.yield
    }) : () -> ()
    %dma_start3A = arith.constant 0 : i32
    %dma_start3A_47 = arith.constant 0 : i32
    %dma_start3A_48 = arith.constant 0 : i32
    %dma_start3A_49 = arith.constant 0 : i32
    %dma_start3A_50 = arith.constant 0 : i32
    %dma_start3A_51 = tpu.memref_slice %arg8[%dma_start3A_48, %dma_start3A_49, %dma_start3A_50] : memref<3x128x128xf32, #tpu.memory_space<vmem>> -> memref<1x128x128xf32, #tpu.memory_space<vmem>>
    %dma_start3A_52 = tpu.memref_squeeze %dma_start3A_51 : memref<1x128x128xf32, #tpu.memory_space<vmem>> -> memref<128x128xf32, #tpu.memory_space<vmem>>
    %dma_start3A_53 = arith.constant 0 : i32
    %dma_start3A_54 = tpu.memref_slice %arg6[%dma_start3A, %dma_start3A_47, %dma_start3A_53] : memref<3x2x128xi32, #tpu.memory_space<vmem>> -> memref<1x1x128xi32, #tpu.memory_space<vmem>>
    %dma_start3A_55 = tpu.memref_squeeze %dma_start3A_54 : memref<1x1x128xi32, #tpu.memory_space<vmem>> -> memref<128xi32, #tpu.memory_space<vmem>>
    %dma_start3A_56 = arith.constant 0 : i32
    %dma_start3A_57 = arith.constant 0 : i32
    %dma_start3A_58 = tpu.memref_slice %arg2[%dma_start3A_56, %dma_start3A_57] : memref<10000x128xf32, #tpu.memory_space<hbm>> -> memref<10000x128xf32, #tpu.memory_space<hbm>>
    tpu.enqueue_indirect_dma source(%dma_start3A_58 : memref<10000x128xf32, #tpu.memory_space<hbm>>) target(%dma_start3A_52 : memref<128x128xf32, #tpu.memory_space<vmem>>) offsets(%dma_start3A_55 : memref<128xi32, #tpu.memory_space<vmem>>) semaphore(%arg10 : memref<!tpu.dma_semaphore, #tpu.memory_space<semaphore_mem>>)
    %dma_start3A_59 = arith.constant 1 : i32
    %dma_start3A_60 = arith.constant 0 : i32
    %dma_start3A_61 = arith.constant 1 : i32
    %dma_start3A_62 = arith.constant 0 : i32
    %dma_start3A_63 = arith.constant 0 : i32
    %dma_start3A_64 = tpu.memref_slice %arg8[%dma_start3A_61, %dma_start3A_62, %dma_start3A_63] : memref<3x128x128xf32, #tpu.memory_space<vmem>> -> memref<1x128x128xf32, #tpu.memory_space<vmem>>
    %dma_start3A_65 = tpu.memref_squeeze %dma_start3A_64 : memref<1x128x128xf32, #tpu.memory_space<vmem>> -> memref<128x128xf32, #tpu.memory_space<vmem>>
    %dma_start3A_66 = arith.constant 0 : i32
    %dma_start3A_67 = tpu.memref_slice %arg6[%dma_start3A_59, %dma_start3A_60, %dma_start3A_66] : memref<3x2x128xi32, #tpu.memory_space<vmem>> -> memref<1x1x128xi32, #tpu.memory_space<vmem>>
    %dma_start3A_68 = tpu.memref_squeeze %dma_start3A_67 : memref<1x1x128xi32, #tpu.memory_space<vmem>> -> memref<128xi32, #tpu.memory_space<vmem>>
    %dma_start3A_69 = arith.constant 0 : i32
    %dma_start3A_70 = arith.constant 0 : i32
    %dma_start3A_71 = tpu.memref_slice %arg2[%dma_start3A_69, %dma_start3A_70] : memref<10000x128xf32, #tpu.memory_space<hbm>> -> memref<10000x128xf32, #tpu.memory_space<hbm>>
    tpu.enqueue_indirect_dma source(%dma_start3A_71 : memref<10000x128xf32, #tpu.memory_space<hbm>>) target(%dma_start3A_65 : memref<128x128xf32, #tpu.memory_space<vmem>>) offsets(%dma_start3A_68 : memref<128xi32, #tpu.memory_space<vmem>>) semaphore(%arg11 : memref<!tpu.dma_semaphore, #tpu.memory_space<semaphore_mem>>)
    %dma_wait3A = arith.constant 0 : i32
    %dma_wait3A_72 = arith.constant 0 : i32
    %dma_wait3A_73 = arith.constant 0 : i32
    %dma_wait3A_74 = arith.constant 0 : i32
    %dma_wait3A_75 = arith.constant 0 : i32
    %dma_wait3A_76 = tpu.memref_slice %arg8[%dma_wait3A_73, %dma_wait3A_74, %dma_wait3A_75] : memref<3x128x128xf32, #tpu.memory_space<vmem>> -> memref<1x128x128xf32, #tpu.memory_space<vmem>>
    %dma_wait3A_77 = tpu.memref_squeeze %dma_wait3A_76 : memref<1x128x128xf32, #tpu.memory_space<vmem>> -> memref<128x128xf32, #tpu.memory_space<vmem>>
    %dma_wait3A_78 = arith.constant 0 : i32
    %dma_wait3A_79 = tpu.memref_slice %arg6[%dma_wait3A, %dma_wait3A_72, %dma_wait3A_78] : memref<3x2x128xi32, #tpu.memory_space<vmem>> -> memref<1x1x128xi32, #tpu.memory_space<vmem>>
    %dma_wait3A_80 = tpu.memref_squeeze %dma_wait3A_79 : memref<1x1x128xi32, #tpu.memory_space<vmem>> -> memref<128xi32, #tpu.memory_space<vmem>>
    %dma_wait3A_81 = arith.constant 0 : i32
    %dma_wait3A_82 = arith.constant 0 : i32
    %dma_wait3A_83 = tpu.memref_slice %arg2[%dma_wait3A_81, %dma_wait3A_82] : memref<10000x128xf32, #tpu.memory_space<hbm>> -> memref<10000x128xf32, #tpu.memory_space<hbm>>
    tpu.wait_indirect_dma semaphore(%arg10 : memref<!tpu.dma_semaphore, #tpu.memory_space<semaphore_mem>>) src(%dma_wait3A_83 : memref<10000x128xf32, #tpu.memory_space<hbm>>) dst(%dma_wait3A_77 : memref<128x128xf32, #tpu.memory_space<vmem>>)
    %dma_start3A_84 = arith.constant 0 : i32
    %dma_start3A_85 = arith.constant 0 : i32
    %dma_start3A_86 = arith.constant 1 : i32
    %dma_start3A_87 = arith.constant 0 : i32
    %dma_start3A_88 = arith.constant 0 : i32
    %dma_start3A_89 = tpu.memref_slice %arg8[%dma_start3A_84, %dma_start3A_87, %dma_start3A_88] : memref<3x128x128xf32, #tpu.memory_space<vmem>> -> memref<1x128x128xf32, #tpu.memory_space<vmem>>
    %dma_start3A_90 = tpu.memref_squeeze %dma_start3A_89 : memref<1x128x128xf32, #tpu.memory_space<vmem>> -> memref<128x128xf32, #tpu.memory_space<vmem>>
    %dma_start3A_91 = arith.constant 0 : i32
    %dma_start3A_92 = tpu.memref_slice %arg6[%dma_start3A_85, %dma_start3A_86, %dma_start3A_91] : memref<3x2x128xi32, #tpu.memory_space<vmem>> -> memref<1x1x128xi32, #tpu.memory_space<vmem>>
    %dma_start3A_93 = tpu.memref_squeeze %dma_start3A_92 : memref<1x1x128xi32, #tpu.memory_space<vmem>> -> memref<128xi32, #tpu.memory_space<vmem>>
    %dma_start3A_94 = arith.constant 0 : i32
    %dma_start3A_95 = arith.constant 0 : i32
    %dma_start3A_96 = tpu.memref_slice %arg9[%dma_start3A_94, %dma_start3A_95] : memref<10112x128xf32, #tpu.memory_space<vmem_shared>> -> memref<10112x128xf32, #tpu.memory_space<vmem_shared>>
    tpu.enqueue_indirect_dma source(%dma_start3A_90 : memref<128x128xf32, #tpu.memory_space<vmem>>) target(%dma_start3A_96 : memref<10112x128xf32, #tpu.memory_space<vmem_shared>>) offsets(%dma_start3A_93 : memref<128xi32, #tpu.memory_space<vmem>>) semaphore(%arg13 : memref<!tpu.dma_semaphore, #tpu.memory_space<semaphore_mem>>) {add = true}
    %dma_start3A_97 = arith.constant 2 : i32
    %dma_start3A_98 = arith.constant 0 : i32
    %dma_start3A_99 = arith.constant 2 : i32
    %dma_start3A_100 = arith.constant 0 : i32
    %dma_start3A_101 = arith.constant 0 : i32
    %dma_start3A_102 = tpu.memref_slice %arg8[%dma_start3A_99, %dma_start3A_100, %dma_start3A_101] : memref<3x128x128xf32, #tpu.memory_space<vmem>> -> memref<1x128x128xf32, #tpu.memory_space<vmem>>
    %dma_start3A_103 = tpu.memref_squeeze %dma_start3A_102 : memref<1x128x128xf32, #tpu.memory_space<vmem>> -> memref<128x128xf32, #tpu.memory_space<vmem>>
    %dma_start3A_104 = arith.constant 0 : i32
    %dma_start3A_105 = tpu.memref_slice %arg6[%dma_start3A_97, %dma_start3A_98, %dma_start3A_104] : memref<3x2x128xi32, #tpu.memory_space<vmem>> -> memref<1x1x128xi32, #tpu.memory_space<vmem>>
    %dma_start3A_106 = tpu.memref_squeeze %dma_start3A_105 : memref<1x1x128xi32, #tpu.memory_space<vmem>> -> memref<128xi32, #tpu.memory_space<vmem>>
    %dma_start3A_107 = arith.constant 0 : i32
    %dma_start3A_108 = arith.constant 0 : i32
    %dma_start3A_109 = tpu.memref_slice %arg2[%dma_start3A_107, %dma_start3A_108] : memref<10000x128xf32, #tpu.memory_space<hbm>> -> memref<10000x128xf32, #tpu.memory_space<hbm>>
    tpu.enqueue_indirect_dma source(%dma_start3A_109 : memref<10000x128xf32, #tpu.memory_space<hbm>>) target(%dma_start3A_103 : memref<128x128xf32, #tpu.memory_space<vmem>>) offsets(%dma_start3A_106 : memref<128xi32, #tpu.memory_space<vmem>>) semaphore(%arg12 : memref<!tpu.dma_semaphore, #tpu.memory_space<semaphore_mem>>)
    %scan3A_110 = arith.constant 0 : i32
    %scan3A_111 = arith.constant 0 : i32
    %scan3A_112 = arith.constant 25 : i32
    %scan3A_113 = arith.addi %scan3A_111, %scan3A_112 : i32
    %scan3A_114 = arith.constant 1 : i32
    scf.for %scan3A_244 = %scan3A_111 to %scan3A_113 step %scan3A_114  : i32 {
      %mul3A_245 = arith.constant 3 : i32
      %mul3A_246 = arith.muli %mul3A_245, %scan3A_244 : i32
      %add3A_247 = arith.constant 1 : i32
      %add3A_248 = arith.addi %mul3A_246, %add3A_247 : i32
      %add3A_249 = arith.constant 0 : i32
      %add3A_250 = arith.addi %add3A_248, %add3A_249 : i32
      %dma_wait3A_251 = arith.constant 1 : i32
      %dma_wait3A_252 = arith.constant 0 : i32
      %dma_wait3A_253 = arith.constant 1 : i32
      %dma_wait3A_254 = arith.constant 0 : i32
      %dma_wait3A_255 = arith.constant 0 : i32
      %dma_wait3A_256 = tpu.memref_slice %arg8[%dma_wait3A_253, %dma_wait3A_254, %dma_wait3A_255] : memref<3x128x128xf32, #tpu.memory_space<vmem>> -> memref<1x128x128xf32, #tpu.memory_space<vmem>>
      %dma_wait3A_257 = tpu.memref_squeeze %dma_wait3A_256 : memref<1x128x128xf32, #tpu.memory_space<vmem>> -> memref<128x128xf32, #tpu.memory_space<vmem>>
      %dma_wait3A_258 = arith.constant 0 : i32
      %dma_wait3A_259 = tpu.memref_slice %arg6[%dma_wait3A_251, %dma_wait3A_252, %dma_wait3A_258] : memref<3x2x128xi32, #tpu.memory_space<vmem>> -> memref<1x1x128xi32, #tpu.memory_space<vmem>>
      %dma_wait3A_260 = tpu.memref_squeeze %dma_wait3A_259 : memref<1x1x128xi32, #tpu.memory_space<vmem>> -> memref<128xi32, #tpu.memory_space<vmem>>
      %dma_wait3A_261 = arith.constant 0 : i32
      %dma_wait3A_262 = arith.constant 0 : i32
      %dma_wait3A_263 = tpu.memref_slice %arg2[%dma_wait3A_261, %dma_wait3A_262] : memref<10000x128xf32, #tpu.memory_space<hbm>> -> memref<10000x128xf32, #tpu.memory_space<hbm>>
      tpu.wait_indirect_dma semaphore(%arg11 : memref<!tpu.dma_semaphore, #tpu.memory_space<semaphore_mem>>) src(%dma_wait3A_263 : memref<10000x128xf32, #tpu.memory_space<hbm>>) dst(%dma_wait3A_257 : memref<128x128xf32, #tpu.memory_space<vmem>>)
      %dma_start3A_264 = arith.constant 1 : i32
      %dma_start3A_265 = arith.constant 1 : i32
      %dma_start3A_266 = arith.constant 1 : i32
      %dma_start3A_267 = arith.constant 0 : i32
      %dma_start3A_268 = arith.constant 0 : i32
      %dma_start3A_269 = tpu.memref_slice %arg8[%dma_start3A_264, %dma_start3A_267, %dma_start3A_268] : memref<3x128x128xf32, #tpu.memory_space<vmem>> -> memref<1x128x128xf32, #tpu.memory_space<vmem>>
      %dma_start3A_270 = tpu.memref_squeeze %dma_start3A_269 : memref<1x128x128xf32, #tpu.memory_space<vmem>> -> memref<128x128xf32, #tpu.memory_space<vmem>>
      %dma_start3A_271 = arith.constant 0 : i32
      %dma_start3A_272 = tpu.memref_slice %arg6[%dma_start3A_265, %dma_start3A_266, %dma_start3A_271] : memref<3x2x128xi32, #tpu.memory_space<vmem>> -> memref<1x1x128xi32, #tpu.memory_space<vmem>>
      %dma_start3A_273 = tpu.memref_squeeze %dma_start3A_272 : memref<1x1x128xi32, #tpu.memory_space<vmem>> -> memref<128xi32, #tpu.memory_space<vmem>>
      %dma_start3A_274 = arith.constant 0 : i32
      %dma_start3A_275 = arith.constant 0 : i32
      %dma_start3A_276 = tpu.memref_slice %arg9[%dma_start3A_274, %dma_start3A_275] : memref<10112x128xf32, #tpu.memory_space<vmem_shared>> -> memref<10112x128xf32, #tpu.memory_space<vmem_shared>>
      tpu.enqueue_indirect_dma source(%dma_start3A_270 : memref<128x128xf32, #tpu.memory_space<vmem>>) target(%dma_start3A_276 : memref<10112x128xf32, #tpu.memory_space<vmem_shared>>) offsets(%dma_start3A_273 : memref<128xi32, #tpu.memory_space<vmem>>) semaphore(%arg14 : memref<!tpu.dma_semaphore, #tpu.memory_space<semaphore_mem>>) {add = true}
      %dma_wait3A_277 = arith.constant 0 : i32
      %dma_wait3A_278 = arith.constant 0 : i32
      %dma_wait3A_279 = arith.constant 1 : i32
      %dma_wait3A_280 = arith.constant 0 : i32
      %dma_wait3A_281 = arith.constant 0 : i32
      %dma_wait3A_282 = tpu.memref_slice %arg8[%dma_wait3A_277, %dma_wait3A_280, %dma_wait3A_281] : memref<3x128x128xf32, #tpu.memory_space<vmem>> -> memref<1x128x128xf32, #tpu.memory_space<vmem>>
      %dma_wait3A_283 = tpu.memref_squeeze %dma_wait3A_282 : memref<1x128x128xf32, #tpu.memory_space<vmem>> -> memref<128x128xf32, #tpu.memory_space<vmem>>
      %dma_wait3A_284 = arith.constant 0 : i32
      %dma_wait3A_285 = tpu.memref_slice %arg6[%dma_wait3A_278, %dma_wait3A_279, %dma_wait3A_284] : memref<3x2x128xi32, #tpu.memory_space<vmem>> -> memref<1x1x128xi32, #tpu.memory_space<vmem>>
      %dma_wait3A_286 = tpu.memref_squeeze %dma_wait3A_285 : memref<1x1x128xi32, #tpu.memory_space<vmem>> -> memref<128xi32, #tpu.memory_space<vmem>>
      %dma_wait3A_287 = arith.constant 0 : i32
      %dma_wait3A_288 = arith.constant 0 : i32
      %dma_wait3A_289 = tpu.memref_slice %arg9[%dma_wait3A_287, %dma_wait3A_288] : memref<10112x128xf32, #tpu.memory_space<vmem_shared>> -> memref<10112x128xf32, #tpu.memory_space<vmem_shared>>
      tpu.wait_indirect_dma semaphore(%arg13 : memref<!tpu.dma_semaphore, #tpu.memory_space<semaphore_mem>>) src(%dma_wait3A_283 : memref<128x128xf32, #tpu.memory_space<vmem>>) dst(%dma_wait3A_289 : memref<10112x128xf32, #tpu.memory_space<vmem_shared>>)
      %add3A_290 = arith.constant 2 : i32
      %add3A_291 = arith.addi %add3A_250, %add3A_290 : i32
      %mul3A_292 = arith.constant 128 : i32
      %mul3A_293 = arith.muli %add3A_291, %mul3A_292 : i32
      %add3A_294 = arith.addi %multiple_of3A, %mul3A_293 : i32
      %run_scoped3A_295 = arith.constant 0 : i32
      %run_scoped3A_296 = arith.constant 0 : i32
      "tpu.region"() ({
        %run_scoped3A_447 = tpu.sem_alloc : memref<!tpu.dma_semaphore, #tpu.memory_space<semaphore_mem>>
        %dma_start3A_448 = arith.constant 0 : i32
        %dma_start3A_449 = tpu.memref_slice %arg6[%run_scoped3A_295, %run_scoped3A_296, %dma_start3A_448] : memref<3x2x128xi32, #tpu.memory_space<vmem>> -> memref<1x1x128xi32, #tpu.memory_space<vmem>>
        %dma_start3A_450 = tpu.memref_squeeze %dma_start3A_449 : memref<1x1x128xi32, #tpu.memory_space<vmem>> -> memref<128xi32, #tpu.memory_space<vmem>>
        %dma_start3A_451 = tpu.memref_slice %arg3[%add3A_294] : memref<320000xi32, #tpu.memory_space<hbm>> -> memref<128xi32, #tpu.memory_space<hbm>>
        %dma_start3A_452 = arith.constant 0 : i32
        %dma_start3A_453 = tpu.memref_slice %arg6[%run_scoped3A_295, %run_scoped3A_296, %dma_start3A_452] : memref<3x2x128xi32, #tpu.memory_space<vmem>> -> memref<1x1x128xi32, #tpu.memory_space<vmem>>
        %dma_start3A_454 = tpu.memref_squeeze %dma_start3A_453 : memref<1x1x128xi32, #tpu.memory_space<vmem>> -> memref<128xi32, #tpu.memory_space<vmem>>
        %dma_start3A_455 = tpu.memref_slice %arg3[%add3A_294] : memref<320000xi32, #tpu.memory_space<hbm>> -> memref<128xi32, #tpu.memory_space<hbm>>
        tpu.enqueue_dma source(%dma_start3A_455 : memref<128xi32, #tpu.memory_space<hbm>>) target(%dma_start3A_454 : memref<128xi32, #tpu.memory_space<vmem>>) target_semaphore(%run_scoped3A_447 : memref<!tpu.dma_semaphore, #tpu.memory_space<semaphore_mem>>)
        %dma_wait3A_456 = arith.constant 0 : i32
        %dma_wait3A_457 = tpu.memref_slice %arg6[%run_scoped3A_295, %run_scoped3A_296, %dma_wait3A_456] : memref<3x2x128xi32, #tpu.memory_space<vmem>> -> memref<1x1x128xi32, #tpu.memory_space<vmem>>
        %dma_wait3A_458 = tpu.memref_squeeze %dma_wait3A_457 : memref<1x1x128xi32, #tpu.memory_space<vmem>> -> memref<128xi32, #tpu.memory_space<vmem>>
        %dma_wait3A_459 = tpu.memref_slice %arg3[%add3A_294] : memref<320000xi32, #tpu.memory_space<hbm>> -> memref<128xi32, #tpu.memory_space<hbm>>
        %dma_wait3A_460 = arith.constant 0 : i32
        %dma_wait3A_461 = tpu.memref_slice %arg6[%run_scoped3A_295, %run_scoped3A_296, %dma_wait3A_460] : memref<3x2x128xi32, #tpu.memory_space<vmem>> -> memref<1x1x128xi32, #tpu.memory_space<vmem>>
        %dma_wait3A_462 = tpu.memref_squeeze %dma_wait3A_461 : memref<1x1x128xi32, #tpu.memory_space<vmem>> -> memref<128xi32, #tpu.memory_space<vmem>>
        %dma_wait3A_463 = tpu.memref_slice %arg3[%add3A_294] : memref<320000xi32, #tpu.memory_space<hbm>> -> memref<128xi32, #tpu.memory_space<hbm>>
        tpu.wait_dma2 semaphore(%run_scoped3A_447 : memref<!tpu.dma_semaphore, #tpu.memory_space<semaphore_mem>>) src(%dma_wait3A_463 : memref<128xi32, #tpu.memory_space<hbm>>) dst(%dma_wait3A_462 : memref<128xi32, #tpu.memory_space<vmem>>)
        tpu.yield
      }) : () -> ()
      %mul3A_297 = arith.constant 128 : i32
      %mul3A_298 = arith.muli %add3A_291, %mul3A_297 : i32
      %add3A_299 = arith.addi %multiple_of3A, %mul3A_298 : i32
      %run_scoped3A_300 = arith.constant 0 : i32
      %run_scoped3A_301 = arith.constant 1 : i32
      "tpu.region"() ({
        %run_scoped3A_447 = tpu.sem_alloc : memref<!tpu.dma_semaphore, #tpu.memory_space<semaphore_mem>>
        %dma_start3A_448 = arith.constant 0 : i32
        %dma_start3A_449 = tpu.memref_slice %arg6[%run_scoped3A_300, %run_scoped3A_301, %dma_start3A_448] : memref<3x2x128xi32, #tpu.memory_space<vmem>> -> memref<1x1x128xi32, #tpu.memory_space<vmem>>
        %dma_start3A_450 = tpu.memref_squeeze %dma_start3A_449 : memref<1x1x128xi32, #tpu.memory_space<vmem>> -> memref<128xi32, #tpu.memory_space<vmem>>
        %dma_start3A_451 = tpu.memref_slice %arg4[%add3A_299] : memref<320000xi32, #tpu.memory_space<hbm>> -> memref<128xi32, #tpu.memory_space<hbm>>
        %dma_start3A_452 = arith.constant 0 : i32
        %dma_start3A_453 = tpu.memref_slice %arg6[%run_scoped3A_300, %run_scoped3A_301, %dma_start3A_452] : memref<3x2x128xi32, #tpu.memory_space<vmem>> -> memref<1x1x128xi32, #tpu.memory_space<vmem>>
        %dma_start3A_454 = tpu.memref_squeeze %dma_start3A_453 : memref<1x1x128xi32, #tpu.memory_space<vmem>> -> memref<128xi32, #tpu.memory_space<vmem>>
        %dma_start3A_455 = tpu.memref_slice %arg4[%add3A_299] : memref<320000xi32, #tpu.memory_space<hbm>> -> memref<128xi32, #tpu.memory_space<hbm>>
        tpu.enqueue_dma source(%dma_start3A_455 : memref<128xi32, #tpu.memory_space<hbm>>) target(%dma_start3A_454 : memref<128xi32, #tpu.memory_space<vmem>>) target_semaphore(%run_scoped3A_447 : memref<!tpu.dma_semaphore, #tpu.memory_space<semaphore_mem>>)
        %dma_wait3A_456 = arith.constant 0 : i32
        %dma_wait3A_457 = tpu.memref_slice %arg6[%run_scoped3A_300, %run_scoped3A_301, %dma_wait3A_456] : memref<3x2x128xi32, #tpu.memory_space<vmem>> -> memref<1x1x128xi32, #tpu.memory_space<vmem>>
        %dma_wait3A_458 = tpu.memref_squeeze %dma_wait3A_457 : memref<1x1x128xi32, #tpu.memory_space<vmem>> -> memref<128xi32, #tpu.memory_space<vmem>>
        %dma_wait3A_459 = tpu.memref_slice %arg4[%add3A_299] : memref<320000xi32, #tpu.memory_space<hbm>> -> memref<128xi32, #tpu.memory_space<hbm>>
        %dma_wait3A_460 = arith.constant 0 : i32
        %dma_wait3A_461 = tpu.memref_slice %arg6[%run_scoped3A_300, %run_scoped3A_301, %dma_wait3A_460] : memref<3x2x128xi32, #tpu.memory_space<vmem>> -> memref<1x1x128xi32, #tpu.memory_space<vmem>>
        %dma_wait3A_462 = tpu.memref_squeeze %dma_wait3A_461 : memref<1x1x128xi32, #tpu.memory_space<vmem>> -> memref<128xi32, #tpu.memory_space<vmem>>
        %dma_wait3A_463 = tpu.memref_slice %arg4[%add3A_299] : memref<320000xi32, #tpu.memory_space<hbm>> -> memref<128xi32, #tpu.memory_space<hbm>>
        tpu.wait_dma2 semaphore(%run_scoped3A_447 : memref<!tpu.dma_semaphore, #tpu.memory_space<semaphore_mem>>) src(%dma_wait3A_463 : memref<128xi32, #tpu.memory_space<hbm>>) dst(%dma_wait3A_462 : memref<128xi32, #tpu.memory_space<vmem>>)
        tpu.yield
      }) : () -> ()
      %dma_start3A_302 = arith.constant 0 : i32
      %dma_start3A_303 = arith.constant 0 : i32
      %dma_start3A_304 = arith.constant 0 : i32
      %dma_start3A_305 = arith.constant 0 : i32
      %dma_start3A_306 = arith.constant 0 : i32
      %dma_start3A_307 = tpu.memref_slice %arg8[%dma_start3A_304, %dma_start3A_305, %dma_start3A_306] : memref<3x128x128xf32, #tpu.memory_space<vmem>> -> memref<1x128x128xf32, #tpu.memory_space<vmem>>
      %dma_start3A_308 = tpu.memref_squeeze %dma_start3A_307 : memref<1x128x128xf32, #tpu.memory_space<vmem>> -> memref<128x128xf32, #tpu.memory_space<vmem>>
      %dma_start3A_309 = arith.constant 0 : i32
      %dma_start3A_310 = tpu.memref_slice %arg6[%dma_start3A_302, %dma_start3A_303, %dma_start3A_309] : memref<3x2x128xi32, #tpu.memory_space<vmem>> -> memref<1x1x128xi32, #tpu.memory_space<vmem>>
      %dma_start3A_311 = tpu.memref_squeeze %dma_start3A_310 : memref<1x1x128xi32, #tpu.memory_space<vmem>> -> memref<128xi32, #tpu.memory_space<vmem>>
      %dma_start3A_312 = arith.constant 0 : i32
      %dma_start3A_313 = arith.constant 0 : i32
      %dma_start3A_314 = tpu.memref_slice %arg2[%dma_start3A_312, %dma_start3A_313] : memref<10000x128xf32, #tpu.memory_space<hbm>> -> memref<10000x128xf32, #tpu.memory_space<hbm>>
      tpu.enqueue_indirect_dma source(%dma_start3A_314 : memref<10000x128xf32, #tpu.memory_space<hbm>>) target(%dma_start3A_308 : memref<128x128xf32, #tpu.memory_space<vmem>>) offsets(%dma_start3A_311 : memref<128xi32, #tpu.memory_space<vmem>>) semaphore(%arg10 : memref<!tpu.dma_semaphore, #tpu.memory_space<semaphore_mem>>)
      %add3A_315 = arith.constant 1 : i32
      %add3A_316 = arith.addi %add3A_248, %add3A_315 : i32
      %dma_wait3A_317 = arith.constant 2 : i32
      %dma_wait3A_318 = arith.constant 0 : i32
      %dma_wait3A_319 = arith.constant 2 : i32
      %dma_wait3A_320 = arith.constant 0 : i32
      %dma_wait3A_321 = arith.constant 0 : i32
      %dma_wait3A_322 = tpu.memref_slice %arg8[%dma_wait3A_319, %dma_wait3A_320, %dma_wait3A_321] : memref<3x128x128xf32, #tpu.memory_space<vmem>> -> memref<1x128x128xf32, #tpu.memory_space<vmem>>
      %dma_wait3A_323 = tpu.memref_squeeze %dma_wait3A_322 : memref<1x128x128xf32, #tpu.memory_space<vmem>> -> memref<128x128xf32, #tpu.memory_space<vmem>>
      %dma_wait3A_324 = arith.constant 0 : i32
      %dma_wait3A_325 = tpu.memref_slice %arg6[%dma_wait3A_317, %dma_wait3A_318, %dma_wait3A_324] : memref<3x2x128xi32, #tpu.memory_space<vmem>> -> memref<1x1x128xi32, #tpu.memory_space<vmem>>
      %dma_wait3A_326 = tpu.memref_squeeze %dma_wait3A_325 : memref<1x1x128xi32, #tpu.memory_space<vmem>> -> memref<128xi32, #tpu.memory_space<vmem>>
      %dma_wait3A_327 = arith.constant 0 : i32
      %dma_wait3A_328 = arith.constant 0 : i32
      %dma_wait3A_329 = tpu.memref_slice %arg2[%dma_wait3A_327, %dma_wait3A_328] : memref<10000x128xf32, #tpu.memory_space<hbm>> -> memref<10000x128xf32, #tpu.memory_space<hbm>>
      tpu.wait_indirect_dma semaphore(%arg12 : memref<!tpu.dma_semaphore, #tpu.memory_space<semaphore_mem>>) src(%dma_wait3A_329 : memref<10000x128xf32, #tpu.memory_space<hbm>>) dst(%dma_wait3A_323 : memref<128x128xf32, #tpu.memory_space<vmem>>)
      %dma_start3A_330 = arith.constant 2 : i32
      %dma_start3A_331 = arith.constant 2 : i32
      %dma_start3A_332 = arith.constant 1 : i32
      %dma_start3A_333 = arith.constant 0 : i32
      %dma_start3A_334 = arith.constant 0 : i32
      %dma_start3A_335 = tpu.memref_slice %arg8[%dma_start3A_330, %dma_start3A_333, %dma_start3A_334] : memref<3x128x128xf32, #tpu.memory_space<vmem>> -> memref<1x128x128xf32, #tpu.memory_space<vmem>>
      %dma_start3A_336 = tpu.memref_squeeze %dma_start3A_335 : memref<1x128x128xf32, #tpu.memory_space<vmem>> -> memref<128x128xf32, #tpu.memory_space<vmem>>
      %dma_start3A_337 = arith.constant 0 : i32
      %dma_start3A_338 = tpu.memref_slice %arg6[%dma_start3A_331, %dma_start3A_332, %dma_start3A_337] : memref<3x2x128xi32, #tpu.memory_space<vmem>> -> memref<1x1x128xi32, #tpu.memory_space<vmem>>
      %dma_start3A_339 = tpu.memref_squeeze %dma_start3A_338 : memref<1x1x128xi32, #tpu.memory_space<vmem>> -> memref<128xi32, #tpu.memory_space<vmem>>
      %dma_start3A_340 = arith.constant 0 : i32
      %dma_start3A_341 = arith.constant 0 : i32
      %dma_start3A_342 = tpu.memref_slice %arg9[%dma_start3A_340, %dma_start3A_341] : memref<10112x128xf32, #tpu.memory_space<vmem_shared>> -> memref<10112x128xf32, #tpu.memory_space<vmem_shared>>
      tpu.enqueue_indirect_dma source(%dma_start3A_336 : memref<128x128xf32, #tpu.memory_space<vmem>>) target(%dma_start3A_342 : memref<10112x128xf32, #tpu.memory_space<vmem_shared>>) offsets(%dma_start3A_339 : memref<128xi32, #tpu.memory_space<vmem>>) semaphore(%arg15 : memref<!tpu.dma_semaphore, #tpu.memory_space<semaphore_mem>>) {add = true}
      %dma_wait3A_343 = arith.constant 1 : i32
      %dma_wait3A_344 = arith.constant 1 : i32
      %dma_wait3A_345 = arith.constant 1 : i32
      %dma_wait3A_346 = arith.constant 0 : i32
      %dma_wait3A_347 = arith.constant 0 : i32
      %dma_wait3A_348 = tpu.memref_slice %arg8[%dma_wait3A_343, %dma_wait3A_346, %dma_wait3A_347] : memref<3x128x128xf32, #tpu.memory_space<vmem>> -> memref<1x128x128xf32, #tpu.memory_space<vmem>>
      %dma_wait3A_349 = tpu.memref_squeeze %dma_wait3A_348 : memref<1x128x128xf32, #tpu.memory_space<vmem>> -> memref<128x128xf32, #tpu.memory_space<vmem>>
      %dma_wait3A_350 = arith.constant 0 : i32
      %dma_wait3A_351 = tpu.memref_slice %arg6[%dma_wait3A_344, %dma_wait3A_345, %dma_wait3A_350] : memref<3x2x128xi32, #tpu.memory_space<vmem>> -> memref<1x1x128xi32, #tpu.memory_space<vmem>>
      %dma_wait3A_352 = tpu.memref_squeeze %dma_wait3A_351 : memref<1x1x128xi32, #tpu.memory_space<vmem>> -> memref<128xi32, #tpu.memory_space<vmem>>
      %dma_wait3A_353 = arith.constant 0 : i32
      %dma_wait3A_354 = arith.constant 0 : i32
      %dma_wait3A_355 = tpu.memref_slice %arg9[%dma_wait3A_353, %dma_wait3A_354] : memref<10112x128xf32, #tpu.memory_space<vmem_shared>> -> memref<10112x128xf32, #tpu.memory_space<vmem_shared>>
      tpu.wait_indirect_dma semaphore(%arg14 : memref<!tpu.dma_semaphore, #tpu.memory_space<semaphore_mem>>) src(%dma_wait3A_349 : memref<128x128xf32, #tpu.memory_space<vmem>>) dst(%dma_wait3A_355 : memref<10112x128xf32, #tpu.memory_space<vmem_shared>>)
      %add3A_356 = arith.constant 2 : i32
      %add3A_357 = arith.addi %add3A_316, %add3A_356 : i32
      %mul3A_358 = arith.constant 128 : i32
      %mul3A_359 = arith.muli %add3A_357, %mul3A_358 : i32
      %add3A_360 = arith.addi %multiple_of3A, %mul3A_359 : i32
      %run_scoped3A_361 = arith.constant 1 : i32
      %run_scoped3A_362 = arith.constant 0 : i32
      "tpu.region"() ({
        %run_scoped3A_447 = tpu.sem_alloc : memref<!tpu.dma_semaphore, #tpu.memory_space<semaphore_mem>>
        %dma_start3A_448 = arith.constant 0 : i32
        %dma_start3A_449 = tpu.memref_slice %arg6[%run_scoped3A_361, %run_scoped3A_362, %dma_start3A_448] : memref<3x2x128xi32, #tpu.memory_space<vmem>> -> memref<1x1x128xi32, #tpu.memory_space<vmem>>
        %dma_start3A_450 = tpu.memref_squeeze %dma_start3A_449 : memref<1x1x128xi32, #tpu.memory_space<vmem>> -> memref<128xi32, #tpu.memory_space<vmem>>
        %dma_start3A_451 = tpu.memref_slice %arg3[%add3A_360] : memref<320000xi32, #tpu.memory_space<hbm>> -> memref<128xi32, #tpu.memory_space<hbm>>
        %dma_start3A_452 = arith.constant 0 : i32
        %dma_start3A_453 = tpu.memref_slice %arg6[%run_scoped3A_361, %run_scoped3A_362, %dma_start3A_452] : memref<3x2x128xi32, #tpu.memory_space<vmem>> -> memref<1x1x128xi32, #tpu.memory_space<vmem>>
        %dma_start3A_454 = tpu.memref_squeeze %dma_start3A_453 : memref<1x1x128xi32, #tpu.memory_space<vmem>> -> memref<128xi32, #tpu.memory_space<vmem>>
        %dma_start3A_455 = tpu.memref_slice %arg3[%add3A_360] : memref<320000xi32, #tpu.memory_space<hbm>> -> memref<128xi32, #tpu.memory_space<hbm>>
        tpu.enqueue_dma source(%dma_start3A_455 : memref<128xi32, #tpu.memory_space<hbm>>) target(%dma_start3A_454 : memref<128xi32, #tpu.memory_space<vmem>>) target_semaphore(%run_scoped3A_447 : memref<!tpu.dma_semaphore, #tpu.memory_space<semaphore_mem>>)
        %dma_wait3A_456 = arith.constant 0 : i32
        %dma_wait3A_457 = tpu.memref_slice %arg6[%run_scoped3A_361, %run_scoped3A_362, %dma_wait3A_456] : memref<3x2x128xi32, #tpu.memory_space<vmem>> -> memref<1x1x128xi32, #tpu.memory_space<vmem>>
        %dma_wait3A_458 = tpu.memref_squeeze %dma_wait3A_457 : memref<1x1x128xi32, #tpu.memory_space<vmem>> -> memref<128xi32, #tpu.memory_space<vmem>>
        %dma_wait3A_459 = tpu.memref_slice %arg3[%add3A_360] : memref<320000xi32, #tpu.memory_space<hbm>> -> memref<128xi32, #tpu.memory_space<hbm>>
        %dma_wait3A_460 = arith.constant 0 : i32
        %dma_wait3A_461 = tpu.memref_slice %arg6[%run_scoped3A_361, %run_scoped3A_362, %dma_wait3A_460] : memref<3x2x128xi32, #tpu.memory_space<vmem>> -> memref<1x1x128xi32, #tpu.memory_space<vmem>>
        %dma_wait3A_462 = tpu.memref_squeeze %dma_wait3A_461 : memref<1x1x128xi32, #tpu.memory_space<vmem>> -> memref<128xi32, #tpu.memory_space<vmem>>
        %dma_wait3A_463 = tpu.memref_slice %arg3[%add3A_360] : memref<320000xi32, #tpu.memory_space<hbm>> -> memref<128xi32, #tpu.memory_space<hbm>>
        tpu.wait_dma2 semaphore(%run_scoped3A_447 : memref<!tpu.dma_semaphore, #tpu.memory_space<semaphore_mem>>) src(%dma_wait3A_463 : memref<128xi32, #tpu.memory_space<hbm>>) dst(%dma_wait3A_462 : memref<128xi32, #tpu.memory_space<vmem>>)
        tpu.yield
      }) : () -> ()
      %mul3A_363 = arith.constant 128 : i32
      %mul3A_364 = arith.muli %add3A_357, %mul3A_363 : i32
      %add3A_365 = arith.addi %multiple_of3A, %mul3A_364 : i32
      %run_scoped3A_366 = arith.constant 1 : i32
      %run_scoped3A_367 = arith.constant 1 : i32
      "tpu.region"() ({
        %run_scoped3A_447 = tpu.sem_alloc : memref<!tpu.dma_semaphore, #tpu.memory_space<semaphore_mem>>
        %dma_start3A_448 = arith.constant 0 : i32
        %dma_start3A_449 = tpu.memref_slice %arg6[%run_scoped3A_366, %run_scoped3A_367, %dma_start3A_448] : memref<3x2x128xi32, #tpu.memory_space<vmem>> -> memref<1x1x128xi32, #tpu.memory_space<vmem>>
        %dma_start3A_450 = tpu.memref_squeeze %dma_start3A_449 : memref<1x1x128xi32, #tpu.memory_space<vmem>> -> memref<128xi32, #tpu.memory_space<vmem>>
        %dma_start3A_451 = tpu.memref_slice %arg4[%add3A_365] : memref<320000xi32, #tpu.memory_space<hbm>> -> memref<128xi32, #tpu.memory_space<hbm>>
        %dma_start3A_452 = arith.constant 0 : i32
        %dma_start3A_453 = tpu.memref_slice %arg6[%run_scoped3A_366, %run_scoped3A_367, %dma_start3A_452] : memref<3x2x128xi32, #tpu.memory_space<vmem>> -> memref<1x1x128xi32, #tpu.memory_space<vmem>>
        %dma_start3A_454 = tpu.memref_squeeze %dma_start3A_453 : memref<1x1x128xi32, #tpu.memory_space<vmem>> -> memref<128xi32, #tpu.memory_space<vmem>>
        %dma_start3A_455 = tpu.memref_slice %arg4[%add3A_365] : memref<320000xi32, #tpu.memory_space<hbm>> -> memref<128xi32, #tpu.memory_space<hbm>>
        tpu.enqueue_dma source(%dma_start3A_455 : memref<128xi32, #tpu.memory_space<hbm>>) target(%dma_start3A_454 : memref<128xi32, #tpu.memory_space<vmem>>) target_semaphore(%run_scoped3A_447 : memref<!tpu.dma_semaphore, #tpu.memory_space<semaphore_mem>>)
        %dma_wait3A_456 = arith.constant 0 : i32
        %dma_wait3A_457 = tpu.memref_slice %arg6[%run_scoped3A_366, %run_scoped3A_367, %dma_wait3A_456] : memref<3x2x128xi32, #tpu.memory_space<vmem>> -> memref<1x1x128xi32, #tpu.memory_space<vmem>>
        %dma_wait3A_458 = tpu.memref_squeeze %dma_wait3A_457 : memref<1x1x128xi32, #tpu.memory_space<vmem>> -> memref<128xi32, #tpu.memory_space<vmem>>
        %dma_wait3A_459 = tpu.memref_slice %arg4[%add3A_365] : memref<320000xi32, #tpu.memory_space<hbm>> -> memref<128xi32, #tpu.memory_space<hbm>>
        %dma_wait3A_460 = arith.constant 0 : i32
        %dma_wait3A_461 = tpu.memref_slice %arg6[%run_scoped3A_366, %run_scoped3A_367, %dma_wait3A_460] : memref<3x2x128xi32, #tpu.memory_space<vmem>> -> memref<1x1x128xi32, #tpu.memory_space<vmem>>
        %dma_wait3A_462 = tpu.memref_squeeze %dma_wait3A_461 : memref<1x1x128xi32, #tpu.memory_space<vmem>> -> memref<128xi32, #tpu.memory_space<vmem>>
        %dma_wait3A_463 = tpu.memref_slice %arg4[%add3A_365] : memref<320000xi32, #tpu.memory_space<hbm>> -> memref<128xi32, #tpu.memory_space<hbm>>
        tpu.wait_dma2 semaphore(%run_scoped3A_447 : memref<!tpu.dma_semaphore, #tpu.memory_space<semaphore_mem>>) src(%dma_wait3A_463 : memref<128xi32, #tpu.memory_space<hbm>>) dst(%dma_wait3A_462 : memref<128xi32, #tpu.memory_space<vmem>>)
        tpu.yield
      }) : () -> ()
      %dma_start3A_368 = arith.constant 1 : i32
      %dma_start3A_369 = arith.constant 0 : i32
      %dma_start3A_370 = arith.constant 1 : i32
      %dma_start3A_371 = arith.constant 0 : i32
      %dma_start3A_372 = arith.constant 0 : i32
      %dma_start3A_373 = tpu.memref_slice %arg8[%dma_start3A_370, %dma_start3A_371, %dma_start3A_372] : memref<3x128x128xf32, #tpu.memory_space<vmem>> -> memref<1x128x128xf32, #tpu.memory_space<vmem>>
      %dma_start3A_374 = tpu.memref_squeeze %dma_start3A_373 : memref<1x128x128xf32, #tpu.memory_space<vmem>> -> memref<128x128xf32, #tpu.memory_space<vmem>>
      %dma_start3A_375 = arith.constant 0 : i32
      %dma_start3A_376 = tpu.memref_slice %arg6[%dma_start3A_368, %dma_start3A_369, %dma_start3A_375] : memref<3x2x128xi32, #tpu.memory_space<vmem>> -> memref<1x1x128xi32, #tpu.memory_space<vmem>>
      %dma_start3A_377 = tpu.memref_squeeze %dma_start3A_376 : memref<1x1x128xi32, #tpu.memory_space<vmem>> -> memref<128xi32, #tpu.memory_space<vmem>>
      %dma_start3A_378 = arith.constant 0 : i32
      %dma_start3A_379 = arith.constant 0 : i32
      %dma_start3A_380 = tpu.memref_slice %arg2[%dma_start3A_378, %dma_start3A_379] : memref<10000x128xf32, #tpu.memory_space<hbm>> -> memref<10000x128xf32, #tpu.memory_space<hbm>>
      tpu.enqueue_indirect_dma source(%dma_start3A_380 : memref<10000x128xf32, #tpu.memory_space<hbm>>) target(%dma_start3A_374 : memref<128x128xf32, #tpu.memory_space<vmem>>) offsets(%dma_start3A_377 : memref<128xi32, #tpu.memory_space<vmem>>) semaphore(%arg11 : memref<!tpu.dma_semaphore, #tpu.memory_space<semaphore_mem>>)
      %add3A_381 = arith.constant 2 : i32
      %add3A_382 = arith.addi %add3A_248, %add3A_381 : i32
      %dma_wait3A_383 = arith.constant 0 : i32
      %dma_wait3A_384 = arith.constant 0 : i32
      %dma_wait3A_385 = arith.constant 0 : i32
      %dma_wait3A_386 = arith.constant 0 : i32
      %dma_wait3A_387 = arith.constant 0 : i32
      %dma_wait3A_388 = tpu.memref_slice %arg8[%dma_wait3A_385, %dma_wait3A_386, %dma_wait3A_387] : memref<3x128x128xf32, #tpu.memory_space<vmem>> -> memref<1x128x128xf32, #tpu.memory_space<vmem>>
      %dma_wait3A_389 = tpu.memref_squeeze %dma_wait3A_388 : memref<1x128x128xf32, #tpu.memory_space<vmem>> -> memref<128x128xf32, #tpu.memory_space<vmem>>
      %dma_wait3A_390 = arith.constant 0 : i32
      %dma_wait3A_391 = tpu.memref_slice %arg6[%dma_wait3A_383, %dma_wait3A_384, %dma_wait3A_390] : memref<3x2x128xi32, #tpu.memory_space<vmem>> -> memref<1x1x128xi32, #tpu.memory_space<vmem>>
      %dma_wait3A_392 = tpu.memref_squeeze %dma_wait3A_391 : memref<1x1x128xi32, #tpu.memory_space<vmem>> -> memref<128xi32, #tpu.memory_space<vmem>>
      %dma_wait3A_393 = arith.constant 0 : i32
      %dma_wait3A_394 = arith.constant 0 : i32
      %dma_wait3A_395 = tpu.memref_slice %arg2[%dma_wait3A_393, %dma_wait3A_394] : memref<10000x128xf32, #tpu.memory_space<hbm>> -> memref<10000x128xf32, #tpu.memory_space<hbm>>
      tpu.wait_indirect_dma semaphore(%arg10 : memref<!tpu.dma_semaphore, #tpu.memory_space<semaphore_mem>>) src(%dma_wait3A_395 : memref<10000x128xf32, #tpu.memory_space<hbm>>) dst(%dma_wait3A_389 : memref<128x128xf32, #tpu.memory_space<vmem>>)
      %dma_start3A_396 = arith.constant 0 : i32
      %dma_start3A_397 = arith.constant 0 : i32
      %dma_start3A_398 = arith.constant 1 : i32
      %dma_start3A_399 = arith.constant 0 : i32
      %dma_start3A_400 = arith.constant 0 : i32
      %dma_start3A_401 = tpu.memref_slice %arg8[%dma_start3A_396, %dma_start3A_399, %dma_start3A_400] : memref<3x128x128xf32, #tpu.memory_space<vmem>> -> memref<1x128x128xf32, #tpu.memory_space<vmem>>
      %dma_start3A_402 = tpu.memref_squeeze %dma_start3A_401 : memref<1x128x128xf32, #tpu.memory_space<vmem>> -> memref<128x128xf32, #tpu.memory_space<vmem>>
      %dma_start3A_403 = arith.constant 0 : i32
      %dma_start3A_404 = tpu.memref_slice %arg6[%dma_start3A_397, %dma_start3A_398, %dma_start3A_403] : memref<3x2x128xi32, #tpu.memory_space<vmem>> -> memref<1x1x128xi32, #tpu.memory_space<vmem>>
      %dma_start3A_405 = tpu.memref_squeeze %dma_start3A_404 : memref<1x1x128xi32, #tpu.memory_space<vmem>> -> memref<128xi32, #tpu.memory_space<vmem>>
      %dma_start3A_406 = arith.constant 0 : i32
      %dma_start3A_407 = arith.constant 0 : i32
      %dma_start3A_408 = tpu.memref_slice %arg9[%dma_start3A_406, %dma_start3A_407] : memref<10112x128xf32, #tpu.memory_space<vmem_shared>> -> memref<10112x128xf32, #tpu.memory_space<vmem_shared>>
      tpu.enqueue_indirect_dma source(%dma_start3A_402 : memref<128x128xf32, #tpu.memory_space<vmem>>) target(%dma_start3A_408 : memref<10112x128xf32, #tpu.memory_space<vmem_shared>>) offsets(%dma_start3A_405 : memref<128xi32, #tpu.memory_space<vmem>>) semaphore(%arg13 : memref<!tpu.dma_semaphore, #tpu.memory_space<semaphore_mem>>) {add = true}
      %dma_wait3A_409 = arith.constant 2 : i32
      %dma_wait3A_410 = arith.constant 2 : i32
      %dma_wait3A_411 = arith.constant 1 : i32
      %dma_wait3A_412 = arith.constant 0 : i32
      %dma_wait3A_413 = arith.constant 0 : i32
      %dma_wait3A_414 = tpu.memref_slice %arg8[%dma_wait3A_409, %dma_wait3A_412, %dma_wait3A_413] : memref<3x128x128xf32, #tpu.memory_space<vmem>> -> memref<1x128x128xf32, #tpu.memory_space<vmem>>
      %dma_wait3A_415 = tpu.memref_squeeze %dma_wait3A_414 : memref<1x128x128xf32, #tpu.memory_space<vmem>> -> memref<128x128xf32, #tpu.memory_space<vmem>>
      %dma_wait3A_416 = arith.constant 0 : i32
      %dma_wait3A_417 = tpu.memref_slice %arg6[%dma_wait3A_410, %dma_wait3A_411, %dma_wait3A_416] : memref<3x2x128xi32, #tpu.memory_space<vmem>> -> memref<1x1x128xi32, #tpu.memory_space<vmem>>
      %dma_wait3A_418 = tpu.memref_squeeze %dma_wait3A_417 : memref<1x1x128xi32, #tpu.memory_space<vmem>> -> memref<128xi32, #tpu.memory_space<vmem>>
      %dma_wait3A_419 = arith.constant 0 : i32
      %dma_wait3A_420 = arith.constant 0 : i32
      %dma_wait3A_421 = tpu.memref_slice %arg9[%dma_wait3A_419, %dma_wait3A_420] : memref<10112x128xf32, #tpu.memory_space<vmem_shared>> -> memref<10112x128xf32, #tpu.memory_space<vmem_shared>>
      tpu.wait_indirect_dma semaphore(%arg15 : memref<!tpu.dma_semaphore, #tpu.memory_space<semaphore_mem>>) src(%dma_wait3A_415 : memref<128x128xf32, #tpu.memory_space<vmem>>) dst(%dma_wait3A_421 : memref<10112x128xf32, #tpu.memory_space<vmem_shared>>)
      %add3A_422 = arith.constant 2 : i32
      %add3A_423 = arith.addi %add3A_382, %add3A_422 : i32
      %mul3A_424 = arith.constant 128 : i32
      %mul3A_425 = arith.muli %add3A_423, %mul3A_424 : i32
      %add3A_426 = arith.addi %multiple_of3A, %mul3A_425 : i32
      %run_scoped3A_427 = arith.constant 2 : i32
      %run_scoped3A_428 = arith.constant 0 : i32
      "tpu.region"() ({
        %run_scoped3A_447 = tpu.sem_alloc : memref<!tpu.dma_semaphore, #tpu.memory_space<semaphore_mem>>
        %dma_start3A_448 = arith.constant 0 : i32
        %dma_start3A_449 = tpu.memref_slice %arg6[%run_scoped3A_427, %run_scoped3A_428, %dma_start3A_448] : memref<3x2x128xi32, #tpu.memory_space<vmem>> -> memref<1x1x128xi32, #tpu.memory_space<vmem>>
        %dma_start3A_450 = tpu.memref_squeeze %dma_start3A_449 : memref<1x1x128xi32, #tpu.memory_space<vmem>> -> memref<128xi32, #tpu.memory_space<vmem>>
        %dma_start3A_451 = tpu.memref_slice %arg3[%add3A_426] : memref<320000xi32, #tpu.memory_space<hbm>> -> memref<128xi32, #tpu.memory_space<hbm>>
        %dma_start3A_452 = arith.constant 0 : i32
        %dma_start3A_453 = tpu.memref_slice %arg6[%run_scoped3A_427, %run_scoped3A_428, %dma_start3A_452] : memref<3x2x128xi32, #tpu.memory_space<vmem>> -> memref<1x1x128xi32, #tpu.memory_space<vmem>>
        %dma_start3A_454 = tpu.memref_squeeze %dma_start3A_453 : memref<1x1x128xi32, #tpu.memory_space<vmem>> -> memref<128xi32, #tpu.memory_space<vmem>>
        %dma_start3A_455 = tpu.memref_slice %arg3[%add3A_426] : memref<320000xi32, #tpu.memory_space<hbm>> -> memref<128xi32, #tpu.memory_space<hbm>>
        tpu.enqueue_dma source(%dma_start3A_455 : memref<128xi32, #tpu.memory_space<hbm>>) target(%dma_start3A_454 : memref<128xi32, #tpu.memory_space<vmem>>) target_semaphore(%run_scoped3A_447 : memref<!tpu.dma_semaphore, #tpu.memory_space<semaphore_mem>>)
        %dma_wait3A_456 = arith.constant 0 : i32
        %dma_wait3A_457 = tpu.memref_slice %arg6[%run_scoped3A_427, %run_scoped3A_428, %dma_wait3A_456] : memref<3x2x128xi32, #tpu.memory_space<vmem>> -> memref<1x1x128xi32, #tpu.memory_space<vmem>>
        %dma_wait3A_458 = tpu.memref_squeeze %dma_wait3A_457 : memref<1x1x128xi32, #tpu.memory_space<vmem>> -> memref<128xi32, #tpu.memory_space<vmem>>
        %dma_wait3A_459 = tpu.memref_slice %arg3[%add3A_426] : memref<320000xi32, #tpu.memory_space<hbm>> -> memref<128xi32, #tpu.memory_space<hbm>>
        %dma_wait3A_460 = arith.constant 0 : i32
        %dma_wait3A_461 = tpu.memref_slice %arg6[%run_scoped3A_427, %run_scoped3A_428, %dma_wait3A_460] : memref<3x2x128xi32, #tpu.memory_space<vmem>> -> memref<1x1x128xi32, #tpu.memory_space<vmem>>
        %dma_wait3A_462 = tpu.memref_squeeze %dma_wait3A_461 : memref<1x1x128xi32, #tpu.memory_space<vmem>> -> memref<128xi32, #tpu.memory_space<vmem>>
        %dma_wait3A_463 = tpu.memref_slice %arg3[%add3A_426] : memref<320000xi32, #tpu.memory_space<hbm>> -> memref<128xi32, #tpu.memory_space<hbm>>
        tpu.wait_dma2 semaphore(%run_scoped3A_447 : memref<!tpu.dma_semaphore, #tpu.memory_space<semaphore_mem>>) src(%dma_wait3A_463 : memref<128xi32, #tpu.memory_space<hbm>>) dst(%dma_wait3A_462 : memref<128xi32, #tpu.memory_space<vmem>>)
        tpu.yield
      }) : () -> ()
      %mul3A_429 = arith.constant 128 : i32
      %mul3A_430 = arith.muli %add3A_423, %mul3A_429 : i32
      %add3A_431 = arith.addi %multiple_of3A, %mul3A_430 : i32
      %run_scoped3A_432 = arith.constant 2 : i32
      %run_scoped3A_433 = arith.constant 1 : i32
      "tpu.region"() ({
        %run_scoped3A_447 = tpu.sem_alloc : memref<!tpu.dma_semaphore, #tpu.memory_space<semaphore_mem>>
        %dma_start3A_448 = arith.constant 0 : i32
        %dma_start3A_449 = tpu.memref_slice %arg6[%run_scoped3A_432, %run_scoped3A_433, %dma_start3A_448] : memref<3x2x128xi32, #tpu.memory_space<vmem>> -> memref<1x1x128xi32, #tpu.memory_space<vmem>>
        %dma_start3A_450 = tpu.memref_squeeze %dma_start3A_449 : memref<1x1x128xi32, #tpu.memory_space<vmem>> -> memref<128xi32, #tpu.memory_space<vmem>>
        %dma_start3A_451 = tpu.memref_slice %arg4[%add3A_431] : memref<320000xi32, #tpu.memory_space<hbm>> -> memref<128xi32, #tpu.memory_space<hbm>>
        %dma_start3A_452 = arith.constant 0 : i32
        %dma_start3A_453 = tpu.memref_slice %arg6[%run_scoped3A_432, %run_scoped3A_433, %dma_start3A_452] : memref<3x2x128xi32, #tpu.memory_space<vmem>> -> memref<1x1x128xi32, #tpu.memory_space<vmem>>
        %dma_start3A_454 = tpu.memref_squeeze %dma_start3A_453 : memref<1x1x128xi32, #tpu.memory_space<vmem>> -> memref<128xi32, #tpu.memory_space<vmem>>
        %dma_start3A_455 = tpu.memref_slice %arg4[%add3A_431] : memref<320000xi32, #tpu.memory_space<hbm>> -> memref<128xi32, #tpu.memory_space<hbm>>
        tpu.enqueue_dma source(%dma_start3A_455 : memref<128xi32, #tpu.memory_space<hbm>>) target(%dma_start3A_454 : memref<128xi32, #tpu.memory_space<vmem>>) target_semaphore(%run_scoped3A_447 : memref<!tpu.dma_semaphore, #tpu.memory_space<semaphore_mem>>)
        %dma_wait3A_456 = arith.constant 0 : i32
        %dma_wait3A_457 = tpu.memref_slice %arg6[%run_scoped3A_432, %run_scoped3A_433, %dma_wait3A_456] : memref<3x2x128xi32, #tpu.memory_space<vmem>> -> memref<1x1x128xi32, #tpu.memory_space<vmem>>
        %dma_wait3A_458 = tpu.memref_squeeze %dma_wait3A_457 : memref<1x1x128xi32, #tpu.memory_space<vmem>> -> memref<128xi32, #tpu.memory_space<vmem>>
        %dma_wait3A_459 = tpu.memref_slice %arg4[%add3A_431] : memref<320000xi32, #tpu.memory_space<hbm>> -> memref<128xi32, #tpu.memory_space<hbm>>
        %dma_wait3A_460 = arith.constant 0 : i32
        %dma_wait3A_461 = tpu.memref_slice %arg6[%run_scoped3A_432, %run_scoped3A_433, %dma_wait3A_460] : memref<3x2x128xi32, #tpu.memory_space<vmem>> -> memref<1x1x128xi32, #tpu.memory_space<vmem>>
        %dma_wait3A_462 = tpu.memref_squeeze %dma_wait3A_461 : memref<1x1x128xi32, #tpu.memory_space<vmem>> -> memref<128xi32, #tpu.memory_space<vmem>>
        %dma_wait3A_463 = tpu.memref_slice %arg4[%add3A_431] : memref<320000xi32, #tpu.memory_space<hbm>> -> memref<128xi32, #tpu.memory_space<hbm>>
        tpu.wait_dma2 semaphore(%run_scoped3A_447 : memref<!tpu.dma_semaphore, #tpu.memory_space<semaphore_mem>>) src(%dma_wait3A_463 : memref<128xi32, #tpu.memory_space<hbm>>) dst(%dma_wait3A_462 : memref<128xi32, #tpu.memory_space<vmem>>)
        tpu.yield
      }) : () -> ()
      %dma_start3A_434 = arith.constant 2 : i32
      %dma_start3A_435 = arith.constant 0 : i32
      %dma_start3A_436 = arith.constant 2 : i32
      %dma_start3A_437 = arith.constant 0 : i32
      %dma_start3A_438 = arith.constant 0 : i32
      %dma_start3A_439 = tpu.memref_slice %arg8[%dma_start3A_436, %dma_start3A_437, %dma_start3A_438] : memref<3x128x128xf32, #tpu.memory_space<vmem>> -> memref<1x128x128xf32, #tpu.memory_space<vmem>>
      %dma_start3A_440 = tpu.memref_squeeze %dma_start3A_439 : memref<1x128x128xf32, #tpu.memory_space<vmem>> -> memref<128x128xf32, #tpu.memory_space<vmem>>
      %dma_start3A_441 = arith.constant 0 : i32
      %dma_start3A_442 = tpu.memref_slice %arg6[%dma_start3A_434, %dma_start3A_435, %dma_start3A_441] : memref<3x2x128xi32, #tpu.memory_space<vmem>> -> memref<1x1x128xi32, #tpu.memory_space<vmem>>
      %dma_start3A_443 = tpu.memref_squeeze %dma_start3A_442 : memref<1x1x128xi32, #tpu.memory_space<vmem>> -> memref<128xi32, #tpu.memory_space<vmem>>
      %dma_start3A_444 = arith.constant 0 : i32
      %dma_start3A_445 = arith.constant 0 : i32
      %dma_start3A_446 = tpu.memref_slice %arg2[%dma_start3A_444, %dma_start3A_445] : memref<10000x128xf32, #tpu.memory_space<hbm>> -> memref<10000x128xf32, #tpu.memory_space<hbm>>
      tpu.enqueue_indirect_dma source(%dma_start3A_446 : memref<10000x128xf32, #tpu.memory_space<hbm>>) target(%dma_start3A_440 : memref<128x128xf32, #tpu.memory_space<vmem>>) offsets(%dma_start3A_443 : memref<128xi32, #tpu.memory_space<vmem>>) semaphore(%arg12 : memref<!tpu.dma_semaphore, #tpu.memory_space<semaphore_mem>>)
    }
    %scan3A_115 = arith.constant 25 : i32
    %dma_wait3A_116 = arith.constant 1 : i32
    %dma_wait3A_117 = arith.constant 0 : i32
    %dma_wait3A_118 = arith.constant 1 : i32
    %dma_wait3A_119 = arith.constant 0 : i32
    %dma_wait3A_120 = arith.constant 0 : i32
    %dma_wait3A_121 = tpu.memref_slice %arg8[%dma_wait3A_118, %dma_wait3A_119, %dma_wait3A_120] : memref<3x128x128xf32, #tpu.memory_space<vmem>> -> memref<1x128x128xf32, #tpu.memory_space<vmem>>
    %dma_wait3A_122 = tpu.memref_squeeze %dma_wait3A_121 : memref<1x128x128xf32, #tpu.memory_space<vmem>> -> memref<128x128xf32, #tpu.memory_space<vmem>>
    %dma_wait3A_123 = arith.constant 0 : i32
    %dma_wait3A_124 = tpu.memref_slice %arg6[%dma_wait3A_116, %dma_wait3A_117, %dma_wait3A_123] : memref<3x2x128xi32, #tpu.memory_space<vmem>> -> memref<1x1x128xi32, #tpu.memory_space<vmem>>
    %dma_wait3A_125 = tpu.memref_squeeze %dma_wait3A_124 : memref<1x1x128xi32, #tpu.memory_space<vmem>> -> memref<128xi32, #tpu.memory_space<vmem>>
    %dma_wait3A_126 = arith.constant 0 : i32
    %dma_wait3A_127 = arith.constant 0 : i32
    %dma_wait3A_128 = tpu.memref_slice %arg2[%dma_wait3A_126, %dma_wait3A_127] : memref<10000x128xf32, #tpu.memory_space<hbm>> -> memref<10000x128xf32, #tpu.memory_space<hbm>>
    tpu.wait_indirect_dma semaphore(%arg11 : memref<!tpu.dma_semaphore, #tpu.memory_space<semaphore_mem>>) src(%dma_wait3A_128 : memref<10000x128xf32, #tpu.memory_space<hbm>>) dst(%dma_wait3A_122 : memref<128x128xf32, #tpu.memory_space<vmem>>)
    %dma_start3A_129 = arith.constant 1 : i32
    %dma_start3A_130 = arith.constant 1 : i32
    %dma_start3A_131 = arith.constant 1 : i32
    %dma_start3A_132 = arith.constant 0 : i32
    %dma_start3A_133 = arith.constant 0 : i32
    %dma_start3A_134 = tpu.memref_slice %arg8[%dma_start3A_129, %dma_start3A_132, %dma_start3A_133] : memref<3x128x128xf32, #tpu.memory_space<vmem>> -> memref<1x128x128xf32, #tpu.memory_space<vmem>>
    %dma_start3A_135 = tpu.memref_squeeze %dma_start3A_134 : memref<1x128x128xf32, #tpu.memory_space<vmem>> -> memref<128x128xf32, #tpu.memory_space<vmem>>
    %dma_start3A_136 = arith.constant 0 : i32
    %dma_start3A_137 = tpu.memref_slice %arg6[%dma_start3A_130, %dma_start3A_131, %dma_start3A_136] : memref<3x2x128xi32, #tpu.memory_space<vmem>> -> memref<1x1x128xi32, #tpu.memory_space<vmem>>
    %dma_start3A_138 = tpu.memref_squeeze %dma_start3A_137 : memref<1x1x128xi32, #tpu.memory_space<vmem>> -> memref<128xi32, #tpu.memory_space<vmem>>
    %dma_start3A_139 = arith.constant 0 : i32
    %dma_start3A_140 = arith.constant 0 : i32
    %dma_start3A_141 = tpu.memref_slice %arg9[%dma_start3A_139, %dma_start3A_140] : memref<10112x128xf32, #tpu.memory_space<vmem_shared>> -> memref<10112x128xf32, #tpu.memory_space<vmem_shared>>
    tpu.enqueue_indirect_dma source(%dma_start3A_135 : memref<128x128xf32, #tpu.memory_space<vmem>>) target(%dma_start3A_141 : memref<10112x128xf32, #tpu.memory_space<vmem_shared>>) offsets(%dma_start3A_138 : memref<128xi32, #tpu.memory_space<vmem>>) semaphore(%arg14 : memref<!tpu.dma_semaphore, #tpu.memory_space<semaphore_mem>>) {add = true}
    %dma_wait3A_142 = arith.constant 2 : i32
    %dma_wait3A_143 = arith.constant 0 : i32
    %dma_wait3A_144 = arith.constant 2 : i32
    %dma_wait3A_145 = arith.constant 0 : i32
    %dma_wait3A_146 = arith.constant 0 : i32
    %dma_wait3A_147 = tpu.memref_slice %arg8[%dma_wait3A_144, %dma_wait3A_145, %dma_wait3A_146] : memref<3x128x128xf32, #tpu.memory_space<vmem>> -> memref<1x128x128xf32, #tpu.memory_space<vmem>>
    %dma_wait3A_148 = tpu.memref_squeeze %dma_wait3A_147 : memref<1x128x128xf32, #tpu.memory_space<vmem>> -> memref<128x128xf32, #tpu.memory_space<vmem>>
    %dma_wait3A_149 = arith.constant 0 : i32
    %dma_wait3A_150 = tpu.memref_slice %arg6[%dma_wait3A_142, %dma_wait3A_143, %dma_wait3A_149] : memref<3x2x128xi32, #tpu.memory_space<vmem>> -> memref<1x1x128xi32, #tpu.memory_space<vmem>>
    %dma_wait3A_151 = tpu.memref_squeeze %dma_wait3A_150 : memref<1x1x128xi32, #tpu.memory_space<vmem>> -> memref<128xi32, #tpu.memory_space<vmem>>
    %dma_wait3A_152 = arith.constant 0 : i32
    %dma_wait3A_153 = arith.constant 0 : i32
    %dma_wait3A_154 = tpu.memref_slice %arg2[%dma_wait3A_152, %dma_wait3A_153] : memref<10000x128xf32, #tpu.memory_space<hbm>> -> memref<10000x128xf32, #tpu.memory_space<hbm>>
    tpu.wait_indirect_dma semaphore(%arg12 : memref<!tpu.dma_semaphore, #tpu.memory_space<semaphore_mem>>) src(%dma_wait3A_154 : memref<10000x128xf32, #tpu.memory_space<hbm>>) dst(%dma_wait3A_148 : memref<128x128xf32, #tpu.memory_space<vmem>>)
    %dma_start3A_155 = arith.constant 2 : i32
    %dma_start3A_156 = arith.constant 2 : i32
    %dma_start3A_157 = arith.constant 1 : i32
    %dma_start3A_158 = arith.constant 0 : i32
    %dma_start3A_159 = arith.constant 0 : i32
    %dma_start3A_160 = tpu.memref_slice %arg8[%dma_start3A_155, %dma_start3A_158, %dma_start3A_159] : memref<3x128x128xf32, #tpu.memory_space<vmem>> -> memref<1x128x128xf32, #tpu.memory_space<vmem>>
    %dma_start3A_161 = tpu.memref_squeeze %dma_start3A_160 : memref<1x128x128xf32, #tpu.memory_space<vmem>> -> memref<128x128xf32, #tpu.memory_space<vmem>>
    %dma_start3A_162 = arith.constant 0 : i32
    %dma_start3A_163 = tpu.memref_slice %arg6[%dma_start3A_156, %dma_start3A_157, %dma_start3A_162] : memref<3x2x128xi32, #tpu.memory_space<vmem>> -> memref<1x1x128xi32, #tpu.memory_space<vmem>>
    %dma_start3A_164 = tpu.memref_squeeze %dma_start3A_163 : memref<1x1x128xi32, #tpu.memory_space<vmem>> -> memref<128xi32, #tpu.memory_space<vmem>>
    %dma_start3A_165 = arith.constant 0 : i32
    %dma_start3A_166 = arith.constant 0 : i32
    %dma_start3A_167 = tpu.memref_slice %arg9[%dma_start3A_165, %dma_start3A_166] : memref<10112x128xf32, #tpu.memory_space<vmem_shared>> -> memref<10112x128xf32, #tpu.memory_space<vmem_shared>>
    tpu.enqueue_indirect_dma source(%dma_start3A_161 : memref<128x128xf32, #tpu.memory_space<vmem>>) target(%dma_start3A_167 : memref<10112x128xf32, #tpu.memory_space<vmem_shared>>) offsets(%dma_start3A_164 : memref<128xi32, #tpu.memory_space<vmem>>) semaphore(%arg15 : memref<!tpu.dma_semaphore, #tpu.memory_space<semaphore_mem>>) {add = true}
    %dma_wait3A_168 = arith.constant 0 : i32
    %dma_wait3A_169 = arith.constant 0 : i32
    %dma_wait3A_170 = arith.constant 1 : i32
    %dma_wait3A_171 = arith.constant 0 : i32
    %dma_wait3A_172 = arith.constant 0 : i32
    %dma_wait3A_173 = tpu.memref_slice %arg8[%dma_wait3A_168, %dma_wait3A_171, %dma_wait3A_172] : memref<3x128x128xf32, #tpu.memory_space<vmem>> -> memref<1x128x128xf32, #tpu.memory_space<vmem>>
    %dma_wait3A_174 = tpu.memref_squeeze %dma_wait3A_173 : memref<1x128x128xf32, #tpu.memory_space<vmem>> -> memref<128x128xf32, #tpu.memory_space<vmem>>
    %dma_wait3A_175 = arith.constant 0 : i32
    %dma_wait3A_176 = tpu.memref_slice %arg6[%dma_wait3A_169, %dma_wait3A_170, %dma_wait3A_175] : memref<3x2x128xi32, #tpu.memory_space<vmem>> -> memref<1x1x128xi32, #tpu.memory_space<vmem>>
    %dma_wait3A_177 = tpu.memref_squeeze %dma_wait3A_176 : memref<1x1x128xi32, #tpu.memory_space<vmem>> -> memref<128xi32, #tpu.memory_space<vmem>>
    %dma_wait3A_178 = arith.constant 0 : i32
    %dma_wait3A_179 = arith.constant 0 : i32
    %dma_wait3A_180 = tpu.memref_slice %arg9[%dma_wait3A_178, %dma_wait3A_179] : memref<10112x128xf32, #tpu.memory_space<vmem_shared>> -> memref<10112x128xf32, #tpu.memory_space<vmem_shared>>
    tpu.wait_indirect_dma semaphore(%arg13 : memref<!tpu.dma_semaphore, #tpu.memory_space<semaphore_mem>>) src(%dma_wait3A_174 : memref<128x128xf32, #tpu.memory_space<vmem>>) dst(%dma_wait3A_180 : memref<10112x128xf32, #tpu.memory_space<vmem_shared>>)
    %dma_wait3A_181 = arith.constant 1 : i32
    %dma_wait3A_182 = arith.constant 1 : i32
    %dma_wait3A_183 = arith.constant 1 : i32
    %dma_wait3A_184 = arith.constant 0 : i32
    %dma_wait3A_185 = arith.constant 0 : i32
    %dma_wait3A_186 = tpu.memref_slice %arg8[%dma_wait3A_181, %dma_wait3A_184, %dma_wait3A_185] : memref<3x128x128xf32, #tpu.memory_space<vmem>> -> memref<1x128x128xf32, #tpu.memory_space<vmem>>
    %dma_wait3A_187 = tpu.memref_squeeze %dma_wait3A_186 : memref<1x128x128xf32, #tpu.memory_space<vmem>> -> memref<128x128xf32, #tpu.memory_space<vmem>>
    %dma_wait3A_188 = arith.constant 0 : i32
    %dma_wait3A_189 = tpu.memref_slice %arg6[%dma_wait3A_182, %dma_wait3A_183, %dma_wait3A_188] : memref<3x2x128xi32, #tpu.memory_space<vmem>> -> memref<1x1x128xi32, #tpu.memory_space<vmem>>
    %dma_wait3A_190 = tpu.memref_squeeze %dma_wait3A_189 : memref<1x1x128xi32, #tpu.memory_space<vmem>> -> memref<128xi32, #tpu.memory_space<vmem>>
    %dma_wait3A_191 = arith.constant 0 : i32
    %dma_wait3A_192 = arith.constant 0 : i32
    %dma_wait3A_193 = tpu.memref_slice %arg9[%dma_wait3A_191, %dma_wait3A_192] : memref<10112x128xf32, #tpu.memory_space<vmem_shared>> -> memref<10112x128xf32, #tpu.memory_space<vmem_shared>>
    tpu.wait_indirect_dma semaphore(%arg14 : memref<!tpu.dma_semaphore, #tpu.memory_space<semaphore_mem>>) src(%dma_wait3A_187 : memref<128x128xf32, #tpu.memory_space<vmem>>) dst(%dma_wait3A_193 : memref<10112x128xf32, #tpu.memory_space<vmem_shared>>)
    %dma_wait3A_194 = arith.constant 2 : i32
    %dma_wait3A_195 = arith.constant 2 : i32
    %dma_wait3A_196 = arith.constant 1 : i32
    %dma_wait3A_197 = arith.constant 0 : i32
    %dma_wait3A_198 = arith.constant 0 : i32
    %dma_wait3A_199 = tpu.memref_slice %arg8[%dma_wait3A_194, %dma_wait3A_197, %dma_wait3A_198] : memref<3x128x128xf32, #tpu.memory_space<vmem>> -> memref<1x128x128xf32, #tpu.memory_space<vmem>>
    %dma_wait3A_200 = tpu.memref_squeeze %dma_wait3A_199 : memref<1x128x128xf32, #tpu.memory_space<vmem>> -> memref<128x128xf32, #tpu.memory_space<vmem>>
    %dma_wait3A_201 = arith.constant 0 : i32
    %dma_wait3A_202 = tpu.memref_slice %arg6[%dma_wait3A_195, %dma_wait3A_196, %dma_wait3A_201] : memref<3x2x128xi32, #tpu.memory_space<vmem>> -> memref<1x1x128xi32, #tpu.memory_space<vmem>>
    %dma_wait3A_203 = tpu.memref_squeeze %dma_wait3A_202 : memref<1x1x128xi32, #tpu.memory_space<vmem>> -> memref<128xi32, #tpu.memory_space<vmem>>
    %dma_wait3A_204 = arith.constant 0 : i32
    %dma_wait3A_205 = arith.constant 0 : i32
    %dma_wait3A_206 = tpu.memref_slice %arg9[%dma_wait3A_204, %dma_wait3A_205] : memref<10112x128xf32, #tpu.memory_space<vmem_shared>> -> memref<10112x128xf32, #tpu.memory_space<vmem_shared>>
    tpu.wait_indirect_dma semaphore(%arg15 : memref<!tpu.dma_semaphore, #tpu.memory_space<semaphore_mem>>) src(%dma_wait3A_200 : memref<128x128xf32, #tpu.memory_space<vmem>>) dst(%dma_wait3A_206 : memref<10112x128xf32, #tpu.memory_space<vmem_shared>>)
    %add3A_207 = arith.constant 9984 : i32
    %add3A_208 = arith.addi %multiple_of3A, %add3A_207 : i32
    %run_scoped3A_209 = arith.constant 0 : i32
    "tpu.region"() ({
      %run_scoped3A_244 = tpu.sem_alloc : memref<!tpu.dma_semaphore, #tpu.memory_space<semaphore_mem>>
      %dma_start3A_245 = arith.constant 0 : i32
      %dma_start3A_246 = tpu.memref_slice %arg7[%run_scoped3A_209, %dma_start3A_245] : memref<2x16xi32, #tpu.memory_space<vmem>> -> memref<1x16xi32, #tpu.memory_space<vmem>>
      %dma_start3A_247 = tpu.memref_squeeze %dma_start3A_246 : memref<1x16xi32, #tpu.memory_space<vmem>> -> memref<16xi32, #tpu.memory_space<vmem>>
      %dma_start3A_248 = tpu.memref_slice %arg3[%add3A_208] : memref<320000xi32, #tpu.memory_space<hbm>> -> memref<16xi32, #tpu.memory_space<hbm>>
      %dma_start3A_249 = arith.constant 0 : i32
      %dma_start3A_250 = tpu.memref_slice %arg7[%run_scoped3A_209, %dma_start3A_249] : memref<2x16xi32, #tpu.memory_space<vmem>> -> memref<1x16xi32, #tpu.memory_space<vmem>>
      %dma_start3A_251 = tpu.memref_squeeze %dma_start3A_250 : memref<1x16xi32, #tpu.memory_space<vmem>> -> memref<16xi32, #tpu.memory_space<vmem>>
      %dma_start3A_252 = tpu.memref_slice %arg3[%add3A_208] : memref<320000xi32, #tpu.memory_space<hbm>> -> memref<16xi32, #tpu.memory_space<hbm>>
      tpu.enqueue_dma source(%dma_start3A_252 : memref<16xi32, #tpu.memory_space<hbm>>) target(%dma_start3A_251 : memref<16xi32, #tpu.memory_space<vmem>>) target_semaphore(%run_scoped3A_244 : memref<!tpu.dma_semaphore, #tpu.memory_space<semaphore_mem>>)
      %dma_wait3A_253 = arith.constant 0 : i32
      %dma_wait3A_254 = tpu.memref_slice %arg7[%run_scoped3A_209, %dma_wait3A_253] : memref<2x16xi32, #tpu.memory_space<vmem>> -> memref<1x16xi32, #tpu.memory_space<vmem>>
      %dma_wait3A_255 = tpu.memref_squeeze %dma_wait3A_254 : memref<1x16xi32, #tpu.memory_space<vmem>> -> memref<16xi32, #tpu.memory_space<vmem>>
      %dma_wait3A_256 = tpu.memref_slice %arg3[%add3A_208] : memref<320000xi32, #tpu.memory_space<hbm>> -> memref<16xi32, #tpu.memory_space<hbm>>
      %dma_wait3A_257 = arith.constant 0 : i32
      %dma_wait3A_258 = tpu.memref_slice %arg7[%run_scoped3A_209, %dma_wait3A_257] : memref<2x16xi32, #tpu.memory_space<vmem>> -> memref<1x16xi32, #tpu.memory_space<vmem>>
      %dma_wait3A_259 = tpu.memref_squeeze %dma_wait3A_258 : memref<1x16xi32, #tpu.memory_space<vmem>> -> memref<16xi32, #tpu.memory_space<vmem>>
      %dma_wait3A_260 = tpu.memref_slice %arg3[%add3A_208] : memref<320000xi32, #tpu.memory_space<hbm>> -> memref<16xi32, #tpu.memory_space<hbm>>
      tpu.wait_dma2 semaphore(%run_scoped3A_244 : memref<!tpu.dma_semaphore, #tpu.memory_space<semaphore_mem>>) src(%dma_wait3A_260 : memref<16xi32, #tpu.memory_space<hbm>>) dst(%dma_wait3A_259 : memref<16xi32, #tpu.memory_space<vmem>>)
      tpu.yield
    }) : () -> ()
    %add3A_210 = arith.constant 9984 : i32
    %add3A_211 = arith.addi %multiple_of3A, %add3A_210 : i32
    %run_scoped3A_212 = arith.constant 1 : i32
    "tpu.region"() ({
      %run_scoped3A_244 = tpu.sem_alloc : memref<!tpu.dma_semaphore, #tpu.memory_space<semaphore_mem>>
      %dma_start3A_245 = arith.constant 0 : i32
      %dma_start3A_246 = tpu.memref_slice %arg7[%run_scoped3A_212, %dma_start3A_245] : memref<2x16xi32, #tpu.memory_space<vmem>> -> memref<1x16xi32, #tpu.memory_space<vmem>>
      %dma_start3A_247 = tpu.memref_squeeze %dma_start3A_246 : memref<1x16xi32, #tpu.memory_space<vmem>> -> memref<16xi32, #tpu.memory_space<vmem>>
      %dma_start3A_248 = tpu.memref_slice %arg4[%add3A_211] : memref<320000xi32, #tpu.memory_space<hbm>> -> memref<16xi32, #tpu.memory_space<hbm>>
      %dma_start3A_249 = arith.constant 0 : i32
      %dma_start3A_250 = tpu.memref_slice %arg7[%run_scoped3A_212, %dma_start3A_249] : memref<2x16xi32, #tpu.memory_space<vmem>> -> memref<1x16xi32, #tpu.memory_space<vmem>>
      %dma_start3A_251 = tpu.memref_squeeze %dma_start3A_250 : memref<1x16xi32, #tpu.memory_space<vmem>> -> memref<16xi32, #tpu.memory_space<vmem>>
      %dma_start3A_252 = tpu.memref_slice %arg4[%add3A_211] : memref<320000xi32, #tpu.memory_space<hbm>> -> memref<16xi32, #tpu.memory_space<hbm>>
      tpu.enqueue_dma source(%dma_start3A_252 : memref<16xi32, #tpu.memory_space<hbm>>) target(%dma_start3A_251 : memref<16xi32, #tpu.memory_space<vmem>>) target_semaphore(%run_scoped3A_244 : memref<!tpu.dma_semaphore, #tpu.memory_space<semaphore_mem>>)
      %dma_wait3A_253 = arith.constant 0 : i32
      %dma_wait3A_254 = tpu.memref_slice %arg7[%run_scoped3A_212, %dma_wait3A_253] : memref<2x16xi32, #tpu.memory_space<vmem>> -> memref<1x16xi32, #tpu.memory_space<vmem>>
      %dma_wait3A_255 = tpu.memref_squeeze %dma_wait3A_254 : memref<1x16xi32, #tpu.memory_space<vmem>> -> memref<16xi32, #tpu.memory_space<vmem>>
      %dma_wait3A_256 = tpu.memref_slice %arg4[%add3A_211] : memref<320000xi32, #tpu.memory_space<hbm>> -> memref<16xi32, #tpu.memory_space<hbm>>
      %dma_wait3A_257 = arith.constant 0 : i32
      %dma_wait3A_258 = tpu.memref_slice %arg7[%run_scoped3A_212, %dma_wait3A_257] : memref<2x16xi32, #tpu.memory_space<vmem>> -> memref<1x16xi32, #tpu.memory_space<vmem>>
      %dma_wait3A_259 = tpu.memref_squeeze %dma_wait3A_258 : memref<1x16xi32, #tpu.memory_space<vmem>> -> memref<16xi32, #tpu.memory_space<vmem>>
      %dma_wait3A_260 = tpu.memref_slice %arg4[%add3A_211] : memref<320000xi32, #tpu.memory_space<hbm>> -> memref<16xi32, #tpu.memory_space<hbm>>
      tpu.wait_dma2 semaphore(%run_scoped3A_244 : memref<!tpu.dma_semaphore, #tpu.memory_space<semaphore_mem>>) src(%dma_wait3A_260 : memref<16xi32, #tpu.memory_space<hbm>>) dst(%dma_wait3A_259 : memref<16xi32, #tpu.memory_space<vmem>>)
      tpu.yield
    }) : () -> ()
    %dma_start3A_213 = arith.constant 0 : i32
    %dma_start3A_214 = arith.constant 0 : i32
    %dma_start3A_215 = arith.constant 0 : i32
    %dma_start3A_216 = arith.constant 0 : i32
    %dma_start3A_217 = tpu.memref_slice %arg8[%dma_start3A_214, %dma_start3A_215, %dma_start3A_216] : memref<3x128x128xf32, #tpu.memory_space<vmem>> -> memref<1x16x128xf32, #tpu.memory_space<vmem>>
    %dma_start3A_218 = tpu.memref_squeeze %dma_start3A_217 : memref<1x16x128xf32, #tpu.memory_space<vmem>> -> memref<16x128xf32, #tpu.memory_space<vmem>>
    %dma_start3A_219 = arith.constant 0 : i32
    %dma_start3A_220 = tpu.memref_slice %arg7[%dma_start3A_213, %dma_start3A_219] : memref<2x16xi32, #tpu.memory_space<vmem>> -> memref<1x16xi32, #tpu.memory_space<vmem>>
    %dma_start3A_221 = tpu.memref_squeeze %dma_start3A_220 : memref<1x16xi32, #tpu.memory_space<vmem>> -> memref<16xi32, #tpu.memory_space<vmem>>
    %dma_start3A_222 = arith.constant 0 : i32
    %dma_start3A_223 = arith.constant 0 : i32
    %dma_start3A_224 = tpu.memref_slice %arg2[%dma_start3A_222, %dma_start3A_223] : memref<10000x128xf32, #tpu.memory_space<hbm>> -> memref<10000x128xf32, #tpu.memory_space<hbm>>
    tpu.enqueue_indirect_dma source(%dma_start3A_224 : memref<10000x128xf32, #tpu.memory_space<hbm>>) target(%dma_start3A_218 : memref<16x128xf32, #tpu.memory_space<vmem>>) offsets(%dma_start3A_221 : memref<16xi32, #tpu.memory_space<vmem>>) semaphore(%arg10 : memref<!tpu.dma_semaphore, #tpu.memory_space<semaphore_mem>>)
    %dma_wait3A_225 = arith.constant 0 : i32
    %dma_wait3A_226 = arith.constant 0 : i32
    %dma_wait3A_227 = arith.constant 0 : i32
    %dma_wait3A_228 = arith.constant 0 : i32
    %dma_wait3A_229 = tpu.memref_slice %arg8[%dma_wait3A_226, %dma_wait3A_227, %dma_wait3A_228] : memref<3x128x128xf32, #tpu.memory_space<vmem>> -> memref<1x16x128xf32, #tpu.memory_space<vmem>>
    %dma_wait3A_230 = tpu.memref_squeeze %dma_wait3A_229 : memref<1x16x128xf32, #tpu.memory_space<vmem>> -> memref<16x128xf32, #tpu.memory_space<vmem>>
    %dma_wait3A_231 = arith.constant 0 : i32
    %dma_wait3A_232 = tpu.memref_slice %arg7[%dma_wait3A_225, %dma_wait3A_231] : memref<2x16xi32, #tpu.memory_space<vmem>> -> memref<1x16xi32, #tpu.memory_space<vmem>>
    %dma_wait3A_233 = tpu.memref_squeeze %dma_wait3A_232 : memref<1x16xi32, #tpu.memory_space<vmem>> -> memref<16xi32, #tpu.memory_space<vmem>>
    %dma_wait3A_234 = arith.constant 0 : i32
    %dma_wait3A_235 = arith.constant 0 : i32
    %dma_wait3A_236 = tpu.memref_slice %arg2[%dma_wait3A_234, %dma_wait3A_235] : memref<10000x128xf32, #tpu.memory_space<hbm>> -> memref<10000x128xf32, #tpu.memory_space<hbm>>
    tpu.wait_indirect_dma semaphore(%arg10 : memref<!tpu.dma_semaphore, #tpu.memory_space<semaphore_mem>>) src(%dma_wait3A_236 : memref<10000x128xf32, #tpu.memory_space<hbm>>) dst(%dma_wait3A_230 : memref<16x128xf32, #tpu.memory_space<vmem>>)
    %run_scoped3A_237 = arith.constant 0 : i32
    %run_scoped3A_238 = arith.constant 1 : i32
    "tpu.region"() ({
      %run_scoped3A_244 = tpu.sem_alloc : memref<!tpu.dma_semaphore, #tpu.memory_space<semaphore_mem>>
      %dma_start3A_245 = arith.constant 0 : i32
      %dma_start3A_246 = arith.constant 0 : i32
      %dma_start3A_247 = tpu.memref_slice %arg8[%run_scoped3A_237, %dma_start3A_245, %dma_start3A_246] : memref<3x128x128xf32, #tpu.memory_space<vmem>> -> memref<1x16x128xf32, #tpu.memory_space<vmem>>
      %dma_start3A_248 = tpu.memref_squeeze %dma_start3A_247 : memref<1x16x128xf32, #tpu.memory_space<vmem>> -> memref<16x128xf32, #tpu.memory_space<vmem>>
      %dma_start3A_249 = arith.constant 0 : i32
      %dma_start3A_250 = tpu.memref_slice %arg7[%run_scoped3A_238, %dma_start3A_249] : memref<2x16xi32, #tpu.memory_space<vmem>> -> memref<1x16xi32, #tpu.memory_space<vmem>>
      %dma_start3A_251 = tpu.memref_squeeze %dma_start3A_250 : memref<1x16xi32, #tpu.memory_space<vmem>> -> memref<16xi32, #tpu.memory_space<vmem>>
      %dma_start3A_252 = arith.constant 0 : i32
      %dma_start3A_253 = arith.constant 0 : i32
      %dma_start3A_254 = tpu.memref_slice %arg9[%dma_start3A_252, %dma_start3A_253] : memref<10112x128xf32, #tpu.memory_space<vmem_shared>> -> memref<10112x128xf32, #tpu.memory_space<vmem_shared>>
      tpu.enqueue_indirect_dma source(%dma_start3A_248 : memref<16x128xf32, #tpu.memory_space<vmem>>) target(%dma_start3A_254 : memref<10112x128xf32, #tpu.memory_space<vmem_shared>>) offsets(%dma_start3A_251 : memref<16xi32, #tpu.memory_space<vmem>>) semaphore(%run_scoped3A_244 : memref<!tpu.dma_semaphore, #tpu.memory_space<semaphore_mem>>) {add = true}
      %dma_wait3A_255 = arith.constant 0 : i32
      %dma_wait3A_256 = arith.constant 0 : i32
      %dma_wait3A_257 = tpu.memref_slice %arg8[%run_scoped3A_237, %dma_wait3A_255, %dma_wait3A_256] : memref<3x128x128xf32, #tpu.memory_space<vmem>> -> memref<1x16x128xf32, #tpu.memory_space<vmem>>
      %dma_wait3A_258 = tpu.memref_squeeze %dma_wait3A_257 : memref<1x16x128xf32, #tpu.memory_space<vmem>> -> memref<16x128xf32, #tpu.memory_space<vmem>>
      %dma_wait3A_259 = arith.constant 0 : i32
      %dma_wait3A_260 = tpu.memref_slice %arg7[%run_scoped3A_238, %dma_wait3A_259] : memref<2x16xi32, #tpu.memory_space<vmem>> -> memref<1x16xi32, #tpu.memory_space<vmem>>
      %dma_wait3A_261 = tpu.memref_squeeze %dma_wait3A_260 : memref<1x16xi32, #tpu.memory_space<vmem>> -> memref<16xi32, #tpu.memory_space<vmem>>
      %dma_wait3A_262 = arith.constant 0 : i32
      %dma_wait3A_263 = arith.constant 0 : i32
      %dma_wait3A_264 = tpu.memref_slice %arg9[%dma_wait3A_262, %dma_wait3A_263] : memref<10112x128xf32, #tpu.memory_space<vmem_shared>> -> memref<10112x128xf32, #tpu.memory_space<vmem_shared>>
      tpu.wait_indirect_dma semaphore(%run_scoped3A_244 : memref<!tpu.dma_semaphore, #tpu.memory_space<semaphore_mem>>) src(%dma_wait3A_258 : memref<16x128xf32, #tpu.memory_space<vmem>>) dst(%dma_wait3A_264 : memref<10112x128xf32, #tpu.memory_space<vmem_shared>>)
      tpu.yield
    }) : () -> ()
    %barrier3A_239 = arith.constant 0 : index
    tpu.barrier barrier_id(%barrier3A_239)
    %mul3A_240 = arith.constant 632 : i32
    %mul3A_241 = arith.muli %arg1, %mul3A_240 : i32
    %mul3A_242 = arith.constant 632 : i32
    %mul3A_243 = arith.muli %arg1, %mul3A_242 : i32
    "tpu.region"() ({
      %run_scoped3A_244 = tpu.sem_alloc : memref<!tpu.dma_semaphore, #tpu.memory_space<semaphore_mem>>
      %dma_start3A_245 = arith.constant 0 : i32
      %dma_start3A_246 = tpu.memref_slice %arg5[%arg0, %mul3A_243, %dma_start3A_245] : memref<2x10112x128xf32, #tpu.memory_space<hbm>> -> memref<1x632x128xf32, #tpu.memory_space<hbm>>
      %dma_start3A_247 = tpu.memref_squeeze %dma_start3A_246 : memref<1x632x128xf32, #tpu.memory_space<hbm>> -> memref<632x128xf32, #tpu.memory_space<hbm>>
      %dma_start3A_248 = arith.constant 0 : i32
      %dma_start3A_249 = tpu.memref_slice %arg9[%mul3A_241, %dma_start3A_248] : memref<10112x128xf32, #tpu.memory_space<vmem_shared>> -> memref<632x128xf32, #tpu.memory_space<vmem_shared>>
      tpu.enqueue_dma source(%dma_start3A_249 : memref<632x128xf32, #tpu.memory_space<vmem_shared>>) target(%dma_start3A_247 : memref<632x128xf32, #tpu.memory_space<hbm>>) target_semaphore(%run_scoped3A_244 : memref<!tpu.dma_semaphore, #tpu.memory_space<semaphore_mem>>)
      %dma_wait3A_250 = arith.constant 0 : i32
      %dma_wait3A_251 = tpu.memref_slice %arg5[%arg0, %mul3A_243, %dma_wait3A_250] : memref<2x10112x128xf32, #tpu.memory_space<hbm>> -> memref<1x632x128xf32, #tpu.memory_space<hbm>>
      %dma_wait3A_252 = tpu.memref_squeeze %dma_wait3A_251 : memref<1x632x128xf32, #tpu.memory_space<hbm>> -> memref<632x128xf32, #tpu.memory_space<hbm>>
      %dma_wait3A_253 = arith.constant 0 : i32
      %dma_wait3A_254 = tpu.memref_slice %arg9[%mul3A_241, %dma_wait3A_253] : memref<10112x128xf32, #tpu.memory_space<vmem_shared>> -> memref<632x128xf32, #tpu.memory_space<vmem_shared>>
      tpu.wait_dma2 semaphore(%run_scoped3A_244 : memref<!tpu.dma_semaphore, #tpu.memory_space<semaphore_mem>>) src(%dma_wait3A_254 : memref<632x128xf32, #tpu.memory_space<vmem_shared>>) dst(%dma_wait3A_252 : memref<632x128xf32, #tpu.memory_space<hbm>>)
      tpu.yield
    }) : () -> ()
    return
  }
}

#map = affine_map<(d0, d1) -> (0, 0)>
#map1 = affine_map<(d0, d1) -> (0)>
#map2 = affine_map<(d0, d1) -> (0, 0, 0)>
module attributes {stable_mosaic.version = 14 : i64} {
  func.func @_sc_msg(%arg0: i32, %arg1: i32, %arg2: memref<10000x128xf32, #tpu.memory_space<hbm>>, %arg3: memref<320000xi32, #tpu.memory_space<hbm>>, %arg4: memref<320000xi32, #tpu.memory_space<hbm>>, %arg5: memref<2x10112x128xf32, #tpu.memory_space<hbm>>, %arg6: memref<3x2x128xi32, #tpu.memory_space<vmem>>, %arg7: memref<2x16xi32, #tpu.memory_space<vmem>>, %arg8: memref<3x128x128xf32, #tpu.memory_space<vmem>>, %arg9: memref<10112x128xf32, #tpu.memory_space<vmem_shared>>, %arg10: memref<!tpu.dma_semaphore, #tpu.memory_space<semaphore_mem>>, %arg11: memref<!tpu.dma_semaphore, #tpu.memory_space<semaphore_mem>>, %arg12: memref<!tpu.dma_semaphore, #tpu.memory_space<semaphore_mem>>, %arg13: memref<!tpu.dma_semaphore, #tpu.memory_space<semaphore_mem>>, %arg14: memref<!tpu.dma_semaphore, #tpu.memory_space<semaphore_mem>>, %arg15: memref<!tpu.dma_semaphore, #tpu.memory_space<semaphore_mem>>) attributes {dimension_semantics = [#tpu.dimension_semantics<core_parallel>, #tpu.dimension_semantics<subcore_parallel>], iteration_bounds = array<i64: 2, 16>, scalar_prefetch = 0 : i64, scratch_operands = 10 : i64, tpu.core_type = #tpu.core_type<sc_vector_subcore>, window_params = [{transform_indices = #map}, {transform_indices = #map1}, {transform_indices = #map1}, {transform_indices = #map2}]} {
    %mul3A = arith.constant 16 : i32
    %mul3A_0 = arith.muli %arg0, %mul3A : i32
    %add3A = arith.addi %mul3A_0, %arg1 : i32
    %mul3A_1 = arith.constant 10000 : i32
    %mul3A_2 = arith.muli %add3A, %mul3A_1 : i32
    %multiple_of3A = tpu.assume_multiple %mul3A_2, 8 : i32
    %scan3A = arith.constant 0 : i32
    %scan3A_3 = arith.constant 0 : i32
    %scan3A_4 = arith.constant 128 : i32
    %scan3A_5 = arith.addi %scan3A_3, %scan3A_4 : i32
    %scan3A_6 = arith.constant 1 : i32
    scf.for %scan3A_244 = %scan3A_3 to %scan3A_5 step %scan3A_6  : i32 {
      %broadcast_in_dim3A = arith.constant 0.000000e+00 : f32
      %broadcast_in_dim3A_245 = vector.broadcast %broadcast_in_dim3A : f32 to vector<16xf32>
      %swap3A = arith.constant 0 : i32
      %swap3A_246 = arith.index_cast %swap3A : i32 to index
      %swap3A_247 = arith.index_cast %scan3A_244 : i32 to index
      %swap3A_248 = arith.constant 0 : index
      %swap3A_249 = tpu.vector_load %arg8[%swap3A_246, %swap3A_247, %swap3A_248] {strides = array<i32>} : memref<3x128x128xf32, #tpu.memory_space<vmem>>, vector<1x1x16xf32>,
      %swap3A_250 = vector.shape_cast %swap3A_249 : vector<1x1x16xf32> to vector<16xf32>
      %swap3A_251 = vector.shape_cast %broadcast_in_dim3A_245 : vector<16xf32> to vector<1x1x16xf32>
      tpu.vector_store %arg8[%swap3A_246, %swap3A_247, %swap3A_248], %swap3A_251 {strides = array<i32>} : memref<3x128x128xf32, #tpu.memory_space<vmem>>, vector<1x1x16xf32>,
      %broadcast_in_dim3A_252 = arith.constant 0.000000e+00 : f32
      %broadcast_in_dim3A_253 = vector.broadcast %broadcast_in_dim3A_252 : f32 to vector<16xf32>
      %swap3A_254 = arith.constant 0 : i32
      %swap3A_255 = arith.index_cast %swap3A_254 : i32 to index
      %swap3A_256 = arith.index_cast %scan3A_244 : i32 to index
      %swap3A_257 = arith.constant 16 : index
      %swap3A_258 = tpu.vector_load %arg8[%swap3A_255, %swap3A_256, %swap3A_257] {strides = array<i32>} : memref<3x128x128xf32, #tpu.memory_space<vmem>>, vector<1x1x16xf32>,
      %swap3A_259 = vector.shape_cast %swap3A_258 : vector<1x1x16xf32> to vector<16xf32>
      %swap3A_260 = vector.shape_cast %broadcast_in_dim3A_253 : vector<16xf32> to vector<1x1x16xf32>
      tpu.vector_store %arg8[%swap3A_255, %swap3A_256, %swap3A_257], %swap3A_260 {strides = array<i32>} : memref<3x128x128xf32, #tpu.memory_space<vmem>>, vector<1x1x16xf32>,
      %broadcast_in_dim3A_261 = arith.constant 0.000000e+00 : f32
      %broadcast_in_dim3A_262 = vector.broadcast %broadcast_in_dim3A_261 : f32 to vector<16xf32>
      %swap3A_263 = arith.constant 0 : i32
      %swap3A_264 = arith.index_cast %swap3A_263 : i32 to index
      %swap3A_265 = arith.index_cast %scan3A_244 : i32 to index
      %swap3A_266 = arith.constant 32 : index
      %swap3A_267 = tpu.vector_load %arg8[%swap3A_264, %swap3A_265, %swap3A_266] {strides = array<i32>} : memref<3x128x128xf32, #tpu.memory_space<vmem>>, vector<1x1x16xf32>,
      %swap3A_268 = vector.shape_cast %swap3A_267 : vector<1x1x16xf32> to vector<16xf32>
      %swap3A_269 = vector.shape_cast %broadcast_in_dim3A_262 : vector<16xf32> to vector<1x1x16xf32>
      tpu.vector_store %arg8[%swap3A_264, %swap3A_265, %swap3A_266], %swap3A_269 {strides = array<i32>} : memref<3x128x128xf32, #tpu.memory_space<vmem>>, vector<1x1x16xf32>,
      %broadcast_in_dim3A_270 = arith.constant 0.000000e+00 : f32
      %broadcast_in_dim3A_271 = vector.broadcast %broadcast_in_dim3A_270 : f32 to vector<16xf32>
      %swap3A_272 = arith.constant 0 : i32
      %swap3A_273 = arith.index_cast %swap3A_272 : i32 to index
      %swap3A_274 = arith.index_cast %scan3A_244 : i32 to index
      %swap3A_275 = arith.constant 48 : index
      %swap3A_276 = tpu.vector_load %arg8[%swap3A_273, %swap3A_274, %swap3A_275] {strides = array<i32>} : memref<3x128x128xf32, #tpu.memory_space<vmem>>, vector<1x1x16xf32>,
      %swap3A_277 = vector.shape_cast %swap3A_276 : vector<1x1x16xf32> to vector<16xf32>
      %swap3A_278 = vector.shape_cast %broadcast_in_dim3A_271 : vector<16xf32> to vector<1x1x16xf32>
      tpu.vector_store %arg8[%swap3A_273, %swap3A_274, %swap3A_275], %swap3A_278 {strides = array<i32>} : memref<3x128x128xf32, #tpu.memory_space<vmem>>, vector<1x1x16xf32>,
      %broadcast_in_dim3A_279 = arith.constant 0.000000e+00 : f32
      %broadcast_in_dim3A_280 = vector.broadcast %broadcast_in_dim3A_279 : f32 to vector<16xf32>
      %swap3A_281 = arith.constant 0 : i32
      %swap3A_282 = arith.index_cast %swap3A_281 : i32 to index
      %swap3A_283 = arith.index_cast %scan3A_244 : i32 to index
      %swap3A_284 = arith.constant 64 : index
      %swap3A_285 = tpu.vector_load %arg8[%swap3A_282, %swap3A_283, %swap3A_284] {strides = array<i32>} : memref<3x128x128xf32, #tpu.memory_space<vmem>>, vector<1x1x16xf32>,
      %swap3A_286 = vector.shape_cast %swap3A_285 : vector<1x1x16xf32> to vector<16xf32>
      %swap3A_287 = vector.shape_cast %broadcast_in_dim3A_280 : vector<16xf32> to vector<1x1x16xf32>
      tpu.vector_store %arg8[%swap3A_282, %swap3A_283, %swap3A_284], %swap3A_287 {strides = array<i32>} : memref<3x128x128xf32, #tpu.memory_space<vmem>>, vector<1x1x16xf32>,
      %broadcast_in_dim3A_288 = arith.constant 0.000000e+00 : f32
      %broadcast_in_dim3A_289 = vector.broadcast %broadcast_in_dim3A_288 : f32 to vector<16xf32>
      %swap3A_290 = arith.constant 0 : i32
      %swap3A_291 = arith.index_cast %swap3A_290 : i32 to index
      %swap3A_292 = arith.index_cast %scan3A_244 : i32 to index
      %swap3A_293 = arith.constant 80 : index
      %swap3A_294 = tpu.vector_load %arg8[%swap3A_291, %swap3A_292, %swap3A_293] {strides = array<i32>} : memref<3x128x128xf32, #tpu.memory_space<vmem>>, vector<1x1x16xf32>,
      %swap3A_295 = vector.shape_cast %swap3A_294 : vector<1x1x16xf32> to vector<16xf32>
      %swap3A_296 = vector.shape_cast %broadcast_in_dim3A_289 : vector<16xf32> to vector<1x1x16xf32>
      tpu.vector_store %arg8[%swap3A_291, %swap3A_292, %swap3A_293], %swap3A_296 {strides = array<i32>} : memref<3x128x128xf32, #tpu.memory_space<vmem>>, vector<1x1x16xf32>,
      %broadcast_in_dim3A_297 = arith.constant 0.000000e+00 : f32
      %broadcast_in_dim3A_298 = vector.broadcast %broadcast_in_dim3A_297 : f32 to vector<16xf32>
      %swap3A_299 = arith.constant 0 : i32
      %swap3A_300 = arith.index_cast %swap3A_299 : i32 to index
      %swap3A_301 = arith.index_cast %scan3A_244 : i32 to index
      %swap3A_302 = arith.constant 96 : index
      %swap3A_303 = tpu.vector_load %arg8[%swap3A_300, %swap3A_301, %swap3A_302] {strides = array<i32>} : memref<3x128x128xf32, #tpu.memory_space<vmem>>, vector<1x1x16xf32>,
      %swap3A_304 = vector.shape_cast %swap3A_303 : vector<1x1x16xf32> to vector<16xf32>
      %swap3A_305 = vector.shape_cast %broadcast_in_dim3A_298 : vector<16xf32> to vector<1x1x16xf32>
      tpu.vector_store %arg8[%swap3A_300, %swap3A_301, %swap3A_302], %swap3A_305 {strides = array<i32>} : memref<3x128x128xf32, #tpu.memory_space<vmem>>, vector<1x1x16xf32>,
      %broadcast_in_dim3A_306 = arith.constant 0.000000e+00 : f32
      %broadcast_in_dim3A_307 = vector.broadcast %broadcast_in_dim3A_306 : f32 to vector<16xf32>
      %swap3A_308 = arith.constant 0 : i32
      %swap3A_309 = arith.index_cast %swap3A_308 : i32 to index
      %swap3A_310 = arith.index_cast %scan3A_244 : i32 to index
      %swap3A_311 = arith.constant 112 : index
      %swap3A_312 = tpu.vector_load %arg8[%swap3A_309, %swap3A_310, %swap3A_311] {strides = array<i32>} : memref<3x128x128xf32, #tpu.memory_space<vmem>>, vector<1x1x16xf32>,
      %swap3A_313 = vector.shape_cast %swap3A_312 : vector<1x1x16xf32> to vector<16xf32>
      %swap3A_314 = vector.shape_cast %broadcast_in_dim3A_307 : vector<16xf32> to vector<1x1x16xf32>
      tpu.vector_store %arg8[%swap3A_309, %swap3A_310, %swap3A_311], %swap3A_314 {strides = array<i32>} : memref<3x128x128xf32, #tpu.memory_space<vmem>>, vector<1x1x16xf32>,
    }
    %scan3A_7 = arith.constant 128 : i32
    %eq3A = arith.constant 0 : i32
    %eq3A_8 = arith.cmpi eq, %arg0, %eq3A : i32
    %lt3A = arith.constant 15 : i32
    %lt3A_9 = arith.cmpi slt, %arg1, %lt3A : i32
    %and3A = arith.andi %eq3A_8, %lt3A_9 : i1
    %convert_element_type3A = arith.extui %and3A : i1 to i32
    %cond3A = arith.constant 0 : i32
    %cond3A_10 = arith.cmpi ne, %convert_element_type3A, %cond3A : i32
    scf.if %cond3A_10 {
      %mul3A_244 = arith.constant 632 : i32
      %mul3A_245 = arith.muli %arg1, %mul3A_244 : i32
      %mul3A_246 = arith.constant 632 : i32
      %mul3A_247 = arith.muli %arg1, %mul3A_246 : i32
      "tpu.region"() ({
        %run_scoped3A_248 = tpu.sem_alloc : memref<!tpu.dma_semaphore, #tpu.memory_space<semaphore_mem>>
        %dma_start3A_249 = arith.constant 0 : i32
        %dma_start3A_250 = tpu.memref_slice %arg9[%mul3A_247, %dma_start3A_249] : memref<10112x128xf32, #tpu.memory_space<vmem_shared>> -> memref<632x128xf32, #tpu.memory_space<vmem_shared>>
        %dma_start3A_251 = arith.constant 0 : i32
        %dma_start3A_252 = tpu.memref_slice %arg2[%mul3A_245, %dma_start3A_251] : memref<10000x128xf32, #tpu.memory_space<hbm>> -> memref<632x128xf32, #tpu.memory_space<hbm>>
        tpu.enqueue_dma source(%dma_start3A_252 : memref<632x128xf32, #tpu.memory_space<hbm>>) target(%dma_start3A_250 : memref<632x128xf32, #tpu.memory_space<vmem_shared>>) target_semaphore(%run_scoped3A_248 : memref<!tpu.dma_semaphore, #tpu.memory_space<semaphore_mem>>)
        %dma_wait3A_253 = arith.constant 0 : i32
        %dma_wait3A_254 = tpu.memref_slice %arg9[%mul3A_247, %dma_wait3A_253] : memref<10112x128xf32, #tpu.memory_space<vmem_shared>> -> memref<632x128xf32, #tpu.memory_space<vmem_shared>>
        %dma_wait3A_255 = arith.constant 0 : i32
        %dma_wait3A_256 = tpu.memref_slice %arg2[%mul3A_245, %dma_wait3A_255] : memref<10000x128xf32, #tpu.memory_space<hbm>> -> memref<632x128xf32, #tpu.memory_space<hbm>>
        tpu.wait_dma2 semaphore(%run_scoped3A_248 : memref<!tpu.dma_semaphore, #tpu.memory_space<semaphore_mem>>) src(%dma_wait3A_256 : memref<632x128xf32, #tpu.memory_space<hbm>>) dst(%dma_wait3A_254 : memref<632x128xf32, #tpu.memory_space<vmem_shared>>)
        tpu.yield
      }) : () -> ()
    } else {
    }
    %eq3A_11 = arith.constant 0 : i32
    %eq3A_12 = arith.cmpi eq, %arg0, %eq3A_11 : i32
    %eq3A_13 = arith.constant 15 : i32
    %eq3A_14 = arith.cmpi eq, %arg1, %eq3A_13 : i32
    %and3A_15 = arith.andi %eq3A_12, %eq3A_14 : i1
    %convert_element_type3A_16 = arith.extui %and3A_15 : i1 to i32
    %cond3A_17 = arith.constant 0 : i32
    %cond3A_18 = arith.cmpi ne, %convert_element_type3A_16, %cond3A_17 : i32
    scf.if %cond3A_18 {
      "tpu.region"() ({
        %run_scoped3A_245 = tpu.sem_alloc : memref<!tpu.dma_semaphore, #tpu.memory_space<semaphore_mem>>
        %dma_start3A_246 = arith.constant 9480 : i32
        %dma_start3A_247 = arith.constant 0 : i32
        %dma_start3A_248 = tpu.memref_slice %arg9[%dma_start3A_246, %dma_start3A_247] : memref<10112x128xf32, #tpu.memory_space<vmem_shared>> -> memref<520x128xf32, #tpu.memory_space<vmem_shared>>
        %dma_start3A_249 = arith.constant 9480 : i32
        %dma_start3A_250 = arith.constant 0 : i32
        %dma_start3A_251 = tpu.memref_slice %arg2[%dma_start3A_249, %dma_start3A_250] : memref<10000x128xf32, #tpu.memory_space<hbm>> -> memref<520x128xf32, #tpu.memory_space<hbm>>
        tpu.enqueue_dma source(%dma_start3A_251 : memref<520x128xf32, #tpu.memory_space<hbm>>) target(%dma_start3A_248 : memref<520x128xf32, #tpu.memory_space<vmem_shared>>) target_semaphore(%run_scoped3A_245 : memref<!tpu.dma_semaphore, #tpu.memory_space<semaphore_mem>>)
        %dma_wait3A_252 = arith.constant 9480 : i32
        %dma_wait3A_253 = arith.constant 0 : i32
        %dma_wait3A_254 = tpu.memref_slice %arg9[%dma_wait3A_252, %dma_wait3A_253] : memref<10112x128xf32, #tpu.memory_space<vmem_shared>> -> memref<520x128xf32, #tpu.memory_space<vmem_shared>>
        %dma_wait3A_255 = arith.constant 9480 : i32
        %dma_wait3A_256 = arith.constant 0 : i32
        %dma_wait3A_257 = tpu.memref_slice %arg2[%dma_wait3A_255, %dma_wait3A_256] : memref<10000x128xf32, #tpu.memory_space<hbm>> -> memref<520x128xf32, #tpu.memory_space<hbm>>
        tpu.wait_dma2 semaphore(%run_scoped3A_245 : memref<!tpu.dma_semaphore, #tpu.memory_space<semaphore_mem>>) src(%dma_wait3A_257 : memref<520x128xf32, #tpu.memory_space<hbm>>) dst(%dma_wait3A_254 : memref<520x128xf32, #tpu.memory_space<vmem_shared>>)
        tpu.yield
      }) : () -> ()
      %run_scoped3A_244 = arith.constant 0 : i32
      "tpu.region"() ({
        %run_scoped3A_245 = tpu.sem_alloc : memref<!tpu.dma_semaphore, #tpu.memory_space<semaphore_mem>>
        %dma_start3A_246 = arith.constant 0 : i32
        %dma_start3A_247 = arith.constant 0 : i32
        %dma_start3A_248 = tpu.memref_slice %arg8[%run_scoped3A_244, %dma_start3A_246, %dma_start3A_247] : memref<3x128x128xf32, #tpu.memory_space<vmem>> -> memref<1x112x128xf32, #tpu.memory_space<vmem>>
        %dma_start3A_249 = tpu.memref_squeeze %dma_start3A_248 : memref<1x112x128xf32, #tpu.memory_space<vmem>> -> memref<112x128xf32, #tpu.memory_space<vmem>>
        %dma_start3A_250 = arith.constant 10000 : i32
        %dma_start3A_251 = arith.constant 0 : i32
        %dma_start3A_252 = tpu.memref_slice %arg9[%dma_start3A_250, %dma_start3A_251] : memref<10112x128xf32, #tpu.memory_space<vmem_shared>> -> memref<112x128xf32, #tpu.memory_space<vmem_shared>>
        %dma_start3A_253 = arith.constant 10000 : i32
        %dma_start3A_254 = arith.constant 0 : i32
        %dma_start3A_255 = tpu.memref_slice %arg9[%dma_start3A_253, %dma_start3A_254] : memref<10112x128xf32, #tpu.memory_space<vmem_shared>> -> memref<112x128xf32, #tpu.memory_space<vmem_shared>>
        %dma_start3A_256 = arith.constant 0 : i32
        %dma_start3A_257 = arith.constant 0 : i32
        %dma_start3A_258 = tpu.memref_slice %arg8[%run_scoped3A_244, %dma_start3A_256, %dma_start3A_257] : memref<3x128x128xf32, #tpu.memory_space<vmem>> -> memref<1x112x128xf32, #tpu.memory_space<vmem>>
        %dma_start3A_259 = tpu.memref_squeeze %dma_start3A_258 : memref<1x112x128xf32, #tpu.memory_space<vmem>> -> memref<112x128xf32, #tpu.memory_space<vmem>>
        tpu.enqueue_dma source(%dma_start3A_259 : memref<112x128xf32, #tpu.memory_space<vmem>>) target(%dma_start3A_255 : memref<112x128xf32, #tpu.memory_space<vmem_shared>>) target_semaphore(%run_scoped3A_245 : memref<!tpu.dma_semaphore, #tpu.memory_space<semaphore_mem>>)
        %dma_wait3A_260 = arith.constant 0 : i32
        %dma_wait3A_261 = arith.constant 0 : i32
        %dma_wait3A_262 = tpu.memref_slice %arg8[%run_scoped3A_244, %dma_wait3A_260, %dma_wait3A_261] : memref<3x128x128xf32, #tpu.memory_space<vmem>> -> memref<1x112x128xf32, #tpu.memory_space<vmem>>
        %dma_wait3A_263 = tpu.memref_squeeze %dma_wait3A_262 : memref<1x112x128xf32, #tpu.memory_space<vmem>> -> memref<112x128xf32, #tpu.memory_space<vmem>>
        %dma_wait3A_264 = arith.constant 10000 : i32
        %dma_wait3A_265 = arith.constant 0 : i32
        %dma_wait3A_266 = tpu.memref_slice %arg9[%dma_wait3A_264, %dma_wait3A_265] : memref<10112x128xf32, #tpu.memory_space<vmem_shared>> -> memref<112x128xf32, #tpu.memory_space<vmem_shared>>
        %dma_wait3A_267 = arith.constant 10000 : i32
        %dma_wait3A_268 = arith.constant 0 : i32
        %dma_wait3A_269 = tpu.memref_slice %arg9[%dma_wait3A_267, %dma_wait3A_268] : memref<10112x128xf32, #tpu.memory_space<vmem_shared>> -> memref<112x128xf32, #tpu.memory_space<vmem_shared>>
        %dma_wait3A_270 = arith.constant 0 : i32
        %dma_wait3A_271 = arith.constant 0 : i32
        %dma_wait3A_272 = tpu.memref_slice %arg8[%run_scoped3A_244, %dma_wait3A_270, %dma_wait3A_271] : memref<3x128x128xf32, #tpu.memory_space<vmem>> -> memref<1x112x128xf32, #tpu.memory_space<vmem>>
        %dma_wait3A_273 = tpu.memref_squeeze %dma_wait3A_272 : memref<1x112x128xf32, #tpu.memory_space<vmem>> -> memref<112x128xf32, #tpu.memory_space<vmem>>
        tpu.wait_dma2 semaphore(%run_scoped3A_245 : memref<!tpu.dma_semaphore, #tpu.memory_space<semaphore_mem>>) src(%dma_wait3A_273 : memref<112x128xf32, #tpu.memory_space<vmem>>) dst(%dma_wait3A_269 : memref<112x128xf32, #tpu.memory_space<vmem_shared>>)
        tpu.yield
      }) : () -> ()
    } else {
    }
    %eq3A_19 = arith.constant 1 : i32
    %eq3A_20 = arith.cmpi eq, %arg0, %eq3A_19 : i32
    %convert_element_type3A_21 = arith.extui %eq3A_20 : i1 to i32
    %cond3A_22 = arith.constant 0 : i32
    %cond3A_23 = arith.cmpi ne, %convert_element_type3A_21, %cond3A_22 : i32
    scf.if %cond3A_23 {
      %mul3A_244 = arith.constant 632 : i32
      %mul3A_245 = arith.muli %arg1, %mul3A_244 : i32
      %add3A_246 = arith.constant 0 : i32
      %add3A_247 = arith.addi %mul3A_245, %add3A_246 : i32
      %run_scoped3A_248 = arith.constant 0 : i32
      "tpu.region"() ({
        %run_scoped3A_269 = tpu.sem_alloc : memref<!tpu.dma_semaphore, #tpu.memory_space<semaphore_mem>>
        %dma_start3A_270 = arith.constant 0 : i32
        %dma_start3A_271 = arith.constant 0 : i32
        %dma_start3A_272 = tpu.memref_slice %arg8[%run_scoped3A_248, %dma_start3A_270, %dma_start3A_271] : memref<3x128x128xf32, #tpu.memory_space<vmem>> -> memref<1x128x128xf32, #tpu.memory_space<vmem>>
        %dma_start3A_273 = tpu.memref_squeeze %dma_start3A_272 : memref<1x128x128xf32, #tpu.memory_space<vmem>> -> memref<128x128xf32, #tpu.memory_space<vmem>>
        %dma_start3A_274 = arith.constant 0 : i32
        %dma_start3A_275 = tpu.memref_slice %arg9[%add3A_247, %dma_start3A_274] : memref<10112x128xf32, #tpu.memory_space<vmem_shared>> -> memref<128x128xf32, #tpu.memory_space<vmem_shared>>
        %dma_start3A_276 = arith.constant 0 : i32
        %dma_start3A_277 = tpu.memref_slice %arg9[%add3A_247, %dma_start3A_276] : memref<10112x128xf32, #tpu.memory_space<vmem_shared>> -> memref<128x128xf32, #tpu.memory_space<vmem_shared>>
        %dma_start3A_278 = arith.constant 0 : i32
        %dma_start3A_279 = arith.constant 0 : i32
        %dma_start3A_280 = tpu.memref_slice %arg8[%run_scoped3A_248, %dma_start3A_278, %dma_start3A_279] : memref<3x128x128xf32, #tpu.memory_space<vmem>> -> memref<1x128x128xf32, #tpu.memory_space<vmem>>
        %dma_start3A_281 = tpu.memref_squeeze %dma_start3A_280 : memref<1x128x128xf32, #tpu.memory_space<vmem>> -> memref<128x128xf32, #tpu.memory_space<vmem>>
        tpu.enqueue_dma source(%dma_start3A_281 : memref<128x128xf32, #tpu.memory_space<vmem>>) target(%dma_start3A_277 : memref<128x128xf32, #tpu.memory_space<vmem_shared>>) target_semaphore(%run_scoped3A_269 : memref<!tpu.dma_semaphore, #tpu.memory_space<semaphore_mem>>)
        %dma_wait3A_282 = arith.constant 0 : i32
        %dma_wait3A_283 = arith.constant 0 : i32
        %dma_wait3A_284 = tpu.memref_slice %arg8[%run_scoped3A_248, %dma_wait3A_282, %dma_wait3A_283] : memref<3x128x128xf32, #tpu.memory_space<vmem>> -> memref<1x128x128xf32, #tpu.memory_space<vmem>>
        %dma_wait3A_285 = tpu.memref_squeeze %dma_wait3A_284 : memref<1x128x128xf32, #tpu.memory_space<vmem>> -> memref<128x128xf32, #tpu.memory_space<vmem>>
        %dma_wait3A_286 = arith.constant 0 : i32
        %dma_wait3A_287 = tpu.memref_slice %arg9[%add3A_247, %dma_wait3A_286] : memref<10112x128xf32, #tpu.memory_space<vmem_shared>> -> memref<128x128xf32, #tpu.memory_space<vmem_shared>>
        %dma_wait3A_288 = arith.constant 0 : i32
        %dma_wait3A_289 = tpu.memref_slice %arg9[%add3A_247, %dma_wait3A_288] : memref<10112x128xf32, #tpu.memory_space<vmem_shared>> -> memref<128x128xf32, #tpu.memory_space<vmem_shared>>
        %dma_wait3A_290 = arith.constant 0 : i32
        %dma_wait3A_291 = arith.constant 0 : i32
        %dma_wait3A_292 = tpu.memref_slice %arg8[%run_scoped3A_248, %dma_wait3A_290, %dma_wait3A_291] : memref<3x128x128xf32, #tpu.memory_space<vmem>> -> memref<1x128x128xf32, #tpu.memory_space<vmem>>
        %dma_wait3A_293 = tpu.memref_squeeze %dma_wait3A_292 : memref<1x128x128xf32, #tpu.memory_space<vmem>> -> memref<128x128xf32, #tpu.memory_space<vmem>>
        tpu.wait_dma2 semaphore(%run_scoped3A_269 : memref<!tpu.dma_semaphore, #tpu.memory_space<semaphore_mem>>) src(%dma_wait3A_293 : memref<128x128xf32, #tpu.memory_space<vmem>>) dst(%dma_wait3A_289 : memref<128x128xf32, #tpu.memory_space<vmem_shared>>)
        tpu.yield
      }) : () -> ()
      %mul3A_249 = arith.constant 632 : i32
      %mul3A_250 = arith.muli %arg1, %mul3A_249 : i32
      %add3A_251 = arith.constant 128 : i32
      %add3A_252 = arith.addi %mul3A_250, %add3A_251 : i32
      %run_scoped3A_253 = arith.constant 0 : i32
      "tpu.region"() ({
        %run_scoped3A_269 = tpu.sem_alloc : memref<!tpu.dma_semaphore, #tpu.memory_space<semaphore_mem>>
        %dma_start3A_270 = arith.constant 0 : i32
        %dma_start3A_271 = arith.constant 0 : i32
        %dma_start3A_272 = tpu.memref_slice %arg8[%run_scoped3A_253, %dma_start3A_270, %dma_start3A_271] : memref<3x128x128xf32, #tpu.memory_space<vmem>> -> memref<1x128x128xf32, #tpu.memory_space<vmem>>
        %dma_start3A_273 = tpu.memref_squeeze %dma_start3A_272 : memref<1x128x128xf32, #tpu.memory_space<vmem>> -> memref<128x128xf32, #tpu.memory_space<vmem>>
        %dma_start3A_274 = arith.constant 0 : i32
        %dma_start3A_275 = tpu.memref_slice %arg9[%add3A_252, %dma_start3A_274] : memref<10112x128xf32, #tpu.memory_space<vmem_shared>> -> memref<128x128xf32, #tpu.memory_space<vmem_shared>>
        %dma_start3A_276 = arith.constant 0 : i32
        %dma_start3A_277 = tpu.memref_slice %arg9[%add3A_252, %dma_start3A_276] : memref<10112x128xf32, #tpu.memory_space<vmem_shared>> -> memref<128x128xf32, #tpu.memory_space<vmem_shared>>
        %dma_start3A_278 = arith.constant 0 : i32
        %dma_start3A_279 = arith.constant 0 : i32
        %dma_start3A_280 = tpu.memref_slice %arg8[%run_scoped3A_253, %dma_start3A_278, %dma_start3A_279] : memref<3x128x128xf32, #tpu.memory_space<vmem>> -> memref<1x128x128xf32, #tpu.memory_space<vmem>>
        %dma_start3A_281 = tpu.memref_squeeze %dma_start3A_280 : memref<1x128x128xf32, #tpu.memory_space<vmem>> -> memref<128x128xf32, #tpu.memory_space<vmem>>
        tpu.enqueue_dma source(%dma_start3A_281 : memref<128x128xf32, #tpu.memory_space<vmem>>) target(%dma_start3A_277 : memref<128x128xf32, #tpu.memory_space<vmem_shared>>) target_semaphore(%run_scoped3A_269 : memref<!tpu.dma_semaphore, #tpu.memory_space<semaphore_mem>>)
        %dma_wait3A_282 = arith.constant 0 : i32
        %dma_wait3A_283 = arith.constant 0 : i32
        %dma_wait3A_284 = tpu.memref_slice %arg8[%run_scoped3A_253, %dma_wait3A_282, %dma_wait3A_283] : memref<3x128x128xf32, #tpu.memory_space<vmem>> -> memref<1x128x128xf32, #tpu.memory_space<vmem>>
        %dma_wait3A_285 = tpu.memref_squeeze %dma_wait3A_284 : memref<1x128x128xf32, #tpu.memory_space<vmem>> -> memref<128x128xf32, #tpu.memory_space<vmem>>
        %dma_wait3A_286 = arith.constant 0 : i32
        %dma_wait3A_287 = tpu.memref_slice %arg9[%add3A_252, %dma_wait3A_286] : memref<10112x128xf32, #tpu.memory_space<vmem_shared>> -> memref<128x128xf32, #tpu.memory_space<vmem_shared>>
        %dma_wait3A_288 = arith.constant 0 : i32
        %dma_wait3A_289 = tpu.memref_slice %arg9[%add3A_252, %dma_wait3A_288] : memref<10112x128xf32, #tpu.memory_space<vmem_shared>> -> memref<128x128xf32, #tpu.memory_space<vmem_shared>>
        %dma_wait3A_290 = arith.constant 0 : i32
        %dma_wait3A_291 = arith.constant 0 : i32
        %dma_wait3A_292 = tpu.memref_slice %arg8[%run_scoped3A_253, %dma_wait3A_290, %dma_wait3A_291] : memref<3x128x128xf32, #tpu.memory_space<vmem>> -> memref<1x128x128xf32, #tpu.memory_space<vmem>>
        %dma_wait3A_293 = tpu.memref_squeeze %dma_wait3A_292 : memref<1x128x128xf32, #tpu.memory_space<vmem>> -> memref<128x128xf32, #tpu.memory_space<vmem>>
        tpu.wait_dma2 semaphore(%run_scoped3A_269 : memref<!tpu.dma_semaphore, #tpu.memory_space<semaphore_mem>>) src(%dma_wait3A_293 : memref<128x128xf32, #tpu.memory_space<vmem>>) dst(%dma_wait3A_289 : memref<128x128xf32, #tpu.memory_space<vmem_shared>>)
        tpu.yield
      }) : () -> ()
      %mul3A_254 = arith.constant 632 : i32
      %mul3A_255 = arith.muli %arg1, %mul3A_254 : i32
      %add3A_256 = arith.constant 256 : i32
      %add3A_257 = arith.addi %mul3A_255, %add3A_256 : i32
      %run_scoped3A_258 = arith.constant 0 : i32
      "tpu.region"() ({
        %run_scoped3A_269 = tpu.sem_alloc : memref<!tpu.dma_semaphore, #tpu.memory_space<semaphore_mem>>
        %dma_start3A_270 = arith.constant 0 : i32
        %dma_start3A_271 = arith.constant 0 : i32
        %dma_start3A_272 = tpu.memref_slice %arg8[%run_scoped3A_258, %dma_start3A_270, %dma_start3A_271] : memref<3x128x128xf32, #tpu.memory_space<vmem>> -> memref<1x128x128xf32, #tpu.memory_space<vmem>>
        %dma_start3A_273 = tpu.memref_squeeze %dma_start3A_272 : memref<1x128x128xf32, #tpu.memory_space<vmem>> -> memref<128x128xf32, #tpu.memory_space<vmem>>
        %dma_start3A_274 = arith.constant 0 : i32
        %dma_start3A_275 = tpu.memref_slice %arg9[%add3A_257, %dma_start3A_274] : memref<10112x128xf32, #tpu.memory_space<vmem_shared>> -> memref<128x128xf32, #tpu.memory_space<vmem_shared>>
        %dma_start3A_276 = arith.constant 0 : i32
        %dma_start3A_277 = tpu.memref_slice %arg9[%add3A_257, %dma_start3A_276] : memref<10112x128xf32, #tpu.memory_space<vmem_shared>> -> memref<128x128xf32, #tpu.memory_space<vmem_shared>>
        %dma_start3A_278 = arith.constant 0 : i32
        %dma_start3A_279 = arith.constant 0 : i32
        %dma_start3A_280 = tpu.memref_slice %arg8[%run_scoped3A_258, %dma_start3A_278, %dma_start3A_279] : memref<3x128x128xf32, #tpu.memory_space<vmem>> -> memref<1x128x128xf32, #tpu.memory_space<vmem>>
        %dma_start3A_281 = tpu.memref_squeeze %dma_start3A_280 : memref<1x128x128xf32, #tpu.memory_space<vmem>> -> memref<128x128xf32, #tpu.memory_space<vmem>>
        tpu.enqueue_dma source(%dma_start3A_281 : memref<128x128xf32, #tpu.memory_space<vmem>>) target(%dma_start3A_277 : memref<128x128xf32, #tpu.memory_space<vmem_shared>>) target_semaphore(%run_scoped3A_269 : memref<!tpu.dma_semaphore, #tpu.memory_space<semaphore_mem>>)
        %dma_wait3A_282 = arith.constant 0 : i32
        %dma_wait3A_283 = arith.constant 0 : i32
        %dma_wait3A_284 = tpu.memref_slice %arg8[%run_scoped3A_258, %dma_wait3A_282, %dma_wait3A_283] : memref<3x128x128xf32, #tpu.memory_space<vmem>> -> memref<1x128x128xf32, #tpu.memory_space<vmem>>
        %dma_wait3A_285 = tpu.memref_squeeze %dma_wait3A_284 : memref<1x128x128xf32, #tpu.memory_space<vmem>> -> memref<128x128xf32, #tpu.memory_space<vmem>>
        %dma_wait3A_286 = arith.constant 0 : i32
        %dma_wait3A_287 = tpu.memref_slice %arg9[%add3A_257, %dma_wait3A_286] : memref<10112x128xf32, #tpu.memory_space<vmem_shared>> -> memref<128x128xf32, #tpu.memory_space<vmem_shared>>
        %dma_wait3A_288 = arith.constant 0 : i32
        %dma_wait3A_289 = tpu.memref_slice %arg9[%add3A_257, %dma_wait3A_288] : memref<10112x128xf32, #tpu.memory_space<vmem_shared>> -> memref<128x128xf32, #tpu.memory_space<vmem_shared>>
        %dma_wait3A_290 = arith.constant 0 : i32
        %dma_wait3A_291 = arith.constant 0 : i32
        %dma_wait3A_292 = tpu.memref_slice %arg8[%run_scoped3A_258, %dma_wait3A_290, %dma_wait3A_291] : memref<3x128x128xf32, #tpu.memory_space<vmem>> -> memref<1x128x128xf32, #tpu.memory_space<vmem>>
        %dma_wait3A_293 = tpu.memref_squeeze %dma_wait3A_292 : memref<1x128x128xf32, #tpu.memory_space<vmem>> -> memref<128x128xf32, #tpu.memory_space<vmem>>
        tpu.wait_dma2 semaphore(%run_scoped3A_269 : memref<!tpu.dma_semaphore, #tpu.memory_space<semaphore_mem>>) src(%dma_wait3A_293 : memref<128x128xf32, #tpu.memory_space<vmem>>) dst(%dma_wait3A_289 : memref<128x128xf32, #tpu.memory_space<vmem_shared>>)
        tpu.yield
      }) : () -> ()
      %mul3A_259 = arith.constant 632 : i32
      %mul3A_260 = arith.muli %arg1, %mul3A_259 : i32
      %add3A_261 = arith.constant 384 : i32
      %add3A_262 = arith.addi %mul3A_260, %add3A_261 : i32
      %run_scoped3A_263 = arith.constant 0 : i32
      "tpu.region"() ({
        %run_scoped3A_269 = tpu.sem_alloc : memref<!tpu.dma_semaphore, #tpu.memory_space<semaphore_mem>>
        %dma_start3A_270 = arith.constant 0 : i32
        %dma_start3A_271 = arith.constant 0 : i32
        %dma_start3A_272 = tpu.memref_slice %arg8[%run_scoped3A_263, %dma_start3A_270, %dma_start3A_271] : memref<3x128x128xf32, #tpu.memory_space<vmem>> -> memref<1x128x128xf32, #tpu.memory_space<vmem>>
        %dma_start3A_273 = tpu.memref_squeeze %dma_start3A_272 : memref<1x128x128xf32, #tpu.memory_space<vmem>> -> memref<128x128xf32, #tpu.memory_space<vmem>>
        %dma_start3A_274 = arith.constant 0 : i32
        %dma_start3A_275 = tpu.memref_slice %arg9[%add3A_262, %dma_start3A_274] : memref<10112x128xf32, #tpu.memory_space<vmem_shared>> -> memref<128x128xf32, #tpu.memory_space<vmem_shared>>
        %dma_start3A_276 = arith.constant 0 : i32
        %dma_start3A_277 = tpu.memref_slice %arg9[%add3A_262, %dma_start3A_276] : memref<10112x128xf32, #tpu.memory_space<vmem_shared>> -> memref<128x128xf32, #tpu.memory_space<vmem_shared>>
        %dma_start3A_278 = arith.constant 0 : i32
        %dma_start3A_279 = arith.constant 0 : i32
        %dma_start3A_280 = tpu.memref_slice %arg8[%run_scoped3A_263, %dma_start3A_278, %dma_start3A_279] : memref<3x128x128xf32, #tpu.memory_space<vmem>> -> memref<1x128x128xf32, #tpu.memory_space<vmem>>
        %dma_start3A_281 = tpu.memref_squeeze %dma_start3A_280 : memref<1x128x128xf32, #tpu.memory_space<vmem>> -> memref<128x128xf32, #tpu.memory_space<vmem>>
        tpu.enqueue_dma source(%dma_start3A_281 : memref<128x128xf32, #tpu.memory_space<vmem>>) target(%dma_start3A_277 : memref<128x128xf32, #tpu.memory_space<vmem_shared>>) target_semaphore(%run_scoped3A_269 : memref<!tpu.dma_semaphore, #tpu.memory_space<semaphore_mem>>)
        %dma_wait3A_282 = arith.constant 0 : i32
        %dma_wait3A_283 = arith.constant 0 : i32
        %dma_wait3A_284 = tpu.memref_slice %arg8[%run_scoped3A_263, %dma_wait3A_282, %dma_wait3A_283] : memref<3x128x128xf32, #tpu.memory_space<vmem>> -> memref<1x128x128xf32, #tpu.memory_space<vmem>>
        %dma_wait3A_285 = tpu.memref_squeeze %dma_wait3A_284 : memref<1x128x128xf32, #tpu.memory_space<vmem>> -> memref<128x128xf32, #tpu.memory_space<vmem>>
        %dma_wait3A_286 = arith.constant 0 : i32
        %dma_wait3A_287 = tpu.memref_slice %arg9[%add3A_262, %dma_wait3A_286] : memref<10112x128xf32, #tpu.memory_space<vmem_shared>> -> memref<128x128xf32, #tpu.memory_space<vmem_shared>>
        %dma_wait3A_288 = arith.constant 0 : i32
        %dma_wait3A_289 = tpu.memref_slice %arg9[%add3A_262, %dma_wait3A_288] : memref<10112x128xf32, #tpu.memory_space<vmem_shared>> -> memref<128x128xf32, #tpu.memory_space<vmem_shared>>
        %dma_wait3A_290 = arith.constant 0 : i32
        %dma_wait3A_291 = arith.constant 0 : i32
        %dma_wait3A_292 = tpu.memref_slice %arg8[%run_scoped3A_263, %dma_wait3A_290, %dma_wait3A_291] : memref<3x128x128xf32, #tpu.memory_space<vmem>> -> memref<1x128x128xf32, #tpu.memory_space<vmem>>
        %dma_wait3A_293 = tpu.memref_squeeze %dma_wait3A_292 : memref<1x128x128xf32, #tpu.memory_space<vmem>> -> memref<128x128xf32, #tpu.memory_space<vmem>>
        tpu.wait_dma2 semaphore(%run_scoped3A_269 : memref<!tpu.dma_semaphore, #tpu.memory_space<semaphore_mem>>) src(%dma_wait3A_293 : memref<128x128xf32, #tpu.memory_space<vmem>>) dst(%dma_wait3A_289 : memref<128x128xf32, #tpu.memory_space<vmem_shared>>)
        tpu.yield
      }) : () -> ()
      %mul3A_264 = arith.constant 632 : i32
      %mul3A_265 = arith.muli %arg1, %mul3A_264 : i32
      %add3A_266 = arith.constant 512 : i32
      %add3A_267 = arith.addi %mul3A_265, %add3A_266 : i32
      %run_scoped3A_268 = arith.constant 0 : i32
      "tpu.region"() ({
        %run_scoped3A_269 = tpu.sem_alloc : memref<!tpu.dma_semaphore, #tpu.memory_space<semaphore_mem>>
        %dma_start3A_270 = arith.constant 0 : i32
        %dma_start3A_271 = arith.constant 0 : i32
        %dma_start3A_272 = tpu.memref_slice %arg8[%run_scoped3A_268, %dma_start3A_270, %dma_start3A_271] : memref<3x128x128xf32, #tpu.memory_space<vmem>> -> memref<1x120x128xf32, #tpu.memory_space<vmem>>
        %dma_start3A_273 = tpu.memref_squeeze %dma_start3A_272 : memref<1x120x128xf32, #tpu.memory_space<vmem>> -> memref<120x128xf32, #tpu.memory_space<vmem>>
        %dma_start3A_274 = arith.constant 0 : i32
        %dma_start3A_275 = tpu.memref_slice %arg9[%add3A_267, %dma_start3A_274] : memref<10112x128xf32, #tpu.memory_space<vmem_shared>> -> memref<120x128xf32, #tpu.memory_space<vmem_shared>>
        %dma_start3A_276 = arith.constant 0 : i32
        %dma_start3A_277 = tpu.memref_slice %arg9[%add3A_267, %dma_start3A_276] : memref<10112x128xf32, #tpu.memory_space<vmem_shared>> -> memref<120x128xf32, #tpu.memory_space<vmem_shared>>
        %dma_start3A_278 = arith.constant 0 : i32
        %dma_start3A_279 = arith.constant 0 : i32
        %dma_start3A_280 = tpu.memref_slice %arg8[%run_scoped3A_268, %dma_start3A_278, %dma_start3A_279] : memref<3x128x128xf32, #tpu.memory_space<vmem>> -> memref<1x120x128xf32, #tpu.memory_space<vmem>>
        %dma_start3A_281 = tpu.memref_squeeze %dma_start3A_280 : memref<1x120x128xf32, #tpu.memory_space<vmem>> -> memref<120x128xf32, #tpu.memory_space<vmem>>
        tpu.enqueue_dma source(%dma_start3A_281 : memref<120x128xf32, #tpu.memory_space<vmem>>) target(%dma_start3A_277 : memref<120x128xf32, #tpu.memory_space<vmem_shared>>) target_semaphore(%run_scoped3A_269 : memref<!tpu.dma_semaphore, #tpu.memory_space<semaphore_mem>>)
        %dma_wait3A_282 = arith.constant 0 : i32
        %dma_wait3A_283 = arith.constant 0 : i32
        %dma_wait3A_284 = tpu.memref_slice %arg8[%run_scoped3A_268, %dma_wait3A_282, %dma_wait3A_283] : memref<3x128x128xf32, #tpu.memory_space<vmem>> -> memref<1x120x128xf32, #tpu.memory_space<vmem>>
        %dma_wait3A_285 = tpu.memref_squeeze %dma_wait3A_284 : memref<1x120x128xf32, #tpu.memory_space<vmem>> -> memref<120x128xf32, #tpu.memory_space<vmem>>
        %dma_wait3A_286 = arith.constant 0 : i32
        %dma_wait3A_287 = tpu.memref_slice %arg9[%add3A_267, %dma_wait3A_286] : memref<10112x128xf32, #tpu.memory_space<vmem_shared>> -> memref<120x128xf32, #tpu.memory_space<vmem_shared>>
        %dma_wait3A_288 = arith.constant 0 : i32
        %dma_wait3A_289 = tpu.memref_slice %arg9[%add3A_267, %dma_wait3A_288] : memref<10112x128xf32, #tpu.memory_space<vmem_shared>> -> memref<120x128xf32, #tpu.memory_space<vmem_shared>>
        %dma_wait3A_290 = arith.constant 0 : i32
        %dma_wait3A_291 = arith.constant 0 : i32
        %dma_wait3A_292 = tpu.memref_slice %arg8[%run_scoped3A_268, %dma_wait3A_290, %dma_wait3A_291] : memref<3x128x128xf32, #tpu.memory_space<vmem>> -> memref<1x120x128xf32, #tpu.memory_space<vmem>>
        %dma_wait3A_293 = tpu.memref_squeeze %dma_wait3A_292 : memref<1x120x128xf32, #tpu.memory_space<vmem>> -> memref<120x128xf32, #tpu.memory_space<vmem>>
        tpu.wait_dma2 semaphore(%run_scoped3A_269 : memref<!tpu.dma_semaphore, #tpu.memory_space<semaphore_mem>>) src(%dma_wait3A_293 : memref<120x128xf32, #tpu.memory_space<vmem>>) dst(%dma_wait3A_289 : memref<120x128xf32, #tpu.memory_space<vmem_shared>>)
        tpu.yield
      }) : () -> ()
    } else {
    }
    %barrier3A = arith.constant 0 : index
    tpu.barrier barrier_id(%barrier3A)
    %add3A_24 = arith.constant 0 : i32
    %add3A_25 = arith.addi %multiple_of3A, %add3A_24 : i32
    %run_scoped3A = arith.constant 0 : i32
    %run_scoped3A_26 = arith.constant 0 : i32
    "tpu.region"() ({
      %run_scoped3A_244 = tpu.sem_alloc : memref<!tpu.dma_semaphore, #tpu.memory_space<semaphore_mem>>
      %dma_start3A_245 = arith.constant 0 : i32
      %dma_start3A_246 = tpu.memref_slice %arg6[%run_scoped3A, %run_scoped3A_26, %dma_start3A_245] : memref<3x2x128xi32, #tpu.memory_space<vmem>> -> memref<1x1x128xi32, #tpu.memory_space<vmem>>
      %dma_start3A_247 = tpu.memref_squeeze %dma_start3A_246 : memref<1x1x128xi32, #tpu.memory_space<vmem>> -> memref<128xi32, #tpu.memory_space<vmem>>
      %dma_start3A_248 = tpu.memref_slice %arg3[%add3A_25] : memref<320000xi32, #tpu.memory_space<hbm>> -> memref<128xi32, #tpu.memory_space<hbm>>
      %dma_start3A_249 = arith.constant 0 : i32
      %dma_start3A_250 = tpu.memref_slice %arg6[%run_scoped3A, %run_scoped3A_26, %dma_start3A_249] : memref<3x2x128xi32, #tpu.memory_space<vmem>> -> memref<1x1x128xi32, #tpu.memory_space<vmem>>
      %dma_start3A_251 = tpu.memref_squeeze %dma_start3A_250 : memref<1x1x128xi32, #tpu.memory_space<vmem>> -> memref<128xi32, #tpu.memory_space<vmem>>
      %dma_start3A_252 = tpu.memref_slice %arg3[%add3A_25] : memref<320000xi32, #tpu.memory_space<hbm>> -> memref<128xi32, #tpu.memory_space<hbm>>
      tpu.enqueue_dma source(%dma_start3A_252 : memref<128xi32, #tpu.memory_space<hbm>>) target(%dma_start3A_251 : memref<128xi32, #tpu.memory_space<vmem>>) target_semaphore(%run_scoped3A_244 : memref<!tpu.dma_semaphore, #tpu.memory_space<semaphore_mem>>)
      %dma_wait3A_253 = arith.constant 0 : i32
      %dma_wait3A_254 = tpu.memref_slice %arg6[%run_scoped3A, %run_scoped3A_26, %dma_wait3A_253] : memref<3x2x128xi32, #tpu.memory_space<vmem>> -> memref<1x1x128xi32, #tpu.memory_space<vmem>>
      %dma_wait3A_255 = tpu.memref_squeeze %dma_wait3A_254 : memref<1x1x128xi32, #tpu.memory_space<vmem>> -> memref<128xi32, #tpu.memory_space<vmem>>
      %dma_wait3A_256 = tpu.memref_slice %arg3[%add3A_25] : memref<320000xi32, #tpu.memory_space<hbm>> -> memref<128xi32, #tpu.memory_space<hbm>>
      %dma_wait3A_257 = arith.constant 0 : i32
      %dma_wait3A_258 = tpu.memref_slice %arg6[%run_scoped3A, %run_scoped3A_26, %dma_wait3A_257] : memref<3x2x128xi32, #tpu.memory_space<vmem>> -> memref<1x1x128xi32, #tpu.memory_space<vmem>>
      %dma_wait3A_259 = tpu.memref_squeeze %dma_wait3A_258 : memref<1x1x128xi32, #tpu.memory_space<vmem>> -> memref<128xi32, #tpu.memory_space<vmem>>
      %dma_wait3A_260 = tpu.memref_slice %arg3[%add3A_25] : memref<320000xi32, #tpu.memory_space<hbm>> -> memref<128xi32, #tpu.memory_space<hbm>>
      tpu.wait_dma2 semaphore(%run_scoped3A_244 : memref<!tpu.dma_semaphore, #tpu.memory_space<semaphore_mem>>) src(%dma_wait3A_260 : memref<128xi32, #tpu.memory_space<hbm>>) dst(%dma_wait3A_259 : memref<128xi32, #tpu.memory_space<vmem>>)
      tpu.yield
    }) : () -> ()
    %add3A_27 = arith.constant 0 : i32
    %add3A_28 = arith.addi %multiple_of3A, %add3A_27 : i32
    %run_scoped3A_29 = arith.constant 0 : i32
    %run_scoped3A_30 = arith.constant 1 : i32
    "tpu.region"() ({
      %run_scoped3A_244 = tpu.sem_alloc : memref<!tpu.dma_semaphore, #tpu.memory_space<semaphore_mem>>
      %dma_start3A_245 = arith.constant 0 : i32
      %dma_start3A_246 = tpu.memref_slice %arg6[%run_scoped3A_29, %run_scoped3A_30, %dma_start3A_245] : memref<3x2x128xi32, #tpu.memory_space<vmem>> -> memref<1x1x128xi32, #tpu.memory_space<vmem>>
      %dma_start3A_247 = tpu.memref_squeeze %dma_start3A_246 : memref<1x1x128xi32, #tpu.memory_space<vmem>> -> memref<128xi32, #tpu.memory_space<vmem>>
      %dma_start3A_248 = tpu.memref_slice %arg4[%add3A_28] : memref<320000xi32, #tpu.memory_space<hbm>> -> memref<128xi32, #tpu.memory_space<hbm>>
      %dma_start3A_249 = arith.constant 0 : i32
      %dma_start3A_250 = tpu.memref_slice %arg6[%run_scoped3A_29, %run_scoped3A_30, %dma_start3A_249] : memref<3x2x128xi32, #tpu.memory_space<vmem>> -> memref<1x1x128xi32, #tpu.memory_space<vmem>>
      %dma_start3A_251 = tpu.memref_squeeze %dma_start3A_250 : memref<1x1x128xi32, #tpu.memory_space<vmem>> -> memref<128xi32, #tpu.memory_space<vmem>>
      %dma_start3A_252 = tpu.memref_slice %arg4[%add3A_28] : memref<320000xi32, #tpu.memory_space<hbm>> -> memref<128xi32, #tpu.memory_space<hbm>>
      tpu.enqueue_dma source(%dma_start3A_252 : memref<128xi32, #tpu.memory_space<hbm>>) target(%dma_start3A_251 : memref<128xi32, #tpu.memory_space<vmem>>) target_semaphore(%run_scoped3A_244 : memref<!tpu.dma_semaphore, #tpu.memory_space<semaphore_mem>>)
      %dma_wait3A_253 = arith.constant 0 : i32
      %dma_wait3A_254 = tpu.memref_slice %arg6[%run_scoped3A_29, %run_scoped3A_30, %dma_wait3A_253] : memref<3x2x128xi32, #tpu.memory_space<vmem>> -> memref<1x1x128xi32, #tpu.memory_space<vmem>>
      %dma_wait3A_255 = tpu.memref_squeeze %dma_wait3A_254 : memref<1x1x128xi32, #tpu.memory_space<vmem>> -> memref<128xi32, #tpu.memory_space<vmem>>
      %dma_wait3A_256 = tpu.memref_slice %arg4[%add3A_28] : memref<320000xi32, #tpu.memory_space<hbm>> -> memref<128xi32, #tpu.memory_space<hbm>>
      %dma_wait3A_257 = arith.constant 0 : i32
      %dma_wait3A_258 = tpu.memref_slice %arg6[%run_scoped3A_29, %run_scoped3A_30, %dma_wait3A_257] : memref<3x2x128xi32, #tpu.memory_space<vmem>> -> memref<1x1x128xi32, #tpu.memory_space<vmem>>
      %dma_wait3A_259 = tpu.memref_squeeze %dma_wait3A_258 : memref<1x1x128xi32, #tpu.memory_space<vmem>> -> memref<128xi32, #tpu.memory_space<vmem>>
      %dma_wait3A_260 = tpu.memref_slice %arg4[%add3A_28] : memref<320000xi32, #tpu.memory_space<hbm>> -> memref<128xi32, #tpu.memory_space<hbm>>
      tpu.wait_dma2 semaphore(%run_scoped3A_244 : memref<!tpu.dma_semaphore, #tpu.memory_space<semaphore_mem>>) src(%dma_wait3A_260 : memref<128xi32, #tpu.memory_space<hbm>>) dst(%dma_wait3A_259 : memref<128xi32, #tpu.memory_space<vmem>>)
      tpu.yield
    }) : () -> ()
    %add3A_31 = arith.constant 128 : i32
    %add3A_32 = arith.addi %multiple_of3A, %add3A_31 : i32
    %run_scoped3A_33 = arith.constant 1 : i32
    %run_scoped3A_34 = arith.constant 0 : i32
    "tpu.region"() ({
      %run_scoped3A_244 = tpu.sem_alloc : memref<!tpu.dma_semaphore, #tpu.memory_space<semaphore_mem>>
      %dma_start3A_245 = arith.constant 0 : i32
      %dma_start3A_246 = tpu.memref_slice %arg6[%run_scoped3A_33, %run_scoped3A_34, %dma_start3A_245] : memref<3x2x128xi32, #tpu.memory_space<vmem>> -> memref<1x1x128xi32, #tpu.memory_space<vmem>>
      %dma_start3A_247 = tpu.memref_squeeze %dma_start3A_246 : memref<1x1x128xi32, #tpu.memory_space<vmem>> -> memref<128xi32, #tpu.memory_space<vmem>>
      %dma_start3A_248 = tpu.memref_slice %arg3[%add3A_32] : memref<320000xi32, #tpu.memory_space<hbm>> -> memref<128xi32, #tpu.memory_space<hbm>>
      %dma_start3A_249 = arith.constant 0 : i32
      %dma_start3A_250 = tpu.memref_slice %arg6[%run_scoped3A_33, %run_scoped3A_34, %dma_start3A_249] : memref<3x2x128xi32, #tpu.memory_space<vmem>> -> memref<1x1x128xi32, #tpu.memory_space<vmem>>
      %dma_start3A_251 = tpu.memref_squeeze %dma_start3A_250 : memref<1x1x128xi32, #tpu.memory_space<vmem>> -> memref<128xi32, #tpu.memory_space<vmem>>
      %dma_start3A_252 = tpu.memref_slice %arg3[%add3A_32] : memref<320000xi32, #tpu.memory_space<hbm>> -> memref<128xi32, #tpu.memory_space<hbm>>
      tpu.enqueue_dma source(%dma_start3A_252 : memref<128xi32, #tpu.memory_space<hbm>>) target(%dma_start3A_251 : memref<128xi32, #tpu.memory_space<vmem>>) target_semaphore(%run_scoped3A_244 : memref<!tpu.dma_semaphore, #tpu.memory_space<semaphore_mem>>)
      %dma_wait3A_253 = arith.constant 0 : i32
      %dma_wait3A_254 = tpu.memref_slice %arg6[%run_scoped3A_33, %run_scoped3A_34, %dma_wait3A_253] : memref<3x2x128xi32, #tpu.memory_space<vmem>> -> memref<1x1x128xi32, #tpu.memory_space<vmem>>
      %dma_wait3A_255 = tpu.memref_squeeze %dma_wait3A_254 : memref<1x1x128xi32, #tpu.memory_space<vmem>> -> memref<128xi32, #tpu.memory_space<vmem>>
      %dma_wait3A_256 = tpu.memref_slice %arg3[%add3A_32] : memref<320000xi32, #tpu.memory_space<hbm>> -> memref<128xi32, #tpu.memory_space<hbm>>
      %dma_wait3A_257 = arith.constant 0 : i32
      %dma_wait3A_258 = tpu.memref_slice %arg6[%run_scoped3A_33, %run_scoped3A_34, %dma_wait3A_257] : memref<3x2x128xi32, #tpu.memory_space<vmem>> -> memref<1x1x128xi32, #tpu.memory_space<vmem>>
      %dma_wait3A_259 = tpu.memref_squeeze %dma_wait3A_258 : memref<1x1x128xi32, #tpu.memory_space<vmem>> -> memref<128xi32, #tpu.memory_space<vmem>>
      %dma_wait3A_260 = tpu.memref_slice %arg3[%add3A_32] : memref<320000xi32, #tpu.memory_space<hbm>> -> memref<128xi32, #tpu.memory_space<hbm>>
      tpu.wait_dma2 semaphore(%run_scoped3A_244 : memref<!tpu.dma_semaphore, #tpu.memory_space<semaphore_mem>>) src(%dma_wait3A_260 : memref<128xi32, #tpu.memory_space<hbm>>) dst(%dma_wait3A_259 : memref<128xi32, #tpu.memory_space<vmem>>)
      tpu.yield
    }) : () -> ()
    %add3A_35 = arith.constant 128 : i32
    %add3A_36 = arith.addi %multiple_of3A, %add3A_35 : i32
    %run_scoped3A_37 = arith.constant 1 : i32
    %run_scoped3A_38 = arith.constant 1 : i32
    "tpu.region"() ({
      %run_scoped3A_244 = tpu.sem_alloc : memref<!tpu.dma_semaphore, #tpu.memory_space<semaphore_mem>>
      %dma_start3A_245 = arith.constant 0 : i32
      %dma_start3A_246 = tpu.memref_slice %arg6[%run_scoped3A_37, %run_scoped3A_38, %dma_start3A_245] : memref<3x2x128xi32, #tpu.memory_space<vmem>> -> memref<1x1x128xi32, #tpu.memory_space<vmem>>
      %dma_start3A_247 = tpu.memref_squeeze %dma_start3A_246 : memref<1x1x128xi32, #tpu.memory_space<vmem>> -> memref<128xi32, #tpu.memory_space<vmem>>
      %dma_start3A_248 = tpu.memref_slice %arg4[%add3A_36] : memref<320000xi32, #tpu.memory_space<hbm>> -> memref<128xi32, #tpu.memory_space<hbm>>
      %dma_start3A_249 = arith.constant 0 : i32
      %dma_start3A_250 = tpu.memref_slice %arg6[%run_scoped3A_37, %run_scoped3A_38, %dma_start3A_249] : memref<3x2x128xi32, #tpu.memory_space<vmem>> -> memref<1x1x128xi32, #tpu.memory_space<vmem>>
      %dma_start3A_251 = tpu.memref_squeeze %dma_start3A_250 : memref<1x1x128xi32, #tpu.memory_space<vmem>> -> memref<128xi32, #tpu.memory_space<vmem>>
      %dma_start3A_252 = tpu.memref_slice %arg4[%add3A_36] : memref<320000xi32, #tpu.memory_space<hbm>> -> memref<128xi32, #tpu.memory_space<hbm>>
      tpu.enqueue_dma source(%dma_start3A_252 : memref<128xi32, #tpu.memory_space<hbm>>) target(%dma_start3A_251 : memref<128xi32, #tpu.memory_space<vmem>>) target_semaphore(%run_scoped3A_244 : memref<!tpu.dma_semaphore, #tpu.memory_space<semaphore_mem>>)
      %dma_wait3A_253 = arith.constant 0 : i32
      %dma_wait3A_254 = tpu.memref_slice %arg6[%run_scoped3A_37, %run_scoped3A_38, %dma_wait3A_253] : memref<3x2x128xi32, #tpu.memory_space<vmem>> -> memref<1x1x128xi32, #tpu.memory_space<vmem>>
      %dma_wait3A_255 = tpu.memref_squeeze %dma_wait3A_254 : memref<1x1x128xi32, #tpu.memory_space<vmem>> -> memref<128xi32, #tpu.memory_space<vmem>>
      %dma_wait3A_256 = tpu.memref_slice %arg4[%add3A_36] : memref<320000xi32, #tpu.memory_space<hbm>> -> memref<128xi32, #tpu.memory_space<hbm>>
      %dma_wait3A_257 = arith.constant 0 : i32
      %dma_wait3A_258 = tpu.memref_slice %arg6[%run_scoped3A_37, %run_scoped3A_38, %dma_wait3A_257] : memref<3x2x128xi32, #tpu.memory_space<vmem>> -> memref<1x1x128xi32, #tpu.memory_space<vmem>>
      %dma_wait3A_259 = tpu.memref_squeeze %dma_wait3A_258 : memref<1x1x128xi32, #tpu.memory_space<vmem>> -> memref<128xi32, #tpu.memory_space<vmem>>
      %dma_wait3A_260 = tpu.memref_slice %arg4[%add3A_36] : memref<320000xi32, #tpu.memory_space<hbm>> -> memref<128xi32, #tpu.memory_space<hbm>>
      tpu.wait_dma2 semaphore(%run_scoped3A_244 : memref<!tpu.dma_semaphore, #tpu.memory_space<semaphore_mem>>) src(%dma_wait3A_260 : memref<128xi32, #tpu.memory_space<hbm>>) dst(%dma_wait3A_259 : memref<128xi32, #tpu.memory_space<vmem>>)
      tpu.yield
    }) : () -> ()
    %add3A_39 = arith.constant 256 : i32
    %add3A_40 = arith.addi %multiple_of3A, %add3A_39 : i32
    %run_scoped3A_41 = arith.constant 2 : i32
    %run_scoped3A_42 = arith.constant 0 : i32
    "tpu.region"() ({
      %run_scoped3A_244 = tpu.sem_alloc : memref<!tpu.dma_semaphore, #tpu.memory_space<semaphore_mem>>
      %dma_start3A_245 = arith.constant 0 : i32
      %dma_start3A_246 = tpu.memref_slice %arg6[%run_scoped3A_41, %run_scoped3A_42, %dma_start3A_245] : memref<3x2x128xi32, #tpu.memory_space<vmem>> -> memref<1x1x128xi32, #tpu.memory_space<vmem>>
      %dma_start3A_247 = tpu.memref_squeeze %dma_start3A_246 : memref<1x1x128xi32, #tpu.memory_space<vmem>> -> memref<128xi32, #tpu.memory_space<vmem>>
      %dma_start3A_248 = tpu.memref_slice %arg3[%add3A_40] : memref<320000xi32, #tpu.memory_space<hbm>> -> memref<128xi32, #tpu.memory_space<hbm>>
      %dma_start3A_249 = arith.constant 0 : i32
      %dma_start3A_250 = tpu.memref_slice %arg6[%run_scoped3A_41, %run_scoped3A_42, %dma_start3A_249] : memref<3x2x128xi32, #tpu.memory_space<vmem>> -> memref<1x1x128xi32, #tpu.memory_space<vmem>>
      %dma_start3A_251 = tpu.memref_squeeze %dma_start3A_250 : memref<1x1x128xi32, #tpu.memory_space<vmem>> -> memref<128xi32, #tpu.memory_space<vmem>>
      %dma_start3A_252 = tpu.memref_slice %arg3[%add3A_40] : memref<320000xi32, #tpu.memory_space<hbm>> -> memref<128xi32, #tpu.memory_space<hbm>>
      tpu.enqueue_dma source(%dma_start3A_252 : memref<128xi32, #tpu.memory_space<hbm>>) target(%dma_start3A_251 : memref<128xi32, #tpu.memory_space<vmem>>) target_semaphore(%run_scoped3A_244 : memref<!tpu.dma_semaphore, #tpu.memory_space<semaphore_mem>>)
      %dma_wait3A_253 = arith.constant 0 : i32
      %dma_wait3A_254 = tpu.memref_slice %arg6[%run_scoped3A_41, %run_scoped3A_42, %dma_wait3A_253] : memref<3x2x128xi32, #tpu.memory_space<vmem>> -> memref<1x1x128xi32, #tpu.memory_space<vmem>>
      %dma_wait3A_255 = tpu.memref_squeeze %dma_wait3A_254 : memref<1x1x128xi32, #tpu.memory_space<vmem>> -> memref<128xi32, #tpu.memory_space<vmem>>
      %dma_wait3A_256 = tpu.memref_slice %arg3[%add3A_40] : memref<320000xi32, #tpu.memory_space<hbm>> -> memref<128xi32, #tpu.memory_space<hbm>>
      %dma_wait3A_257 = arith.constant 0 : i32
      %dma_wait3A_258 = tpu.memref_slice %arg6[%run_scoped3A_41, %run_scoped3A_42, %dma_wait3A_257] : memref<3x2x128xi32, #tpu.memory_space<vmem>> -> memref<1x1x128xi32, #tpu.memory_space<vmem>>
      %dma_wait3A_259 = tpu.memref_squeeze %dma_wait3A_258 : memref<1x1x128xi32, #tpu.memory_space<vmem>> -> memref<128xi32, #tpu.memory_space<vmem>>
      %dma_wait3A_260 = tpu.memref_slice %arg3[%add3A_40] : memref<320000xi32, #tpu.memory_space<hbm>> -> memref<128xi32, #tpu.memory_space<hbm>>
      tpu.wait_dma2 semaphore(%run_scoped3A_244 : memref<!tpu.dma_semaphore, #tpu.memory_space<semaphore_mem>>) src(%dma_wait3A_260 : memref<128xi32, #tpu.memory_space<hbm>>) dst(%dma_wait3A_259 : memref<128xi32, #tpu.memory_space<vmem>>)
      tpu.yield
    }) : () -> ()
    %add3A_43 = arith.constant 256 : i32
    %add3A_44 = arith.addi %multiple_of3A, %add3A_43 : i32
    %run_scoped3A_45 = arith.constant 2 : i32
    %run_scoped3A_46 = arith.constant 1 : i32
    "tpu.region"() ({
      %run_scoped3A_244 = tpu.sem_alloc : memref<!tpu.dma_semaphore, #tpu.memory_space<semaphore_mem>>
      %dma_start3A_245 = arith.constant 0 : i32
      %dma_start3A_246 = tpu.memref_slice %arg6[%run_scoped3A_45, %run_scoped3A_46, %dma_start3A_245] : memref<3x2x128xi32, #tpu.memory_space<vmem>> -> memref<1x1x128xi32, #tpu.memory_space<vmem>>
      %dma_start3A_247 = tpu.memref_squeeze %dma_start3A_246 : memref<1x1x128xi32, #tpu.memory_space<vmem>> -> memref<128xi32, #tpu.memory_space<vmem>>
      %dma_start3A_248 = tpu.memref_slice %arg4[%add3A_44] : memref<320000xi32, #tpu.memory_space<hbm>> -> memref<128xi32, #tpu.memory_space<hbm>>
      %dma_start3A_249 = arith.constant 0 : i32
      %dma_start3A_250 = tpu.memref_slice %arg6[%run_scoped3A_45, %run_scoped3A_46, %dma_start3A_249] : memref<3x2x128xi32, #tpu.memory_space<vmem>> -> memref<1x1x128xi32, #tpu.memory_space<vmem>>
      %dma_start3A_251 = tpu.memref_squeeze %dma_start3A_250 : memref<1x1x128xi32, #tpu.memory_space<vmem>> -> memref<128xi32, #tpu.memory_space<vmem>>
      %dma_start3A_252 = tpu.memref_slice %arg4[%add3A_44] : memref<320000xi32, #tpu.memory_space<hbm>> -> memref<128xi32, #tpu.memory_space<hbm>>
      tpu.enqueue_dma source(%dma_start3A_252 : memref<128xi32, #tpu.memory_space<hbm>>) target(%dma_start3A_251 : memref<128xi32, #tpu.memory_space<vmem>>) target_semaphore(%run_scoped3A_244 : memref<!tpu.dma_semaphore, #tpu.memory_space<semaphore_mem>>)
      %dma_wait3A_253 = arith.constant 0 : i32
      %dma_wait3A_254 = tpu.memref_slice %arg6[%run_scoped3A_45, %run_scoped3A_46, %dma_wait3A_253] : memref<3x2x128xi32, #tpu.memory_space<vmem>> -> memref<1x1x128xi32, #tpu.memory_space<vmem>>
      %dma_wait3A_255 = tpu.memref_squeeze %dma_wait3A_254 : memref<1x1x128xi32, #tpu.memory_space<vmem>> -> memref<128xi32, #tpu.memory_space<vmem>>
      %dma_wait3A_256 = tpu.memref_slice %arg4[%add3A_44] : memref<320000xi32, #tpu.memory_space<hbm>> -> memref<128xi32, #tpu.memory_space<hbm>>
      %dma_wait3A_257 = arith.constant 0 : i32
      %dma_wait3A_258 = tpu.memref_slice %arg6[%run_scoped3A_45, %run_scoped3A_46, %dma_wait3A_257] : memref<3x2x128xi32, #tpu.memory_space<vmem>> -> memref<1x1x128xi32, #tpu.memory_space<vmem>>
      %dma_wait3A_259 = tpu.memref_squeeze %dma_wait3A_258 : memref<1x1x128xi32, #tpu.memory_space<vmem>> -> memref<128xi32, #tpu.memory_space<vmem>>
      %dma_wait3A_260 = tpu.memref_slice %arg4[%add3A_44] : memref<320000xi32, #tpu.memory_space<hbm>> -> memref<128xi32, #tpu.memory_space<hbm>>
      tpu.wait_dma2 semaphore(%run_scoped3A_244 : memref<!tpu.dma_semaphore, #tpu.memory_space<semaphore_mem>>) src(%dma_wait3A_260 : memref<128xi32, #tpu.memory_space<hbm>>) dst(%dma_wait3A_259 : memref<128xi32, #tpu.memory_space<vmem>>)
      tpu.yield
    }) : () -> ()
    %dma_start3A = arith.constant 0 : i32
    %dma_start3A_47 = arith.constant 0 : i32
    %dma_start3A_48 = arith.constant 0 : i32
    %dma_start3A_49 = arith.constant 0 : i32
    %dma_start3A_50 = arith.constant 0 : i32
    %dma_start3A_51 = tpu.memref_slice %arg8[%dma_start3A_48, %dma_start3A_49, %dma_start3A_50] : memref<3x128x128xf32, #tpu.memory_space<vmem>> -> memref<1x128x128xf32, #tpu.memory_space<vmem>>
    %dma_start3A_52 = tpu.memref_squeeze %dma_start3A_51 : memref<1x128x128xf32, #tpu.memory_space<vmem>> -> memref<128x128xf32, #tpu.memory_space<vmem>>
    %dma_start3A_53 = arith.constant 0 : i32
    %dma_start3A_54 = tpu.memref_slice %arg6[%dma_start3A, %dma_start3A_47, %dma_start3A_53] : memref<3x2x128xi32, #tpu.memory_space<vmem>> -> memref<1x1x128xi32, #tpu.memory_space<vmem>>
    %dma_start3A_55 = tpu.memref_squeeze %dma_start3A_54 : memref<1x1x128xi32, #tpu.memory_space<vmem>> -> memref<128xi32, #tpu.memory_space<vmem>>
    %dma_start3A_56 = arith.constant 0 : i32
    %dma_start3A_57 = arith.constant 0 : i32
    %dma_start3A_58 = tpu.memref_slice %arg2[%dma_start3A_56, %dma_start3A_57] : memref<10000x128xf32, #tpu.memory_space<hbm>> -> memref<10000x128xf32, #tpu.memory_space<hbm>>
    tpu.enqueue_indirect_dma source(%dma_start3A_58 : memref<10000x128xf32, #tpu.memory_space<hbm>>) target(%dma_start3A_52 : memref<128x128xf32, #tpu.memory_space<vmem>>) offsets(%dma_start3A_55 : memref<128xi32, #tpu.memory_space<vmem>>) semaphore(%arg10 : memref<!tpu.dma_semaphore, #tpu.memory_space<semaphore_mem>>)
    %dma_start3A_59 = arith.constant 1 : i32
    %dma_start3A_60 = arith.constant 0 : i32
    %dma_start3A_61 = arith.constant 1 : i32
    %dma_start3A_62 = arith.constant 0 : i32
    %dma_start3A_63 = arith.constant 0 : i32
    %dma_start3A_64 = tpu.memref_slice %arg8[%dma_start3A_61, %dma_start3A_62, %dma_start3A_63] : memref<3x128x128xf32, #tpu.memory_space<vmem>> -> memref<1x128x128xf32, #tpu.memory_space<vmem>>
    %dma_start3A_65 = tpu.memref_squeeze %dma_start3A_64 : memref<1x128x128xf32, #tpu.memory_space<vmem>> -> memref<128x128xf32, #tpu.memory_space<vmem>>
    %dma_start3A_66 = arith.constant 0 : i32
    %dma_start3A_67 = tpu.memref_slice %arg6[%dma_start3A_59, %dma_start3A_60, %dma_start3A_66] : memref<3x2x128xi32, #tpu.memory_space<vmem>> -> memref<1x1x128xi32, #tpu.memory_space<vmem>>
    %dma_start3A_68 = tpu.memref_squeeze %dma_start3A_67 : memref<1x1x128xi32, #tpu.memory_space<vmem>> -> memref<128xi32, #tpu.memory_space<vmem>>
    %dma_start3A_69 = arith.constant 0 : i32
    %dma_start3A_70 = arith.constant 0 : i32
    %dma_start3A_71 = tpu.memref_slice %arg2[%dma_start3A_69, %dma_start3A_70] : memref<10000x128xf32, #tpu.memory_space<hbm>> -> memref<10000x128xf32, #tpu.memory_space<hbm>>
    tpu.enqueue_indirect_dma source(%dma_start3A_71 : memref<10000x128xf32, #tpu.memory_space<hbm>>) target(%dma_start3A_65 : memref<128x128xf32, #tpu.memory_space<vmem>>) offsets(%dma_start3A_68 : memref<128xi32, #tpu.memory_space<vmem>>) semaphore(%arg11 : memref<!tpu.dma_semaphore, #tpu.memory_space<semaphore_mem>>)
    %dma_wait3A = arith.constant 0 : i32
    %dma_wait3A_72 = arith.constant 0 : i32
    %dma_wait3A_73 = arith.constant 0 : i32
    %dma_wait3A_74 = arith.constant 0 : i32
    %dma_wait3A_75 = arith.constant 0 : i32
    %dma_wait3A_76 = tpu.memref_slice %arg8[%dma_wait3A_73, %dma_wait3A_74, %dma_wait3A_75] : memref<3x128x128xf32, #tpu.memory_space<vmem>> -> memref<1x128x128xf32, #tpu.memory_space<vmem>>
    %dma_wait3A_77 = tpu.memref_squeeze %dma_wait3A_76 : memref<1x128x128xf32, #tpu.memory_space<vmem>> -> memref<128x128xf32, #tpu.memory_space<vmem>>
    %dma_wait3A_78 = arith.constant 0 : i32
    %dma_wait3A_79 = tpu.memref_slice %arg6[%dma_wait3A, %dma_wait3A_72, %dma_wait3A_78] : memref<3x2x128xi32, #tpu.memory_space<vmem>> -> memref<1x1x128xi32, #tpu.memory_space<vmem>>
    %dma_wait3A_80 = tpu.memref_squeeze %dma_wait3A_79 : memref<1x1x128xi32, #tpu.memory_space<vmem>> -> memref<128xi32, #tpu.memory_space<vmem>>
    %dma_wait3A_81 = arith.constant 0 : i32
    %dma_wait3A_82 = arith.constant 0 : i32
    %dma_wait3A_83 = tpu.memref_slice %arg2[%dma_wait3A_81, %dma_wait3A_82] : memref<10000x128xf32, #tpu.memory_space<hbm>> -> memref<10000x128xf32, #tpu.memory_space<hbm>>
    tpu.wait_indirect_dma semaphore(%arg10 : memref<!tpu.dma_semaphore, #tpu.memory_space<semaphore_mem>>) src(%dma_wait3A_83 : memref<10000x128xf32, #tpu.memory_space<hbm>>) dst(%dma_wait3A_77 : memref<128x128xf32, #tpu.memory_space<vmem>>)
    %dma_start3A_84 = arith.constant 0 : i32
    %dma_start3A_85 = arith.constant 0 : i32
    %dma_start3A_86 = arith.constant 1 : i32
    %dma_start3A_87 = arith.constant 0 : i32
    %dma_start3A_88 = arith.constant 0 : i32
    %dma_start3A_89 = tpu.memref_slice %arg8[%dma_start3A_84, %dma_start3A_87, %dma_start3A_88] : memref<3x128x128xf32, #tpu.memory_space<vmem>> -> memref<1x128x128xf32, #tpu.memory_space<vmem>>
    %dma_start3A_90 = tpu.memref_squeeze %dma_start3A_89 : memref<1x128x128xf32, #tpu.memory_space<vmem>> -> memref<128x128xf32, #tpu.memory_space<vmem>>
    %dma_start3A_91 = arith.constant 0 : i32
    %dma_start3A_92 = tpu.memref_slice %arg6[%dma_start3A_85, %dma_start3A_86, %dma_start3A_91] : memref<3x2x128xi32, #tpu.memory_space<vmem>> -> memref<1x1x128xi32, #tpu.memory_space<vmem>>
    %dma_start3A_93 = tpu.memref_squeeze %dma_start3A_92 : memref<1x1x128xi32, #tpu.memory_space<vmem>> -> memref<128xi32, #tpu.memory_space<vmem>>
    %dma_start3A_94 = arith.constant 0 : i32
    %dma_start3A_95 = arith.constant 0 : i32
    %dma_start3A_96 = tpu.memref_slice %arg9[%dma_start3A_94, %dma_start3A_95] : memref<10112x128xf32, #tpu.memory_space<vmem_shared>> -> memref<10112x128xf32, #tpu.memory_space<vmem_shared>>
    tpu.enqueue_indirect_dma source(%dma_start3A_90 : memref<128x128xf32, #tpu.memory_space<vmem>>) target(%dma_start3A_96 : memref<10112x128xf32, #tpu.memory_space<vmem_shared>>) offsets(%dma_start3A_93 : memref<128xi32, #tpu.memory_space<vmem>>) semaphore(%arg13 : memref<!tpu.dma_semaphore, #tpu.memory_space<semaphore_mem>>) {add = true}
    %dma_start3A_97 = arith.constant 2 : i32
    %dma_start3A_98 = arith.constant 0 : i32
    %dma_start3A_99 = arith.constant 2 : i32
    %dma_start3A_100 = arith.constant 0 : i32
    %dma_start3A_101 = arith.constant 0 : i32
    %dma_start3A_102 = tpu.memref_slice %arg8[%dma_start3A_99, %dma_start3A_100, %dma_start3A_101] : memref<3x128x128xf32, #tpu.memory_space<vmem>> -> memref<1x128x128xf32, #tpu.memory_space<vmem>>
    %dma_start3A_103 = tpu.memref_squeeze %dma_start3A_102 : memref<1x128x128xf32, #tpu.memory_space<vmem>> -> memref<128x128xf32, #tpu.memory_space<vmem>>
    %dma_start3A_104 = arith.constant 0 : i32
    %dma_start3A_105 = tpu.memref_slice %arg6[%dma_start3A_97, %dma_start3A_98, %dma_start3A_104] : memref<3x2x128xi32, #tpu.memory_space<vmem>> -> memref<1x1x128xi32, #tpu.memory_space<vmem>>
    %dma_start3A_106 = tpu.memref_squeeze %dma_start3A_105 : memref<1x1x128xi32, #tpu.memory_space<vmem>> -> memref<128xi32, #tpu.memory_space<vmem>>
    %dma_start3A_107 = arith.constant 0 : i32
    %dma_start3A_108 = arith.constant 0 : i32
    %dma_start3A_109 = tpu.memref_slice %arg2[%dma_start3A_107, %dma_start3A_108] : memref<10000x128xf32, #tpu.memory_space<hbm>> -> memref<10000x128xf32, #tpu.memory_space<hbm>>
    tpu.enqueue_indirect_dma source(%dma_start3A_109 : memref<10000x128xf32, #tpu.memory_space<hbm>>) target(%dma_start3A_103 : memref<128x128xf32, #tpu.memory_space<vmem>>) offsets(%dma_start3A_106 : memref<128xi32, #tpu.memory_space<vmem>>) semaphore(%arg12 : memref<!tpu.dma_semaphore, #tpu.memory_space<semaphore_mem>>)
    %scan3A_110 = arith.constant 0 : i32
    %scan3A_111 = arith.constant 0 : i32
    %scan3A_112 = arith.constant 25 : i32
    %scan3A_113 = arith.addi %scan3A_111, %scan3A_112 : i32
    %scan3A_114 = arith.constant 1 : i32
    scf.for %scan3A_244 = %scan3A_111 to %scan3A_113 step %scan3A_114  : i32 {
      %mul3A_245 = arith.constant 3 : i32
      %mul3A_246 = arith.muli %mul3A_245, %scan3A_244 : i32
      %add3A_247 = arith.constant 1 : i32
      %add3A_248 = arith.addi %mul3A_246, %add3A_247 : i32
      %add3A_249 = arith.constant 0 : i32
      %add3A_250 = arith.addi %add3A_248, %add3A_249 : i32
      %dma_wait3A_251 = arith.constant 1 : i32
      %dma_wait3A_252 = arith.constant 0 : i32
      %dma_wait3A_253 = arith.constant 1 : i32
      %dma_wait3A_254 = arith.constant 0 : i32
      %dma_wait3A_255 = arith.constant 0 : i32
      %dma_wait3A_256 = tpu.memref_slice %arg8[%dma_wait3A_253, %dma_wait3A_254, %dma_wait3A_255] : memref<3x128x128xf32, #tpu.memory_space<vmem>> -> memref<1x128x128xf32, #tpu.memory_space<vmem>>
      %dma_wait3A_257 = tpu.memref_squeeze %dma_wait3A_256 : memref<1x128x128xf32, #tpu.memory_space<vmem>> -> memref<128x128xf32, #tpu.memory_space<vmem>>
      %dma_wait3A_258 = arith.constant 0 : i32
      %dma_wait3A_259 = tpu.memref_slice %arg6[%dma_wait3A_251, %dma_wait3A_252, %dma_wait3A_258] : memref<3x2x128xi32, #tpu.memory_space<vmem>> -> memref<1x1x128xi32, #tpu.memory_space<vmem>>
      %dma_wait3A_260 = tpu.memref_squeeze %dma_wait3A_259 : memref<1x1x128xi32, #tpu.memory_space<vmem>> -> memref<128xi32, #tpu.memory_space<vmem>>
      %dma_wait3A_261 = arith.constant 0 : i32
      %dma_wait3A_262 = arith.constant 0 : i32
      %dma_wait3A_263 = tpu.memref_slice %arg2[%dma_wait3A_261, %dma_wait3A_262] : memref<10000x128xf32, #tpu.memory_space<hbm>> -> memref<10000x128xf32, #tpu.memory_space<hbm>>
      tpu.wait_indirect_dma semaphore(%arg11 : memref<!tpu.dma_semaphore, #tpu.memory_space<semaphore_mem>>) src(%dma_wait3A_263 : memref<10000x128xf32, #tpu.memory_space<hbm>>) dst(%dma_wait3A_257 : memref<128x128xf32, #tpu.memory_space<vmem>>)
      %dma_start3A_264 = arith.constant 1 : i32
      %dma_start3A_265 = arith.constant 1 : i32
      %dma_start3A_266 = arith.constant 1 : i32
      %dma_start3A_267 = arith.constant 0 : i32
      %dma_start3A_268 = arith.constant 0 : i32
      %dma_start3A_269 = tpu.memref_slice %arg8[%dma_start3A_264, %dma_start3A_267, %dma_start3A_268] : memref<3x128x128xf32, #tpu.memory_space<vmem>> -> memref<1x128x128xf32, #tpu.memory_space<vmem>>
      %dma_start3A_270 = tpu.memref_squeeze %dma_start3A_269 : memref<1x128x128xf32, #tpu.memory_space<vmem>> -> memref<128x128xf32, #tpu.memory_space<vmem>>
      %dma_start3A_271 = arith.constant 0 : i32
      %dma_start3A_272 = tpu.memref_slice %arg6[%dma_start3A_265, %dma_start3A_266, %dma_start3A_271] : memref<3x2x128xi32, #tpu.memory_space<vmem>> -> memref<1x1x128xi32, #tpu.memory_space<vmem>>
      %dma_start3A_273 = tpu.memref_squeeze %dma_start3A_272 : memref<1x1x128xi32, #tpu.memory_space<vmem>> -> memref<128xi32, #tpu.memory_space<vmem>>
      %dma_start3A_274 = arith.constant 0 : i32
      %dma_start3A_275 = arith.constant 0 : i32
      %dma_start3A_276 = tpu.memref_slice %arg9[%dma_start3A_274, %dma_start3A_275] : memref<10112x128xf32, #tpu.memory_space<vmem_shared>> -> memref<10112x128xf32, #tpu.memory_space<vmem_shared>>
      tpu.enqueue_indirect_dma source(%dma_start3A_270 : memref<128x128xf32, #tpu.memory_space<vmem>>) target(%dma_start3A_276 : memref<10112x128xf32, #tpu.memory_space<vmem_shared>>) offsets(%dma_start3A_273 : memref<128xi32, #tpu.memory_space<vmem>>) semaphore(%arg14 : memref<!tpu.dma_semaphore, #tpu.memory_space<semaphore_mem>>) {add = true}
      %dma_wait3A_277 = arith.constant 0 : i32
      %dma_wait3A_278 = arith.constant 0 : i32
      %dma_wait3A_279 = arith.constant 1 : i32
      %dma_wait3A_280 = arith.constant 0 : i32
      %dma_wait3A_281 = arith.constant 0 : i32
      %dma_wait3A_282 = tpu.memref_slice %arg8[%dma_wait3A_277, %dma_wait3A_280, %dma_wait3A_281] : memref<3x128x128xf32, #tpu.memory_space<vmem>> -> memref<1x128x128xf32, #tpu.memory_space<vmem>>
      %dma_wait3A_283 = tpu.memref_squeeze %dma_wait3A_282 : memref<1x128x128xf32, #tpu.memory_space<vmem>> -> memref<128x128xf32, #tpu.memory_space<vmem>>
      %dma_wait3A_284 = arith.constant 0 : i32
      %dma_wait3A_285 = tpu.memref_slice %arg6[%dma_wait3A_278, %dma_wait3A_279, %dma_wait3A_284] : memref<3x2x128xi32, #tpu.memory_space<vmem>> -> memref<1x1x128xi32, #tpu.memory_space<vmem>>
      %dma_wait3A_286 = tpu.memref_squeeze %dma_wait3A_285 : memref<1x1x128xi32, #tpu.memory_space<vmem>> -> memref<128xi32, #tpu.memory_space<vmem>>
      %dma_wait3A_287 = arith.constant 0 : i32
      %dma_wait3A_288 = arith.constant 0 : i32
      %dma_wait3A_289 = tpu.memref_slice %arg9[%dma_wait3A_287, %dma_wait3A_288] : memref<10112x128xf32, #tpu.memory_space<vmem_shared>> -> memref<10112x128xf32, #tpu.memory_space<vmem_shared>>
      tpu.wait_indirect_dma semaphore(%arg13 : memref<!tpu.dma_semaphore, #tpu.memory_space<semaphore_mem>>) src(%dma_wait3A_283 : memref<128x128xf32, #tpu.memory_space<vmem>>) dst(%dma_wait3A_289 : memref<10112x128xf32, #tpu.memory_space<vmem_shared>>)
      %add3A_290 = arith.constant 2 : i32
      %add3A_291 = arith.addi %add3A_250, %add3A_290 : i32
      %mul3A_292 = arith.constant 128 : i32
      %mul3A_293 = arith.muli %add3A_291, %mul3A_292 : i32
      %add3A_294 = arith.addi %multiple_of3A, %mul3A_293 : i32
      %run_scoped3A_295 = arith.constant 0 : i32
      %run_scoped3A_296 = arith.constant 0 : i32
      "tpu.region"() ({
        %run_scoped3A_447 = tpu.sem_alloc : memref<!tpu.dma_semaphore, #tpu.memory_space<semaphore_mem>>
        %dma_start3A_448 = arith.constant 0 : i32
        %dma_start3A_449 = tpu.memref_slice %arg6[%run_scoped3A_295, %run_scoped3A_296, %dma_start3A_448] : memref<3x2x128xi32, #tpu.memory_space<vmem>> -> memref<1x1x128xi32, #tpu.memory_space<vmem>>
        %dma_start3A_450 = tpu.memref_squeeze %dma_start3A_449 : memref<1x1x128xi32, #tpu.memory_space<vmem>> -> memref<128xi32, #tpu.memory_space<vmem>>
        %dma_start3A_451 = tpu.memref_slice %arg3[%add3A_294] : memref<320000xi32, #tpu.memory_space<hbm>> -> memref<128xi32, #tpu.memory_space<hbm>>
        %dma_start3A_452 = arith.constant 0 : i32
        %dma_start3A_453 = tpu.memref_slice %arg6[%run_scoped3A_295, %run_scoped3A_296, %dma_start3A_452] : memref<3x2x128xi32, #tpu.memory_space<vmem>> -> memref<1x1x128xi32, #tpu.memory_space<vmem>>
        %dma_start3A_454 = tpu.memref_squeeze %dma_start3A_453 : memref<1x1x128xi32, #tpu.memory_space<vmem>> -> memref<128xi32, #tpu.memory_space<vmem>>
        %dma_start3A_455 = tpu.memref_slice %arg3[%add3A_294] : memref<320000xi32, #tpu.memory_space<hbm>> -> memref<128xi32, #tpu.memory_space<hbm>>
        tpu.enqueue_dma source(%dma_start3A_455 : memref<128xi32, #tpu.memory_space<hbm>>) target(%dma_start3A_454 : memref<128xi32, #tpu.memory_space<vmem>>) target_semaphore(%run_scoped3A_447 : memref<!tpu.dma_semaphore, #tpu.memory_space<semaphore_mem>>)
        %dma_wait3A_456 = arith.constant 0 : i32
        %dma_wait3A_457 = tpu.memref_slice %arg6[%run_scoped3A_295, %run_scoped3A_296, %dma_wait3A_456] : memref<3x2x128xi32, #tpu.memory_space<vmem>> -> memref<1x1x128xi32, #tpu.memory_space<vmem>>
        %dma_wait3A_458 = tpu.memref_squeeze %dma_wait3A_457 : memref<1x1x128xi32, #tpu.memory_space<vmem>> -> memref<128xi32, #tpu.memory_space<vmem>>
        %dma_wait3A_459 = tpu.memref_slice %arg3[%add3A_294] : memref<320000xi32, #tpu.memory_space<hbm>> -> memref<128xi32, #tpu.memory_space<hbm>>
        %dma_wait3A_460 = arith.constant 0 : i32
        %dma_wait3A_461 = tpu.memref_slice %arg6[%run_scoped3A_295, %run_scoped3A_296, %dma_wait3A_460] : memref<3x2x128xi32, #tpu.memory_space<vmem>> -> memref<1x1x128xi32, #tpu.memory_space<vmem>>
        %dma_wait3A_462 = tpu.memref_squeeze %dma_wait3A_461 : memref<1x1x128xi32, #tpu.memory_space<vmem>> -> memref<128xi32, #tpu.memory_space<vmem>>
        %dma_wait3A_463 = tpu.memref_slice %arg3[%add3A_294] : memref<320000xi32, #tpu.memory_space<hbm>> -> memref<128xi32, #tpu.memory_space<hbm>>
        tpu.wait_dma2 semaphore(%run_scoped3A_447 : memref<!tpu.dma_semaphore, #tpu.memory_space<semaphore_mem>>) src(%dma_wait3A_463 : memref<128xi32, #tpu.memory_space<hbm>>) dst(%dma_wait3A_462 : memref<128xi32, #tpu.memory_space<vmem>>)
        tpu.yield
      }) : () -> ()
      %mul3A_297 = arith.constant 128 : i32
      %mul3A_298 = arith.muli %add3A_291, %mul3A_297 : i32
      %add3A_299 = arith.addi %multiple_of3A, %mul3A_298 : i32
      %run_scoped3A_300 = arith.constant 0 : i32
      %run_scoped3A_301 = arith.constant 1 : i32
      "tpu.region"() ({
        %run_scoped3A_447 = tpu.sem_alloc : memref<!tpu.dma_semaphore, #tpu.memory_space<semaphore_mem>>
        %dma_start3A_448 = arith.constant 0 : i32
        %dma_start3A_449 = tpu.memref_slice %arg6[%run_scoped3A_300, %run_scoped3A_301, %dma_start3A_448] : memref<3x2x128xi32, #tpu.memory_space<vmem>> -> memref<1x1x128xi32, #tpu.memory_space<vmem>>
        %dma_start3A_450 = tpu.memref_squeeze %dma_start3A_449 : memref<1x1x128xi32, #tpu.memory_space<vmem>> -> memref<128xi32, #tpu.memory_space<vmem>>
        %dma_start3A_451 = tpu.memref_slice %arg4[%add3A_299] : memref<320000xi32, #tpu.memory_space<hbm>> -> memref<128xi32, #tpu.memory_space<hbm>>
        %dma_start3A_452 = arith.constant 0 : i32
        %dma_start3A_453 = tpu.memref_slice %arg6[%run_scoped3A_300, %run_scoped3A_301, %dma_start3A_452] : memref<3x2x128xi32, #tpu.memory_space<vmem>> -> memref<1x1x128xi32, #tpu.memory_space<vmem>>
        %dma_start3A_454 = tpu.memref_squeeze %dma_start3A_453 : memref<1x1x128xi32, #tpu.memory_space<vmem>> -> memref<128xi32, #tpu.memory_space<vmem>>
        %dma_start3A_455 = tpu.memref_slice %arg4[%add3A_299] : memref<320000xi32, #tpu.memory_space<hbm>> -> memref<128xi32, #tpu.memory_space<hbm>>
        tpu.enqueue_dma source(%dma_start3A_455 : memref<128xi32, #tpu.memory_space<hbm>>) target(%dma_start3A_454 : memref<128xi32, #tpu.memory_space<vmem>>) target_semaphore(%run_scoped3A_447 : memref<!tpu.dma_semaphore, #tpu.memory_space<semaphore_mem>>)
        %dma_wait3A_456 = arith.constant 0 : i32
        %dma_wait3A_457 = tpu.memref_slice %arg6[%run_scoped3A_300, %run_scoped3A_301, %dma_wait3A_456] : memref<3x2x128xi32, #tpu.memory_space<vmem>> -> memref<1x1x128xi32, #tpu.memory_space<vmem>>
        %dma_wait3A_458 = tpu.memref_squeeze %dma_wait3A_457 : memref<1x1x128xi32, #tpu.memory_space<vmem>> -> memref<128xi32, #tpu.memory_space<vmem>>
        %dma_wait3A_459 = tpu.memref_slice %arg4[%add3A_299] : memref<320000xi32, #tpu.memory_space<hbm>> -> memref<128xi32, #tpu.memory_space<hbm>>
        %dma_wait3A_460 = arith.constant 0 : i32
        %dma_wait3A_461 = tpu.memref_slice %arg6[%run_scoped3A_300, %run_scoped3A_301, %dma_wait3A_460] : memref<3x2x128xi32, #tpu.memory_space<vmem>> -> memref<1x1x128xi32, #tpu.memory_space<vmem>>
        %dma_wait3A_462 = tpu.memref_squeeze %dma_wait3A_461 : memref<1x1x128xi32, #tpu.memory_space<vmem>> -> memref<128xi32, #tpu.memory_space<vmem>>
        %dma_wait3A_463 = tpu.memref_slice %arg4[%add3A_299] : memref<320000xi32, #tpu.memory_space<hbm>> -> memref<128xi32, #tpu.memory_space<hbm>>
        tpu.wait_dma2 semaphore(%run_scoped3A_447 : memref<!tpu.dma_semaphore, #tpu.memory_space<semaphore_mem>>) src(%dma_wait3A_463 : memref<128xi32, #tpu.memory_space<hbm>>) dst(%dma_wait3A_462 : memref<128xi32, #tpu.memory_space<vmem>>)
        tpu.yield
      }) : () -> ()
      %dma_start3A_302 = arith.constant 0 : i32
      %dma_start3A_303 = arith.constant 0 : i32
      %dma_start3A_304 = arith.constant 0 : i32
      %dma_start3A_305 = arith.constant 0 : i32
      %dma_start3A_306 = arith.constant 0 : i32
      %dma_start3A_307 = tpu.memref_slice %arg8[%dma_start3A_304, %dma_start3A_305, %dma_start3A_306] : memref<3x128x128xf32, #tpu.memory_space<vmem>> -> memref<1x128x128xf32, #tpu.memory_space<vmem>>
      %dma_start3A_308 = tpu.memref_squeeze %dma_start3A_307 : memref<1x128x128xf32, #tpu.memory_space<vmem>> -> memref<128x128xf32, #tpu.memory_space<vmem>>
      %dma_start3A_309 = arith.constant 0 : i32
      %dma_start3A_310 = tpu.memref_slice %arg6[%dma_start3A_302, %dma_start3A_303, %dma_start3A_309] : memref<3x2x128xi32, #tpu.memory_space<vmem>> -> memref<1x1x128xi32, #tpu.memory_space<vmem>>
      %dma_start3A_311 = tpu.memref_squeeze %dma_start3A_310 : memref<1x1x128xi32, #tpu.memory_space<vmem>> -> memref<128xi32, #tpu.memory_space<vmem>>
      %dma_start3A_312 = arith.constant 0 : i32
      %dma_start3A_313 = arith.constant 0 : i32
      %dma_start3A_314 = tpu.memref_slice %arg2[%dma_start3A_312, %dma_start3A_313] : memref<10000x128xf32, #tpu.memory_space<hbm>> -> memref<10000x128xf32, #tpu.memory_space<hbm>>
      tpu.enqueue_indirect_dma source(%dma_start3A_314 : memref<10000x128xf32, #tpu.memory_space<hbm>>) target(%dma_start3A_308 : memref<128x128xf32, #tpu.memory_space<vmem>>) offsets(%dma_start3A_311 : memref<128xi32, #tpu.memory_space<vmem>>) semaphore(%arg10 : memref<!tpu.dma_semaphore, #tpu.memory_space<semaphore_mem>>)
      %add3A_315 = arith.constant 1 : i32
      %add3A_316 = arith.addi %add3A_248, %add3A_315 : i32
      %dma_wait3A_317 = arith.constant 2 : i32
      %dma_wait3A_318 = arith.constant 0 : i32
      %dma_wait3A_319 = arith.constant 2 : i32
      %dma_wait3A_320 = arith.constant 0 : i32
      %dma_wait3A_321 = arith.constant 0 : i32
      %dma_wait3A_322 = tpu.memref_slice %arg8[%dma_wait3A_319, %dma_wait3A_320, %dma_wait3A_321] : memref<3x128x128xf32, #tpu.memory_space<vmem>> -> memref<1x128x128xf32, #tpu.memory_space<vmem>>
      %dma_wait3A_323 = tpu.memref_squeeze %dma_wait3A_322 : memref<1x128x128xf32, #tpu.memory_space<vmem>> -> memref<128x128xf32, #tpu.memory_space<vmem>>
      %dma_wait3A_324 = arith.constant 0 : i32
      %dma_wait3A_325 = tpu.memref_slice %arg6[%dma_wait3A_317, %dma_wait3A_318, %dma_wait3A_324] : memref<3x2x128xi32, #tpu.memory_space<vmem>> -> memref<1x1x128xi32, #tpu.memory_space<vmem>>
      %dma_wait3A_326 = tpu.memref_squeeze %dma_wait3A_325 : memref<1x1x128xi32, #tpu.memory_space<vmem>> -> memref<128xi32, #tpu.memory_space<vmem>>
      %dma_wait3A_327 = arith.constant 0 : i32
      %dma_wait3A_328 = arith.constant 0 : i32
      %dma_wait3A_329 = tpu.memref_slice %arg2[%dma_wait3A_327, %dma_wait3A_328] : memref<10000x128xf32, #tpu.memory_space<hbm>> -> memref<10000x128xf32, #tpu.memory_space<hbm>>
      tpu.wait_indirect_dma semaphore(%arg12 : memref<!tpu.dma_semaphore, #tpu.memory_space<semaphore_mem>>) src(%dma_wait3A_329 : memref<10000x128xf32, #tpu.memory_space<hbm>>) dst(%dma_wait3A_323 : memref<128x128xf32, #tpu.memory_space<vmem>>)
      %dma_start3A_330 = arith.constant 2 : i32
      %dma_start3A_331 = arith.constant 2 : i32
      %dma_start3A_332 = arith.constant 1 : i32
      %dma_start3A_333 = arith.constant 0 : i32
      %dma_start3A_334 = arith.constant 0 : i32
      %dma_start3A_335 = tpu.memref_slice %arg8[%dma_start3A_330, %dma_start3A_333, %dma_start3A_334] : memref<3x128x128xf32, #tpu.memory_space<vmem>> -> memref<1x128x128xf32, #tpu.memory_space<vmem>>
      %dma_start3A_336 = tpu.memref_squeeze %dma_start3A_335 : memref<1x128x128xf32, #tpu.memory_space<vmem>> -> memref<128x128xf32, #tpu.memory_space<vmem>>
      %dma_start3A_337 = arith.constant 0 : i32
      %dma_start3A_338 = tpu.memref_slice %arg6[%dma_start3A_331, %dma_start3A_332, %dma_start3A_337] : memref<3x2x128xi32, #tpu.memory_space<vmem>> -> memref<1x1x128xi32, #tpu.memory_space<vmem>>
      %dma_start3A_339 = tpu.memref_squeeze %dma_start3A_338 : memref<1x1x128xi32, #tpu.memory_space<vmem>> -> memref<128xi32, #tpu.memory_space<vmem>>
      %dma_start3A_340 = arith.constant 0 : i32
      %dma_start3A_341 = arith.constant 0 : i32
      %dma_start3A_342 = tpu.memref_slice %arg9[%dma_start3A_340, %dma_start3A_341] : memref<10112x128xf32, #tpu.memory_space<vmem_shared>> -> memref<10112x128xf32, #tpu.memory_space<vmem_shared>>
      tpu.enqueue_indirect_dma source(%dma_start3A_336 : memref<128x128xf32, #tpu.memory_space<vmem>>) target(%dma_start3A_342 : memref<10112x128xf32, #tpu.memory_space<vmem_shared>>) offsets(%dma_start3A_339 : memref<128xi32, #tpu.memory_space<vmem>>) semaphore(%arg15 : memref<!tpu.dma_semaphore, #tpu.memory_space<semaphore_mem>>) {add = true}
      %dma_wait3A_343 = arith.constant 1 : i32
      %dma_wait3A_344 = arith.constant 1 : i32
      %dma_wait3A_345 = arith.constant 1 : i32
      %dma_wait3A_346 = arith.constant 0 : i32
      %dma_wait3A_347 = arith.constant 0 : i32
      %dma_wait3A_348 = tpu.memref_slice %arg8[%dma_wait3A_343, %dma_wait3A_346, %dma_wait3A_347] : memref<3x128x128xf32, #tpu.memory_space<vmem>> -> memref<1x128x128xf32, #tpu.memory_space<vmem>>
      %dma_wait3A_349 = tpu.memref_squeeze %dma_wait3A_348 : memref<1x128x128xf32, #tpu.memory_space<vmem>> -> memref<128x128xf32, #tpu.memory_space<vmem>>
      %dma_wait3A_350 = arith.constant 0 : i32
      %dma_wait3A_351 = tpu.memref_slice %arg6[%dma_wait3A_344, %dma_wait3A_345, %dma_wait3A_350] : memref<3x2x128xi32, #tpu.memory_space<vmem>> -> memref<1x1x128xi32, #tpu.memory_space<vmem>>
      %dma_wait3A_352 = tpu.memref_squeeze %dma_wait3A_351 : memref<1x1x128xi32, #tpu.memory_space<vmem>> -> memref<128xi32, #tpu.memory_space<vmem>>
      %dma_wait3A_353 = arith.constant 0 : i32
      %dma_wait3A_354 = arith.constant 0 : i32
      %dma_wait3A_355 = tpu.memref_slice %arg9[%dma_wait3A_353, %dma_wait3A_354] : memref<10112x128xf32, #tpu.memory_space<vmem_shared>> -> memref<10112x128xf32, #tpu.memory_space<vmem_shared>>
      tpu.wait_indirect_dma semaphore(%arg14 : memref<!tpu.dma_semaphore, #tpu.memory_space<semaphore_mem>>) src(%dma_wait3A_349 : memref<128x128xf32, #tpu.memory_space<vmem>>) dst(%dma_wait3A_355 : memref<10112x128xf32, #tpu.memory_space<vmem_shared>>)
      %add3A_356 = arith.constant 2 : i32
      %add3A_357 = arith.addi %add3A_316, %add3A_356 : i32
      %mul3A_358 = arith.constant 128 : i32
      %mul3A_359 = arith.muli %add3A_357, %mul3A_358 : i32
      %add3A_360 = arith.addi %multiple_of3A, %mul3A_359 : i32
      %run_scoped3A_361 = arith.constant 1 : i32
      %run_scoped3A_362 = arith.constant 0 : i32
      "tpu.region"() ({
        %run_scoped3A_447 = tpu.sem_alloc : memref<!tpu.dma_semaphore, #tpu.memory_space<semaphore_mem>>
        %dma_start3A_448 = arith.constant 0 : i32
        %dma_start3A_449 = tpu.memref_slice %arg6[%run_scoped3A_361, %run_scoped3A_362, %dma_start3A_448] : memref<3x2x128xi32, #tpu.memory_space<vmem>> -> memref<1x1x128xi32, #tpu.memory_space<vmem>>
        %dma_start3A_450 = tpu.memref_squeeze %dma_start3A_449 : memref<1x1x128xi32, #tpu.memory_space<vmem>> -> memref<128xi32, #tpu.memory_space<vmem>>
        %dma_start3A_451 = tpu.memref_slice %arg3[%add3A_360] : memref<320000xi32, #tpu.memory_space<hbm>> -> memref<128xi32, #tpu.memory_space<hbm>>
        %dma_start3A_452 = arith.constant 0 : i32
        %dma_start3A_453 = tpu.memref_slice %arg6[%run_scoped3A_361, %run_scoped3A_362, %dma_start3A_452] : memref<3x2x128xi32, #tpu.memory_space<vmem>> -> memref<1x1x128xi32, #tpu.memory_space<vmem>>
        %dma_start3A_454 = tpu.memref_squeeze %dma_start3A_453 : memref<1x1x128xi32, #tpu.memory_space<vmem>> -> memref<128xi32, #tpu.memory_space<vmem>>
        %dma_start3A_455 = tpu.memref_slice %arg3[%add3A_360] : memref<320000xi32, #tpu.memory_space<hbm>> -> memref<128xi32, #tpu.memory_space<hbm>>
        tpu.enqueue_dma source(%dma_start3A_455 : memref<128xi32, #tpu.memory_space<hbm>>) target(%dma_start3A_454 : memref<128xi32, #tpu.memory_space<vmem>>) target_semaphore(%run_scoped3A_447 : memref<!tpu.dma_semaphore, #tpu.memory_space<semaphore_mem>>)
        %dma_wait3A_456 = arith.constant 0 : i32
        %dma_wait3A_457 = tpu.memref_slice %arg6[%run_scoped3A_361, %run_scoped3A_362, %dma_wait3A_456] : memref<3x2x128xi32, #tpu.memory_space<vmem>> -> memref<1x1x128xi32, #tpu.memory_space<vmem>>
        %dma_wait3A_458 = tpu.memref_squeeze %dma_wait3A_457 : memref<1x1x128xi32, #tpu.memory_space<vmem>> -> memref<128xi32, #tpu.memory_space<vmem>>
        %dma_wait3A_459 = tpu.memref_slice %arg3[%add3A_360] : memref<320000xi32, #tpu.memory_space<hbm>> -> memref<128xi32, #tpu.memory_space<hbm>>
        %dma_wait3A_460 = arith.constant 0 : i32
        %dma_wait3A_461 = tpu.memref_slice %arg6[%run_scoped3A_361, %run_scoped3A_362, %dma_wait3A_460] : memref<3x2x128xi32, #tpu.memory_space<vmem>> -> memref<1x1x128xi32, #tpu.memory_space<vmem>>
        %dma_wait3A_462 = tpu.memref_squeeze %dma_wait3A_461 : memref<1x1x128xi32, #tpu.memory_space<vmem>> -> memref<128xi32, #tpu.memory_space<vmem>>
        %dma_wait3A_463 = tpu.memref_slice %arg3[%add3A_360] : memref<320000xi32, #tpu.memory_space<hbm>> -> memref<128xi32, #tpu.memory_space<hbm>>
        tpu.wait_dma2 semaphore(%run_scoped3A_447 : memref<!tpu.dma_semaphore, #tpu.memory_space<semaphore_mem>>) src(%dma_wait3A_463 : memref<128xi32, #tpu.memory_space<hbm>>) dst(%dma_wait3A_462 : memref<128xi32, #tpu.memory_space<vmem>>)
        tpu.yield
      }) : () -> ()
      %mul3A_363 = arith.constant 128 : i32
      %mul3A_364 = arith.muli %add3A_357, %mul3A_363 : i32
      %add3A_365 = arith.addi %multiple_of3A, %mul3A_364 : i32
      %run_scoped3A_366 = arith.constant 1 : i32
      %run_scoped3A_367 = arith.constant 1 : i32
      "tpu.region"() ({
        %run_scoped3A_447 = tpu.sem_alloc : memref<!tpu.dma_semaphore, #tpu.memory_space<semaphore_mem>>
        %dma_start3A_448 = arith.constant 0 : i32
        %dma_start3A_449 = tpu.memref_slice %arg6[%run_scoped3A_366, %run_scoped3A_367, %dma_start3A_448] : memref<3x2x128xi32, #tpu.memory_space<vmem>> -> memref<1x1x128xi32, #tpu.memory_space<vmem>>
        %dma_start3A_450 = tpu.memref_squeeze %dma_start3A_449 : memref<1x1x128xi32, #tpu.memory_space<vmem>> -> memref<128xi32, #tpu.memory_space<vmem>>
        %dma_start3A_451 = tpu.memref_slice %arg4[%add3A_365] : memref<320000xi32, #tpu.memory_space<hbm>> -> memref<128xi32, #tpu.memory_space<hbm>>
        %dma_start3A_452 = arith.constant 0 : i32
        %dma_start3A_453 = tpu.memref_slice %arg6[%run_scoped3A_366, %run_scoped3A_367, %dma_start3A_452] : memref<3x2x128xi32, #tpu.memory_space<vmem>> -> memref<1x1x128xi32, #tpu.memory_space<vmem>>
        %dma_start3A_454 = tpu.memref_squeeze %dma_start3A_453 : memref<1x1x128xi32, #tpu.memory_space<vmem>> -> memref<128xi32, #tpu.memory_space<vmem>>
        %dma_start3A_455 = tpu.memref_slice %arg4[%add3A_365] : memref<320000xi32, #tpu.memory_space<hbm>> -> memref<128xi32, #tpu.memory_space<hbm>>
        tpu.enqueue_dma source(%dma_start3A_455 : memref<128xi32, #tpu.memory_space<hbm>>) target(%dma_start3A_454 : memref<128xi32, #tpu.memory_space<vmem>>) target_semaphore(%run_scoped3A_447 : memref<!tpu.dma_semaphore, #tpu.memory_space<semaphore_mem>>)
        %dma_wait3A_456 = arith.constant 0 : i32
        %dma_wait3A_457 = tpu.memref_slice %arg6[%run_scoped3A_366, %run_scoped3A_367, %dma_wait3A_456] : memref<3x2x128xi32, #tpu.memory_space<vmem>> -> memref<1x1x128xi32, #tpu.memory_space<vmem>>
        %dma_wait3A_458 = tpu.memref_squeeze %dma_wait3A_457 : memref<1x1x128xi32, #tpu.memory_space<vmem>> -> memref<128xi32, #tpu.memory_space<vmem>>
        %dma_wait3A_459 = tpu.memref_slice %arg4[%add3A_365] : memref<320000xi32, #tpu.memory_space<hbm>> -> memref<128xi32, #tpu.memory_space<hbm>>
        %dma_wait3A_460 = arith.constant 0 : i32
        %dma_wait3A_461 = tpu.memref_slice %arg6[%run_scoped3A_366, %run_scoped3A_367, %dma_wait3A_460] : memref<3x2x128xi32, #tpu.memory_space<vmem>> -> memref<1x1x128xi32, #tpu.memory_space<vmem>>
        %dma_wait3A_462 = tpu.memref_squeeze %dma_wait3A_461 : memref<1x1x128xi32, #tpu.memory_space<vmem>> -> memref<128xi32, #tpu.memory_space<vmem>>
        %dma_wait3A_463 = tpu.memref_slice %arg4[%add3A_365] : memref<320000xi32, #tpu.memory_space<hbm>> -> memref<128xi32, #tpu.memory_space<hbm>>
        tpu.wait_dma2 semaphore(%run_scoped3A_447 : memref<!tpu.dma_semaphore, #tpu.memory_space<semaphore_mem>>) src(%dma_wait3A_463 : memref<128xi32, #tpu.memory_space<hbm>>) dst(%dma_wait3A_462 : memref<128xi32, #tpu.memory_space<vmem>>)
        tpu.yield
      }) : () -> ()
      %dma_start3A_368 = arith.constant 1 : i32
      %dma_start3A_369 = arith.constant 0 : i32
      %dma_start3A_370 = arith.constant 1 : i32
      %dma_start3A_371 = arith.constant 0 : i32
      %dma_start3A_372 = arith.constant 0 : i32
      %dma_start3A_373 = tpu.memref_slice %arg8[%dma_start3A_370, %dma_start3A_371, %dma_start3A_372] : memref<3x128x128xf32, #tpu.memory_space<vmem>> -> memref<1x128x128xf32, #tpu.memory_space<vmem>>
      %dma_start3A_374 = tpu.memref_squeeze %dma_start3A_373 : memref<1x128x128xf32, #tpu.memory_space<vmem>> -> memref<128x128xf32, #tpu.memory_space<vmem>>
      %dma_start3A_375 = arith.constant 0 : i32
      %dma_start3A_376 = tpu.memref_slice %arg6[%dma_start3A_368, %dma_start3A_369, %dma_start3A_375] : memref<3x2x128xi32, #tpu.memory_space<vmem>> -> memref<1x1x128xi32, #tpu.memory_space<vmem>>
      %dma_start3A_377 = tpu.memref_squeeze %dma_start3A_376 : memref<1x1x128xi32, #tpu.memory_space<vmem>> -> memref<128xi32, #tpu.memory_space<vmem>>
      %dma_start3A_378 = arith.constant 0 : i32
      %dma_start3A_379 = arith.constant 0 : i32
      %dma_start3A_380 = tpu.memref_slice %arg2[%dma_start3A_378, %dma_start3A_379] : memref<10000x128xf32, #tpu.memory_space<hbm>> -> memref<10000x128xf32, #tpu.memory_space<hbm>>
      tpu.enqueue_indirect_dma source(%dma_start3A_380 : memref<10000x128xf32, #tpu.memory_space<hbm>>) target(%dma_start3A_374 : memref<128x128xf32, #tpu.memory_space<vmem>>) offsets(%dma_start3A_377 : memref<128xi32, #tpu.memory_space<vmem>>) semaphore(%arg11 : memref<!tpu.dma_semaphore, #tpu.memory_space<semaphore_mem>>)
      %add3A_381 = arith.constant 2 : i32
      %add3A_382 = arith.addi %add3A_248, %add3A_381 : i32
      %dma_wait3A_383 = arith.constant 0 : i32
      %dma_wait3A_384 = arith.constant 0 : i32
      %dma_wait3A_385 = arith.constant 0 : i32
      %dma_wait3A_386 = arith.constant 0 : i32
      %dma_wait3A_387 = arith.constant 0 : i32
      %dma_wait3A_388 = tpu.memref_slice %arg8[%dma_wait3A_385, %dma_wait3A_386, %dma_wait3A_387] : memref<3x128x128xf32, #tpu.memory_space<vmem>> -> memref<1x128x128xf32, #tpu.memory_space<vmem>>
      %dma_wait3A_389 = tpu.memref_squeeze %dma_wait3A_388 : memref<1x128x128xf32, #tpu.memory_space<vmem>> -> memref<128x128xf32, #tpu.memory_space<vmem>>
      %dma_wait3A_390 = arith.constant 0 : i32
      %dma_wait3A_391 = tpu.memref_slice %arg6[%dma_wait3A_383, %dma_wait3A_384, %dma_wait3A_390] : memref<3x2x128xi32, #tpu.memory_space<vmem>> -> memref<1x1x128xi32, #tpu.memory_space<vmem>>
      %dma_wait3A_392 = tpu.memref_squeeze %dma_wait3A_391 : memref<1x1x128xi32, #tpu.memory_space<vmem>> -> memref<128xi32, #tpu.memory_space<vmem>>
      %dma_wait3A_393 = arith.constant 0 : i32
      %dma_wait3A_394 = arith.constant 0 : i32
      %dma_wait3A_395 = tpu.memref_slice %arg2[%dma_wait3A_393, %dma_wait3A_394] : memref<10000x128xf32, #tpu.memory_space<hbm>> -> memref<10000x128xf32, #tpu.memory_space<hbm>>
      tpu.wait_indirect_dma semaphore(%arg10 : memref<!tpu.dma_semaphore, #tpu.memory_space<semaphore_mem>>) src(%dma_wait3A_395 : memref<10000x128xf32, #tpu.memory_space<hbm>>) dst(%dma_wait3A_389 : memref<128x128xf32, #tpu.memory_space<vmem>>)
      %dma_start3A_396 = arith.constant 0 : i32
      %dma_start3A_397 = arith.constant 0 : i32
      %dma_start3A_398 = arith.constant 1 : i32
      %dma_start3A_399 = arith.constant 0 : i32
      %dma_start3A_400 = arith.constant 0 : i32
      %dma_start3A_401 = tpu.memref_slice %arg8[%dma_start3A_396, %dma_start3A_399, %dma_start3A_400] : memref<3x128x128xf32, #tpu.memory_space<vmem>> -> memref<1x128x128xf32, #tpu.memory_space<vmem>>
      %dma_start3A_402 = tpu.memref_squeeze %dma_start3A_401 : memref<1x128x128xf32, #tpu.memory_space<vmem>> -> memref<128x128xf32, #tpu.memory_space<vmem>>
      %dma_start3A_403 = arith.constant 0 : i32
      %dma_start3A_404 = tpu.memref_slice %arg6[%dma_start3A_397, %dma_start3A_398, %dma_start3A_403] : memref<3x2x128xi32, #tpu.memory_space<vmem>> -> memref<1x1x128xi32, #tpu.memory_space<vmem>>
      %dma_start3A_405 = tpu.memref_squeeze %dma_start3A_404 : memref<1x1x128xi32, #tpu.memory_space<vmem>> -> memref<128xi32, #tpu.memory_space<vmem>>
      %dma_start3A_406 = arith.constant 0 : i32
      %dma_start3A_407 = arith.constant 0 : i32
      %dma_start3A_408 = tpu.memref_slice %arg9[%dma_start3A_406, %dma_start3A_407] : memref<10112x128xf32, #tpu.memory_space<vmem_shared>> -> memref<10112x128xf32, #tpu.memory_space<vmem_shared>>
      tpu.enqueue_indirect_dma source(%dma_start3A_402 : memref<128x128xf32, #tpu.memory_space<vmem>>) target(%dma_start3A_408 : memref<10112x128xf32, #tpu.memory_space<vmem_shared>>) offsets(%dma_start3A_405 : memref<128xi32, #tpu.memory_space<vmem>>) semaphore(%arg13 : memref<!tpu.dma_semaphore, #tpu.memory_space<semaphore_mem>>) {add = true}
      %dma_wait3A_409 = arith.constant 2 : i32
      %dma_wait3A_410 = arith.constant 2 : i32
      %dma_wait3A_411 = arith.constant 1 : i32
      %dma_wait3A_412 = arith.constant 0 : i32
      %dma_wait3A_413 = arith.constant 0 : i32
      %dma_wait3A_414 = tpu.memref_slice %arg8[%dma_wait3A_409, %dma_wait3A_412, %dma_wait3A_413] : memref<3x128x128xf32, #tpu.memory_space<vmem>> -> memref<1x128x128xf32, #tpu.memory_space<vmem>>
      %dma_wait3A_415 = tpu.memref_squeeze %dma_wait3A_414 : memref<1x128x128xf32, #tpu.memory_space<vmem>> -> memref<128x128xf32, #tpu.memory_space<vmem>>
      %dma_wait3A_416 = arith.constant 0 : i32
      %dma_wait3A_417 = tpu.memref_slice %arg6[%dma_wait3A_410, %dma_wait3A_411, %dma_wait3A_416] : memref<3x2x128xi32, #tpu.memory_space<vmem>> -> memref<1x1x128xi32, #tpu.memory_space<vmem>>
      %dma_wait3A_418 = tpu.memref_squeeze %dma_wait3A_417 : memref<1x1x128xi32, #tpu.memory_space<vmem>> -> memref<128xi32, #tpu.memory_space<vmem>>
      %dma_wait3A_419 = arith.constant 0 : i32
      %dma_wait3A_420 = arith.constant 0 : i32
      %dma_wait3A_421 = tpu.memref_slice %arg9[%dma_wait3A_419, %dma_wait3A_420] : memref<10112x128xf32, #tpu.memory_space<vmem_shared>> -> memref<10112x128xf32, #tpu.memory_space<vmem_shared>>
      tpu.wait_indirect_dma semaphore(%arg15 : memref<!tpu.dma_semaphore, #tpu.memory_space<semaphore_mem>>) src(%dma_wait3A_415 : memref<128x128xf32, #tpu.memory_space<vmem>>) dst(%dma_wait3A_421 : memref<10112x128xf32, #tpu.memory_space<vmem_shared>>)
      %add3A_422 = arith.constant 2 : i32
      %add3A_423 = arith.addi %add3A_382, %add3A_422 : i32
      %mul3A_424 = arith.constant 128 : i32
      %mul3A_425 = arith.muli %add3A_423, %mul3A_424 : i32
      %add3A_426 = arith.addi %multiple_of3A, %mul3A_425 : i32
      %run_scoped3A_427 = arith.constant 2 : i32
      %run_scoped3A_428 = arith.constant 0 : i32
      "tpu.region"() ({
        %run_scoped3A_447 = tpu.sem_alloc : memref<!tpu.dma_semaphore, #tpu.memory_space<semaphore_mem>>
        %dma_start3A_448 = arith.constant 0 : i32
        %dma_start3A_449 = tpu.memref_slice %arg6[%run_scoped3A_427, %run_scoped3A_428, %dma_start3A_448] : memref<3x2x128xi32, #tpu.memory_space<vmem>> -> memref<1x1x128xi32, #tpu.memory_space<vmem>>
        %dma_start3A_450 = tpu.memref_squeeze %dma_start3A_449 : memref<1x1x128xi32, #tpu.memory_space<vmem>> -> memref<128xi32, #tpu.memory_space<vmem>>
        %dma_start3A_451 = tpu.memref_slice %arg3[%add3A_426] : memref<320000xi32, #tpu.memory_space<hbm>> -> memref<128xi32, #tpu.memory_space<hbm>>
        %dma_start3A_452 = arith.constant 0 : i32
        %dma_start3A_453 = tpu.memref_slice %arg6[%run_scoped3A_427, %run_scoped3A_428, %dma_start3A_452] : memref<3x2x128xi32, #tpu.memory_space<vmem>> -> memref<1x1x128xi32, #tpu.memory_space<vmem>>
        %dma_start3A_454 = tpu.memref_squeeze %dma_start3A_453 : memref<1x1x128xi32, #tpu.memory_space<vmem>> -> memref<128xi32, #tpu.memory_space<vmem>>
        %dma_start3A_455 = tpu.memref_slice %arg3[%add3A_426] : memref<320000xi32, #tpu.memory_space<hbm>> -> memref<128xi32, #tpu.memory_space<hbm>>
        tpu.enqueue_dma source(%dma_start3A_455 : memref<128xi32, #tpu.memory_space<hbm>>) target(%dma_start3A_454 : memref<128xi32, #tpu.memory_space<vmem>>) target_semaphore(%run_scoped3A_447 : memref<!tpu.dma_semaphore, #tpu.memory_space<semaphore_mem>>)
        %dma_wait3A_456 = arith.constant 0 : i32
        %dma_wait3A_457 = tpu.memref_slice %arg6[%run_scoped3A_427, %run_scoped3A_428, %dma_wait3A_456] : memref<3x2x128xi32, #tpu.memory_space<vmem>> -> memref<1x1x128xi32, #tpu.memory_space<vmem>>
        %dma_wait3A_458 = tpu.memref_squeeze %dma_wait3A_457 : memref<1x1x128xi32, #tpu.memory_space<vmem>> -> memref<128xi32, #tpu.memory_space<vmem>>
        %dma_wait3A_459 = tpu.memref_slice %arg3[%add3A_426] : memref<320000xi32, #tpu.memory_space<hbm>> -> memref<128xi32, #tpu.memory_space<hbm>>
        %dma_wait3A_460 = arith.constant 0 : i32
        %dma_wait3A_461 = tpu.memref_slice %arg6[%run_scoped3A_427, %run_scoped3A_428, %dma_wait3A_460] : memref<3x2x128xi32, #tpu.memory_space<vmem>> -> memref<1x1x128xi32, #tpu.memory_space<vmem>>
        %dma_wait3A_462 = tpu.memref_squeeze %dma_wait3A_461 : memref<1x1x128xi32, #tpu.memory_space<vmem>> -> memref<128xi32, #tpu.memory_space<vmem>>
        %dma_wait3A_463 = tpu.memref_slice %arg3[%add3A_426] : memref<320000xi32, #tpu.memory_space<hbm>> -> memref<128xi32, #tpu.memory_space<hbm>>
        tpu.wait_dma2 semaphore(%run_scoped3A_447 : memref<!tpu.dma_semaphore, #tpu.memory_space<semaphore_mem>>) src(%dma_wait3A_463 : memref<128xi32, #tpu.memory_space<hbm>>) dst(%dma_wait3A_462 : memref<128xi32, #tpu.memory_space<vmem>>)
        tpu.yield
      }) : () -> ()
      %mul3A_429 = arith.constant 128 : i32
      %mul3A_430 = arith.muli %add3A_423, %mul3A_429 : i32
      %add3A_431 = arith.addi %multiple_of3A, %mul3A_430 : i32
      %run_scoped3A_432 = arith.constant 2 : i32
      %run_scoped3A_433 = arith.constant 1 : i32
      "tpu.region"() ({
        %run_scoped3A_447 = tpu.sem_alloc : memref<!tpu.dma_semaphore, #tpu.memory_space<semaphore_mem>>
        %dma_start3A_448 = arith.constant 0 : i32
        %dma_start3A_449 = tpu.memref_slice %arg6[%run_scoped3A_432, %run_scoped3A_433, %dma_start3A_448] : memref<3x2x128xi32, #tpu.memory_space<vmem>> -> memref<1x1x128xi32, #tpu.memory_space<vmem>>
        %dma_start3A_450 = tpu.memref_squeeze %dma_start3A_449 : memref<1x1x128xi32, #tpu.memory_space<vmem>> -> memref<128xi32, #tpu.memory_space<vmem>>
        %dma_start3A_451 = tpu.memref_slice %arg4[%add3A_431] : memref<320000xi32, #tpu.memory_space<hbm>> -> memref<128xi32, #tpu.memory_space<hbm>>
        %dma_start3A_452 = arith.constant 0 : i32
        %dma_start3A_453 = tpu.memref_slice %arg6[%run_scoped3A_432, %run_scoped3A_433, %dma_start3A_452] : memref<3x2x128xi32, #tpu.memory_space<vmem>> -> memref<1x1x128xi32, #tpu.memory_space<vmem>>
        %dma_start3A_454 = tpu.memref_squeeze %dma_start3A_453 : memref<1x1x128xi32, #tpu.memory_space<vmem>> -> memref<128xi32, #tpu.memory_space<vmem>>
        %dma_start3A_455 = tpu.memref_slice %arg4[%add3A_431] : memref<320000xi32, #tpu.memory_space<hbm>> -> memref<128xi32, #tpu.memory_space<hbm>>
        tpu.enqueue_dma source(%dma_start3A_455 : memref<128xi32, #tpu.memory_space<hbm>>) target(%dma_start3A_454 : memref<128xi32, #tpu.memory_space<vmem>>) target_semaphore(%run_scoped3A_447 : memref<!tpu.dma_semaphore, #tpu.memory_space<semaphore_mem>>)
        %dma_wait3A_456 = arith.constant 0 : i32
        %dma_wait3A_457 = tpu.memref_slice %arg6[%run_scoped3A_432, %run_scoped3A_433, %dma_wait3A_456] : memref<3x2x128xi32, #tpu.memory_space<vmem>> -> memref<1x1x128xi32, #tpu.memory_space<vmem>>
        %dma_wait3A_458 = tpu.memref_squeeze %dma_wait3A_457 : memref<1x1x128xi32, #tpu.memory_space<vmem>> -> memref<128xi32, #tpu.memory_space<vmem>>
        %dma_wait3A_459 = tpu.memref_slice %arg4[%add3A_431] : memref<320000xi32, #tpu.memory_space<hbm>> -> memref<128xi32, #tpu.memory_space<hbm>>
        %dma_wait3A_460 = arith.constant 0 : i32
        %dma_wait3A_461 = tpu.memref_slice %arg6[%run_scoped3A_432, %run_scoped3A_433, %dma_wait3A_460] : memref<3x2x128xi32, #tpu.memory_space<vmem>> -> memref<1x1x128xi32, #tpu.memory_space<vmem>>
        %dma_wait3A_462 = tpu.memref_squeeze %dma_wait3A_461 : memref<1x1x128xi32, #tpu.memory_space<vmem>> -> memref<128xi32, #tpu.memory_space<vmem>>
        %dma_wait3A_463 = tpu.memref_slice %arg4[%add3A_431] : memref<320000xi32, #tpu.memory_space<hbm>> -> memref<128xi32, #tpu.memory_space<hbm>>
        tpu.wait_dma2 semaphore(%run_scoped3A_447 : memref<!tpu.dma_semaphore, #tpu.memory_space<semaphore_mem>>) src(%dma_wait3A_463 : memref<128xi32, #tpu.memory_space<hbm>>) dst(%dma_wait3A_462 : memref<128xi32, #tpu.memory_space<vmem>>)
        tpu.yield
      }) : () -> ()
      %dma_start3A_434 = arith.constant 2 : i32
      %dma_start3A_435 = arith.constant 0 : i32
      %dma_start3A_436 = arith.constant 2 : i32
      %dma_start3A_437 = arith.constant 0 : i32
      %dma_start3A_438 = arith.constant 0 : i32
      %dma_start3A_439 = tpu.memref_slice %arg8[%dma_start3A_436, %dma_start3A_437, %dma_start3A_438] : memref<3x128x128xf32, #tpu.memory_space<vmem>> -> memref<1x128x128xf32, #tpu.memory_space<vmem>>
      %dma_start3A_440 = tpu.memref_squeeze %dma_start3A_439 : memref<1x128x128xf32, #tpu.memory_space<vmem>> -> memref<128x128xf32, #tpu.memory_space<vmem>>
      %dma_start3A_441 = arith.constant 0 : i32
      %dma_start3A_442 = tpu.memref_slice %arg6[%dma_start3A_434, %dma_start3A_435, %dma_start3A_441] : memref<3x2x128xi32, #tpu.memory_space<vmem>> -> memref<1x1x128xi32, #tpu.memory_space<vmem>>
      %dma_start3A_443 = tpu.memref_squeeze %dma_start3A_442 : memref<1x1x128xi32, #tpu.memory_space<vmem>> -> memref<128xi32, #tpu.memory_space<vmem>>
      %dma_start3A_444 = arith.constant 0 : i32
      %dma_start3A_445 = arith.constant 0 : i32
      %dma_start3A_446 = tpu.memref_slice %arg2[%dma_start3A_444, %dma_start3A_445] : memref<10000x128xf32, #tpu.memory_space<hbm>> -> memref<10000x128xf32, #tpu.memory_space<hbm>>
      tpu.enqueue_indirect_dma source(%dma_start3A_446 : memref<10000x128xf32, #tpu.memory_space<hbm>>) target(%dma_start3A_440 : memref<128x128xf32, #tpu.memory_space<vmem>>) offsets(%dma_start3A_443 : memref<128xi32, #tpu.memory_space<vmem>>) semaphore(%arg12 : memref<!tpu.dma_semaphore, #tpu.memory_space<semaphore_mem>>)
    }
    %scan3A_115 = arith.constant 25 : i32
    %dma_wait3A_116 = arith.constant 1 : i32
    %dma_wait3A_117 = arith.constant 0 : i32
    %dma_wait3A_118 = arith.constant 1 : i32
    %dma_wait3A_119 = arith.constant 0 : i32
    %dma_wait3A_120 = arith.constant 0 : i32
    %dma_wait3A_121 = tpu.memref_slice %arg8[%dma_wait3A_118, %dma_wait3A_119, %dma_wait3A_120] : memref<3x128x128xf32, #tpu.memory_space<vmem>> -> memref<1x128x128xf32, #tpu.memory_space<vmem>>
    %dma_wait3A_122 = tpu.memref_squeeze %dma_wait3A_121 : memref<1x128x128xf32, #tpu.memory_space<vmem>> -> memref<128x128xf32, #tpu.memory_space<vmem>>
    %dma_wait3A_123 = arith.constant 0 : i32
    %dma_wait3A_124 = tpu.memref_slice %arg6[%dma_wait3A_116, %dma_wait3A_117, %dma_wait3A_123] : memref<3x2x128xi32, #tpu.memory_space<vmem>> -> memref<1x1x128xi32, #tpu.memory_space<vmem>>
    %dma_wait3A_125 = tpu.memref_squeeze %dma_wait3A_124 : memref<1x1x128xi32, #tpu.memory_space<vmem>> -> memref<128xi32, #tpu.memory_space<vmem>>
    %dma_wait3A_126 = arith.constant 0 : i32
    %dma_wait3A_127 = arith.constant 0 : i32
    %dma_wait3A_128 = tpu.memref_slice %arg2[%dma_wait3A_126, %dma_wait3A_127] : memref<10000x128xf32, #tpu.memory_space<hbm>> -> memref<10000x128xf32, #tpu.memory_space<hbm>>
    tpu.wait_indirect_dma semaphore(%arg11 : memref<!tpu.dma_semaphore, #tpu.memory_space<semaphore_mem>>) src(%dma_wait3A_128 : memref<10000x128xf32, #tpu.memory_space<hbm>>) dst(%dma_wait3A_122 : memref<128x128xf32, #tpu.memory_space<vmem>>)
    %dma_start3A_129 = arith.constant 1 : i32
    %dma_start3A_130 = arith.constant 1 : i32
    %dma_start3A_131 = arith.constant 1 : i32
    %dma_start3A_132 = arith.constant 0 : i32
    %dma_start3A_133 = arith.constant 0 : i32
    %dma_start3A_134 = tpu.memref_slice %arg8[%dma_start3A_129, %dma_start3A_132, %dma_start3A_133] : memref<3x128x128xf32, #tpu.memory_space<vmem>> -> memref<1x128x128xf32, #tpu.memory_space<vmem>>
    %dma_start3A_135 = tpu.memref_squeeze %dma_start3A_134 : memref<1x128x128xf32, #tpu.memory_space<vmem>> -> memref<128x128xf32, #tpu.memory_space<vmem>>
    %dma_start3A_136 = arith.constant 0 : i32
    %dma_start3A_137 = tpu.memref_slice %arg6[%dma_start3A_130, %dma_start3A_131, %dma_start3A_136] : memref<3x2x128xi32, #tpu.memory_space<vmem>> -> memref<1x1x128xi32, #tpu.memory_space<vmem>>
    %dma_start3A_138 = tpu.memref_squeeze %dma_start3A_137 : memref<1x1x128xi32, #tpu.memory_space<vmem>> -> memref<128xi32, #tpu.memory_space<vmem>>
    %dma_start3A_139 = arith.constant 0 : i32
    %dma_start3A_140 = arith.constant 0 : i32
    %dma_start3A_141 = tpu.memref_slice %arg9[%dma_start3A_139, %dma_start3A_140] : memref<10112x128xf32, #tpu.memory_space<vmem_shared>> -> memref<10112x128xf32, #tpu.memory_space<vmem_shared>>
    tpu.enqueue_indirect_dma source(%dma_start3A_135 : memref<128x128xf32, #tpu.memory_space<vmem>>) target(%dma_start3A_141 : memref<10112x128xf32, #tpu.memory_space<vmem_shared>>) offsets(%dma_start3A_138 : memref<128xi32, #tpu.memory_space<vmem>>) semaphore(%arg14 : memref<!tpu.dma_semaphore, #tpu.memory_space<semaphore_mem>>) {add = true}
    %dma_wait3A_142 = arith.constant 2 : i32
    %dma_wait3A_143 = arith.constant 0 : i32
    %dma_wait3A_144 = arith.constant 2 : i32
    %dma_wait3A_145 = arith.constant 0 : i32
    %dma_wait3A_146 = arith.constant 0 : i32
    %dma_wait3A_147 = tpu.memref_slice %arg8[%dma_wait3A_144, %dma_wait3A_145, %dma_wait3A_146] : memref<3x128x128xf32, #tpu.memory_space<vmem>> -> memref<1x128x128xf32, #tpu.memory_space<vmem>>
    %dma_wait3A_148 = tpu.memref_squeeze %dma_wait3A_147 : memref<1x128x128xf32, #tpu.memory_space<vmem>> -> memref<128x128xf32, #tpu.memory_space<vmem>>
    %dma_wait3A_149 = arith.constant 0 : i32
    %dma_wait3A_150 = tpu.memref_slice %arg6[%dma_wait3A_142, %dma_wait3A_143, %dma_wait3A_149] : memref<3x2x128xi32, #tpu.memory_space<vmem>> -> memref<1x1x128xi32, #tpu.memory_space<vmem>>
    %dma_wait3A_151 = tpu.memref_squeeze %dma_wait3A_150 : memref<1x1x128xi32, #tpu.memory_space<vmem>> -> memref<128xi32, #tpu.memory_space<vmem>>
    %dma_wait3A_152 = arith.constant 0 : i32
    %dma_wait3A_153 = arith.constant 0 : i32
    %dma_wait3A_154 = tpu.memref_slice %arg2[%dma_wait3A_152, %dma_wait3A_153] : memref<10000x128xf32, #tpu.memory_space<hbm>> -> memref<10000x128xf32, #tpu.memory_space<hbm>>
    tpu.wait_indirect_dma semaphore(%arg12 : memref<!tpu.dma_semaphore, #tpu.memory_space<semaphore_mem>>) src(%dma_wait3A_154 : memref<10000x128xf32, #tpu.memory_space<hbm>>) dst(%dma_wait3A_148 : memref<128x128xf32, #tpu.memory_space<vmem>>)
    %dma_start3A_155 = arith.constant 2 : i32
    %dma_start3A_156 = arith.constant 2 : i32
    %dma_start3A_157 = arith.constant 1 : i32
    %dma_start3A_158 = arith.constant 0 : i32
    %dma_start3A_159 = arith.constant 0 : i32
    %dma_start3A_160 = tpu.memref_slice %arg8[%dma_start3A_155, %dma_start3A_158, %dma_start3A_159] : memref<3x128x128xf32, #tpu.memory_space<vmem>> -> memref<1x128x128xf32, #tpu.memory_space<vmem>>
    %dma_start3A_161 = tpu.memref_squeeze %dma_start3A_160 : memref<1x128x128xf32, #tpu.memory_space<vmem>> -> memref<128x128xf32, #tpu.memory_space<vmem>>
    %dma_start3A_162 = arith.constant 0 : i32
    %dma_start3A_163 = tpu.memref_slice %arg6[%dma_start3A_156, %dma_start3A_157, %dma_start3A_162] : memref<3x2x128xi32, #tpu.memory_space<vmem>> -> memref<1x1x128xi32, #tpu.memory_space<vmem>>
    %dma_start3A_164 = tpu.memref_squeeze %dma_start3A_163 : memref<1x1x128xi32, #tpu.memory_space<vmem>> -> memref<128xi32, #tpu.memory_space<vmem>>
    %dma_start3A_165 = arith.constant 0 : i32
    %dma_start3A_166 = arith.constant 0 : i32
    %dma_start3A_167 = tpu.memref_slice %arg9[%dma_start3A_165, %dma_start3A_166] : memref<10112x128xf32, #tpu.memory_space<vmem_shared>> -> memref<10112x128xf32, #tpu.memory_space<vmem_shared>>
    tpu.enqueue_indirect_dma source(%dma_start3A_161 : memref<128x128xf32, #tpu.memory_space<vmem>>) target(%dma_start3A_167 : memref<10112x128xf32, #tpu.memory_space<vmem_shared>>) offsets(%dma_start3A_164 : memref<128xi32, #tpu.memory_space<vmem>>) semaphore(%arg15 : memref<!tpu.dma_semaphore, #tpu.memory_space<semaphore_mem>>) {add = true}
    %dma_wait3A_168 = arith.constant 0 : i32
    %dma_wait3A_169 = arith.constant 0 : i32
    %dma_wait3A_170 = arith.constant 1 : i32
    %dma_wait3A_171 = arith.constant 0 : i32
    %dma_wait3A_172 = arith.constant 0 : i32
    %dma_wait3A_173 = tpu.memref_slice %arg8[%dma_wait3A_168, %dma_wait3A_171, %dma_wait3A_172] : memref<3x128x128xf32, #tpu.memory_space<vmem>> -> memref<1x128x128xf32, #tpu.memory_space<vmem>>
    %dma_wait3A_174 = tpu.memref_squeeze %dma_wait3A_173 : memref<1x128x128xf32, #tpu.memory_space<vmem>> -> memref<128x128xf32, #tpu.memory_space<vmem>>
    %dma_wait3A_175 = arith.constant 0 : i32
    %dma_wait3A_176 = tpu.memref_slice %arg6[%dma_wait3A_169, %dma_wait3A_170, %dma_wait3A_175] : memref<3x2x128xi32, #tpu.memory_space<vmem>> -> memref<1x1x128xi32, #tpu.memory_space<vmem>>
    %dma_wait3A_177 = tpu.memref_squeeze %dma_wait3A_176 : memref<1x1x128xi32, #tpu.memory_space<vmem>> -> memref<128xi32, #tpu.memory_space<vmem>>
    %dma_wait3A_178 = arith.constant 0 : i32
    %dma_wait3A_179 = arith.constant 0 : i32
    %dma_wait3A_180 = tpu.memref_slice %arg9[%dma_wait3A_178, %dma_wait3A_179] : memref<10112x128xf32, #tpu.memory_space<vmem_shared>> -> memref<10112x128xf32, #tpu.memory_space<vmem_shared>>
    tpu.wait_indirect_dma semaphore(%arg13 : memref<!tpu.dma_semaphore, #tpu.memory_space<semaphore_mem>>) src(%dma_wait3A_174 : memref<128x128xf32, #tpu.memory_space<vmem>>) dst(%dma_wait3A_180 : memref<10112x128xf32, #tpu.memory_space<vmem_shared>>)
    %dma_wait3A_181 = arith.constant 1 : i32
    %dma_wait3A_182 = arith.constant 1 : i32
    %dma_wait3A_183 = arith.constant 1 : i32
    %dma_wait3A_184 = arith.constant 0 : i32
    %dma_wait3A_185 = arith.constant 0 : i32
    %dma_wait3A_186 = tpu.memref_slice %arg8[%dma_wait3A_181, %dma_wait3A_184, %dma_wait3A_185] : memref<3x128x128xf32, #tpu.memory_space<vmem>> -> memref<1x128x128xf32, #tpu.memory_space<vmem>>
    %dma_wait3A_187 = tpu.memref_squeeze %dma_wait3A_186 : memref<1x128x128xf32, #tpu.memory_space<vmem>> -> memref<128x128xf32, #tpu.memory_space<vmem>>
    %dma_wait3A_188 = arith.constant 0 : i32
    %dma_wait3A_189 = tpu.memref_slice %arg6[%dma_wait3A_182, %dma_wait3A_183, %dma_wait3A_188] : memref<3x2x128xi32, #tpu.memory_space<vmem>> -> memref<1x1x128xi32, #tpu.memory_space<vmem>>
    %dma_wait3A_190 = tpu.memref_squeeze %dma_wait3A_189 : memref<1x1x128xi32, #tpu.memory_space<vmem>> -> memref<128xi32, #tpu.memory_space<vmem>>
    %dma_wait3A_191 = arith.constant 0 : i32
    %dma_wait3A_192 = arith.constant 0 : i32
    %dma_wait3A_193 = tpu.memref_slice %arg9[%dma_wait3A_191, %dma_wait3A_192] : memref<10112x128xf32, #tpu.memory_space<vmem_shared>> -> memref<10112x128xf32, #tpu.memory_space<vmem_shared>>
    tpu.wait_indirect_dma semaphore(%arg14 : memref<!tpu.dma_semaphore, #tpu.memory_space<semaphore_mem>>) src(%dma_wait3A_187 : memref<128x128xf32, #tpu.memory_space<vmem>>) dst(%dma_wait3A_193 : memref<10112x128xf32, #tpu.memory_space<vmem_shared>>)
    %dma_wait3A_194 = arith.constant 2 : i32
    %dma_wait3A_195 = arith.constant 2 : i32
    %dma_wait3A_196 = arith.constant 1 : i32
    %dma_wait3A_197 = arith.constant 0 : i32
    %dma_wait3A_198 = arith.constant 0 : i32
    %dma_wait3A_199 = tpu.memref_slice %arg8[%dma_wait3A_194, %dma_wait3A_197, %dma_wait3A_198] : memref<3x128x128xf32, #tpu.memory_space<vmem>> -> memref<1x128x128xf32, #tpu.memory_space<vmem>>
    %dma_wait3A_200 = tpu.memref_squeeze %dma_wait3A_199 : memref<1x128x128xf32, #tpu.memory_space<vmem>> -> memref<128x128xf32, #tpu.memory_space<vmem>>
    %dma_wait3A_201 = arith.constant 0 : i32
    %dma_wait3A_202 = tpu.memref_slice %arg6[%dma_wait3A_195, %dma_wait3A_196, %dma_wait3A_201] : memref<3x2x128xi32, #tpu.memory_space<vmem>> -> memref<1x1x128xi32, #tpu.memory_space<vmem>>
    %dma_wait3A_203 = tpu.memref_squeeze %dma_wait3A_202 : memref<1x1x128xi32, #tpu.memory_space<vmem>> -> memref<128xi32, #tpu.memory_space<vmem>>
    %dma_wait3A_204 = arith.constant 0 : i32
    %dma_wait3A_205 = arith.constant 0 : i32
    %dma_wait3A_206 = tpu.memref_slice %arg9[%dma_wait3A_204, %dma_wait3A_205] : memref<10112x128xf32, #tpu.memory_space<vmem_shared>> -> memref<10112x128xf32, #tpu.memory_space<vmem_shared>>
    tpu.wait_indirect_dma semaphore(%arg15 : memref<!tpu.dma_semaphore, #tpu.memory_space<semaphore_mem>>) src(%dma_wait3A_200 : memref<128x128xf32, #tpu.memory_space<vmem>>) dst(%dma_wait3A_206 : memref<10112x128xf32, #tpu.memory_space<vmem_shared>>)
    %add3A_207 = arith.constant 9984 : i32
    %add3A_208 = arith.addi %multiple_of3A, %add3A_207 : i32
    %run_scoped3A_209 = arith.constant 0 : i32
    "tpu.region"() ({
      %run_scoped3A_244 = tpu.sem_alloc : memref<!tpu.dma_semaphore, #tpu.memory_space<semaphore_mem>>
      %dma_start3A_245 = arith.constant 0 : i32
      %dma_start3A_246 = tpu.memref_slice %arg7[%run_scoped3A_209, %dma_start3A_245] : memref<2x16xi32, #tpu.memory_space<vmem>> -> memref<1x16xi32, #tpu.memory_space<vmem>>
      %dma_start3A_247 = tpu.memref_squeeze %dma_start3A_246 : memref<1x16xi32, #tpu.memory_space<vmem>> -> memref<16xi32, #tpu.memory_space<vmem>>
      %dma_start3A_248 = tpu.memref_slice %arg3[%add3A_208] : memref<320000xi32, #tpu.memory_space<hbm>> -> memref<16xi32, #tpu.memory_space<hbm>>
      %dma_start3A_249 = arith.constant 0 : i32
      %dma_start3A_250 = tpu.memref_slice %arg7[%run_scoped3A_209, %dma_start3A_249] : memref<2x16xi32, #tpu.memory_space<vmem>> -> memref<1x16xi32, #tpu.memory_space<vmem>>
      %dma_start3A_251 = tpu.memref_squeeze %dma_start3A_250 : memref<1x16xi32, #tpu.memory_space<vmem>> -> memref<16xi32, #tpu.memory_space<vmem>>
      %dma_start3A_252 = tpu.memref_slice %arg3[%add3A_208] : memref<320000xi32, #tpu.memory_space<hbm>> -> memref<16xi32, #tpu.memory_space<hbm>>
      tpu.enqueue_dma source(%dma_start3A_252 : memref<16xi32, #tpu.memory_space<hbm>>) target(%dma_start3A_251 : memref<16xi32, #tpu.memory_space<vmem>>) target_semaphore(%run_scoped3A_244 : memref<!tpu.dma_semaphore, #tpu.memory_space<semaphore_mem>>)
      %dma_wait3A_253 = arith.constant 0 : i32
      %dma_wait3A_254 = tpu.memref_slice %arg7[%run_scoped3A_209, %dma_wait3A_253] : memref<2x16xi32, #tpu.memory_space<vmem>> -> memref<1x16xi32, #tpu.memory_space<vmem>>
      %dma_wait3A_255 = tpu.memref_squeeze %dma_wait3A_254 : memref<1x16xi32, #tpu.memory_space<vmem>> -> memref<16xi32, #tpu.memory_space<vmem>>
      %dma_wait3A_256 = tpu.memref_slice %arg3[%add3A_208] : memref<320000xi32, #tpu.memory_space<hbm>> -> memref<16xi32, #tpu.memory_space<hbm>>
      %dma_wait3A_257 = arith.constant 0 : i32
      %dma_wait3A_258 = tpu.memref_slice %arg7[%run_scoped3A_209, %dma_wait3A_257] : memref<2x16xi32, #tpu.memory_space<vmem>> -> memref<1x16xi32, #tpu.memory_space<vmem>>
      %dma_wait3A_259 = tpu.memref_squeeze %dma_wait3A_258 : memref<1x16xi32, #tpu.memory_space<vmem>> -> memref<16xi32, #tpu.memory_space<vmem>>
      %dma_wait3A_260 = tpu.memref_slice %arg3[%add3A_208] : memref<320000xi32, #tpu.memory_space<hbm>> -> memref<16xi32, #tpu.memory_space<hbm>>
      tpu.wait_dma2 semaphore(%run_scoped3A_244 : memref<!tpu.dma_semaphore, #tpu.memory_space<semaphore_mem>>) src(%dma_wait3A_260 : memref<16xi32, #tpu.memory_space<hbm>>) dst(%dma_wait3A_259 : memref<16xi32, #tpu.memory_space<vmem>>)
      tpu.yield
    }) : () -> ()
    %add3A_210 = arith.constant 9984 : i32
    %add3A_211 = arith.addi %multiple_of3A, %add3A_210 : i32
    %run_scoped3A_212 = arith.constant 1 : i32
    "tpu.region"() ({
      %run_scoped3A_244 = tpu.sem_alloc : memref<!tpu.dma_semaphore, #tpu.memory_space<semaphore_mem>>
      %dma_start3A_245 = arith.constant 0 : i32
      %dma_start3A_246 = tpu.memref_slice %arg7[%run_scoped3A_212, %dma_start3A_245] : memref<2x16xi32, #tpu.memory_space<vmem>> -> memref<1x16xi32, #tpu.memory_space<vmem>>
      %dma_start3A_247 = tpu.memref_squeeze %dma_start3A_246 : memref<1x16xi32, #tpu.memory_space<vmem>> -> memref<16xi32, #tpu.memory_space<vmem>>
      %dma_start3A_248 = tpu.memref_slice %arg4[%add3A_211] : memref<320000xi32, #tpu.memory_space<hbm>> -> memref<16xi32, #tpu.memory_space<hbm>>
      %dma_start3A_249 = arith.constant 0 : i32
      %dma_start3A_250 = tpu.memref_slice %arg7[%run_scoped3A_212, %dma_start3A_249] : memref<2x16xi32, #tpu.memory_space<vmem>> -> memref<1x16xi32, #tpu.memory_space<vmem>>
      %dma_start3A_251 = tpu.memref_squeeze %dma_start3A_250 : memref<1x16xi32, #tpu.memory_space<vmem>> -> memref<16xi32, #tpu.memory_space<vmem>>
      %dma_start3A_252 = tpu.memref_slice %arg4[%add3A_211] : memref<320000xi32, #tpu.memory_space<hbm>> -> memref<16xi32, #tpu.memory_space<hbm>>
      tpu.enqueue_dma source(%dma_start3A_252 : memref<16xi32, #tpu.memory_space<hbm>>) target(%dma_start3A_251 : memref<16xi32, #tpu.memory_space<vmem>>) target_semaphore(%run_scoped3A_244 : memref<!tpu.dma_semaphore, #tpu.memory_space<semaphore_mem>>)
      %dma_wait3A_253 = arith.constant 0 : i32
      %dma_wait3A_254 = tpu.memref_slice %arg7[%run_scoped3A_212, %dma_wait3A_253] : memref<2x16xi32, #tpu.memory_space<vmem>> -> memref<1x16xi32, #tpu.memory_space<vmem>>
      %dma_wait3A_255 = tpu.memref_squeeze %dma_wait3A_254 : memref<1x16xi32, #tpu.memory_space<vmem>> -> memref<16xi32, #tpu.memory_space<vmem>>
      %dma_wait3A_256 = tpu.memref_slice %arg4[%add3A_211] : memref<320000xi32, #tpu.memory_space<hbm>> -> memref<16xi32, #tpu.memory_space<hbm>>
      %dma_wait3A_257 = arith.constant 0 : i32
      %dma_wait3A_258 = tpu.memref_slice %arg7[%run_scoped3A_212, %dma_wait3A_257] : memref<2x16xi32, #tpu.memory_space<vmem>> -> memref<1x16xi32, #tpu.memory_space<vmem>>
      %dma_wait3A_259 = tpu.memref_squeeze %dma_wait3A_258 : memref<1x16xi32, #tpu.memory_space<vmem>> -> memref<16xi32, #tpu.memory_space<vmem>>
      %dma_wait3A_260 = tpu.memref_slice %arg4[%add3A_211] : memref<320000xi32, #tpu.memory_space<hbm>> -> memref<16xi32, #tpu.memory_space<hbm>>
      tpu.wait_dma2 semaphore(%run_scoped3A_244 : memref<!tpu.dma_semaphore, #tpu.memory_space<semaphore_mem>>) src(%dma_wait3A_260 : memref<16xi32, #tpu.memory_space<hbm>>) dst(%dma_wait3A_259 : memref<16xi32, #tpu.memory_space<vmem>>)
      tpu.yield
    }) : () -> ()
    %dma_start3A_213 = arith.constant 0 : i32
    %dma_start3A_214 = arith.constant 0 : i32
    %dma_start3A_215 = arith.constant 0 : i32
    %dma_start3A_216 = arith.constant 0 : i32
    %dma_start3A_217 = tpu.memref_slice %arg8[%dma_start3A_214, %dma_start3A_215, %dma_start3A_216] : memref<3x128x128xf32, #tpu.memory_space<vmem>> -> memref<1x16x128xf32, #tpu.memory_space<vmem>>
    %dma_start3A_218 = tpu.memref_squeeze %dma_start3A_217 : memref<1x16x128xf32, #tpu.memory_space<vmem>> -> memref<16x128xf32, #tpu.memory_space<vmem>>
    %dma_start3A_219 = arith.constant 0 : i32
    %dma_start3A_220 = tpu.memref_slice %arg7[%dma_start3A_213, %dma_start3A_219] : memref<2x16xi32, #tpu.memory_space<vmem>> -> memref<1x16xi32, #tpu.memory_space<vmem>>
    %dma_start3A_221 = tpu.memref_squeeze %dma_start3A_220 : memref<1x16xi32, #tpu.memory_space<vmem>> -> memref<16xi32, #tpu.memory_space<vmem>>
    %dma_start3A_222 = arith.constant 0 : i32
    %dma_start3A_223 = arith.constant 0 : i32
    %dma_start3A_224 = tpu.memref_slice %arg2[%dma_start3A_222, %dma_start3A_223] : memref<10000x128xf32, #tpu.memory_space<hbm>> -> memref<10000x128xf32, #tpu.memory_space<hbm>>
    tpu.enqueue_indirect_dma source(%dma_start3A_224 : memref<10000x128xf32, #tpu.memory_space<hbm>>) target(%dma_start3A_218 : memref<16x128xf32, #tpu.memory_space<vmem>>) offsets(%dma_start3A_221 : memref<16xi32, #tpu.memory_space<vmem>>) semaphore(%arg10 : memref<!tpu.dma_semaphore, #tpu.memory_space<semaphore_mem>>)
    %dma_wait3A_225 = arith.constant 0 : i32
    %dma_wait3A_226 = arith.constant 0 : i32
    %dma_wait3A_227 = arith.constant 0 : i32
    %dma_wait3A_228 = arith.constant 0 : i32
    %dma_wait3A_229 = tpu.memref_slice %arg8[%dma_wait3A_226, %dma_wait3A_227, %dma_wait3A_228] : memref<3x128x128xf32, #tpu.memory_space<vmem>> -> memref<1x16x128xf32, #tpu.memory_space<vmem>>
    %dma_wait3A_230 = tpu.memref_squeeze %dma_wait3A_229 : memref<1x16x128xf32, #tpu.memory_space<vmem>> -> memref<16x128xf32, #tpu.memory_space<vmem>>
    %dma_wait3A_231 = arith.constant 0 : i32
    %dma_wait3A_232 = tpu.memref_slice %arg7[%dma_wait3A_225, %dma_wait3A_231] : memref<2x16xi32, #tpu.memory_space<vmem>> -> memref<1x16xi32, #tpu.memory_space<vmem>>
    %dma_wait3A_233 = tpu.memref_squeeze %dma_wait3A_232 : memref<1x16xi32, #tpu.memory_space<vmem>> -> memref<16xi32, #tpu.memory_space<vmem>>
    %dma_wait3A_234 = arith.constant 0 : i32
    %dma_wait3A_235 = arith.constant 0 : i32
    %dma_wait3A_236 = tpu.memref_slice %arg2[%dma_wait3A_234, %dma_wait3A_235] : memref<10000x128xf32, #tpu.memory_space<hbm>> -> memref<10000x128xf32, #tpu.memory_space<hbm>>
    tpu.wait_indirect_dma semaphore(%arg10 : memref<!tpu.dma_semaphore, #tpu.memory_space<semaphore_mem>>) src(%dma_wait3A_236 : memref<10000x128xf32, #tpu.memory_space<hbm>>) dst(%dma_wait3A_230 : memref<16x128xf32, #tpu.memory_space<vmem>>)
    %run_scoped3A_237 = arith.constant 0 : i32
    %run_scoped3A_238 = arith.constant 1 : i32
    "tpu.region"() ({
      %run_scoped3A_244 = tpu.sem_alloc : memref<!tpu.dma_semaphore, #tpu.memory_space<semaphore_mem>>
      %dma_start3A_245 = arith.constant 0 : i32
      %dma_start3A_246 = arith.constant 0 : i32
      %dma_start3A_247 = tpu.memref_slice %arg8[%run_scoped3A_237, %dma_start3A_245, %dma_start3A_246] : memref<3x128x128xf32, #tpu.memory_space<vmem>> -> memref<1x16x128xf32, #tpu.memory_space<vmem>>
      %dma_start3A_248 = tpu.memref_squeeze %dma_start3A_247 : memref<1x16x128xf32, #tpu.memory_space<vmem>> -> memref<16x128xf32, #tpu.memory_space<vmem>>
      %dma_start3A_249 = arith.constant 0 : i32
      %dma_start3A_250 = tpu.memref_slice %arg7[%run_scoped3A_238, %dma_start3A_249] : memref<2x16xi32, #tpu.memory_space<vmem>> -> memref<1x16xi32, #tpu.memory_space<vmem>>
      %dma_start3A_251 = tpu.memref_squeeze %dma_start3A_250 : memref<1x16xi32, #tpu.memory_space<vmem>> -> memref<16xi32, #tpu.memory_space<vmem>>
      %dma_start3A_252 = arith.constant 0 : i32
      %dma_start3A_253 = arith.constant 0 : i32
      %dma_start3A_254 = tpu.memref_slice %arg9[%dma_start3A_252, %dma_start3A_253] : memref<10112x128xf32, #tpu.memory_space<vmem_shared>> -> memref<10112x128xf32, #tpu.memory_space<vmem_shared>>
      tpu.enqueue_indirect_dma source(%dma_start3A_248 : memref<16x128xf32, #tpu.memory_space<vmem>>) target(%dma_start3A_254 : memref<10112x128xf32, #tpu.memory_space<vmem_shared>>) offsets(%dma_start3A_251 : memref<16xi32, #tpu.memory_space<vmem>>) semaphore(%run_scoped3A_244 : memref<!tpu.dma_semaphore, #tpu.memory_space<semaphore_mem>>) {add = true}
      %dma_wait3A_255 = arith.constant 0 : i32
      %dma_wait3A_256 = arith.constant 0 : i32
      %dma_wait3A_257 = tpu.memref_slice %arg8[%run_scoped3A_237, %dma_wait3A_255, %dma_wait3A_256] : memref<3x128x128xf32, #tpu.memory_space<vmem>> -> memref<1x16x128xf32, #tpu.memory_space<vmem>>
      %dma_wait3A_258 = tpu.memref_squeeze %dma_wait3A_257 : memref<1x16x128xf32, #tpu.memory_space<vmem>> -> memref<16x128xf32, #tpu.memory_space<vmem>>
      %dma_wait3A_259 = arith.constant 0 : i32
      %dma_wait3A_260 = tpu.memref_slice %arg7[%run_scoped3A_238, %dma_wait3A_259] : memref<2x16xi32, #tpu.memory_space<vmem>> -> memref<1x16xi32, #tpu.memory_space<vmem>>
      %dma_wait3A_261 = tpu.memref_squeeze %dma_wait3A_260 : memref<1x16xi32, #tpu.memory_space<vmem>> -> memref<16xi32, #tpu.memory_space<vmem>>
      %dma_wait3A_262 = arith.constant 0 : i32
      %dma_wait3A_263 = arith.constant 0 : i32
      %dma_wait3A_264 = tpu.memref_slice %arg9[%dma_wait3A_262, %dma_wait3A_263] : memref<10112x128xf32, #tpu.memory_space<vmem_shared>> -> memref<10112x128xf32, #tpu.memory_space<vmem_shared>>
      tpu.wait_indirect_dma semaphore(%run_scoped3A_244 : memref<!tpu.dma_semaphore, #tpu.memory_space<semaphore_mem>>) src(%dma_wait3A_258 : memref<16x128xf32, #tpu.memory_space<vmem>>) dst(%dma_wait3A_264 : memref<10112x128xf32, #tpu.memory_space<vmem_shared>>)
      tpu.yield
    }) : () -> ()
    %barrier3A_239 = arith.constant 0 : index
    tpu.barrier barrier_id(%barrier3A_239)
    %mul3A_240 = arith.constant 632 : i32
    %mul3A_241 = arith.muli %arg1, %mul3A_240 : i32
    %mul3A_242 = arith.constant 632 : i32
    %mul3A_243 = arith.muli %arg1, %mul3A_242 : i32
    "tpu.region"() ({
      %run_scoped3A_244 = tpu.sem_alloc : memref<!tpu.dma_semaphore, #tpu.memory_space<semaphore_mem>>
      %dma_start3A_245 = arith.constant 0 : i32
      %dma_start3A_246 = tpu.memref_slice %arg5[%arg0, %mul3A_243, %dma_start3A_245] : memref<2x10112x128xf32, #tpu.memory_space<hbm>> -> memref<1x632x128xf32, #tpu.memory_space<hbm>>
      %dma_start3A_247 = tpu.memref_squeeze %dma_start3A_246 : memref<1x632x128xf32, #tpu.memory_space<hbm>> -> memref<632x128xf32, #tpu.memory_space<hbm>>
      %dma_start3A_248 = arith.constant 0 : i32
      %dma_start3A_249 = tpu.memref_slice %arg9[%mul3A_241, %dma_start3A_248] : memref<10112x128xf32, #tpu.memory_space<vmem_shared>> -> memref<632x128xf32, #tpu.memory_space<vmem_shared>>
      tpu.enqueue_dma source(%dma_start3A_249 : memref<632x128xf32, #tpu.memory_space<vmem_shared>>) target(%dma_start3A_247 : memref<632x128xf32, #tpu.memory_space<hbm>>) target_semaphore(%run_scoped3A_244 : memref<!tpu.dma_semaphore, #tpu.memory_space<semaphore_mem>>)
      %dma_wait3A_250 = arith.constant 0 : i32
      %dma_wait3A_251 = tpu.memref_slice %arg5[%arg0, %mul3A_243, %dma_wait3A_250] : memref<2x10112x128xf32, #tpu.memory_space<hbm>> -> memref<1x632x128xf32, #tpu.memory_space<hbm>>
      %dma_wait3A_252 = tpu.memref_squeeze %dma_wait3A_251 : memref<1x632x128xf32, #tpu.memory_space<hbm>> -> memref<632x128xf32, #tpu.memory_space<hbm>>
      %dma_wait3A_253 = arith.constant 0 : i32
      %dma_wait3A_254 = tpu.memref_slice %arg9[%mul3A_241, %dma_wait3A_253] : memref<10112x128xf32, #tpu.memory_space<vmem_shared>> -> memref<632x128xf32, #tpu.memory_space<vmem_shared>>
      tpu.wait_dma2 semaphore(%run_scoped3A_244 : memref<!tpu.dma_semaphore, #tpu.memory_space<semaphore_mem>>) src(%dma_wait3A_254 : memref<632x128xf32, #tpu.memory_space<vmem_shared>>) dst(%dma_wait3A_252 : memref<632x128xf32, #tpu.memory_space<hbm>>)
      tpu.yield
    }) : () -> ()
    return
  }
}

module attributes {stable_mosaic.version = 14 : i64} {
  func.func @_tc_scale_in(%arg0: i32, %arg1: memref<2x1000x16xf32, #tpu.memory_space<vmem>>, %arg2: memref<1000x128xf32, #tpu.memory_space<vmem>>, %arg3: memref<1000x128xf32, #tpu.memory_space<vmem>>, %arg4: memref<1000x16xf32, #tpu.memory_space<vmem>>) attributes {dimension_semantics = [#tpu.dimension_semantics<arbitrary>], iteration_bounds = array<i64: 10>, scalar_prefetch = 0 : i64, scratch_operands = 0 : i64, tpu.core_type = #tpu.core_type<tc>, window_params = [{transform_indices = @transform_0, window_bounds = array<i64: 2, 1000, 16>}, {transform_indices = @transform_1, window_bounds = array<i64: 1000, 128>}, {transform_indices = @transform_2, window_bounds = array<i64: 1000, 128>}, {transform_indices = @transform_3, window_bounds = array<i64: 1000, 16>}]} {
    %get3A = arith.constant 0 : index
    %get3A_0 = arith.constant 0 : index
    %get3A_1 = arith.constant 0 : index
    %get3A_2 = vector.load %arg1[%get3A, %get3A_0, %get3A_1] : memref<2x1000x16xf32, #tpu.memory_space<vmem>>, vector<1x1000x1xf32>
    %get3A_3 = vector.shape_cast %get3A_2 : vector<1x1000x1xf32> to vector<1000x1xf32>
    %get3A_4 = arith.constant 1 : index
    %get3A_5 = arith.constant 0 : index
    %get3A_6 = arith.constant 0 : index
    %get3A_7 = vector.load %arg1[%get3A_4, %get3A_5, %get3A_6] : memref<2x1000x16xf32, #tpu.memory_space<vmem>>, vector<1x1000x1xf32>
    %get3A_8 = vector.shape_cast %get3A_7 : vector<1x1000x1xf32> to vector<1000x1xf32>
    %add3A = arith.addf %get3A_3, %get3A_8 : vector<1000x1xf32>
    %rsqrt3A = math.rsqrt %add3A : vector<1000x1xf32>
    %broadcast_in_dim3A = vector.shape_cast %rsqrt3A : vector<1000x1xf32> to vector<1000x1xf32>
    %broadcast_in_dim3A_9 = vector.broadcast %broadcast_in_dim3A : vector<1000x1xf32> to vector<1000x16xf32>
    %swap3A = arith.constant 0 : index
    %swap3A_10 = arith.constant 0 : index
    %swap3A_11 = vector.load %arg4[%swap3A, %swap3A_10] : memref<1000x16xf32, #tpu.memory_space<vmem>>, vector<1000x16xf32>
    tpu.vector_store %arg4[%swap3A, %swap3A_10], %broadcast_in_dim3A_9 {strides = array<i32>} : memref<1000x16xf32, #tpu.memory_space<vmem>>, vector<1000x16xf32>,
    %get3A_12 = arith.constant 0 : index
    %get3A_13 = arith.constant 0 : index
    %get3A_14 = vector.load %arg2[%get3A_12, %get3A_13] : memref<1000x128xf32, #tpu.memory_space<vmem>>, vector<1000x128xf32>
    %broadcast_in_dim3A_15 = vector.shape_cast %rsqrt3A : vector<1000x1xf32> to vector<1000x1xf32>
    %broadcast_in_dim3A_16 = vector.broadcast %broadcast_in_dim3A_15 : vector<1000x1xf32> to vector<1000x128xf32>
    %mul3A = arith.mulf %get3A_14, %broadcast_in_dim3A_16 : vector<1000x128xf32>
    %swap3A_17 = arith.constant 0 : index
    %swap3A_18 = arith.constant 0 : index
    %swap3A_19 = vector.load %arg3[%swap3A_17, %swap3A_18] : memref<1000x128xf32, #tpu.memory_space<vmem>>, vector<1000x128xf32>
    tpu.vector_store %arg3[%swap3A_17, %swap3A_18], %mul3A {strides = array<i32>} : memref<1000x128xf32, #tpu.memory_space<vmem>>, vector<1000x128xf32>,
    return
  }
  func.func @transform_0(%arg0: i32) -> (i32, i32, i32) {
    %c0_i32 = arith.constant 0 : i32
    %c0_i32_0 = arith.constant 0 : i32
    %c0_i32_1 = arith.constant 0 : i32
    return %c0_i32, %arg0, %c0_i32_0 : i32, i32, i32
  }
  func.func @transform_1(%arg0: i32) -> (i32, i32) {
    %c0_i32 = arith.constant 0 : i32
    %c0_i32_0 = arith.constant 0 : i32
    return %arg0, %c0_i32 : i32, i32
  }
  func.func @transform_2(%arg0: i32) -> (i32, i32) {
    %c0_i32 = arith.constant 0 : i32
    %c0_i32_0 = arith.constant 0 : i32
    return %arg0, %c0_i32 : i32, i32
  }
  func.func @transform_3(%arg0: i32) -> (i32, i32) {
    %c0_i32 = arith.constant 0 : i32
    %c0_i32_0 = arith.constant 0 : i32
    return %arg0, %c0_i32 : i32, i32
  }
}

module attributes {stable_mosaic.version = 14 : i64} {
  func.func @_tc_mid(%arg0: i32, %arg1: memref<2x1000x128xf32, #tpu.memory_space<vmem>>, %arg2: memref<1000x16xf32, #tpu.memory_space<vmem>>, %arg3: memref<256x128xf32, #tpu.memory_space<vmem>>, %arg4: memref<1x256xf32, #tpu.memory_space<vmem>>, %arg5: memref<128x256xf32, #tpu.memory_space<vmem>>, %arg6: memref<1000x128xf32, #tpu.memory_space<vmem>>) attributes {dimension_semantics = [#tpu.dimension_semantics<arbitrary>], iteration_bounds = array<i64: 10>, scalar_prefetch = 0 : i64, scratch_operands = 0 : i64, tpu.core_type = #tpu.core_type<tc>, window_params = [{transform_indices = @transform_0, window_bounds = array<i64: 2, 1000, 128>}, {transform_indices = @transform_1, window_bounds = array<i64: 1000, 16>}, {pipeline_mode = #tpu.pipeline_mode<synchronous>, transform_indices = @transform_2, window_bounds = array<i64: 256, 128>}, {pipeline_mode = #tpu.pipeline_mode<synchronous>, transform_indices = @transform_3, window_bounds = array<i64: 1, 256>}, {pipeline_mode = #tpu.pipeline_mode<synchronous>, transform_indices = @transform_4, window_bounds = array<i64: 128, 256>}, {transform_indices = @transform_5, window_bounds = array<i64: 1000, 128>}]} {
    %get3A = arith.constant 0 : index
    %get3A_0 = arith.constant 0 : index
    %get3A_1 = vector.load %arg2[%get3A, %get3A_0] : memref<1000x16xf32, #tpu.memory_space<vmem>>, vector<1000x1xf32>
    %broadcast_in_dim3A = vector.shape_cast %get3A_1 : vector<1000x1xf32> to vector<1000x1xf32>
    %broadcast_in_dim3A_2 = vector.broadcast %broadcast_in_dim3A : vector<1000x1xf32> to vector<1000x128xf32>
    %get3A_3 = arith.constant 0 : index
    %get3A_4 = arith.constant 0 : index
    %get3A_5 = arith.constant 0 : index
    %get3A_6 = vector.load %arg1[%get3A_3, %get3A_4, %get3A_5] : memref<2x1000x128xf32, #tpu.memory_space<vmem>>, vector<1x1000x128xf32>
    %get3A_7 = vector.shape_cast %get3A_6 : vector<1x1000x128xf32> to vector<1000x128xf32>
    %get3A_8 = arith.constant 1 : index
    %get3A_9 = arith.constant 0 : index
    %get3A_10 = arith.constant 0 : index
    %get3A_11 = vector.load %arg1[%get3A_8, %get3A_9, %get3A_10] : memref<2x1000x128xf32, #tpu.memory_space<vmem>>, vector<1x1000x128xf32>
    %get3A_12 = vector.shape_cast %get3A_11 : vector<1x1000x128xf32> to vector<1000x128xf32>
    %add3A = arith.addf %get3A_7, %get3A_12 : vector<1000x128xf32>
    %mul3A = arith.mulf %add3A, %broadcast_in_dim3A_2 : vector<1000x128xf32>
    %get3A_13 = arith.constant 0 : index
    %get3A_14 = arith.constant 0 : index
    %get3A_15 = vector.load %arg3[%get3A_13, %get3A_14] : memref<256x128xf32, #tpu.memory_space<vmem>>, vector<256x128xf32>
    %dot_general3A = arith.constant dense<0.000000e+00> : vector<1000x256xf32>
    %dot_general3A_16 = tpu.matmul %mul3A, %get3A_15, %dot_general3A {dimension_numbers = #tpu.dot_dimension_numbers<[1], [1], [0], [0], [0, 0, 1, 0], [], []>, transpose_lhs_hint = false} : vector<1000x128xf32>, vector<256x128xf32>, vector<1000x256xf32> -> vector<1000x256xf32>
    %get3A_17 = arith.constant 0 : index
    %get3A_18 = arith.constant 0 : index
    %get3A_19 = vector.load %arg4[%get3A_17, %get3A_18] : memref<1x256xf32, #tpu.memory_space<vmem>>, vector<1x256xf32>
    %add3A_20 = vector.broadcast %get3A_19 : vector<1x256xf32> to vector<1000x256xf32>
    %add3A_21 = arith.addf %dot_general3A_16, %add3A_20 : vector<1000x256xf32>
    %max3A = arith.constant 0.000000e+00 : f32
    %max3A_22 = vector.broadcast %max3A : f32 to vector<1000x256xf32>
    %max3A_23 = arith.maximumf %add3A_21, %max3A_22 : vector<1000x256xf32>
    %get3A_24 = arith.constant 0 : index
    %get3A_25 = arith.constant 0 : index
    %get3A_26 = vector.load %arg5[%get3A_24, %get3A_25] : memref<128x256xf32, #tpu.memory_space<vmem>>, vector<128x256xf32>
    %dot_general3A_27 = arith.constant dense<0.000000e+00> : vector<1000x128xf32>
    %dot_general3A_28 = tpu.matmul %max3A_23, %get3A_26, %dot_general3A_27 {dimension_numbers = #tpu.dot_dimension_numbers<[1], [1], [0], [0], [0, 0, 1, 0], [], []>, transpose_lhs_hint = false} : vector<1000x256xf32>, vector<128x256xf32>, vector<1000x128xf32> -> vector<1000x128xf32>
    %mul3A_29 = arith.mulf %dot_general3A_28, %broadcast_in_dim3A_2 : vector<1000x128xf32>
    %swap3A = arith.constant 0 : index
    %swap3A_30 = arith.constant 0 : index
    %swap3A_31 = vector.load %arg6[%swap3A, %swap3A_30] : memref<1000x128xf32, #tpu.memory_space<vmem>>, vector<1000x128xf32>
    tpu.vector_store %arg6[%swap3A, %swap3A_30], %mul3A_29 {strides = array<i32>} : memref<1000x128xf32, #tpu.memory_space<vmem>>, vector<1000x128xf32>,
    return
  }
  func.func @transform_0(%arg0: i32) -> (i32, i32, i32) {
    %c0_i32 = arith.constant 0 : i32
    %c0_i32_0 = arith.constant 0 : i32
    %c0_i32_1 = arith.constant 0 : i32
    return %c0_i32, %arg0, %c0_i32_0 : i32, i32, i32
  }
  func.func @transform_1(%arg0: i32) -> (i32, i32) {
    %c0_i32 = arith.constant 0 : i32
    %c0_i32_0 = arith.constant 0 : i32
    return %arg0, %c0_i32 : i32, i32
  }
  func.func @transform_2(%arg0: i32) -> (i32, i32) {
    %c0_i32 = arith.constant 0 : i32
    %c0_i32_0 = arith.constant 0 : i32
    %c0_i32_1 = arith.constant 0 : i32
    return %c0_i32, %c0_i32_0 : i32, i32
  }
  func.func @transform_3(%arg0: i32) -> (i32, i32) {
    %c0_i32 = arith.constant 0 : i32
    %c0_i32_0 = arith.constant 0 : i32
    %c0_i32_1 = arith.constant 0 : i32
    return %c0_i32, %c0_i32_0 : i32, i32
  }
  func.func @transform_4(%arg0: i32) -> (i32, i32) {
    %c0_i32 = arith.constant 0 : i32
    %c0_i32_0 = arith.constant 0 : i32
    %c0_i32_1 = arith.constant 0 : i32
    return %c0_i32, %c0_i32_0 : i32, i32
  }
  func.func @transform_5(%arg0: i32) -> (i32, i32) {
    %c0_i32 = arith.constant 0 : i32
    %c0_i32_0 = arith.constant 0 : i32
    return %arg0, %c0_i32 : i32, i32
  }
}

module attributes {stable_mosaic.version = 14 : i64} {
  func.func @_tc_out(%arg0: i32, %arg1: memref<2x1000x128xf32, #tpu.memory_space<vmem>>, %arg2: memref<1000x16xf32, #tpu.memory_space<vmem>>, %arg3: memref<1x128xf32, #tpu.memory_space<vmem>>, %arg4: memref<1000x128xf32, #tpu.memory_space<vmem>>) attributes {dimension_semantics = [#tpu.dimension_semantics<arbitrary>], iteration_bounds = array<i64: 10>, scalar_prefetch = 0 : i64, scratch_operands = 0 : i64, tpu.core_type = #tpu.core_type<tc>, window_params = [{transform_indices = @transform_0, window_bounds = array<i64: 2, 1000, 128>}, {transform_indices = @transform_1, window_bounds = array<i64: 1000, 16>}, {pipeline_mode = #tpu.pipeline_mode<synchronous>, transform_indices = @transform_2, window_bounds = array<i64: 1, 128>}, {transform_indices = @transform_3, window_bounds = array<i64: 1000, 128>}]} {
    %get3A = arith.constant 0 : index
    %get3A_0 = arith.constant 0 : index
    %get3A_1 = vector.load %arg2[%get3A, %get3A_0] : memref<1000x16xf32, #tpu.memory_space<vmem>>, vector<1000x1xf32>
    %broadcast_in_dim3A = vector.shape_cast %get3A_1 : vector<1000x1xf32> to vector<1000x1xf32>
    %broadcast_in_dim3A_2 = vector.broadcast %broadcast_in_dim3A : vector<1000x1xf32> to vector<1000x128xf32>
    %get3A_3 = arith.constant 0 : index
    %get3A_4 = arith.constant 0 : index
    %get3A_5 = arith.constant 0 : index
    %get3A_6 = vector.load %arg1[%get3A_3, %get3A_4, %get3A_5] : memref<2x1000x128xf32, #tpu.memory_space<vmem>>, vector<1x1000x128xf32>
    %get3A_7 = vector.shape_cast %get3A_6 : vector<1x1000x128xf32> to vector<1000x128xf32>
    %get3A_8 = arith.constant 1 : index
    %get3A_9 = arith.constant 0 : index
    %get3A_10 = arith.constant 0 : index
    %get3A_11 = vector.load %arg1[%get3A_8, %get3A_9, %get3A_10] : memref<2x1000x128xf32, #tpu.memory_space<vmem>>, vector<1x1000x128xf32>
    %get3A_12 = vector.shape_cast %get3A_11 : vector<1x1000x128xf32> to vector<1000x128xf32>
    %add3A = arith.addf %get3A_7, %get3A_12 : vector<1000x128xf32>
    %mul3A = arith.mulf %add3A, %broadcast_in_dim3A_2 : vector<1000x128xf32>
    %get3A_13 = arith.constant 0 : index
    %get3A_14 = arith.constant 0 : index
    %get3A_15 = vector.load %arg3[%get3A_13, %get3A_14] : memref<1x128xf32, #tpu.memory_space<vmem>>, vector<1x128xf32>
    %add3A_16 = vector.broadcast %get3A_15 : vector<1x128xf32> to vector<1000x128xf32>
    %add3A_17 = arith.addf %mul3A, %add3A_16 : vector<1000x128xf32>
    %swap3A = arith.constant 0 : index
    %swap3A_18 = arith.constant 0 : index
    %swap3A_19 = vector.load %arg4[%swap3A, %swap3A_18] : memref<1000x128xf32, #tpu.memory_space<vmem>>, vector<1000x128xf32>
    tpu.vector_store %arg4[%swap3A, %swap3A_18], %add3A_17 {strides = array<i32>} : memref<1000x128xf32, #tpu.memory_space<vmem>>, vector<1000x128xf32>,
    return
  }
  func.func @transform_0(%arg0: i32) -> (i32, i32, i32) {
    %c0_i32 = arith.constant 0 : i32
    %c0_i32_0 = arith.constant 0 : i32
    %c0_i32_1 = arith.constant 0 : i32
    return %c0_i32, %arg0, %c0_i32_0 : i32, i32, i32
  }
  func.func @transform_1(%arg0: i32) -> (i32, i32) {
    %c0_i32 = arith.constant 0 : i32
    %c0_i32_0 = arith.constant 0 : i32
    return %arg0, %c0_i32 : i32, i32
  }
  func.func @transform_2(%arg0: i32) -> (i32, i32) {
    %c0_i32 = arith.constant 0 : i32
    %c0_i32_0 = arith.constant 0 : i32
    %c0_i32_1 = arith.constant 0 : i32
    return %c0_i32, %c0_i32_0 : i32, i32
  }
  func.func @transform_3(%arg0: i32) -> (i32, i32) {
    %c0_i32 = arith.constant 0 : i32
    %c0_i32_0 = arith.constant 0 : i32
    return %arg0, %c0_i32 : i32, i32
  }
}

</mosaic_0001>

<sc_bundles>
// kernel: kernel.11.cloned.1.call-start
scs
__scs_entry_jumppad:
0x0: {  	(pc) =	sbr.rel $0x88, $3  }
0x1: {  	(tag) =	ssettag $0x0;
	lr =	simm.s32 $0x1  }
0x2: {  	[smem:$0x3F9B] =	sst lr;
	_ =	strace $0xD0000000  }
0x3: {  	_ = 	snop  }
0x4: {  	_ = 	snop  }
0x5: {  	_ = 	snop  }
0x6: {  	_ = 	snop  }
0x7: {  	_ = 	snop  }
__scs_overlays_trampoline_lowered:
0x8: {  	[smem:$0x3FAA] =	sst s0  }
0x9: {  	[smem:$0x3FAB] =	sst s1  }
0xa: {  	[smem:$0x3FAC] =	sst s2  }
0xb: {  	[smem:$0x3FAD] =	sst s3  }
0xc: {  	[smem:$0x3FAE] =	sst s4  }
0xd: {  	[smem:$0x3FAF] =	sst s5  }
0xe: {  	[smem:$0x3FB0] =	sst s6  }
0xf: {  	[smem:$0x3FB1] =	sst s7  }
0x10: {  	[smem:$0x3FB2] =	sst s8  }
0x11: {  	[smem:$0x3FB3] =	sst s9;
	s0 =	simm.s32 @!p0 $0x0  }
0x12: {  	s1 =	sld [smem:$0x3F99];
	s0 =	simm.s32 @p0 $0x1  }
0x13: {  	[smem:$0x3FB4] =	sst s0;
	s0 =	simm.s32 @!p1 $0x0  }
0x14: {  	s2 =	sld [smem:$0x3F98];
	s0 =	simm.s32 @p1 $0x1  }
0x15: {  	[smem:$0x3FB5] =	sst s0;
	s0 =	simm.s32 @!p2 $0x0  }
0x16: {  	s3 =	sld [smem:$0x3FDB];
	s0 =	simm.s32 @p2 $0x1  }
0x17: {  	s4 =	simm.s32 $0x1BF5;
	[smem:$0x3FB7] =	sst s0  }
0x18: {  	s0 =	sld [smem:$0x3F9A];
	_ =	swait.ge [sflag:s4], $0x0  }
0x19: {  	s7 =	sld [smem:$0x3F9B]  }
0x1a: {  	s8 =	sadd.s32 $0xFFFFE003, lr  }
0x1b: {  	s9 =	sadd.s32 $0xFFFFFEF7, lr;
	s5 =	simm.s32 $0xFFFFFFFF;
	p2 =	slt.u32 s8, $0xFFFFF086  }
0x1c: {  	p1 =	slt.u32 s9, $0xF7A;
	s5 =	simm.s32 @!p2 $0x0  }
0x1d: {  	s5 =	simm.s32 @p1 $0x1;
	p0 =	seq.s32 s7, s2  }
0x1e: {  	s7 =	smul.u32 @!p0 $0xF7A, s2;
	p2 =	seq.s32 @!p0 s5, $0x0  }
0x1f: {  	s9 =	smul.u32 $0xF7A, s1;
	s8 =	simm.s32 @!p0 $0x1BF5;
	p2 =	por !p2, p0  }
0x20: {  	[sflag:s8] =	ssyncset.s32 @!p0 $0xFFFFF086;
	s6 =	sadd.s32 @!p0 s3, s7;
	s7 =	simm.s32 @!p0 $0x108  }
0x21: {  	s3 =	sadd.s32 s3, s9;
	s6 =	sadd.s32 @!p0 $0x88, s6;
	s7 =	simm.s32 @p2 $0x1082  }
0x22: {  	[simem:s7], [sflag:s8] =	dma.local @!p0 [hbm:s6], $0xF7A  }
0x23: {  	s9 =	sor.u32 $0xD0000000, s2;
	s6 =	simm.s32 $0x108;
	_ =	swait.ge @!p0 [sflag:s8], $0x0  }
0x24: {  	s3 =	sadd.s32 $0x88, s3;
	s6 =	simm.s32 @!p1 $0x1082;
	[sflag:s4] =	ssyncset.s32 $0xFFFFF086  }
0x25: {  	[simem:s6], [sflag:s4] =	dma.local [hbm:s3], $0xF7A  }
0x26: {  	[smem:$0x3F9B] =	sst s1;
	(tag) =	ssettag s2;
	_ =	strace s9  }
0x27: {  	s1 =	sld [smem:$0x3FAB]  }
0x28: {  	s2 =	sld [smem:$0x3FAC]  }
0x29: {  	s4 =	sld [smem:$0x3FAE]  }
0x2a: {  	p0 =	seq.s32 s5, $0x0;
	s5 =	sld [smem:$0x3FAF]  }
0x2b: {  	s6 =	sld [smem:$0x3FB0]  }
0x2c: {  	s7 =	sld [smem:$0x3FB1]  }
0x2d: {  	s3 =	simm.s32 $0x108;
	s8 =	sld [smem:$0x3FB2]  }
0x2e: {  	s3 =	simm.s32 @!p0 $0x1082;
	s9 =	sld [smem:$0x3FB3]  }
0x2f: {  	lr =	sadd.s32 s0, s3;
	s0 =	sld [smem:$0x3FAA]  }
0x30: {  	s3 =	sld [smem:$0x3FAD]  }
0x31: {  	[smem:$0x3FB6] =	sst s10  }
0x32: {  	s10 =	sld [smem:$0x3FB4];
	_ =	sdelay $0x3  }
0x33: {  	p0 =	seq.s32 s10, $0x1;
	s10 =	sld [smem:$0x3FB6];
	_ =	sdelay $0x3  }
0x34: {  	[smem:$0x3FB6] =	sst s10  }
0x35: {  	s10 =	sld [smem:$0x3FB5];
	_ =	sdelay $0x3  }
0x36: {  	p1 =	seq.s32 s10, $0x1;
	s10 =	sld [smem:$0x3FB6];
	_ =	sdelay $0x3  }
0x37: {  	[smem:$0x3FB6] =	sst s10  }
0x38: {  	s10 =	sld [smem:$0x3FB7]  }
0x39: {  	_ = 	snop;
	(pc) =	sbr.ind lr, $3  }
0x3a: {  	_ = 	snop  }
0x3b: {  	_ = 	snop  }
0x3c: {  	p2 =	seq.s32 s10, $0x1;
	s10 =	sld [smem:$0x3FB6]  }
0x3d: {  	_ =	shalt  }
0x3e: {  	_ =	shalt  }
0x3f: {  	_ =	shalt  }
0x40: {  	_ =	shalt  }
0x41: {  	_ =	shalt  }
0x42: {  	_ =	shalt  }
0x43: {  	_ =	shalt  }
0x44: {  	_ =	shalt  }
0x45: {  	_ =	shalt  }
0x46: {  	_ =	shalt  }
0x47: {  	_ =	shalt  }
0x48: {  	_ =	shalt  }
0x49: {  	_ =	shalt  }
0x4a: {  	_ =	shalt  }
0x4b: {  	_ =	shalt  }
0x4c: {  	_ =	shalt  }
0x4d: {  	_ =	shalt  }
0x4e: {  	_ =	shalt  }
0x4f: {  	_ =	shalt  }
0x50: {  	_ =	shalt  }
0x51: {  	_ =	shalt  }
0x52: {  	_ =	shalt  }
0x53: {  	_ =	shalt  }
0x54: {  	_ =	shalt  }
0x55: {  	_ =	shalt  }
0x56: {  	_ =	shalt  }
0x57: {  	_ =	shalt  }
0x58: {  	_ =	shalt  }
0x59: {  	_ =	shalt  }
0x5a: {  	_ =	shalt  }
0x5b: {  	_ =	shalt  }
0x5c: {  	_ =	shalt  }
0x5d: {  	_ =	shalt  }
0x5e: {  	_ =	shalt  }
0x5f: {  	_ =	shalt  }
0x60: {  	_ =	shalt  }
0x61: {  	_ =	shalt  }
0x62: {  	_ =	shalt  }
0x63: {  	_ =	shalt  }
0x64: {  	_ =	shalt  }
0x65: {  	_ =	shalt  }
0x66: {  	_ =	shalt  }
0x67: {  	_ =	shalt  }
0x68: {  	_ =	shalt  }
0x69: {  	_ =	shalt  }
0x6a: {  	_ =	shalt  }
0x6b: {  	_ =	shalt  }
0x6c: {  	_ =	shalt  }
0x6d: {  	_ =	shalt  }
0x6e: {  	_ =	shalt  }
0x6f: {  	_ =	shalt  }
0x70: {  	_ =	shalt  }
0x71: {  	_ =	shalt  }
0x72: {  	_ =	shalt  }
0x73: {  	_ =	shalt  }
0x74: {  	_ =	shalt  }
0x75: {  	_ =	shalt  }
0x76: {  	_ =	shalt  }
0x77: {  	_ =	shalt  }
0x78: {  	_ =	shalt  }
0x79: {  	_ =	shalt  }
0x7a: {  	_ =	shalt  }
0x7b: {  	_ =	shalt  }
0x7c: {  	_ =	shalt  }
0x7d: {  	_ =	shalt  }
0x7e: {  	_ =	shalt  }
0x7f: {  	_ =	shalt  }
0x80: {  	_ =	shalt  }
0x81: {  	_ =	shalt  }
0x82: {  	_ =	shalt  }
0x83: {  	_ =	shalt  }
0x84: {  	_ =	shalt  }
0x85: {  	_ =	shalt  }
0x86: {  	_ =	shalt  }
0x87: {  	_ =	shalt  }
.Lfunc_end0:
.L_simem_size_0:
called_computation.1_lowered:
.L_overlay_start_0:
0x88: {  	s2 =	sld [smem:$0x3FD9]  }
0x89: {  	s3 =	sld [smem:$0x3FFE];
	_ =	sdelay $0x1  }
0x8a: {  	s1 =	srdreg.scid  }
0x8b: {  	s0 =	sand.u32 $0x1, s1  }
0x8c: {  	s17 =	sshll.u32 s0, $0xA;
	s2 =	sadd.s32 s3, s2  }
0x8d: {  	s2 =	sadd.s32 s2, s17  }
0x8e: {  	[smem:$0x3FC2] =	sst s2  }
0x8f: {  	_ = 	snop  }
0x90: {  	s2 =	sld [smem:$0x3FD0];
	(tm) =	ssettm $0x1  }
0x91: {  	s18 =	sld [smem:$0x3FFB];
	_ =	sdelay $0x3  }
0x92: {  	_ =	strace s18  }
0x93: {  	s3 =	sld [smem:$0x3FFC];
	_ =	sdelay $0x3  }
0x94: {  	_ =	strace s3  }
0x95: {  	s3 =	sld [smem:$0x3FFD];
	_ =	sdelay $0x3  }
0x96: {  	_ =	strace s3  }
0x97: {  	_ =	strace $0x8FFFFFFF  }
0x98: {  	s19 =	sld [smem:$0x3FDB];
	_ =	sdelay $0x1  }
0x99: {  	s4 =	simm.s32 $_scs_section_size  }
0x9a: {  	s5 =	simm.s32 $_size__tile_overlayer_lowered;
	s6 =	simm.s32 $_tile_overlayer_lowered  }
0x9b: {  	s22 =	simm.s32 $0x1BFF;
	s21 =	sshll.u32 s6, $0x1;
	s3 =	sadd.s32 s4, s19  }
0x9c: {  	s7 =	simm.s32 $0x0;
	s20 =	sshll.u32 s5, $0x1;
	s5 =	sadd.s32 s21, s3  }
0x9d: {  	[timem:s7], [sflag:s22] =	dma.local [hbm:s5], s20  }
0x9e: {  	_ =	swait.ge [sflag:s22], s20  }
0x9f: {  	s4 =	ssub.s32 $0x0, s20;
	[sflag:s22] =	ssyncset.done $0x0  }
0xa0: {  	[sflag:s22] =	ssyncadd.s32 s4;
	_ =	sdelay $0x1  }
0xa1: {  	s23 =	simm.s32 $0x1B8B  }
0xa2: {  	_ =	swait.ge [sflag:s23], $0x1  }
0xa3: {  	[sflag:s23] =	ssyncset.done $0x0  }
0xa4: {  	s25 =	simm.s32 $0x1B8E;
	s24 =	sld [smem:$0x3FFE];
	[sflag:s23] =	ssyncadd.s32 $0xFFFFFFFF  }
0xa5: {  	s26 =	simm.s32 $execute0_lowered;
	[smem:$0x3FD2] =	sst s25  }
0xa6: {  	s5 =	sshll.u32 s26, $0x1;
	_ =	strace $0x80000049;
	[dreg:$0x1] =	wrdreg $0xFFFFFFFF  }
0xa7: {  	s28 =	simm.s32 $_size_execute0_lowered;
	s3 =	sadd.s32 s3, s5;
	[dreg:$0x0] =	wrdreg $0x0  }
0xa8: {  	s5 =	sshll.u32 s28, $0x1;
	[dreg:$0x2] =	wrdreg s3  }
0xa9: {  	[dreg:$0x3] =	wrdreg s5  }
0xaa: {  	[dreg:$0x4] =	wrdreg $0xC0  }
0xab: {  	_ =	task [dreg:s7], $0x5FFFF  }
0xac: {  	[dreg:$0x1] =	wrdreg $0xFFFFFFFF  }
0xad: {  	[dreg:$0x0] =	wrdreg $0x60  }
0xae: {  	[dreg:$0x2] =	wrdreg s2  }
0xaf: {  	[dreg:$0x3] =	wrdreg s24  }
0xb0: {  	[dreg:$0x4] =	wrdreg $0xC4000  }
0xb1: {  	[dreg:$0x5] =	wrdreg $0x9  }
0xb2: {  	_ =	task.clear_ibuf [dreg:s7], $0x6FFFF;
	_ =	strace $0x90000049  }
0xb3: {  	s29 =	simm.s32 $0x9;
	_ =	strace $0x8000004B  }
0xb4: {  	_ =	swait.ge [sflag:s29], $0x1  }
0xb5: {  	[sflag:s29] =	ssyncadd.s32 $0xFFFFFFFF  }
0xb6: {  	_ =	strace $0x9000004B  }
0xb7: {  	_ =	sfence  }
0xb8: {  	s30 =	sld [smem:$0x0];
	_ =	sdelay $0x2  }
0xb9: {  	s31 =	sshll.u32 s1, $0xD;
	s1 =	sshrl.u32 s1, $0x2  }
0xba: {  	s3 =	sand.u32 $0x4000, s31;
	s1 =	sadd.s32 s1, s30  }
0xbb: {  	s0 =	sor.u32 s3, s0;
	s1 =	sshll.u32 s1, $0x11  }
0xbc: {  	s0 =	sor.u32 s1, s0  }
0xbd: {  	s0 =	sadd.s32 $0x8F2B, s0  }
0xbe: {  	[sflag:s0] =	ssyncadd.remote.s32 $0x1  }
0xbf: {  	_ =	sfence.sel $0xFFFF  }
0xc0: {  	[dreg:$0x0] =	wrdreg $0xFFFFFFFF;
	(pc) =	sbr.abs _section_cstart, $3  }
0xc1: {  	[dreg:$0x1] =	wrdreg $0xFFFFFFFF  }
0xc2: {  	_ =	task.clear_ibuf [dreg:s7], $0x2FFFF;
	_ =	strace $0x9FFFFFFF  }
0xc3: {  	(tm) =	ssettm $0x7FFFFFFF  }
tec
execute0_lowered:
.L_overlay_start_1:
0x0: {  	(tag) =	ssettag $0x1  }
0x1: {  	s1 =	rddreg [dreg:$0x0]  }
0x2: {  	s0 =	rddreg [dreg:$0x1]  }
0x3: {  	s2 =	rddreg [dreg:$0x2];
	s3 =	srdreg.scid  }
0x4: {  	s4 =	simm.s32 $0x0;
	s26 =	stileid.u32;
	s29 =	simm.s32 $0x7  }
0x5: {  	s30 =	simm.s32 $0x80;
	s31 =	simm.s32 $0x100;
	s8 =	smul.u32 $0x13C00, s26  }
0x6: {  	s3 =	sand.u32 $0x1, s3;
	[smem:$0x7FF] =	sst s4;
	s10 =	smul.u32 $0x4F000, s26  }
0x7: {  	s5 =	sadd.s32 $0x2000, s0;
	s6 =	sadd.s32 $0xBE00, s0;
	s19 =	smul.u32 $0x2710, s26  }
0x8: {  	p0 =	sne.s32 s26, $0xF;
	p2 =	seq.s32 s26, $0xF;
	s21 =	smul.u32 $0x2780, s26  }
0x9: {  	s7 =	smul.u32 $0x13C000, s3;
	_ =	strace $0x8000004A;
	s15 =	ssub.s32 $0x2, s3  }
0xa: {  	s9 =	sshll.u32 s3, $0x4;
	p1 =	seq.s32 s3, $0x0;
	s18 =	smul.u32 $0x27100, s3  }
0xb: {  	s16 =	sshrl.u32 s15, $0x1;
	s9 =	sor.u32 s26, s9;
	p0 =	por !p1, !p0  }
0xc: {  	s17 =	sshrl.u32 s10, $0x2;
	p1 =	por !p1, !p2;
	s22 =	sadd.s32 s1, s21  }
0xd: {  	s7 =	sadd.s32 s8, s7;
	s8 =	ssub.s32 s15, s16;
	s9 =	smul.u32 $0x2710, s9  }
0xe: {  	p0 =	por !p0, !p0;
	p1 =	por !p1, !p1;
	s10 =	sadd.s32 s19, s18  }
0xf: {  	[dreg:$0xb] =	wrdreg s22;
	s7 =	sshrl.u32 s7, $0x3;
	s23 =	sadd.s32 $0x280, s10  }
0x10: {  	s15 =	sadd.s32 $0x200, s10;
	p2 =	por p1, p0;
	s0 =	sadd.s32 s7, s0  }
0x11: {  	s7 =	sadd.s32 s17, s2;
	s9 =	sshrl.u32 s9, $0x3;
	s16 =	sshrl.u32 s15, $0x3  }
0x12: {  	p2 =	seq.s32 @!p2 s3, $0x0;
	s3 =	simm.s32 $0x4;
	s11 =	sadd.s32 $0x4000, s7  }
0x13: {  	s15 =	simm.s32 $0x3;
	s12 =	sadd.s32 $0x8000, s7;
	[dreg:$0x7] =	wrdreg s11  }
0x14: {  	s20 =	sadd.s32 $0xC000, s7;
	s13 =	sadd.s32 $0x10000, s7;
	[dreg:$0x8] =	wrdreg s12  }
0x15: {  	s24 =	sadd.s32 s5, s9;
	s25 =	sadd.s32 s6, s9;
	[dreg:$0x9] =	wrdreg s20  }
0x16: {  	s28 =	sadd.s32 $0x10, s9;
	s18 =	sadd.s32 s16, s6;
	[dreg:$0xa] =	wrdreg s13  }
0x17: {  	s19 =	sadd.s32 $0x20, s9;
	s9 =	sadd.s32 $0x4E0, s9;
	[dreg:$0xc] =	wrdreg s24  }
0x18: {  	s0 =	sadd.s32 $0x15C00, s0;
	p2 =	por @!p0 p2, p1;
	[dreg:$0xd] =	wrdreg s25  }
0x19: {  	p1 =	por !p1, p0;
	s13 =	sadd.s32 $0x128400, s2;
	[dreg:$0x6] =	wrdreg s18  }
0x1a: {  	s11 =	sshrl.u32 s23, $0x3;
	s17 =	sadd.s32 s5, s28;
	[dreg:$0x14] =	wrdreg s0  }
0x1b: {  	s12 =	sadd.s32 s6, s28;
	s20 =	sadd.s32 s5, s19;
	[dreg:$0xe] =	wrdreg s17  }
0x1c: {  	s21 =	sadd.s32 s6, s19;
	s22 =	sadd.s32 s5, s9;
	[dreg:$0xf] =	wrdreg s12  }
0x1d: {  	s23 =	sadd.s32 s6, s9;
	s24 =	smax.u32 s8, $0x1;
	[dreg:$0x10] =	wrdreg s20  }
0x1e: {  	p2 =	por p2, p0;
	s25 =	sadd.s32 $0x25080, s1;
	[dreg:$0x11] =	wrdreg s21  }
0x1f: {  	s28 =	sadd.s32 $0x138800, s2;
	s8 =	simm.s32 $0x200;
	[dreg:$0x12] =	wrdreg s22  }
0x20: {  	s9 =	simm.s32 $0x280;
	s19 =	simm.s32 $0x380;
	[dreg:$0x13] =	wrdreg s23  }
0x21: {  	s14 =	sadd.s32 s11, s6;
	s11 =	sadd.s32 s11, s5;
	[dreg:$0x15] =	wrdreg s24  }
0x22: {  	s23 =	sadd.s32 s16, s5;
	s24 =	sadd.s32 $0x180, s10;
	[dreg:$0x17] =	wrdreg s25  }
0x23: {  	s0 =	sshrl.u32 @!p1 s13, $0x3;
	[dreg:$0x18] =	wrdreg s28;
	s10 =	simm.s32 $0x400  }
0x24: {  	s12 =	simm.s32 $0x1;
	s13 =	simm.s32 $0x8400;
	[dreg:$0x4] =	wrdreg s14  }
0x25: {  	s16 =	simm.s32 $0x5;
	s17 =	simm.s32 $0x6;
	[dreg:$0x5] =	wrdreg s11  }
0x26: {  	s20 =	simm.s32 $0x10;
	s21 =	simm.s32 $0x0;
	[dreg:$0x16] =	wrdreg s0  }
0x27: {  	v0 =	vimm.f32 $0.0e+00;
	s0 =	simm.s32 $0x180;
	s11 =	simm.s32 $0x4400;
	s14 =	simm.s32 $0x2  }
.LBB2_1:
0x28: {  	s22 =	simm.s32 $0x0;
	s25 =	simm.s32 $0x200  }
.LBB2_2:
0x29: {  	p3 =	sne.s32 s25, $0xFE00;
	[tilespmem:s22+$0x470] =	vst v0  }
0x2a: {  	[tilespmem:s22+$0x400] =	vst v0  }
0x2b: {  	[tilespmem:s22+$0x410] =	vst v0  }
.Ltmp0:
0x2c: {  	[tilespmem:s22+$0x420] =	vst v0;
	(pc) =	sbr.rel @p3 .LBB2_2-.Ltmp0, $4  }
0x2d: {  	[tilespmem:s22+$0x430] =	vst v0  }
0x2e: {  	[tilespmem:s22+$0x440] =	vst v0  }
0x2f: {  	[tilespmem:s22+$0x450] =	vst v0  }
0x30: {  	[tilespmem:s22+$0x460] =	vst v0;
	s22 =	sshra.s32 s25, $0x2;
	s25 =	sadd.s32 $0x200, s25  }
0x31: {  	[tilespmem:s22+$0x470] =	vst v0  }
0x32: {  	[tilespmem:s22+$0x400] =	vst v0  }
0x33: {  	[tilespmem:s22+$0x410] =	vst v0  }
0x34: {  	[tilespmem:s22+$0x420] =	vst v0  }
0x35: {  	[tilespmem:s22+$0x430] =	vst v0  }
0x36: {  	[tilespmem:s22+$0x440] =	vst v0  }
0x37: {  	[tilespmem:s22+$0x450] =	vst v0  }
0x38: {  	[tilespmem:s22+$0x460] =	vst v0;
	s22 =	simm.s32 @!p2 $0x400;
	s25 =	simm.s32 @!p2 $0x7  }
0x39: {  	[spmem:s7] =	stream.linear.scatter @!p2 [tilespmem:s22], [sflag:$0x7], $0x4000, $0x38;
	v63 =	vld [tilespmem:$0x0]  }
0x3a: {  	_ =	swait.ge @!p2 [sflag:s25], $0x4000  }
0x3b: {  	[sflag:s25] =	ssyncset.done @!p2 $0x0  }
0x3c: {  	s18 =	rddreg [dreg:$0x7];
	[sflag:s25] =	ssyncadd.s32 @!p2 $0xFFFFC000  }
0x3d: {  	[spmem:s18] =	stream.linear.scatter @!p2 [tilespmem:s22], [sflag:$0x7], $0x4000, $0x38;
	v63 =	vld [tilespmem:$0x0]  }
0x3e: {  	_ =	swait.ge @!p2 [sflag:s25], $0x4000  }
0x3f: {  	[sflag:s25] =	ssyncset.done @!p2 $0x0  }
0x40: {  	s18 =	rddreg [dreg:$0x8];
	[sflag:s25] =	ssyncadd.s32 @!p2 $0xFFFFC000  }
0x41: {  	[spmem:s18] =	stream.linear.scatter @!p2 [tilespmem:s22], [sflag:$0x7], $0x4000, $0x38;
	v63 =	vld [tilespmem:$0x0]  }
0x42: {  	_ =	swait.ge @!p2 [sflag:s25], $0x4000  }
0x43: {  	[sflag:s25] =	ssyncset.done @!p2 $0x0  }
0x44: {  	s18 =	rddreg [dreg:$0x9];
	[sflag:s25] =	ssyncadd.s32 @!p2 $0xFFFFC000  }
0x45: {  	[spmem:s18] =	stream.linear.scatter @!p2 [tilespmem:s22], [sflag:$0x7], $0x4000, $0x38;
	v63 =	vld [tilespmem:$0x0]  }
0x46: {  	_ =	swait.ge @!p2 [sflag:s25], $0x4000  }
0x47: {  	[sflag:s25] =	ssyncset.done @!p2 $0x0  }
0x48: {  	s18 =	rddreg [dreg:$0xa];
	[sflag:s25] =	ssyncadd.s32 @!p2 $0xFFFFC000  }
0x49: {  	[spmem:s18] =	stream.linear.scatter @!p2 [tilespmem:s22], [sflag:$0x7], $0x3C00, $0x38;
	v63 =	vld [tilespmem:$0x0]  }
0x4a: {  	_ =	swait.ge @!p2 [sflag:s25], $0x3C00  }
0x4b: {  	[sflag:s25] =	ssyncset.done @!p2 $0x0;
	s18 =	rddreg [dreg:$0x16]  }
0x4c: {  	s22 =	simm.s32 @!p1 $0x1FC7;
	[sflag:s25] =	ssyncadd.s32 @!p2 $0xFFFFC400;
	s25 =	rddreg [dreg:$0x17]  }
0x4d: {  	[spmem:s18], [sflag:s22] =	dma.local @!p1 [hbm:s25], $0x2080  }
0x4e: {  	s22 =	simm.s32 @!p1 $0x7  }
0x4f: {  	_ =	swait.ge @!p1 [sflag:s22], $0x2080  }
0x50: {  	[sflag:s22] =	ssyncset.done @!p1 $0x0  }
0x51: {  	s25 =	simm.s32 @!p1 $0x400;
	s18 =	rddreg [dreg:$0x18];
	[sflag:s22] =	ssyncadd.s32 @!p1 $0xFFFFDF80  }
0x52: {  	[spmem:s18] =	stream.linear.scatter @!p1 [tilespmem:s25], [sflag:$0x7], $0x3800, $0x38;
	v63 =	vld [tilespmem:$0x0]  }
0x53: {  	_ =	swait.ge @!p1 [sflag:s22], $0x3800  }
0x54: {  	s25 =	sshll.u32 @p0 s26, $0x6;
	[sflag:s22] =	ssyncset.done @!p1 $0x0;
	s18 =	rddreg [dreg:$0xb]  }
0x55: {  	[sflag:s22] =	ssyncadd.s32 @!p1 $0xFFFFC800;
	s22 =	sor.u32 @p0 $0x1C07, s25;
	s25 =	sshrl.u32 @p0 s7, $0x3  }
0x56: {  	[spmem:s25], [sflag:s22] =	dma.local @p0 [hbm:s18], $0x2780  }
0x57: {  	s22 =	simm.s32 @p0 $0x7  }
0x58: {  	_ =	swait.ge @p0 [sflag:s22], $0x2780  }
0x59: {  	[sflag:s22] =	ssyncset.done @p0 $0x0  }
0x5a: {  	[sflag:s22] =	ssyncadd.s32 @p0 $0xFFFFD880  }
0x5b: {  	[bflag:$0x0] =	sbarrier.arrive $0xFFFF  }
0x5c: {  	s22 =	simm.s32 $0x0;
	s26 =	rddreg [dreg:$0xc]  }
0x5d: {  	[tilespmem:s22], [sflag:$0x7] =	stream.linear.gather [hbm4b:s26+s22], $0x80, $0x38;
	v63 =	vld [tilespmem:$0x0]  }
0x5e: {  	_ =	swait.ge [sflag:s29], $0x80  }
0x5f: {  	[sflag:s29] =	ssyncset.done $0x0  }
0x60: {  	s28 =	rddreg [dreg:$0xd];
	[sflag:s29] =	ssyncadd.s32 $0xFFFFFF80  }
0x61: {  	[tilespmem:s30], [sflag:$0x7] =	stream.linear.gather [hbm4b:s28+s22], $0x80, $0x38;
	v63 =	vld [tilespmem:$0x0]  }
0x62: {  	_ =	swait.ge [sflag:s29], $0x80  }
0x63: {  	[sflag:s29] =	ssyncset.done $0x0  }
0x64: {  	s25 =	rddreg [dreg:$0xe];
	[sflag:s29] =	ssyncadd.s32 $0xFFFFFF80  }
0x65: {  	[tilespmem:s31], [sflag:$0x7] =	stream.linear.gather [hbm4b:s25+s22], $0x80, $0x38;
	v63 =	vld [tilespmem:$0x0]  }
0x66: {  	_ =	swait.ge [sflag:s29], $0x80  }
0x67: {  	[sflag:s29] =	ssyncset.done $0x0  }
0x68: {  	s26 =	rddreg [dreg:$0xf];
	[sflag:s29] =	ssyncadd.s32 $0xFFFFFF80  }
0x69: {  	[tilespmem:s0], [sflag:$0x7] =	stream.linear.gather [hbm4b:s26+s22], $0x80, $0x38;
	v63 =	vld [tilespmem:$0x0]  }
0x6a: {  	_ =	swait.ge [sflag:s29], $0x80  }
0x6b: {  	[sflag:s29] =	ssyncset.done $0x0  }
0x6c: {  	s28 =	rddreg [dreg:$0x10];
	[sflag:s29] =	ssyncadd.s32 $0xFFFFFF80  }
0x6d: {  	[tilespmem:s8], [sflag:$0x7] =	stream.linear.gather [hbm4b:s28+s22], $0x80, $0x38;
	v63 =	vld [tilespmem:$0x0]  }
0x6e: {  	_ =	swait.ge [sflag:s29], $0x80  }
0x6f: {  	[sflag:s29] =	ssyncset.done $0x0  }
0x70: {  	s25 =	rddreg [dreg:$0x11];
	[sflag:s29] =	ssyncadd.s32 $0xFFFFFF80  }
0x71: {  	[tilespmem:s9], [sflag:$0x7] =	stream.linear.gather [hbm4b:s25+s22], $0x80, $0x38;
	v63 =	vld [tilespmem:$0x0]  }
0x72: {  	_ =	swait.ge [sflag:s29], $0x80  }
0x73: {  	[sflag:s29] =	ssyncset.done $0x0  }
0x74: {  	[sflag:s29] =	ssyncadd.s32 $0xFFFFFF80  }
0x75: {  	[tilespmem:s10], [sflag:$0x1] =	stream.indirect.gather [hbm4b:s1+s30], $0x80, s22, s30, $0xb8;
	v63 =	vld [tilespmem:$0x0]  }
0x76: {  	_ = 	snop  }
0x77: {  	[tilespmem:s11], [sflag:$0x2] =	stream.indirect.gather [hbm4b:s1+s30], $0x80, s31, s30, $0xb8;
	v63 =	vld [tilespmem:$0x0]  }
0x78: {  	_ =	swait.ge [sflag:s12], $0x4000  }
0x79: {  	[sflag:s12] =	ssyncset.done $0x0  }
0x7a: {  	[sflag:s12] =	ssyncadd.s32 $0xFFFFC000  }
0x7b: {  	[spmem:s2] =	stream.indirect.scatter.add.f32 [tilespmem:s10], [sflag:$0x4], $0x80, s30, s30, $0xb8;
	v63 =	vld [tilespmem:$0x0]  }
0x7c: {  	_ = 	snop  }
0x7d: {  	[tilespmem:s13], [sflag:$0x3] =	stream.indirect.gather [hbm4b:s1+s30], $0x80, s8, s30, $0xb8;
	v63 =	vld [tilespmem:$0x0]  }
0x7e: {  	_ =	swait.ge [sflag:s14], $0x4000  }
0x7f: {  	[sflag:s14] =	ssyncset.done $0x0  }
0x80: {  	[sflag:s14] =	ssyncadd.s32 $0xFFFFC000  }
0x81: {  	[spmem:s2] =	stream.indirect.scatter.add.f32 [tilespmem:s11], [sflag:$0x5], $0x80, s0, s30, $0xb8;
	v63 =	vld [tilespmem:$0x0]  }
0x82: {  	_ =	swait.ge [sflag:s3], $0x4000  }
0x83: {  	s26 =	sshrl.u32 s24, $0x3;
	[sflag:s3] =	ssyncset.done $0x0  }
0x84: {  	s28 =	sadd.s32 s5, s26;
	[sflag:s3] =	ssyncadd.s32 $0xFFFFC000  }
0x85: {  	[tilespmem:s4], [sflag:$0x7] =	stream.linear.gather [hbm4b:s28+s4], $0x80, $0x38;
	v63 =	vld [tilespmem:$0x0]  }
0x86: {  	_ =	swait.ge [sflag:s29], $0x80  }
0x87: {  	[sflag:s29] =	ssyncset.done $0x0  }
0x88: {  	s22 =	sadd.s32 s6, s26;
	[sflag:s29] =	ssyncadd.s32 $0xFFFFFF80  }
0x89: {  	[tilespmem:s30], [sflag:$0x7] =	stream.linear.gather [hbm4b:s22+s4], $0x80, $0x38;
	v63 =	vld [tilespmem:$0x0]  }
0x8a: {  	_ =	swait.ge [sflag:s29], $0x80  }
0x8b: {  	[sflag:s29] =	ssyncset.done $0x0  }
0x8c: {  	[sflag:s29] =	ssyncadd.s32 $0xFFFFFF80  }
0x8d: {  	[tilespmem:s10], [sflag:$0x1] =	stream.indirect.gather [hbm4b:s1+s30], $0x80, s4, s30, $0xb8;
	v63 =	vld [tilespmem:$0x0]  }
0x8e: {  	_ =	swait.ge [sflag:s15], $0x4000  }
0x8f: {  	[sflag:s15] =	ssyncset.done $0x0  }
0x90: {  	[sflag:s15] =	ssyncadd.s32 $0xFFFFC000  }
0x91: {  	[spmem:s2] =	stream.indirect.scatter.add.f32 [tilespmem:s13], [sflag:$0x6], $0x80, s9, s30, $0xb8;
	v63 =	vld [tilespmem:$0x0]  }
0x92: {  	_ =	swait.ge [sflag:s16], $0x4000  }
0x93: {  	[sflag:s16] =	ssyncset.done $0x0  }
0x94: {  	s18 =	sadd.s32 $0x0, s23;
	[sflag:s16] =	ssyncadd.s32 $0xFFFFC000  }
0x95: {  	[tilespmem:s31], [sflag:$0x7] =	stream.linear.gather [hbm4b:s18+s4], $0x80, $0x38;
	v63 =	vld [tilespmem:$0x0]  }
0x96: {  	_ =	swait.ge [sflag:s29], $0x80  }
0x97: {  	s25 =	rddreg [dreg:$0x6];
	[sflag:s29] =	ssyncset.done $0x0  }
0x98: {  	[sflag:s29] =	ssyncadd.s32 $0xFFFFFF80;
	s22 =	sadd.s32 $0x0, s25  }
0x99: {  	[tilespmem:s0], [sflag:$0x7] =	stream.linear.gather [hbm4b:s22+s4], $0x80, $0x38;
	v63 =	vld [tilespmem:$0x0]  }
0x9a: {  	_ =	swait.ge [sflag:s29], $0x80  }
0x9b: {  	[sflag:s29] =	ssyncset.done $0x0  }
0x9c: {  	[sflag:s29] =	ssyncadd.s32 $0xFFFFFF80  }
0x9d: {  	[tilespmem:s11], [sflag:$0x2] =	stream.indirect.gather [hbm4b:s1+s30], $0x80, s31, s30, $0xb8;
	v63 =	vld [tilespmem:$0x0]  }
0x9e: {  	_ =	swait.ge [sflag:s12], $0x4000  }
0x9f: {  	[sflag:s12] =	ssyncset.done $0x0  }
0xa0: {  	[sflag:s12] =	ssyncadd.s32 $0xFFFFC000  }
0xa1: {  	[spmem:s2] =	stream.indirect.scatter.add.f32 [tilespmem:s10], [sflag:$0x4], $0x80, s30, s30, $0xb8;
	v63 =	vld [tilespmem:$0x0]  }
0xa2: {  	_ =	swait.ge [sflag:s17], $0x4000  }
0xa3: {  	s26 =	rddreg [dreg:$0x5];
	[sflag:s17] =	ssyncset.done $0x0  }
0xa4: {  	[sflag:s17] =	ssyncadd.s32 $0xFFFFC000;
	s22 =	sadd.s32 $0x0, s26  }
0xa5: {  	[tilespmem:s8], [sflag:$0x7] =	stream.linear.gather [hbm4b:s22+s4], $0x80, $0x38;
	v63 =	vld [tilespmem:$0x0]  }
0xa6: {  	_ =	swait.ge [sflag:s29], $0x80  }
0xa7: {  	s28 =	rddreg [dreg:$0x4];
	[sflag:s29] =	ssyncset.done $0x0  }
0xa8: {  	[sflag:s29] =	ssyncadd.s32 $0xFFFFFF80;
	s22 =	sadd.s32 $0x0, s28  }
0xa9: {  	[tilespmem:s9], [sflag:$0x7] =	stream.linear.gather [hbm4b:s22+s4], $0x80, $0x38;
	v63 =	vld [tilespmem:$0x0]  }
0xaa: {  	_ =	swait.ge [sflag:s29], $0x80  }
0xab: {  	[sflag:s29] =	ssyncset.done $0x0  }
0xac: {  	s25 =	sadd.s32 $0x180, s24;
	s22 =	simm.s32 $0x30;
	[sflag:s29] =	ssyncadd.s32 $0xFFFFFF80  }
.LBB2_4:
0xad: {  	[tilespmem:s13], [sflag:$0x3] =	stream.indirect.gather [hbm4b:s1+s30], $0x80, s8, s30, $0xb8;
	v63 =	vld [tilespmem:$0x0]  }
0xae: {  	_ =	swait.ge [sflag:s14], $0x4000  }
0xaf: {  	[sflag:s14] =	ssyncset.done $0x0  }
0xb0: {  	[sflag:s14] =	ssyncadd.s32 $0xFFFFC000  }
0xb1: {  	[spmem:s2] =	stream.indirect.scatter.add.f32 [tilespmem:s11], [sflag:$0x5], $0x80, s0, s30, $0xb8;
	v63 =	vld [tilespmem:$0x0]  }
0xb2: {  	_ =	swait.ge [sflag:s3], $0x4000  }
0xb3: {  	s28 =	sshrl.u32 s25, $0x3;
	[sflag:s3] =	ssyncset.done $0x0  }
0xb4: {  	s18 =	sadd.s32 s5, s28;
	[sflag:s3] =	ssyncadd.s32 $0xFFFFC000  }
0xb5: {  	[tilespmem:s4], [sflag:$0x7] =	stream.linear.gather [hbm4b:s18+s4], $0x80, $0x38;
	v63 =	vld [tilespmem:$0x0]  }
0xb6: {  	_ =	swait.ge [sflag:s29], $0x80  }
0xb7: {  	[sflag:s29] =	ssyncset.done $0x0  }
0xb8: {  	s28 =	sadd.s32 s6, s28;
	[sflag:s29] =	ssyncadd.s32 $0xFFFFFF80  }
0xb9: {  	[tilespmem:s30], [sflag:$0x7] =	stream.linear.gather [hbm4b:s28+s4], $0x80, $0x38;
	v63 =	vld [tilespmem:$0x0]  }
0xba: {  	_ =	swait.ge [sflag:s29], $0x80  }
0xbb: {  	[sflag:s29] =	ssyncset.done $0x0  }
0xbc: {  	[sflag:s29] =	ssyncadd.s32 $0xFFFFFF80  }
0xbd: {  	[tilespmem:s10], [sflag:$0x1] =	stream.indirect.gather [hbm4b:s1+s30], $0x80, s4, s30, $0xb8;
	v63 =	vld [tilespmem:$0x0]  }
0xbe: {  	_ =	swait.ge [sflag:s15], $0x4000  }
0xbf: {  	[sflag:s15] =	ssyncset.done $0x0  }
0xc0: {  	[sflag:s15] =	ssyncadd.s32 $0xFFFFC000  }
0xc1: {  	[spmem:s2] =	stream.indirect.scatter.add.f32 [tilespmem:s13], [sflag:$0x6], $0x80, s9, s30, $0xb8;
	v63 =	vld [tilespmem:$0x0]  }
0xc2: {  	_ =	swait.ge [sflag:s16], $0x4000  }
0xc3: {  	s26 =	smov.u32 s22;
	[sflag:s16] =	ssyncset.done $0x0  }
0xc4: {  	s28 =	sadd.s32 s26, s23;
	[sflag:s16] =	ssyncadd.s32 $0xFFFFC000  }
0xc5: {  	[tilespmem:s31], [sflag:$0x7] =	stream.linear.gather [hbm4b:s28+s4], $0x80, $0x38;
	v63 =	vld [tilespmem:$0x0]  }
0xc6: {  	_ =	swait.ge [sflag:s29], $0x80  }
0xc7: {  	s28 =	rddreg [dreg:$0x6];
	[sflag:s29] =	ssyncset.done $0x0  }
0xc8: {  	[sflag:s29] =	ssyncadd.s32 $0xFFFFFF80;
	s18 =	sadd.s32 s26, s28  }
0xc9: {  	[tilespmem:s0], [sflag:$0x7] =	stream.linear.gather [hbm4b:s18+s4], $0x80, $0x38;
	v63 =	vld [tilespmem:$0x0]  }
0xca: {  	_ =	swait.ge [sflag:s29], $0x80  }
0xcb: {  	[sflag:s29] =	ssyncset.done $0x0  }
0xcc: {  	[sflag:s29] =	ssyncadd.s32 $0xFFFFFF80  }
0xcd: {  	[tilespmem:s11], [sflag:$0x2] =	stream.indirect.gather [hbm4b:s1+s30], $0x80, s31, s30, $0xb8;
	v63 =	vld [tilespmem:$0x0]  }
0xce: {  	_ =	swait.ge [sflag:s12], $0x4000  }
0xcf: {  	[sflag:s12] =	ssyncset.done $0x0  }
0xd0: {  	[sflag:s12] =	ssyncadd.s32 $0xFFFFC000  }
0xd1: {  	[spmem:s2] =	stream.indirect.scatter.add.f32 [tilespmem:s10], [sflag:$0x4], $0x80, s30, s30, $0xb8;
	v63 =	vld [tilespmem:$0x0]  }
0xd2: {  	_ =	swait.ge [sflag:s17], $0x4000  }
0xd3: {  	s28 =	rddreg [dreg:$0x5];
	[sflag:s17] =	ssyncset.done $0x0  }
0xd4: {  	[sflag:s17] =	ssyncadd.s32 $0xFFFFC000;
	s18 =	sadd.s32 s26, s28  }
0xd5: {  	[tilespmem:s8], [sflag:$0x7] =	stream.linear.gather [hbm4b:s18+s4], $0x80, $0x38;
	v63 =	vld [tilespmem:$0x0]  }
0xd6: {  	_ =	swait.ge [sflag:s29], $0x80  }
0xd7: {  	p3 =	sne.s32 s22, $0x480;
	s28 =	rddreg [dreg:$0x4];
	[sflag:s29] =	ssyncset.done $0x0  }
.Ltmp1:
0xd8: {  	[sflag:s29] =	ssyncadd.s32 $0xFFFFFF80;
	s18 =	sadd.s32 s26, s28;
	(pc) =	sbr.rel @p3 .LBB2_4-.Ltmp1, $4  }
0xd9: {  	[tilespmem:s9], [sflag:$0x7] =	stream.linear.gather [hbm4b:s18+s4], $0x80, $0x38;
	v63 =	vld [tilespmem:$0x0]  }
0xda: {  	_ =	swait.ge [sflag:s29], $0x80  }
0xdb: {  	[sflag:s29] =	ssyncset.done $0x0  }
0xdc: {  	s22 =	sadd.s32 $0x30, s22;
	s25 =	sadd.s32 $0x180, s25;
	[sflag:s29] =	ssyncadd.s32 $0xFFFFFF80  }
0xdd: {  	[tilespmem:s13], [sflag:$0x3] =	stream.indirect.gather [hbm4b:s1+s30], $0x80, s8, s30, $0xb8;
	v63 =	vld [tilespmem:$0x0]  }
0xde: {  	_ =	swait.ge [sflag:s14], $0x4000  }
0xdf: {  	[sflag:s14] =	ssyncset.done $0x0  }
0xe0: {  	[sflag:s14] =	ssyncadd.s32 $0xFFFFC000  }
0xe1: {  	[spmem:s2] =	stream.indirect.scatter.add.f32 [tilespmem:s11], [sflag:$0x5], $0x80, s0, s30, $0xb8;
	v63 =	vld [tilespmem:$0x0]  }
0xe2: {  	_ =	swait.ge [sflag:s15], $0x4000  }
0xe3: {  	[sflag:s15] =	ssyncset.done $0x0  }
0xe4: {  	[sflag:s15] =	ssyncadd.s32 $0xFFFFC000  }
0xe5: {  	[spmem:s2] =	stream.indirect.scatter.add.f32 [tilespmem:s13], [sflag:$0x6], $0x80, s9, s30, $0xb8;
	v63 =	vld [tilespmem:$0x0]  }
0xe6: {  	_ =	swait.ge [sflag:s3], $0x4000  }
0xe7: {  	[sflag:s3] =	ssyncset.done $0x0  }
0xe8: {  	[sflag:s3] =	ssyncadd.s32 $0xFFFFC000  }
0xe9: {  	_ =	swait.ge [sflag:s16], $0x4000  }
0xea: {  	[sflag:s16] =	ssyncset.done $0x0  }
0xeb: {  	[sflag:s16] =	ssyncadd.s32 $0xFFFFC000  }
0xec: {  	_ =	swait.ge [sflag:s17], $0x4000  }
0xed: {  	[sflag:s17] =	ssyncset.done $0x0  }
0xee: {  	s22 =	simm.s32 $0x300;
	s18 =	rddreg [dreg:$0x12];
	[sflag:s17] =	ssyncadd.s32 $0xFFFFC000  }
0xef: {  	[tilespmem:s22], [sflag:$0x7] =	stream.linear.gather [hbm4b:s18+s4], $0x10, $0x38;
	v63 =	vld [tilespmem:$0x0]  }
0xf0: {  	_ =	swait.ge [sflag:s29], $0x10  }
0xf1: {  	[sflag:s29] =	ssyncset.done $0x0  }
0xf2: {  	s28 =	rddreg [dreg:$0x13];
	[sflag:s29] =	ssyncadd.s32 $0xFFFFFFF0  }
0xf3: {  	[tilespmem:s19], [sflag:$0x7] =	stream.linear.gather [hbm4b:s28+s4], $0x10, $0x38;
	v63 =	vld [tilespmem:$0x0]  }
0xf4: {  	_ =	swait.ge [sflag:s29], $0x10  }
0xf5: {  	[sflag:s29] =	ssyncset.done $0x0  }
0xf6: {  	[sflag:s29] =	ssyncadd.s32 $0xFFFFFFF0  }
0xf7: {  	[tilespmem:s10], [sflag:$0x1] =	stream.indirect.gather [hbm4b:s1+s20], $0x80, s22, s20, $0xb8;
	v63 =	vld [tilespmem:$0x0]  }
0xf8: {  	_ =	swait.ge [sflag:s12], $0x800  }
0xf9: {  	[sflag:s12] =	ssyncset.done $0x0  }
0xfa: {  	[sflag:s12] =	ssyncadd.s32 $0xFFFFF800  }
0xfb: {  	[spmem:s2] =	stream.indirect.scatter.add.f32 [tilespmem:s10], [sflag:$0x7], $0x80, s19, s20, $0xb8;
	v63 =	vld [tilespmem:$0x0]  }
0xfc: {  	_ =	swait.ge [sflag:s29], $0x800  }
0xfd: {  	[sflag:s29] =	ssyncset.done $0x0  }
0xfe: {  	s26 =	stileid.u32;
	[sflag:s29] =	ssyncadd.s32 $0xFFFFF800  }
0xff: {  	s25 =	sshll.u32 s26, $0x6;
	[bflag:$0x0] =	sbarrier.arrive $0xFFFF  }
0x100: {  	s18 =	sor.u32 $0x1C07, s25;
	s28 =	sshrl.u32 s7, $0x3;
	s25 =	rddreg [dreg:$0x14]  }
0x101: {  	[hbm:s25], [sflag:s18] =	dma.local [spmem:s28], $0x2780  }
0x102: {  	_ =	swait.ge [sflag:s29], $0x2780  }
0x103: {  	s21 =	sadd.s32 $0x1, s21;
	s28 =	rddreg [dreg:$0x15]  }
0x104: {  	p3 =	sne.s32 s21, s28  }
.Ltmp2:
0x105: {  	_ = 	snop;
	(pc) =	sbr.rel @p3 .LBB2_1-.Ltmp2, $3  }
0x106: {  	_ =	sdelay $0x1  }
0x107: {  	[sflag:s29] =	ssyncset.done $0x0  }
0x108: {  	[sflag:s29] =	ssyncadd.s32 $0xFFFFD880  }
0x109: {  	_ =	sfence.sel $0x180000  }
0x10a: {  	[bflag:$0x0] =	sbarrier.arrive $0xFFFF  }
0x10b: {  	_ =	strace $0x9000004A  }
0x10c: {  	[bflag:$0x2] =	sbarrier.arrive $0xFFFF  }
0x10d: {  	p0 =	sne.s32 s26, $0x0;
	s0 =	rddreg [dreg:$0x3]  }
0x10e: {  	s0 =	sadd.s32 @!p0 $0x100000, s0  }
0x10f: {  	[sflag:s0] =	ssyncadd.tile.s32 @!p0 $0x1;
	_ =	shalt  }
.Lfunc_end2:
_tile_overlayer_lowered:
.L_overlay_start_2:
0x110: {  	(tag) =	ssettag $0x2  }
0x111: {  	s0 =	rddreg [dreg:$0x0];
	s2 =	stileid.u32  }
0x112: {  	s1 =	rddreg [dreg:$0x1];
	p0 =	sne.s32 s2, $0x0  }
0x113: {  	s3 =	rddreg [dreg:$0x2];
	[bflag:$0x3] =	sbarrier.arrive $0xFFFF;
	s2 =	simm.s32 @!p0 $0x1C07  }
0x114: {  	[timem:s3], [sflag:s2] =	dma.local @!p0 [hbm:s0], s1  }
0x115: {  	s0 =	simm.s32 @!p0 $0x7  }
0x116: {  	_ =	swait.ge @!p0 [sflag:s0], s1  }
0x117: {  	s1 =	ssub.s32 @!p0 $0x0, s1;
	[sflag:s0] =	ssyncset.done @!p0 $0x0  }
0x118: {  	[sflag:s0] =	ssyncadd.s32 @!p0 s1  }
0x119: {  	[bflag:$0x3] =	sbarrier.arrive $0xFFFF  }
0x11a: {  	_ =	shalt  }

// kernel: kernel.14.cloned.1.call-start
scs
__scs_entry_jumppad:
0x0: {  	(pc) =	sbr.rel $0x88, $3  }
0x1: {  	(tag) =	ssettag $0x0;
	lr =	simm.s32 $0x1  }
0x2: {  	[smem:$0x3F9B] =	sst lr;
	_ =	strace $0xD0000000  }
0x3: {  	_ = 	snop  }
0x4: {  	_ = 	snop  }
0x5: {  	_ = 	snop  }
0x6: {  	_ = 	snop  }
0x7: {  	_ = 	snop  }
__scs_overlays_trampoline_lowered:
0x8: {  	[smem:$0x3FAA] =	sst s0  }
0x9: {  	[smem:$0x3FAB] =	sst s1  }
0xa: {  	[smem:$0x3FAC] =	sst s2  }
0xb: {  	[smem:$0x3FAD] =	sst s3  }
0xc: {  	[smem:$0x3FAE] =	sst s4  }
0xd: {  	[smem:$0x3FAF] =	sst s5  }
0xe: {  	[smem:$0x3FB0] =	sst s6  }
0xf: {  	[smem:$0x3FB1] =	sst s7  }
0x10: {  	[smem:$0x3FB2] =	sst s8  }
0x11: {  	[smem:$0x3FB3] =	sst s9;
	s0 =	simm.s32 @!p0 $0x0  }
0x12: {  	s1 =	sld [smem:$0x3F99];
	s0 =	simm.s32 @p0 $0x1  }
0x13: {  	[smem:$0x3FB4] =	sst s0;
	s0 =	simm.s32 @!p1 $0x0  }
0x14: {  	s2 =	sld [smem:$0x3F98];
	s0 =	simm.s32 @p1 $0x1  }
0x15: {  	[smem:$0x3FB5] =	sst s0;
	s0 =	simm.s32 @!p2 $0x0  }
0x16: {  	s3 =	sld [smem:$0x3FDB];
	s0 =	simm.s32 @p2 $0x1  }
0x17: {  	s4 =	simm.s32 $0x1BF5;
	[smem:$0x3FB7] =	sst s0  }
0x18: {  	s0 =	sld [smem:$0x3F9A];
	_ =	swait.ge [sflag:s4], $0x0  }
0x19: {  	s7 =	sld [smem:$0x3F9B]  }
0x1a: {  	s8 =	sadd.s32 $0xFFFFE003, lr  }
0x1b: {  	s9 =	sadd.s32 $0xFFFFFEF7, lr;
	s5 =	simm.s32 $0xFFFFFFFF;
	p2 =	slt.u32 s8, $0xFFFFF086  }
0x1c: {  	p1 =	slt.u32 s9, $0xF7A;
	s5 =	simm.s32 @!p2 $0x0  }
0x1d: {  	s5 =	simm.s32 @p1 $0x1;
	p0 =	seq.s32 s7, s2  }
0x1e: {  	s7 =	smul.u32 @!p0 $0xF7A, s2;
	p2 =	seq.s32 @!p0 s5, $0x0  }
0x1f: {  	s9 =	smul.u32 $0xF7A, s1;
	s8 =	simm.s32 @!p0 $0x1BF5;
	p2 =	por !p2, p0  }
0x20: {  	[sflag:s8] =	ssyncset.s32 @!p0 $0xFFFFF086;
	s6 =	sadd.s32 @!p0 s3, s7;
	s7 =	simm.s32 @!p0 $0x108  }
0x21: {  	s3 =	sadd.s32 s3, s9;
	s6 =	sadd.s32 @!p0 $0x88, s6;
	s7 =	simm.s32 @p2 $0x1082  }
0x22: {  	[simem:s7], [sflag:s8] =	dma.local @!p0 [hbm:s6], $0xF7A  }
0x23: {  	s9 =	sor.u32 $0xD0000000, s2;
	s6 =	simm.s32 $0x108;
	_ =	swait.ge @!p0 [sflag:s8], $0x0  }
0x24: {  	s3 =	sadd.s32 $0x88, s3;
	s6 =	simm.s32 @!p1 $0x1082;
	[sflag:s4] =	ssyncset.s32 $0xFFFFF086  }
0x25: {  	[simem:s6], [sflag:s4] =	dma.local [hbm:s3], $0xF7A  }
0x26: {  	[smem:$0x3F9B] =	sst s1;
	(tag) =	ssettag s2;
	_ =	strace s9  }
0x27: {  	s1 =	sld [smem:$0x3FAB]  }
0x28: {  	s2 =	sld [smem:$0x3FAC]  }
0x29: {  	s4 =	sld [smem:$0x3FAE]  }
0x2a: {  	p0 =	seq.s32 s5, $0x0;
	s5 =	sld [smem:$0x3FAF]  }
0x2b: {  	s6 =	sld [smem:$0x3FB0]  }
0x2c: {  	s7 =	sld [smem:$0x3FB1]  }
0x2d: {  	s3 =	simm.s32 $0x108;
	s8 =	sld [smem:$0x3FB2]  }
0x2e: {  	s3 =	simm.s32 @!p0 $0x1082;
	s9 =	sld [smem:$0x3FB3]  }
0x2f: {  	lr =	sadd.s32 s0, s3;
	s0 =	sld [smem:$0x3FAA]  }
0x30: {  	s3 =	sld [smem:$0x3FAD]  }
0x31: {  	[smem:$0x3FB6] =	sst s10  }
0x32: {  	s10 =	sld [smem:$0x3FB4];
	_ =	sdelay $0x3  }
0x33: {  	p0 =	seq.s32 s10, $0x1;
	s10 =	sld [smem:$0x3FB6];
	_ =	sdelay $0x3  }
0x34: {  	[smem:$0x3FB6] =	sst s10  }
0x35: {  	s10 =	sld [smem:$0x3FB5];
	_ =	sdelay $0x3  }
0x36: {  	p1 =	seq.s32 s10, $0x1;
	s10 =	sld [smem:$0x3FB6];
	_ =	sdelay $0x3  }
0x37: {  	[smem:$0x3FB6] =	sst s10  }
0x38: {  	s10 =	sld [smem:$0x3FB7]  }
0x39: {  	_ = 	snop;
	(pc) =	sbr.ind lr, $3  }
0x3a: {  	_ = 	snop  }
0x3b: {  	_ = 	snop  }
0x3c: {  	p2 =	seq.s32 s10, $0x1;
	s10 =	sld [smem:$0x3FB6]  }
0x3d: {  	_ =	shalt  }
0x3e: {  	_ =	shalt  }
0x3f: {  	_ =	shalt  }
0x40: {  	_ =	shalt  }
0x41: {  	_ =	shalt  }
0x42: {  	_ =	shalt  }
0x43: {  	_ =	shalt  }
0x44: {  	_ =	shalt  }
0x45: {  	_ =	shalt  }
0x46: {  	_ =	shalt  }
0x47: {  	_ =	shalt  }
0x48: {  	_ =	shalt  }
0x49: {  	_ =	shalt  }
0x4a: {  	_ =	shalt  }
0x4b: {  	_ =	shalt  }
0x4c: {  	_ =	shalt  }
0x4d: {  	_ =	shalt  }
0x4e: {  	_ =	shalt  }
0x4f: {  	_ =	shalt  }
0x50: {  	_ =	shalt  }
0x51: {  	_ =	shalt  }
0x52: {  	_ =	shalt  }
0x53: {  	_ =	shalt  }
0x54: {  	_ =	shalt  }
0x55: {  	_ =	shalt  }
0x56: {  	_ =	shalt  }
0x57: {  	_ =	shalt  }
0x58: {  	_ =	shalt  }
0x59: {  	_ =	shalt  }
0x5a: {  	_ =	shalt  }
0x5b: {  	_ =	shalt  }
0x5c: {  	_ =	shalt  }
0x5d: {  	_ =	shalt  }
0x5e: {  	_ =	shalt  }
0x5f: {  	_ =	shalt  }
0x60: {  	_ =	shalt  }
0x61: {  	_ =	shalt  }
0x62: {  	_ =	shalt  }
0x63: {  	_ =	shalt  }
0x64: {  	_ =	shalt  }
0x65: {  	_ =	shalt  }
0x66: {  	_ =	shalt  }
0x67: {  	_ =	shalt  }
0x68: {  	_ =	shalt  }
0x69: {  	_ =	shalt  }
0x6a: {  	_ =	shalt  }
0x6b: {  	_ =	shalt  }
0x6c: {  	_ =	shalt  }
0x6d: {  	_ =	shalt  }
0x6e: {  	_ =	shalt  }
0x6f: {  	_ =	shalt  }
0x70: {  	_ =	shalt  }
0x71: {  	_ =	shalt  }
0x72: {  	_ =	shalt  }
0x73: {  	_ =	shalt  }
0x74: {  	_ =	shalt  }
0x75: {  	_ =	shalt  }
0x76: {  	_ =	shalt  }
0x77: {  	_ =	shalt  }
0x78: {  	_ =	shalt  }
0x79: {  	_ =	shalt  }
0x7a: {  	_ =	shalt  }
0x7b: {  	_ =	shalt  }
0x7c: {  	_ =	shalt  }
0x7d: {  	_ =	shalt  }
0x7e: {  	_ =	shalt  }
0x7f: {  	_ =	shalt  }
0x80: {  	_ =	shalt  }
0x81: {  	_ =	shalt  }
0x82: {  	_ =	shalt  }
0x83: {  	_ =	shalt  }
0x84: {  	_ =	shalt  }
0x85: {  	_ =	shalt  }
0x86: {  	_ =	shalt  }
0x87: {  	_ =	shalt  }
.Lfunc_end0:
.L_simem_size_0:
called_computation.2_lowered:
.L_overlay_start_0:
0x88: {  	s2 =	sld [smem:$0x3FD9]  }
0x89: {  	s3 =	sld [smem:$0x3FFE];
	_ =	sdelay $0x1  }
0x8a: {  	s1 =	srdreg.scid  }
0x8b: {  	s0 =	sand.u32 $0x1, s1  }
0x8c: {  	s17 =	sshll.u32 s0, $0xA;
	s2 =	sadd.s32 s3, s2  }
0x8d: {  	s2 =	sadd.s32 s2, s17  }
0x8e: {  	[smem:$0x3FC2] =	sst s2  }
0x8f: {  	_ = 	snop  }
0x90: {  	s2 =	sld [smem:$0x3FD0];
	(tm) =	ssettm $0x1  }
0x91: {  	s18 =	sld [smem:$0x3FFB];
	_ =	sdelay $0x3  }
0x92: {  	_ =	strace s18  }
0x93: {  	s3 =	sld [smem:$0x3FFC];
	_ =	sdelay $0x3  }
0x94: {  	_ =	strace s3  }
0x95: {  	s3 =	sld [smem:$0x3FFD];
	_ =	sdelay $0x3  }
0x96: {  	_ =	strace s3  }
0x97: {  	_ =	strace $0x8FFFFFFF  }
0x98: {  	s19 =	sld [smem:$0x3FDB];
	_ =	sdelay $0x1  }
0x99: {  	s4 =	simm.s32 $_scs_section_size  }
0x9a: {  	s5 =	simm.s32 $_size__tile_overlayer_lowered;
	s6 =	simm.s32 $_tile_overlayer_lowered  }
0x9b: {  	s22 =	simm.s32 $0x1BFF;
	s21 =	sshll.u32 s6, $0x1;
	s3 =	sadd.s32 s4, s19  }
0x9c: {  	s7 =	simm.s32 $0x0;
	s20 =	sshll.u32 s5, $0x1;
	s5 =	sadd.s32 s21, s3  }
0x9d: {  	[timem:s7], [sflag:s22] =	dma.local [hbm:s5], s20  }
0x9e: {  	_ =	swait.ge [sflag:s22], s20  }
0x9f: {  	s4 =	ssub.s32 $0x0, s20;
	[sflag:s22] =	ssyncset.done $0x0  }
0xa0: {  	[sflag:s22] =	ssyncadd.s32 s4;
	_ =	sdelay $0x1  }
0xa1: {  	s23 =	simm.s32 $0x1B8B  }
0xa2: {  	_ =	swait.ge [sflag:s23], $0x1  }
0xa3: {  	[sflag:s23] =	ssyncset.done $0x0  }
0xa4: {  	s25 =	simm.s32 $0x1B8E;
	s24 =	sld [smem:$0x3FFE];
	[sflag:s23] =	ssyncadd.s32 $0xFFFFFFFF  }
0xa5: {  	s26 =	simm.s32 $execute0_lowered;
	[smem:$0x3FD2] =	sst s25  }
0xa6: {  	s5 =	sshll.u32 s26, $0x1;
	_ =	strace $0x8000004C;
	[dreg:$0x1] =	wrdreg $0xFFFFFFFF  }
0xa7: {  	s28 =	simm.s32 $_size_execute0_lowered;
	s3 =	sadd.s32 s3, s5;
	[dreg:$0x0] =	wrdreg $0x0  }
0xa8: {  	s5 =	sshll.u32 s28, $0x1;
	[dreg:$0x2] =	wrdreg s3  }
0xa9: {  	[dreg:$0x3] =	wrdreg s5  }
0xaa: {  	[dreg:$0x4] =	wrdreg $0xC0  }
0xab: {  	_ =	task [dreg:s7], $0x5FFFF  }
0xac: {  	[dreg:$0x1] =	wrdreg $0xFFFFFFFF  }
0xad: {  	[dreg:$0x0] =	wrdreg $0x60  }
0xae: {  	[dreg:$0x2] =	wrdreg s2  }
0xaf: {  	[dreg:$0x3] =	wrdreg s24  }
0xb0: {  	[dreg:$0x4] =	wrdreg $0xC4000  }
0xb1: {  	[dreg:$0x5] =	wrdreg $0x9  }
0xb2: {  	_ =	task.clear_ibuf [dreg:s7], $0x6FFFF;
	_ =	strace $0x9000004C  }
0xb3: {  	s29 =	simm.s32 $0x9;
	_ =	strace $0x8000004E  }
0xb4: {  	_ =	swait.ge [sflag:s29], $0x1  }
0xb5: {  	[sflag:s29] =	ssyncadd.s32 $0xFFFFFFFF  }
0xb6: {  	_ =	strace $0x9000004E  }
0xb7: {  	_ =	sfence  }
0xb8: {  	s30 =	sld [smem:$0x0];
	_ =	sdelay $0x2  }
0xb9: {  	s31 =	sshll.u32 s1, $0xD;
	s1 =	sshrl.u32 s1, $0x2  }
0xba: {  	s3 =	sand.u32 $0x4000, s31;
	s1 =	sadd.s32 s1, s30  }
0xbb: {  	s0 =	sor.u32 s3, s0;
	s1 =	sshll.u32 s1, $0x11  }
0xbc: {  	s0 =	sor.u32 s1, s0  }
0xbd: {  	s0 =	sadd.s32 $0x8F2B, s0  }
0xbe: {  	[sflag:s0] =	ssyncadd.remote.s32 $0x1  }
0xbf: {  	_ =	sfence.sel $0xFFFF  }
0xc0: {  	[dreg:$0x0] =	wrdreg $0xFFFFFFFF;
	(pc) =	sbr.abs _section_cstart, $3  }
0xc1: {  	[dreg:$0x1] =	wrdreg $0xFFFFFFFF  }
0xc2: {  	_ =	task.clear_ibuf [dreg:s7], $0x2FFFF;
	_ =	strace $0x9FFFFFFF  }
0xc3: {  	(tm) =	ssettm $0x7FFFFFFF  }
tec
execute0_lowered:
.L_overlay_start_1:
0x0: {  	(tag) =	ssettag $0x1  }
0x1: {  	s1 =	rddreg [dreg:$0x0]  }
0x2: {  	s0 =	rddreg [dreg:$0x1]  }
0x3: {  	s2 =	rddreg [dreg:$0x2];
	s3 =	srdreg.scid  }
0x4: {  	s4 =	simm.s32 $0x0;
	s26 =	stileid.u32;
	s29 =	simm.s32 $0x7  }
0x5: {  	s30 =	simm.s32 $0x80;
	s31 =	simm.s32 $0x100;
	s8 =	smul.u32 $0x13C00, s26  }
0x6: {  	s3 =	sand.u32 $0x1, s3;
	[smem:$0x7FF] =	sst s4;
	s10 =	smul.u32 $0x4F000, s26  }
0x7: {  	s5 =	sadd.s32 $0x2000, s0;
	s6 =	sadd.s32 $0xBE00, s0;
	s19 =	smul.u32 $0x2710, s26  }
0x8: {  	p0 =	sne.s32 s26, $0xF;
	p2 =	seq.s32 s26, $0xF;
	s21 =	smul.u32 $0x2780, s26  }
0x9: {  	s7 =	smul.u32 $0x13C000, s3;
	_ =	strace $0x8000004D;
	s15 =	ssub.s32 $0x2, s3  }
0xa: {  	s9 =	sshll.u32 s3, $0x4;
	p1 =	seq.s32 s3, $0x0;
	s18 =	smul.u32 $0x27100, s3  }
0xb: {  	s16 =	sshrl.u32 s15, $0x1;
	s9 =	sor.u32 s26, s9;
	p0 =	por !p1, !p0  }
0xc: {  	s17 =	sshrl.u32 s10, $0x2;
	p1 =	por !p1, !p2;
	s22 =	sadd.s32 s1, s21  }
0xd: {  	s7 =	sadd.s32 s8, s7;
	s8 =	ssub.s32 s15, s16;
	s9 =	smul.u32 $0x2710, s9  }
0xe: {  	p0 =	por !p0, !p0;
	p1 =	por !p1, !p1;
	s10 =	sadd.s32 s19, s18  }
0xf: {  	[dreg:$0xb] =	wrdreg s22;
	s7 =	sshrl.u32 s7, $0x3;
	s23 =	sadd.s32 $0x280, s10  }
0x10: {  	s15 =	sadd.s32 $0x200, s10;
	p2 =	por p1, p0;
	s0 =	sadd.s32 s7, s0  }
0x11: {  	s7 =	sadd.s32 s17, s2;
	s9 =	sshrl.u32 s9, $0x3;
	s16 =	sshrl.u32 s15, $0x3  }
0x12: {  	p2 =	seq.s32 @!p2 s3, $0x0;
	s3 =	simm.s32 $0x4;
	s11 =	sadd.s32 $0x4000, s7  }
0x13: {  	s15 =	simm.s32 $0x3;
	s12 =	sadd.s32 $0x8000, s7;
	[dreg:$0x7] =	wrdreg s11  }
0x14: {  	s20 =	sadd.s32 $0xC000, s7;
	s13 =	sadd.s32 $0x10000, s7;
	[dreg:$0x8] =	wrdreg s12  }
0x15: {  	s24 =	sadd.s32 s5, s9;
	s25 =	sadd.s32 s6, s9;
	[dreg:$0x9] =	wrdreg s20  }
0x16: {  	s28 =	sadd.s32 $0x10, s9;
	s18 =	sadd.s32 s16, s6;
	[dreg:$0xa] =	wrdreg s13  }
0x17: {  	s19 =	sadd.s32 $0x20, s9;
	s9 =	sadd.s32 $0x4E0, s9;
	[dreg:$0xc] =	wrdreg s24  }
0x18: {  	s0 =	sadd.s32 $0x15C00, s0;
	p2 =	por @!p0 p2, p1;
	[dreg:$0xd] =	wrdreg s25  }
0x19: {  	p1 =	por !p1, p0;
	s13 =	sadd.s32 $0x128400, s2;
	[dreg:$0x6] =	wrdreg s18  }
0x1a: {  	s11 =	sshrl.u32 s23, $0x3;
	s17 =	sadd.s32 s5, s28;
	[dreg:$0x14] =	wrdreg s0  }
0x1b: {  	s12 =	sadd.s32 s6, s28;
	s20 =	sadd.s32 s5, s19;
	[dreg:$0xe] =	wrdreg s17  }
0x1c: {  	s21 =	sadd.s32 s6, s19;
	s22 =	sadd.s32 s5, s9;
	[dreg:$0xf] =	wrdreg s12  }
0x1d: {  	s23 =	sadd.s32 s6, s9;
	s24 =	smax.u32 s8, $0x1;
	[dreg:$0x10] =	wrdreg s20  }
0x1e: {  	p2 =	por p2, p0;
	s25 =	sadd.s32 $0x25080, s1;
	[dreg:$0x11] =	wrdreg s21  }
0x1f: {  	s28 =	sadd.s32 $0x138800, s2;
	s8 =	simm.s32 $0x200;
	[dreg:$0x12] =	wrdreg s22  }
0x20: {  	s9 =	simm.s32 $0x280;
	s19 =	simm.s32 $0x380;
	[dreg:$0x13] =	wrdreg s23  }
0x21: {  	s14 =	sadd.s32 s11, s6;
	s11 =	sadd.s32 s11, s5;
	[dreg:$0x15] =	wrdreg s24  }
0x22: {  	s23 =	sadd.s32 s16, s5;
	s24 =	sadd.s32 $0x180, s10;
	[dreg:$0x17] =	wrdreg s25  }
0x23: {  	s0 =	sshrl.u32 @!p1 s13, $0x3;
	[dreg:$0x18] =	wrdreg s28;
	s10 =	simm.s32 $0x400  }
0x24: {  	s12 =	simm.s32 $0x1;
	s13 =	simm.s32 $0x8400;
	[dreg:$0x4] =	wrdreg s14  }
0x25: {  	s16 =	simm.s32 $0x5;
	s17 =	simm.s32 $0x6;
	[dreg:$0x5] =	wrdreg s11  }
0x26: {  	s20 =	simm.s32 $0x10;
	s21 =	simm.s32 $0x0;
	[dreg:$0x16] =	wrdreg s0  }
0x27: {  	v0 =	vimm.f32 $0.0e+00;
	s0 =	simm.s32 $0x180;
	s11 =	simm.s32 $0x4400;
	s14 =	simm.s32 $0x2  }
.LBB2_1:
0x28: {  	s22 =	simm.s32 $0x0;
	s25 =	simm.s32 $0x200  }
.LBB2_2:
0x29: {  	p3 =	sne.s32 s25, $0xFE00;
	[tilespmem:s22+$0x470] =	vst v0  }
0x2a: {  	[tilespmem:s22+$0x400] =	vst v0  }
0x2b: {  	[tilespmem:s22+$0x410] =	vst v0  }
.Ltmp0:
0x2c: {  	[tilespmem:s22+$0x420] =	vst v0;
	(pc) =	sbr.rel @p3 .LBB2_2-.Ltmp0, $4  }
0x2d: {  	[tilespmem:s22+$0x430] =	vst v0  }
0x2e: {  	[tilespmem:s22+$0x440] =	vst v0  }
0x2f: {  	[tilespmem:s22+$0x450] =	vst v0  }
0x30: {  	[tilespmem:s22+$0x460] =	vst v0;
	s22 =	sshra.s32 s25, $0x2;
	s25 =	sadd.s32 $0x200, s25  }
0x31: {  	[tilespmem:s22+$0x470] =	vst v0  }
0x32: {  	[tilespmem:s22+$0x400] =	vst v0  }
0x33: {  	[tilespmem:s22+$0x410] =	vst v0  }
0x34: {  	[tilespmem:s22+$0x420] =	vst v0  }
0x35: {  	[tilespmem:s22+$0x430] =	vst v0  }
0x36: {  	[tilespmem:s22+$0x440] =	vst v0  }
0x37: {  	[tilespmem:s22+$0x450] =	vst v0  }
0x38: {  	[tilespmem:s22+$0x460] =	vst v0;
	s22 =	simm.s32 @!p2 $0x400;
	s25 =	simm.s32 @!p2 $0x7  }
0x39: {  	[spmem:s7] =	stream.linear.scatter @!p2 [tilespmem:s22], [sflag:$0x7], $0x4000, $0x38;
	v63 =	vld [tilespmem:$0x0]  }
0x3a: {  	_ =	swait.ge @!p2 [sflag:s25], $0x4000  }
0x3b: {  	[sflag:s25] =	ssyncset.done @!p2 $0x0  }
0x3c: {  	s18 =	rddreg [dreg:$0x7];
	[sflag:s25] =	ssyncadd.s32 @!p2 $0xFFFFC000  }
0x3d: {  	[spmem:s18] =	stream.linear.scatter @!p2 [tilespmem:s22], [sflag:$0x7], $0x4000, $0x38;
	v63 =	vld [tilespmem:$0x0]  }
0x3e: {  	_ =	swait.ge @!p2 [sflag:s25], $0x4000  }
0x3f: {  	[sflag:s25] =	ssyncset.done @!p2 $0x0  }
0x40: {  	s18 =	rddreg [dreg:$0x8];
	[sflag:s25] =	ssyncadd.s32 @!p2 $0xFFFFC000  }
0x41: {  	[spmem:s18] =	stream.linear.scatter @!p2 [tilespmem:s22], [sflag:$0x7], $0x4000, $0x38;
	v63 =	vld [tilespmem:$0x0]  }
0x42: {  	_ =	swait.ge @!p2 [sflag:s25], $0x4000  }
0x43: {  	[sflag:s25] =	ssyncset.done @!p2 $0x0  }
0x44: {  	s18 =	rddreg [dreg:$0x9];
	[sflag:s25] =	ssyncadd.s32 @!p2 $0xFFFFC000  }
0x45: {  	[spmem:s18] =	stream.linear.scatter @!p2 [tilespmem:s22], [sflag:$0x7], $0x4000, $0x38;
	v63 =	vld [tilespmem:$0x0]  }
0x46: {  	_ =	swait.ge @!p2 [sflag:s25], $0x4000  }
0x47: {  	[sflag:s25] =	ssyncset.done @!p2 $0x0  }
0x48: {  	s18 =	rddreg [dreg:$0xa];
	[sflag:s25] =	ssyncadd.s32 @!p2 $0xFFFFC000  }
0x49: {  	[spmem:s18] =	stream.linear.scatter @!p2 [tilespmem:s22], [sflag:$0x7], $0x3C00, $0x38;
	v63 =	vld [tilespmem:$0x0]  }
0x4a: {  	_ =	swait.ge @!p2 [sflag:s25], $0x3C00  }
0x4b: {  	[sflag:s25] =	ssyncset.done @!p2 $0x0;
	s18 =	rddreg [dreg:$0x16]  }
0x4c: {  	s22 =	simm.s32 @!p1 $0x1FC7;
	[sflag:s25] =	ssyncadd.s32 @!p2 $0xFFFFC400;
	s25 =	rddreg [dreg:$0x17]  }
0x4d: {  	[spmem:s18], [sflag:s22] =	dma.local @!p1 [hbm:s25], $0x2080  }
0x4e: {  	s22 =	simm.s32 @!p1 $0x7  }
0x4f: {  	_ =	swait.ge @!p1 [sflag:s22], $0x2080  }
0x50: {  	[sflag:s22] =	ssyncset.done @!p1 $0x0  }
0x51: {  	s25 =	simm.s32 @!p1 $0x400;
	s18 =	rddreg [dreg:$0x18];
	[sflag:s22] =	ssyncadd.s32 @!p1 $0xFFFFDF80  }
0x52: {  	[spmem:s18] =	stream.linear.scatter @!p1 [tilespmem:s25], [sflag:$0x7], $0x3800, $0x38;
	v63 =	vld [tilespmem:$0x0]  }
0x53: {  	_ =	swait.ge @!p1 [sflag:s22], $0x3800  }
0x54: {  	s25 =	sshll.u32 @p0 s26, $0x6;
	[sflag:s22] =	ssyncset.done @!p1 $0x0;
	s18 =	rddreg [dreg:$0xb]  }
0x55: {  	[sflag:s22] =	ssyncadd.s32 @!p1 $0xFFFFC800;
	s22 =	sor.u32 @p0 $0x1C07, s25;
	s25 =	sshrl.u32 @p0 s7, $0x3  }
0x56: {  	[spmem:s25], [sflag:s22] =	dma.local @p0 [hbm:s18], $0x2780  }
0x57: {  	s22 =	simm.s32 @p0 $0x7  }
0x58: {  	_ =	swait.ge @p0 [sflag:s22], $0x2780  }
0x59: {  	[sflag:s22] =	ssyncset.done @p0 $0x0  }
0x5a: {  	[sflag:s22] =	ssyncadd.s32 @p0 $0xFFFFD880  }
0x5b: {  	[bflag:$0x0] =	sbarrier.arrive $0xFFFF  }
0x5c: {  	s22 =	simm.s32 $0x0;
	s26 =	rddreg [dreg:$0xc]  }
0x5d: {  	[tilespmem:s22], [sflag:$0x7] =	stream.linear.gather [hbm4b:s26+s22], $0x80, $0x38;
	v63 =	vld [tilespmem:$0x0]  }
0x5e: {  	_ =	swait.ge [sflag:s29], $0x80  }
0x5f: {  	[sflag:s29] =	ssyncset.done $0x0  }
0x60: {  	s28 =	rddreg [dreg:$0xd];
	[sflag:s29] =	ssyncadd.s32 $0xFFFFFF80  }
0x61: {  	[tilespmem:s30], [sflag:$0x7] =	stream.linear.gather [hbm4b:s28+s22], $0x80, $0x38;
	v63 =	vld [tilespmem:$0x0]  }
0x62: {  	_ =	swait.ge [sflag:s29], $0x80  }
0x63: {  	[sflag:s29] =	ssyncset.done $0x0  }
0x64: {  	s25 =	rddreg [dreg:$0xe];
	[sflag:s29] =	ssyncadd.s32 $0xFFFFFF80  }
0x65: {  	[tilespmem:s31], [sflag:$0x7] =	stream.linear.gather [hbm4b:s25+s22], $0x80, $0x38;
	v63 =	vld [tilespmem:$0x0]  }
0x66: {  	_ =	swait.ge [sflag:s29], $0x80  }
0x67: {  	[sflag:s29] =	ssyncset.done $0x0  }
0x68: {  	s26 =	rddreg [dreg:$0xf];
	[sflag:s29] =	ssyncadd.s32 $0xFFFFFF80  }
0x69: {  	[tilespmem:s0], [sflag:$0x7] =	stream.linear.gather [hbm4b:s26+s22], $0x80, $0x38;
	v63 =	vld [tilespmem:$0x0]  }
0x6a: {  	_ =	swait.ge [sflag:s29], $0x80  }
0x6b: {  	[sflag:s29] =	ssyncset.done $0x0  }
0x6c: {  	s28 =	rddreg [dreg:$0x10];
	[sflag:s29] =	ssyncadd.s32 $0xFFFFFF80  }
0x6d: {  	[tilespmem:s8], [sflag:$0x7] =	stream.linear.gather [hbm4b:s28+s22], $0x80, $0x38;
	v63 =	vld [tilespmem:$0x0]  }
0x6e: {  	_ =	swait.ge [sflag:s29], $0x80  }
0x6f: {  	[sflag:s29] =	ssyncset.done $0x0  }
0x70: {  	s25 =	rddreg [dreg:$0x11];
	[sflag:s29] =	ssyncadd.s32 $0xFFFFFF80  }
0x71: {  	[tilespmem:s9], [sflag:$0x7] =	stream.linear.gather [hbm4b:s25+s22], $0x80, $0x38;
	v63 =	vld [tilespmem:$0x0]  }
0x72: {  	_ =	swait.ge [sflag:s29], $0x80  }
0x73: {  	[sflag:s29] =	ssyncset.done $0x0  }
0x74: {  	[sflag:s29] =	ssyncadd.s32 $0xFFFFFF80  }
0x75: {  	[tilespmem:s10], [sflag:$0x1] =	stream.indirect.gather [hbm4b:s1+s30], $0x80, s22, s30, $0xb8;
	v63 =	vld [tilespmem:$0x0]  }
0x76: {  	_ = 	snop  }
0x77: {  	[tilespmem:s11], [sflag:$0x2] =	stream.indirect.gather [hbm4b:s1+s30], $0x80, s31, s30, $0xb8;
	v63 =	vld [tilespmem:$0x0]  }
0x78: {  	_ =	swait.ge [sflag:s12], $0x4000  }
0x79: {  	[sflag:s12] =	ssyncset.done $0x0  }
0x7a: {  	[sflag:s12] =	ssyncadd.s32 $0xFFFFC000  }
0x7b: {  	[spmem:s2] =	stream.indirect.scatter.add.f32 [tilespmem:s10], [sflag:$0x4], $0x80, s30, s30, $0xb8;
	v63 =	vld [tilespmem:$0x0]  }
0x7c: {  	_ = 	snop  }
0x7d: {  	[tilespmem:s13], [sflag:$0x3] =	stream.indirect.gather [hbm4b:s1+s30], $0x80, s8, s30, $0xb8;
	v63 =	vld [tilespmem:$0x0]  }
0x7e: {  	_ =	swait.ge [sflag:s14], $0x4000  }
0x7f: {  	[sflag:s14] =	ssyncset.done $0x0  }
0x80: {  	[sflag:s14] =	ssyncadd.s32 $0xFFFFC000  }
0x81: {  	[spmem:s2] =	stream.indirect.scatter.add.f32 [tilespmem:s11], [sflag:$0x5], $0x80, s0, s30, $0xb8;
	v63 =	vld [tilespmem:$0x0]  }
0x82: {  	_ =	swait.ge [sflag:s3], $0x4000  }
0x83: {  	s26 =	sshrl.u32 s24, $0x3;
	[sflag:s3] =	ssyncset.done $0x0  }
0x84: {  	s28 =	sadd.s32 s5, s26;
	[sflag:s3] =	ssyncadd.s32 $0xFFFFC000  }
0x85: {  	[tilespmem:s4], [sflag:$0x7] =	stream.linear.gather [hbm4b:s28+s4], $0x80, $0x38;
	v63 =	vld [tilespmem:$0x0]  }
0x86: {  	_ =	swait.ge [sflag:s29], $0x80  }
0x87: {  	[sflag:s29] =	ssyncset.done $0x0  }
0x88: {  	s22 =	sadd.s32 s6, s26;
	[sflag:s29] =	ssyncadd.s32 $0xFFFFFF80  }
0x89: {  	[tilespmem:s30], [sflag:$0x7] =	stream.linear.gather [hbm4b:s22+s4], $0x80, $0x38;
	v63 =	vld [tilespmem:$0x0]  }
0x8a: {  	_ =	swait.ge [sflag:s29], $0x80  }
0x8b: {  	[sflag:s29] =	ssyncset.done $0x0  }
0x8c: {  	[sflag:s29] =	ssyncadd.s32 $0xFFFFFF80  }
0x8d: {  	[tilespmem:s10], [sflag:$0x1] =	stream.indirect.gather [hbm4b:s1+s30], $0x80, s4, s30, $0xb8;
	v63 =	vld [tilespmem:$0x0]  }
0x8e: {  	_ =	swait.ge [sflag:s15], $0x4000  }
0x8f: {  	[sflag:s15] =	ssyncset.done $0x0  }
0x90: {  	[sflag:s15] =	ssyncadd.s32 $0xFFFFC000  }
0x91: {  	[spmem:s2] =	stream.indirect.scatter.add.f32 [tilespmem:s13], [sflag:$0x6], $0x80, s9, s30, $0xb8;
	v63 =	vld [tilespmem:$0x0]  }
0x92: {  	_ =	swait.ge [sflag:s16], $0x4000  }
0x93: {  	[sflag:s16] =	ssyncset.done $0x0  }
0x94: {  	s18 =	sadd.s32 $0x0, s23;
	[sflag:s16] =	ssyncadd.s32 $0xFFFFC000  }
0x95: {  	[tilespmem:s31], [sflag:$0x7] =	stream.linear.gather [hbm4b:s18+s4], $0x80, $0x38;
	v63 =	vld [tilespmem:$0x0]  }
0x96: {  	_ =	swait.ge [sflag:s29], $0x80  }
0x97: {  	s25 =	rddreg [dreg:$0x6];
	[sflag:s29] =	ssyncset.done $0x0  }
0x98: {  	[sflag:s29] =	ssyncadd.s32 $0xFFFFFF80;
	s22 =	sadd.s32 $0x0, s25  }
0x99: {  	[tilespmem:s0], [sflag:$0x7] =	stream.linear.gather [hbm4b:s22+s4], $0x80, $0x38;
	v63 =	vld [tilespmem:$0x0]  }
0x9a: {  	_ =	swait.ge [sflag:s29], $0x80  }
0x9b: {  	[sflag:s29] =	ssyncset.done $0x0  }
0x9c: {  	[sflag:s29] =	ssyncadd.s32 $0xFFFFFF80  }
0x9d: {  	[tilespmem:s11], [sflag:$0x2] =	stream.indirect.gather [hbm4b:s1+s30], $0x80, s31, s30, $0xb8;
	v63 =	vld [tilespmem:$0x0]  }
0x9e: {  	_ =	swait.ge [sflag:s12], $0x4000  }
0x9f: {  	[sflag:s12] =	ssyncset.done $0x0  }
0xa0: {  	[sflag:s12] =	ssyncadd.s32 $0xFFFFC000  }
0xa1: {  	[spmem:s2] =	stream.indirect.scatter.add.f32 [tilespmem:s10], [sflag:$0x4], $0x80, s30, s30, $0xb8;
	v63 =	vld [tilespmem:$0x0]  }
0xa2: {  	_ =	swait.ge [sflag:s17], $0x4000  }
0xa3: {  	s26 =	rddreg [dreg:$0x5];
	[sflag:s17] =	ssyncset.done $0x0  }
0xa4: {  	[sflag:s17] =	ssyncadd.s32 $0xFFFFC000;
	s22 =	sadd.s32 $0x0, s26  }
0xa5: {  	[tilespmem:s8], [sflag:$0x7] =	stream.linear.gather [hbm4b:s22+s4], $0x80, $0x38;
	v63 =	vld [tilespmem:$0x0]  }
0xa6: {  	_ =	swait.ge [sflag:s29], $0x80  }
0xa7: {  	s28 =	rddreg [dreg:$0x4];
	[sflag:s29] =	ssyncset.done $0x0  }
0xa8: {  	[sflag:s29] =	ssyncadd.s32 $0xFFFFFF80;
	s22 =	sadd.s32 $0x0, s28  }
0xa9: {  	[tilespmem:s9], [sflag:$0x7] =	stream.linear.gather [hbm4b:s22+s4], $0x80, $0x38;
	v63 =	vld [tilespmem:$0x0]  }
0xaa: {  	_ =	swait.ge [sflag:s29], $0x80  }
0xab: {  	[sflag:s29] =	ssyncset.done $0x0  }
0xac: {  	s25 =	sadd.s32 $0x180, s24;
	s22 =	simm.s32 $0x30;
	[sflag:s29] =	ssyncadd.s32 $0xFFFFFF80  }
.LBB2_4:
0xad: {  	[tilespmem:s13], [sflag:$0x3] =	stream.indirect.gather [hbm4b:s1+s30], $0x80, s8, s30, $0xb8;
	v63 =	vld [tilespmem:$0x0]  }
0xae: {  	_ =	swait.ge [sflag:s14], $0x4000  }
0xaf: {  	[sflag:s14] =	ssyncset.done $0x0  }
0xb0: {  	[sflag:s14] =	ssyncadd.s32 $0xFFFFC000  }
0xb1: {  	[spmem:s2] =	stream.indirect.scatter.add.f32 [tilespmem:s11], [sflag:$0x5], $0x80, s0, s30, $0xb8;
	v63 =	vld [tilespmem:$0x0]  }
0xb2: {  	_ =	swait.ge [sflag:s3], $0x4000  }
0xb3: {  	s28 =	sshrl.u32 s25, $0x3;
	[sflag:s3] =	ssyncset.done $0x0  }
0xb4: {  	s18 =	sadd.s32 s5, s28;
	[sflag:s3] =	ssyncadd.s32 $0xFFFFC000  }
0xb5: {  	[tilespmem:s4], [sflag:$0x7] =	stream.linear.gather [hbm4b:s18+s4], $0x80, $0x38;
	v63 =	vld [tilespmem:$0x0]  }
0xb6: {  	_ =	swait.ge [sflag:s29], $0x80  }
0xb7: {  	[sflag:s29] =	ssyncset.done $0x0  }
0xb8: {  	s28 =	sadd.s32 s6, s28;
	[sflag:s29] =	ssyncadd.s32 $0xFFFFFF80  }
0xb9: {  	[tilespmem:s30], [sflag:$0x7] =	stream.linear.gather [hbm4b:s28+s4], $0x80, $0x38;
	v63 =	vld [tilespmem:$0x0]  }
0xba: {  	_ =	swait.ge [sflag:s29], $0x80  }
0xbb: {  	[sflag:s29] =	ssyncset.done $0x0  }
0xbc: {  	[sflag:s29] =	ssyncadd.s32 $0xFFFFFF80  }
0xbd: {  	[tilespmem:s10], [sflag:$0x1] =	stream.indirect.gather [hbm4b:s1+s30], $0x80, s4, s30, $0xb8;
	v63 =	vld [tilespmem:$0x0]  }
0xbe: {  	_ =	swait.ge [sflag:s15], $0x4000  }
0xbf: {  	[sflag:s15] =	ssyncset.done $0x0  }
0xc0: {  	[sflag:s15] =	ssyncadd.s32 $0xFFFFC000  }
0xc1: {  	[spmem:s2] =	stream.indirect.scatter.add.f32 [tilespmem:s13], [sflag:$0x6], $0x80, s9, s30, $0xb8;
	v63 =	vld [tilespmem:$0x0]  }
0xc2: {  	_ =	swait.ge [sflag:s16], $0x4000  }
0xc3: {  	s26 =	smov.u32 s22;
	[sflag:s16] =	ssyncset.done $0x0  }
0xc4: {  	s28 =	sadd.s32 s26, s23;
	[sflag:s16] =	ssyncadd.s32 $0xFFFFC000  }
0xc5: {  	[tilespmem:s31], [sflag:$0x7] =	stream.linear.gather [hbm4b:s28+s4], $0x80, $0x38;
	v63 =	vld [tilespmem:$0x0]  }
0xc6: {  	_ =	swait.ge [sflag:s29], $0x80  }
0xc7: {  	s28 =	rddreg [dreg:$0x6];
	[sflag:s29] =	ssyncset.done $0x0  }
0xc8: {  	[sflag:s29] =	ssyncadd.s32 $0xFFFFFF80;
	s18 =	sadd.s32 s26, s28  }
0xc9: {  	[tilespmem:s0], [sflag:$0x7] =	stream.linear.gather [hbm4b:s18+s4], $0x80, $0x38;
	v63 =	vld [tilespmem:$0x0]  }
0xca: {  	_ =	swait.ge [sflag:s29], $0x80  }
0xcb: {  	[sflag:s29] =	ssyncset.done $0x0  }
0xcc: {  	[sflag:s29] =	ssyncadd.s32 $0xFFFFFF80  }
0xcd: {  	[tilespmem:s11], [sflag:$0x2] =	stream.indirect.gather [hbm4b:s1+s30], $0x80, s31, s30, $0xb8;
	v63 =	vld [tilespmem:$0x0]  }
0xce: {  	_ =	swait.ge [sflag:s12], $0x4000  }
0xcf: {  	[sflag:s12] =	ssyncset.done $0x0  }
0xd0: {  	[sflag:s12] =	ssyncadd.s32 $0xFFFFC000  }
0xd1: {  	[spmem:s2] =	stream.indirect.scatter.add.f32 [tilespmem:s10], [sflag:$0x4], $0x80, s30, s30, $0xb8;
	v63 =	vld [tilespmem:$0x0]  }
0xd2: {  	_ =	swait.ge [sflag:s17], $0x4000  }
0xd3: {  	s28 =	rddreg [dreg:$0x5];
	[sflag:s17] =	ssyncset.done $0x0  }
0xd4: {  	[sflag:s17] =	ssyncadd.s32 $0xFFFFC000;
	s18 =	sadd.s32 s26, s28  }
0xd5: {  	[tilespmem:s8], [sflag:$0x7] =	stream.linear.gather [hbm4b:s18+s4], $0x80, $0x38;
	v63 =	vld [tilespmem:$0x0]  }
0xd6: {  	_ =	swait.ge [sflag:s29], $0x80  }
0xd7: {  	p3 =	sne.s32 s22, $0x480;
	s28 =	rddreg [dreg:$0x4];
	[sflag:s29] =	ssyncset.done $0x0  }
.Ltmp1:
0xd8: {  	[sflag:s29] =	ssyncadd.s32 $0xFFFFFF80;
	s18 =	sadd.s32 s26, s28;
	(pc) =	sbr.rel @p3 .LBB2_4-.Ltmp1, $4  }
0xd9: {  	[tilespmem:s9], [sflag:$0x7] =	stream.linear.gather [hbm4b:s18+s4], $0x80, $0x38;
	v63 =	vld [tilespmem:$0x0]  }
0xda: {  	_ =	swait.ge [sflag:s29], $0x80  }
0xdb: {  	[sflag:s29] =	ssyncset.done $0x0  }
0xdc: {  	s22 =	sadd.s32 $0x30, s22;
	s25 =	sadd.s32 $0x180, s25;
	[sflag:s29] =	ssyncadd.s32 $0xFFFFFF80  }
0xdd: {  	[tilespmem:s13], [sflag:$0x3] =	stream.indirect.gather [hbm4b:s1+s30], $0x80, s8, s30, $0xb8;
	v63 =	vld [tilespmem:$0x0]  }
0xde: {  	_ =	swait.ge [sflag:s14], $0x4000  }
0xdf: {  	[sflag:s14] =	ssyncset.done $0x0  }
0xe0: {  	[sflag:s14] =	ssyncadd.s32 $0xFFFFC000  }
0xe1: {  	[spmem:s2] =	stream.indirect.scatter.add.f32 [tilespmem:s11], [sflag:$0x5], $0x80, s0, s30, $0xb8;
	v63 =	vld [tilespmem:$0x0]  }
0xe2: {  	_ =	swait.ge [sflag:s15], $0x4000  }
0xe3: {  	[sflag:s15] =	ssyncset.done $0x0  }
0xe4: {  	[sflag:s15] =	ssyncadd.s32 $0xFFFFC000  }
0xe5: {  	[spmem:s2] =	stream.indirect.scatter.add.f32 [tilespmem:s13], [sflag:$0x6], $0x80, s9, s30, $0xb8;
	v63 =	vld [tilespmem:$0x0]  }
0xe6: {  	_ =	swait.ge [sflag:s3], $0x4000  }
0xe7: {  	[sflag:s3] =	ssyncset.done $0x0  }
0xe8: {  	[sflag:s3] =	ssyncadd.s32 $0xFFFFC000  }
0xe9: {  	_ =	swait.ge [sflag:s16], $0x4000  }
0xea: {  	[sflag:s16] =	ssyncset.done $0x0  }
0xeb: {  	[sflag:s16] =	ssyncadd.s32 $0xFFFFC000  }
0xec: {  	_ =	swait.ge [sflag:s17], $0x4000  }
0xed: {  	[sflag:s17] =	ssyncset.done $0x0  }
0xee: {  	s22 =	simm.s32 $0x300;
	s18 =	rddreg [dreg:$0x12];
	[sflag:s17] =	ssyncadd.s32 $0xFFFFC000  }
0xef: {  	[tilespmem:s22], [sflag:$0x7] =	stream.linear.gather [hbm4b:s18+s4], $0x10, $0x38;
	v63 =	vld [tilespmem:$0x0]  }
0xf0: {  	_ =	swait.ge [sflag:s29], $0x10  }
0xf1: {  	[sflag:s29] =	ssyncset.done $0x0  }
0xf2: {  	s28 =	rddreg [dreg:$0x13];
	[sflag:s29] =	ssyncadd.s32 $0xFFFFFFF0  }
0xf3: {  	[tilespmem:s19], [sflag:$0x7] =	stream.linear.gather [hbm4b:s28+s4], $0x10, $0x38;
	v63 =	vld [tilespmem:$0x0]  }
0xf4: {  	_ =	swait.ge [sflag:s29], $0x10  }
0xf5: {  	[sflag:s29] =	ssyncset.done $0x0  }
0xf6: {  	[sflag:s29] =	ssyncadd.s32 $0xFFFFFFF0  }
0xf7: {  	[tilespmem:s10], [sflag:$0x1] =	stream.indirect.gather [hbm4b:s1+s20], $0x80, s22, s20, $0xb8;
	v63 =	vld [tilespmem:$0x0]  }
0xf8: {  	_ =	swait.ge [sflag:s12], $0x800  }
0xf9: {  	[sflag:s12] =	ssyncset.done $0x0  }
0xfa: {  	[sflag:s12] =	ssyncadd.s32 $0xFFFFF800  }
0xfb: {  	[spmem:s2] =	stream.indirect.scatter.add.f32 [tilespmem:s10], [sflag:$0x7], $0x80, s19, s20, $0xb8;
	v63 =	vld [tilespmem:$0x0]  }
0xfc: {  	_ =	swait.ge [sflag:s29], $0x800  }
0xfd: {  	[sflag:s29] =	ssyncset.done $0x0  }
0xfe: {  	s26 =	stileid.u32;
	[sflag:s29] =	ssyncadd.s32 $0xFFFFF800  }
0xff: {  	s25 =	sshll.u32 s26, $0x6;
	[bflag:$0x0] =	sbarrier.arrive $0xFFFF  }
0x100: {  	s18 =	sor.u32 $0x1C07, s25;
	s28 =	sshrl.u32 s7, $0x3;
	s25 =	rddreg [dreg:$0x14]  }
0x101: {  	[hbm:s25], [sflag:s18] =	dma.local [spmem:s28], $0x2780  }
0x102: {  	_ =	swait.ge [sflag:s29], $0x2780  }
0x103: {  	s21 =	sadd.s32 $0x1, s21;
	s28 =	rddreg [dreg:$0x15]  }
0x104: {  	p3 =	sne.s32 s21, s28  }
.Ltmp2:
0x105: {  	_ = 	snop;
	(pc) =	sbr.rel @p3 .LBB2_1-.Ltmp2, $3  }
0x106: {  	_ =	sdelay $0x1  }
0x107: {  	[sflag:s29] =	ssyncset.done $0x0  }
0x108: {  	[sflag:s29] =	ssyncadd.s32 $0xFFFFD880  }
0x109: {  	_ =	sfence.sel $0x180000  }
0x10a: {  	[bflag:$0x0] =	sbarrier.arrive $0xFFFF  }
0x10b: {  	_ =	strace $0x9000004D  }
0x10c: {  	[bflag:$0x2] =	sbarrier.arrive $0xFFFF  }
0x10d: {  	p0 =	sne.s32 s26, $0x0;
	s0 =	rddreg [dreg:$0x3]  }
0x10e: {  	s0 =	sadd.s32 @!p0 $0x100000, s0  }
0x10f: {  	[sflag:s0] =	ssyncadd.tile.s32 @!p0 $0x1;
	_ =	shalt  }
.Lfunc_end2:
_tile_overlayer_lowered:
.L_overlay_start_2:
0x110: {  	(tag) =	ssettag $0x2  }
0x111: {  	s0 =	rddreg [dreg:$0x0];
	s2 =	stileid.u32  }
0x112: {  	s1 =	rddreg [dreg:$0x1];
	p0 =	sne.s32 s2, $0x0  }
0x113: {  	s3 =	rddreg [dreg:$0x2];
	[bflag:$0x3] =	sbarrier.arrive $0xFFFF;
	s2 =	simm.s32 @!p0 $0x1C07  }
0x114: {  	[timem:s3], [sflag:s2] =	dma.local @!p0 [hbm:s0], s1  }
0x115: {  	s0 =	simm.s32 @!p0 $0x7  }
0x116: {  	_ =	swait.ge @!p0 [sflag:s0], s1  }
0x117: {  	s1 =	ssub.s32 @!p0 $0x0, s1;
	[sflag:s0] =	ssyncset.done @!p0 $0x0  }
0x118: {  	[sflag:s0] =	ssyncadd.s32 @!p0 s1  }
0x119: {  	[bflag:$0x3] =	sbarrier.arrive $0xFFFF  }
0x11a: {  	_ =	shalt  }

// kernel: kernel.8.cloned.1.call-start
scs
__scs_entry_jumppad:
0x0: {  	(pc) =	sbr.rel $0x88, $3  }
0x1: {  	(tag) =	ssettag $0x0;
	lr =	simm.s32 $0x1  }
0x2: {  	[smem:$0x3F9B] =	sst lr;
	_ =	strace $0xD0000000  }
0x3: {  	_ = 	snop  }
0x4: {  	_ = 	snop  }
0x5: {  	_ = 	snop  }
0x6: {  	_ = 	snop  }
0x7: {  	_ = 	snop  }
__scs_overlays_trampoline_lowered:
0x8: {  	[smem:$0x3FAA] =	sst s0  }
0x9: {  	[smem:$0x3FAB] =	sst s1  }
0xa: {  	[smem:$0x3FAC] =	sst s2  }
0xb: {  	[smem:$0x3FAD] =	sst s3  }
0xc: {  	[smem:$0x3FAE] =	sst s4  }
0xd: {  	[smem:$0x3FAF] =	sst s5  }
0xe: {  	[smem:$0x3FB0] =	sst s6  }
0xf: {  	[smem:$0x3FB1] =	sst s7  }
0x10: {  	[smem:$0x3FB2] =	sst s8  }
0x11: {  	[smem:$0x3FB3] =	sst s9;
	s0 =	simm.s32 @!p0 $0x0  }
0x12: {  	s1 =	sld [smem:$0x3F99];
	s0 =	simm.s32 @p0 $0x1  }
0x13: {  	[smem:$0x3FB4] =	sst s0;
	s0 =	simm.s32 @!p1 $0x0  }
0x14: {  	s2 =	sld [smem:$0x3F98];
	s0 =	simm.s32 @p1 $0x1  }
0x15: {  	[smem:$0x3FB5] =	sst s0;
	s0 =	simm.s32 @!p2 $0x0  }
0x16: {  	s3 =	sld [smem:$0x3FDB];
	s0 =	simm.s32 @p2 $0x1  }
0x17: {  	s4 =	simm.s32 $0x1BF5;
	[smem:$0x3FB7] =	sst s0  }
0x18: {  	s0 =	sld [smem:$0x3F9A];
	_ =	swait.ge [sflag:s4], $0x0  }
0x19: {  	s7 =	sld [smem:$0x3F9B]  }
0x1a: {  	s8 =	sadd.s32 $0xFFFFE003, lr  }
0x1b: {  	s9 =	sadd.s32 $0xFFFFFEF7, lr;
	s5 =	simm.s32 $0xFFFFFFFF;
	p2 =	slt.u32 s8, $0xFFFFF086  }
0x1c: {  	p1 =	slt.u32 s9, $0xF7A;
	s5 =	simm.s32 @!p2 $0x0  }
0x1d: {  	s5 =	simm.s32 @p1 $0x1;
	p0 =	seq.s32 s7, s2  }
0x1e: {  	s7 =	smul.u32 @!p0 $0xF7A, s2;
	p2 =	seq.s32 @!p0 s5, $0x0  }
0x1f: {  	s9 =	smul.u32 $0xF7A, s1;
	s8 =	simm.s32 @!p0 $0x1BF5;
	p2 =	por !p2, p0  }
0x20: {  	[sflag:s8] =	ssyncset.s32 @!p0 $0xFFFFF086;
	s6 =	sadd.s32 @!p0 s3, s7;
	s7 =	simm.s32 @!p0 $0x108  }
0x21: {  	s3 =	sadd.s32 s3, s9;
	s6 =	sadd.s32 @!p0 $0x88, s6;
	s7 =	simm.s32 @p2 $0x1082  }
0x22: {  	[simem:s7], [sflag:s8] =	dma.local @!p0 [hbm:s6], $0xF7A  }
0x23: {  	s9 =	sor.u32 $0xD0000000, s2;
	s6 =	simm.s32 $0x108;
	_ =	swait.ge @!p0 [sflag:s8], $0x0  }
0x24: {  	s3 =	sadd.s32 $0x88, s3;
	s6 =	simm.s32 @!p1 $0x1082;
	[sflag:s4] =	ssyncset.s32 $0xFFFFF086  }
0x25: {  	[simem:s6], [sflag:s4] =	dma.local [hbm:s3], $0xF7A  }
0x26: {  	[smem:$0x3F9B] =	sst s1;
	(tag) =	ssettag s2;
	_ =	strace s9  }
0x27: {  	s1 =	sld [smem:$0x3FAB]  }
0x28: {  	s2 =	sld [smem:$0x3FAC]  }
0x29: {  	s4 =	sld [smem:$0x3FAE]  }
0x2a: {  	p0 =	seq.s32 s5, $0x0;
	s5 =	sld [smem:$0x3FAF]  }
0x2b: {  	s6 =	sld [smem:$0x3FB0]  }
0x2c: {  	s7 =	sld [smem:$0x3FB1]  }
0x2d: {  	s3 =	simm.s32 $0x108;
	s8 =	sld [smem:$0x3FB2]  }
0x2e: {  	s3 =	simm.s32 @!p0 $0x1082;
	s9 =	sld [smem:$0x3FB3]  }
0x2f: {  	lr =	sadd.s32 s0, s3;
	s0 =	sld [smem:$0x3FAA]  }
0x30: {  	s3 =	sld [smem:$0x3FAD]  }
0x31: {  	[smem:$0x3FB6] =	sst s10  }
0x32: {  	s10 =	sld [smem:$0x3FB4];
	_ =	sdelay $0x3  }
0x33: {  	p0 =	seq.s32 s10, $0x1;
	s10 =	sld [smem:$0x3FB6];
	_ =	sdelay $0x3  }
0x34: {  	[smem:$0x3FB6] =	sst s10  }
0x35: {  	s10 =	sld [smem:$0x3FB5];
	_ =	sdelay $0x3  }
0x36: {  	p1 =	seq.s32 s10, $0x1;
	s10 =	sld [smem:$0x3FB6];
	_ =	sdelay $0x3  }
0x37: {  	[smem:$0x3FB6] =	sst s10  }
0x38: {  	s10 =	sld [smem:$0x3FB7]  }
0x39: {  	_ = 	snop;
	(pc) =	sbr.ind lr, $3  }
0x3a: {  	_ = 	snop  }
0x3b: {  	_ = 	snop  }
0x3c: {  	p2 =	seq.s32 s10, $0x1;
	s10 =	sld [smem:$0x3FB6]  }
0x3d: {  	_ =	shalt  }
0x3e: {  	_ =	shalt  }
0x3f: {  	_ =	shalt  }
0x40: {  	_ =	shalt  }
0x41: {  	_ =	shalt  }
0x42: {  	_ =	shalt  }
0x43: {  	_ =	shalt  }
0x44: {  	_ =	shalt  }
0x45: {  	_ =	shalt  }
0x46: {  	_ =	shalt  }
0x47: {  	_ =	shalt  }
0x48: {  	_ =	shalt  }
0x49: {  	_ =	shalt  }
0x4a: {  	_ =	shalt  }
0x4b: {  	_ =	shalt  }
0x4c: {  	_ =	shalt  }
0x4d: {  	_ =	shalt  }
0x4e: {  	_ =	shalt  }
0x4f: {  	_ =	shalt  }
0x50: {  	_ =	shalt  }
0x51: {  	_ =	shalt  }
0x52: {  	_ =	shalt  }
0x53: {  	_ =	shalt  }
0x54: {  	_ =	shalt  }
0x55: {  	_ =	shalt  }
0x56: {  	_ =	shalt  }
0x57: {  	_ =	shalt  }
0x58: {  	_ =	shalt  }
0x59: {  	_ =	shalt  }
0x5a: {  	_ =	shalt  }
0x5b: {  	_ =	shalt  }
0x5c: {  	_ =	shalt  }
0x5d: {  	_ =	shalt  }
0x5e: {  	_ =	shalt  }
0x5f: {  	_ =	shalt  }
0x60: {  	_ =	shalt  }
0x61: {  	_ =	shalt  }
0x62: {  	_ =	shalt  }
0x63: {  	_ =	shalt  }
0x64: {  	_ =	shalt  }
0x65: {  	_ =	shalt  }
0x66: {  	_ =	shalt  }
0x67: {  	_ =	shalt  }
0x68: {  	_ =	shalt  }
0x69: {  	_ =	shalt  }
0x6a: {  	_ =	shalt  }
0x6b: {  	_ =	shalt  }
0x6c: {  	_ =	shalt  }
0x6d: {  	_ =	shalt  }
0x6e: {  	_ =	shalt  }
0x6f: {  	_ =	shalt  }
0x70: {  	_ =	shalt  }
0x71: {  	_ =	shalt  }
0x72: {  	_ =	shalt  }
0x73: {  	_ =	shalt  }
0x74: {  	_ =	shalt  }
0x75: {  	_ =	shalt  }
0x76: {  	_ =	shalt  }
0x77: {  	_ =	shalt  }
0x78: {  	_ =	shalt  }
0x79: {  	_ =	shalt  }
0x7a: {  	_ =	shalt  }
0x7b: {  	_ =	shalt  }
0x7c: {  	_ =	shalt  }
0x7d: {  	_ =	shalt  }
0x7e: {  	_ =	shalt  }
0x7f: {  	_ =	shalt  }
0x80: {  	_ =	shalt  }
0x81: {  	_ =	shalt  }
0x82: {  	_ =	shalt  }
0x83: {  	_ =	shalt  }
0x84: {  	_ =	shalt  }
0x85: {  	_ =	shalt  }
0x86: {  	_ =	shalt  }
0x87: {  	_ =	shalt  }
.Lfunc_end0:
.L_simem_size_0:
called_computation_lowered:
.L_overlay_start_0:
0x88: {  	s2 =	sld [smem:$0x3FD9]  }
0x89: {  	s3 =	sld [smem:$0x3FFE];
	_ =	sdelay $0x1  }
0x8a: {  	s1 =	srdreg.scid  }
0x8b: {  	s0 =	sand.u32 $0x1, s1  }
0x8c: {  	s17 =	sshll.u32 s0, $0xA;
	s2 =	sadd.s32 s3, s2  }
0x8d: {  	s2 =	sadd.s32 s2, s17  }
0x8e: {  	[smem:$0x3FC2] =	sst s2  }
0x8f: {  	_ = 	snop  }
0x90: {  	s2 =	sld [smem:$0x3FD0];
	(tm) =	ssettm $0x1  }
0x91: {  	s18 =	sld [smem:$0x3FFB];
	_ =	sdelay $0x3  }
0x92: {  	_ =	strace s18  }
0x93: {  	s3 =	sld [smem:$0x3FFC];
	_ =	sdelay $0x3  }
0x94: {  	_ =	strace s3  }
0x95: {  	s3 =	sld [smem:$0x3FFD];
	_ =	sdelay $0x3  }
0x96: {  	_ =	strace s3  }
0x97: {  	_ =	strace $0x8FFFFFFF  }
0x98: {  	s19 =	sld [smem:$0x3FDB];
	_ =	sdelay $0x1  }
0x99: {  	s4 =	simm.s32 $_scs_section_size  }
0x9a: {  	s5 =	simm.s32 $_size__tile_overlayer_lowered;
	s6 =	simm.s32 $_tile_overlayer_lowered  }
0x9b: {  	s22 =	simm.s32 $0x1BFF;
	s21 =	sshll.u32 s6, $0x1;
	s3 =	sadd.s32 s4, s19  }
0x9c: {  	s7 =	simm.s32 $0x0;
	s20 =	sshll.u32 s5, $0x1;
	s5 =	sadd.s32 s21, s3  }
0x9d: {  	[timem:s7], [sflag:s22] =	dma.local [hbm:s5], s20  }
0x9e: {  	_ =	swait.ge [sflag:s22], s20  }
0x9f: {  	s4 =	ssub.s32 $0x0, s20;
	[sflag:s22] =	ssyncset.done $0x0  }
0xa0: {  	[sflag:s22] =	ssyncadd.s32 s4;
	_ =	sdelay $0x1  }
0xa1: {  	s23 =	simm.s32 $0x1B8B  }
0xa2: {  	_ =	swait.ge [sflag:s23], $0x1  }
0xa3: {  	[sflag:s23] =	ssyncset.done $0x0  }
0xa4: {  	s25 =	simm.s32 $0x1B8E;
	s24 =	sld [smem:$0x3FFE];
	[sflag:s23] =	ssyncadd.s32 $0xFFFFFFFF  }
0xa5: {  	s26 =	simm.s32 $execute0_lowered;
	[smem:$0x3FD2] =	sst s25  }
0xa6: {  	s5 =	sshll.u32 s26, $0x1;
	_ =	strace $0x80000046;
	[dreg:$0x1] =	wrdreg $0xFFFFFFFF  }
0xa7: {  	s28 =	simm.s32 $_size_execute0_lowered;
	s3 =	sadd.s32 s3, s5;
	[dreg:$0x0] =	wrdreg $0x0  }
0xa8: {  	s5 =	sshll.u32 s28, $0x1;
	[dreg:$0x2] =	wrdreg s3  }
0xa9: {  	[dreg:$0x3] =	wrdreg s5  }
0xaa: {  	[dreg:$0x4] =	wrdreg $0xC0  }
0xab: {  	_ =	task [dreg:s7], $0x5FFFF  }
0xac: {  	[dreg:$0x1] =	wrdreg $0xFFFFFFFF  }
0xad: {  	[dreg:$0x0] =	wrdreg $0x60  }
0xae: {  	[dreg:$0x2] =	wrdreg s2  }
0xaf: {  	[dreg:$0x3] =	wrdreg s24  }
0xb0: {  	[dreg:$0x4] =	wrdreg $0xA8000  }
0xb1: {  	[dreg:$0x5] =	wrdreg $0x9  }
0xb2: {  	_ =	task.clear_ibuf [dreg:s7], $0x6FFFF;
	_ =	strace $0x90000046  }
0xb3: {  	s29 =	simm.s32 $0x9;
	_ =	strace $0x80000048  }
0xb4: {  	_ =	swait.ge [sflag:s29], $0x1  }
0xb5: {  	[sflag:s29] =	ssyncadd.s32 $0xFFFFFFFF  }
0xb6: {  	_ =	strace $0x90000048  }
0xb7: {  	_ =	sfence  }
0xb8: {  	s30 =	sld [smem:$0x0];
	_ =	sdelay $0x2  }
0xb9: {  	s31 =	sshll.u32 s1, $0xD;
	s1 =	sshrl.u32 s1, $0x2  }
0xba: {  	s3 =	sand.u32 $0x4000, s31;
	s1 =	sadd.s32 s1, s30  }
0xbb: {  	s0 =	sor.u32 s3, s0;
	s1 =	sshll.u32 s1, $0x11  }
0xbc: {  	s0 =	sor.u32 s1, s0  }
0xbd: {  	s0 =	sadd.s32 $0x8F2B, s0  }
0xbe: {  	[sflag:s0] =	ssyncadd.remote.s32 $0x1  }
0xbf: {  	_ =	sfence.sel $0xFFFF  }
0xc0: {  	[dreg:$0x0] =	wrdreg $0xFFFFFFFF;
	(pc) =	sbr.abs _section_cstart, $3  }
0xc1: {  	[dreg:$0x1] =	wrdreg $0xFFFFFFFF  }
0xc2: {  	_ =	task.clear_ibuf [dreg:s7], $0x2FFFF;
	_ =	strace $0x9FFFFFFF  }
0xc3: {  	(tm) =	ssettm $0x7FFFFFFF  }
tec
execute0_lowered:
.L_overlay_start_1:
0x0: {  	(tag) =	ssettag $0x1  }
0x1: {  	s4 =	rddreg [dreg:$0x0]  }
0x2: {  	s5 =	rddreg [dreg:$0x1]  }
0x3: {  	s2 =	rddreg [dreg:$0x2]  }
0x4: {  	s0 =	srdreg.scid;
	s1 =	rddreg [dreg:$0x3]  }
0x5: {  	s3 =	simm.s32 $0x0;
	s13 =	simm.s32 $0x4;
	s14 =	simm.s32 $0x80  }
0x6: {  	s15 =	simm.s32 $0x2800;
	s16 =	simm.s32 $0x100;
	s6 =	sand.u32 $0x1, s0  }
0x7: {  	s17 =	simm.s32 $0x1;
	s0 =	stileid.u32;
	s7 =	smul.u32 $0x13C000, s6  }
0x8: {  	s18 =	simm.s32 $0x2;
	s19 =	simm.s32 $0x3;
	s8 =	smul.u32 $0x13C00, s0  }
0x9: {  	s20 =	simm.s32 $0x2700;
	[smem:$0x7FF] =	sst s3;
	s9 =	smul.u32 $0x28000, s6  }
0xa: {  	s23 =	simm.s32 $0x0;
	s26 =	smul.u32 $0x2800, s0;
	_ =	strace $0x80000047  }
0xb: {  	s10 =	smul.u32 $0x4F000, s0;
	s28 =	ssub.s32 $0x2, s6;
	s21 =	sshll.u32 s0, $0x6  }
0xc: {  	p0 =	seq.s32 s6, $0x1;
	s30 =	sshrl.u32 s28, $0x1;
	s21 =	sor.u32 $0x1C04, s21  }
0xd: {  	s7 =	sadd.s32 s8, s7;
	s29 =	sadd.s32 s26, s9;
	s31 =	sshrl.u32 s10, $0x2  }
0xe: {  	s12 =	ssub.s32 s28, s30;
	s10 =	simm.s32 $0x6800;
	s7 =	sshrl.u32 s7, $0x3  }
0xf: {  	s12 =	smax.u32 s12, $0x1;
	s11 =	sadd.s32 s7, s5;
	s7 =	sshrl.u32 s29, $0x3  }
0x10: {  	s10 =	simm.s32 @!p0 $0x2800;
	s5 =	sadd.s32 s31, s2;
	s4 =	sadd.s32 s4, s7  }
0x11: {  	s6 =	sadd.s32 $0x4000, s5;
	s7 =	sadd.s32 $0x8000, s5;
	s8 =	sadd.s32 $0xC000, s5  }
0x12: {  	v0 =	vimm.f32 $1.000000000e+00;
	v1 =	vimm.f32 $0.0e+00;
	s9 =	sadd.s32 $0x10000, s5;
	s11 =	sadd.s32 $0x15C00, s11;
	s22 =	sshrl.u32 s5, $0x3  }
.LBB2_1:
0x13: {  	[tilespmem:s3], [sflag:$0x4] =	stream.linear.gather [hbm4b:s4+s3], $0x2780, $0x38;
	[tilespmem:$0xCF80] =	vst v63  }
0x14: {  	_ =	swait.ge [sflag:s13], $0x2780  }
0x15: {  	[sflag:s13] =	ssyncset.done $0x0  }
0x16: {  	s24 =	simm.s32 $0x200;
	s25 =	simm.s32 $0x0;
	[sflag:s13] =	ssyncadd.s32 $0xFFFFD880  }
.LBB2_2:
0x17: {  	p0 =	sne.s32 s24, $0xFE00;
	[tilespmem:s25+$0x2800] =	vst v0;
	s26 =	smov.u32 s24;
	s24 =	sadd.s32 $0x200, s24  }
.Ltmp0:
0x18: {  	[tilespmem:s25+$0x6800] =	vst v1;
	(pc) =	sbr.rel @p0 .LBB2_2-.Ltmp0, $2  }
0x19: {  	_ =	sdelay $0x2  }
0x1a: {  	s25 =	sshra.s32 s26, $0x2  }
0x1b: {  	[tilespmem:s25+$0x2800] =	vst v0  }
0x1c: {  	[tilespmem:s25+$0x6800] =	vst v1  }
0x1d: {  	[spmem:s5] =	stream.linear.scatter [tilespmem:s10], [sflag:$0x4], $0x4000, $0x38;
	[tilespmem:$0xCF80] =	vst v63  }
0x1e: {  	_ =	swait.ge [sflag:s13], $0x4000  }
0x1f: {  	[sflag:s13] =	ssyncset.done $0x0  }
0x20: {  	[sflag:s13] =	ssyncadd.s32 $0xFFFFC000  }
0x21: {  	[spmem:s6] =	stream.linear.scatter [tilespmem:s10], [sflag:$0x4], $0x4000, $0x38;
	[tilespmem:$0xCF80] =	vst v63  }
0x22: {  	_ =	swait.ge [sflag:s13], $0x4000  }
0x23: {  	[sflag:s13] =	ssyncset.done $0x0  }
0x24: {  	[sflag:s13] =	ssyncadd.s32 $0xFFFFC000  }
0x25: {  	[spmem:s7] =	stream.linear.scatter [tilespmem:s10], [sflag:$0x4], $0x4000, $0x38;
	[tilespmem:$0xCF80] =	vst v63  }
0x26: {  	_ =	swait.ge [sflag:s13], $0x4000  }
0x27: {  	[sflag:s13] =	ssyncset.done $0x0  }
0x28: {  	[sflag:s13] =	ssyncadd.s32 $0xFFFFC000  }
0x29: {  	[spmem:s8] =	stream.linear.scatter [tilespmem:s10], [sflag:$0x4], $0x4000, $0x38;
	[tilespmem:$0xCF80] =	vst v63  }
0x2a: {  	_ =	swait.ge [sflag:s13], $0x4000  }
0x2b: {  	[sflag:s13] =	ssyncset.done $0x0  }
0x2c: {  	[sflag:s13] =	ssyncadd.s32 $0xFFFFC000  }
0x2d: {  	[spmem:s9] =	stream.linear.scatter [tilespmem:s10], [sflag:$0x4], $0x3C00, $0x38;
	[tilespmem:$0xCF80] =	vst v63  }
0x2e: {  	_ =	swait.ge [sflag:s13], $0x3C00  }
0x2f: {  	[sflag:s13] =	ssyncset.done $0x0  }
0x30: {  	[sflag:s13] =	ssyncadd.s32 $0xFFFFC400  }
0x31: {  	[bflag:$0x0] =	sbarrier.arrive $0xFFFF  }
0x32: {  	[spmem:s2] =	stream.indirect.scatter.add.f32 [tilespmem:s15], [sflag:$0x1], $0x10, s3, s14, $0xb8;
	[tilespmem:$0xCF80] =	vst v63  }
0x33: {  	_ = 	snop  }
0x34: {  	[spmem:s2] =	stream.indirect.scatter.add.f32 [tilespmem:s15], [sflag:$0x2], $0x10, s14, s14, $0xb8;
	[tilespmem:$0xCF80] =	vst v63  }
0x35: {  	_ = 	snop  }
0x36: {  	[spmem:s2] =	stream.indirect.scatter.add.f32 [tilespmem:s15], [sflag:$0x3], $0x10, s16, s14, $0xb8;
	[tilespmem:$0xCF80] =	vst v63  }
0x37: {  	_ =	swait.ge [sflag:s17], $0x800  }
0x38: {  	[sflag:s17] =	ssyncset.done $0x0  }
0x39: {  	s24 =	simm.s32 $0x180;
	[sflag:s17] =	ssyncadd.s32 $0xFFFFF800  }
0x3a: {  	[spmem:s2] =	stream.indirect.scatter.add.f32 [tilespmem:s15], [sflag:$0x1], $0x10, s24, s14, $0xb8;
	[tilespmem:$0xCF80] =	vst v63  }
0x3b: {  	_ =	swait.ge [sflag:s18], $0x800  }
0x3c: {  	[sflag:s18] =	ssyncset.done $0x0  }
0x3d: {  	s31 =	simm.s32 $0x200;
	[sflag:s18] =	ssyncadd.s32 $0xFFFFF800  }
0x3e: {  	[spmem:s2] =	stream.indirect.scatter.add.f32 [tilespmem:s15], [sflag:$0x2], $0x10, s31, s14, $0xb8;
	[tilespmem:$0xCF80] =	vst v63  }
0x3f: {  	_ =	swait.ge [sflag:s19], $0x800  }
0x40: {  	[sflag:s19] =	ssyncset.done $0x0  }
0x41: {  	s25 =	simm.s32 $0x280;
	s24 =	simm.s32 $0xFFFF7000;
	[sflag:s19] =	ssyncadd.s32 $0xFFFFF800  }
.LBB2_4:
0x42: {  	[spmem:s2] =	stream.indirect.scatter.add.f32 [tilespmem:s15], [sflag:$0x3], $0x10, s25, s14, $0xb8;
	[tilespmem:$0xCF80] =	vst v63  }
0x43: {  	s25 =	smov.u32 s24  }
0x44: {  	p0 =	sne.s32 s24, $0xFFFFFA00;
	s24 =	sadd.s32 $0x600, s24;
	_ =	swait.ge [sflag:s17], $0x800  }
0x45: {  	s25 =	sshra.s32 s25, $0x2;
	[sflag:s17] =	ssyncset.done $0x0  }
0x46: {  	s26 =	sadd.s32 $0x2700, s25;
	[sflag:s17] =	ssyncadd.s32 $0xFFFFF800  }
0x47: {  	[spmem:s2] =	stream.indirect.scatter.add.f32 [tilespmem:s15], [sflag:$0x1], $0x10, s26, s14, $0xb8;
	[tilespmem:$0xCF80] =	vst v63  }
0x48: {  	_ =	swait.ge [sflag:s18], $0x800  }
0x49: {  	[sflag:s18] =	ssyncset.done $0x0  }
.Ltmp1:
0x4a: {  	s26 =	sadd.s32 $0x2780, s25;
	[sflag:s18] =	ssyncadd.s32 $0xFFFFF800;
	(pc) =	sbr.rel @p0 .LBB2_4-.Ltmp1, $4  }
0x4b: {  	[spmem:s2] =	stream.indirect.scatter.add.f32 [tilespmem:s15], [sflag:$0x2], $0x10, s26, s14, $0xb8;
	[tilespmem:$0xCF80] =	vst v63  }
0x4c: {  	_ =	swait.ge [sflag:s19], $0x800  }
0x4d: {  	[sflag:s19] =	ssyncset.done $0x0  }
0x4e: {  	s25 =	sadd.s32 $0x2800, s25;
	[sflag:s19] =	ssyncadd.s32 $0xFFFFF800  }
0x4f: {  	[spmem:s2] =	stream.indirect.scatter.add.f32 [tilespmem:s15], [sflag:$0x3], $0x10, s25, s14, $0xb8;
	[tilespmem:$0xCF80] =	vst v63  }
0x50: {  	_ =	swait.ge [sflag:s17], $0x800  }
0x51: {  	[sflag:s17] =	ssyncset.done $0x0  }
0x52: {  	[sflag:s17] =	ssyncadd.s32 $0xFFFFF800  }
0x53: {  	[spmem:s2] =	stream.indirect.scatter.add.f32 [tilespmem:s15], [sflag:$0x1], $0x10, s20, s14, $0xb8;
	[tilespmem:$0xCF80] =	vst v63  }
0x54: {  	_ =	swait.ge [sflag:s18], $0x800  }
0x55: {  	[sflag:s18] =	ssyncset.done $0x0  }
0x56: {  	[sflag:s18] =	ssyncadd.s32 $0xFFFFF800  }
0x57: {  	_ =	swait.ge [sflag:s19], $0x800  }
0x58: {  	[sflag:s19] =	ssyncset.done $0x0  }
0x59: {  	[sflag:s19] =	ssyncadd.s32 $0xFFFFF800  }
0x5a: {  	_ =	swait.ge [sflag:s17], $0x800  }
0x5b: {  	s23 =	sadd.s32 $0x1, s23;
	[sflag:s17] =	ssyncset.done $0x0  }
0x5c: {  	p0 =	sne.s32 s23, s12;
	[sflag:s17] =	ssyncadd.s32 $0xFFFFF800  }
.Ltmp2:
0x5d: {  	[bflag:$0x0] =	sbarrier.arrive $0xFFFF;
	(pc) =	sbr.rel @p0 .LBB2_1-.Ltmp2, $4  }
0x5e: {  	[hbm:s11], [sflag:s21] =	dma.local [spmem:s22], $0x2780  }
0x5f: {  	_ =	swait.ge [sflag:s13], $0x2780  }
0x60: {  	[sflag:s13] =	ssyncset.done $0x0  }
0x61: {  	[sflag:s13] =	ssyncadd.s32 $0xFFFFD880  }
0x62: {  	_ =	sfence.sel $0x180000  }
0x63: {  	[bflag:$0x0] =	sbarrier.arrive $0xFFFF  }
0x64: {  	p0 =	sne.s32 s0, $0x0;
	_ =	strace $0x90000047  }
0x65: {  	s0 =	sadd.s32 @!p0 $0x100000, s1;
	[bflag:$0x2] =	sbarrier.arrive $0xFFFF  }
0x66: {  	[sflag:s0] =	ssyncadd.tile.s32 @!p0 $0x1;
	_ =	shalt  }
.Lfunc_end2:
_tile_overlayer_lowered:
.L_overlay_start_2:
0x67: {  	(tag) =	ssettag $0x2  }
0x68: {  	s0 =	rddreg [dreg:$0x0];
	s2 =	stileid.u32  }
0x69: {  	s1 =	rddreg [dreg:$0x1];
	p0 =	sne.s32 s2, $0x0  }
0x6a: {  	s3 =	rddreg [dreg:$0x2];
	[bflag:$0x3] =	sbarrier.arrive $0xFFFF;
	s2 =	simm.s32 @!p0 $0x1C04  }
0x6b: {  	[timem:s3], [sflag:s2] =	dma.local @!p0 [hbm:s0], s1  }
0x6c: {  	s0 =	simm.s32 @!p0 $0x4  }
0x6d: {  	_ =	swait.ge @!p0 [sflag:s0], s1  }
0x6e: {  	s1 =	ssub.s32 @!p0 $0x0, s1;
	[sflag:s0] =	ssyncset.done @!p0 $0x0  }
0x6f: {  	[sflag:s0] =	ssyncadd.s32 @!p0 s1  }
0x70: {  	[bflag:$0x3] =	sbarrier.arrive $0xFFFF  }
0x71: {  	_ =	shalt  }

</sc_bundles>
